<compile_context>
chip_gen: v7x
topology: tpu7x:2x2x1
jax: 0.10.2.dev20260603
libtpu: 0.0.44.dev20260713+nightly
codegen_flags: <defaults>
</compile_context>

<pallas_src>
import functools
import math

import jax
import jax.numpy as jnp
from jax import lax
from jax.experimental import pallas as pl
from jax.experimental.pallas import tpu as pltpu
from jax.experimental.pallas import tpu_sc as plsc

T = 256
D = 1024
NH = 16
NKV = 4
HD = 64
E = 8
TOPK = 2
I = 768
EPS = 1e-06
THETA = 1000000.0

BLK = 128
NBLK = 12
NPAD = NBLK * BLK

_NEG = -3.0e38



def _attn_kernel(h_ref, wqkv_ref, qn_ref, kn_ref, wo_ref,
                 winln_ref, wpostln_ref, wgate_ref,
                 h2_ref, xn2_ref, e1_ref, e2_ref, w1_ref, w2_ref):
    h = h_ref[...]
    var = jnp.mean(h * h, axis=-1, keepdims=True)
    xn = h * lax.rsqrt(var + EPS) * winln_ref[...]
    qkv = jnp.dot(xn, wqkv_ref[...], preferred_element_type=jnp.float32)

    tpos = lax.broadcasted_iota(jnp.int32, (T, HD // 2), 0).astype(jnp.float32)
    jidx = lax.broadcasted_iota(jnp.int32, (T, HD // 2), 1).astype(jnp.float32)
    inv_freq = jnp.exp(jidx * (-2.0 * math.log(THETA) / HD))
    freqs = tpos * inv_freq
    cos = jnp.cos(freqs)
    sin = jnp.sin(freqs)

    def norm_rope(x, w):
        v = jnp.mean(x * x, axis=-1, keepdims=True)
        x = x * lax.rsqrt(v + EPS) * w
        x1 = x[:, : HD // 2]
        x2 = x[:, HD // 2:]
        return jnp.concatenate([x1 * cos - x2 * sin, x2 * cos + x1 * sin],
                               axis=1)

    row4 = lax.broadcasted_iota(jnp.int32, (4 * T, T), 0)
    col4 = lax.broadcasted_iota(jnp.int32, (4 * T, T), 1)
    causal4 = col4 <= (row4 % T)

    kv_base = NH * HD
    rep = NH // NKV
    heads = [None] * NH
    scale = HD ** -0.5
    for g in range(NKV):
        k = norm_rope(qkv[:, kv_base + g * HD: kv_base + (g + 1) * HD],
                      kn_ref[...])
        v = qkv[:, kv_base + NKV * HD + g * HD:
                kv_base + NKV * HD + (g + 1) * HD]
        qg = jnp.concatenate(
            [norm_rope(qkv[:, (g * rep + i) * HD: (g * rep + i + 1) * HD],
                       qn_ref[...]) for i in range(rep)],
            axis=0)
        s = lax.dot_general(qg, k, (((1,), (1,)), ((), ())),
                            preferred_element_type=jnp.float32) * scale
        s = jnp.where(causal4, s, _NEG)
        m = jnp.max(s, axis=-1, keepdims=True)
        p = jnp.exp(s - m)
        og = jnp.dot(p, v, preferred_element_type=jnp.float32)
        og = og / jnp.sum(p, axis=-1, keepdims=True)
        for i in range(rep):
            heads[g * rep + i] = og[i * T:(i + 1) * T]

    attn = jnp.concatenate(heads, axis=1)
    h2 = h + jnp.dot(attn, wo_ref[...], preferred_element_type=jnp.float32)
    h2_ref[...] = h2

    var2 = jnp.mean(h2 * h2, axis=-1, keepdims=True)
    xn2 = h2 * lax.rsqrt(var2 + EPS) * wpostln_ref[...]
    xn2_ref[...] = xn2

    logitsT = lax.dot_general(wgate_ref[...], xn2, (((0,), (1,)), ((), ())),
                              preferred_element_type=jnp.float32)
    ids = lax.broadcasted_iota(jnp.int32, (E, T), 0)
    m1 = jnp.max(logitsT, axis=0, keepdims=True)
    i1 = jnp.min(jnp.where(logitsT == m1, ids, E + 1), axis=0, keepdims=True)
    l2 = jnp.where(ids == i1, _NEG, logitsT)
    m2 = jnp.max(l2, axis=0, keepdims=True)
    i2 = jnp.min(jnp.where((logitsT == m2) & (ids != i1), ids, E + 1),
                 axis=0, keepdims=True)
    r = jnp.exp(m2 - m1)
    w1 = 1.0 / (1.0 + r)
    e1_ref[...] = i1
    e2_ref[...] = i2
    w1_ref[...] = w1
    w2_ref[...] = 1.0 - w1


def _run_attn(h, w_qkv, qn, kn, w_o, w_in_ln, w_post_ln, w_gate):
    out_shapes = (
        jax.ShapeDtypeStruct((T, D), jnp.float32),
        jax.ShapeDtypeStruct((T, D), jnp.float32),
        jax.ShapeDtypeStruct((1, T), jnp.int32),
        jax.ShapeDtypeStruct((1, T), jnp.int32),
        jax.ShapeDtypeStruct((1, T), jnp.float32),
        jax.ShapeDtypeStruct((1, T), jnp.float32),
    )
    return pl.pallas_call(
        _attn_kernel,
        out_shape=out_shapes,
    )(h, w_qkv, qn, kn, w_o, w_in_ln, w_post_ln, w_gate)



def _sc_meta_body(e1_hbm, e2_hbm, w1_hbm, w2_hbm,
                  tokpad_hbm, wpad_hbm, be_hbm, bv_hbm,
                  e1_v, e2_v, w1_v, w2_v, r1_v, r2_v,
                  tokpad_v, wpad_v, meta_v):
    wid = lax.axis_index("s") * 2 + lax.axis_index("c")

    @pl.when(wid == 0)
    def _():
        pltpu.sync_copy(e1_hbm, e1_v)
        pltpu.sync_copy(e2_hbm, e2_v)
        pltpu.sync_copy(w1_hbm, w1_v)
        pltpu.sync_copy(w2_hbm, w2_v)

        zero16i = jnp.zeros((16,), jnp.int32)
        zero16f = jnp.zeros((16,), jnp.float32)

        for b in range(NBLK):
            for j in range(BLK // 16):
                tokpad_v[b, 0, pl.ds(j * 16, 16)] = zero16i
                wpad_v[b, 0, pl.ds(j * 16, 16)] = zero16f

        def p1_body(c, counts):
            base = c * 16
            counts = list(counts)
            for eref, rref in ((e1_v, r1_v), (e2_v, r2_v)):
                evec = eref[pl.ds(base, 16)]
                rank = zero16i
                for e in range(E):
                    m = evec == e
                    mi = jnp.where(m, 1, 0)
                    pc = jnp.cumsum(mi) - mi
                    rank = jnp.where(m, counts[e] + pc, rank)
                    counts[e] = counts[e] + jnp.sum(mi)
                rref[pl.ds(base, 16)] = rank
            return tuple(counts)

        counts = lax.fori_loop(
            0, T // 16, p1_body, (jnp.int32(0),) * E)

        pad = []
        off = jnp.int32(0)
        last_e = jnp.int32(0)
        for e in range(E):
            pad.append(off)
            nb_e = (counts[e] + (BLK - 1)) // BLK
            off = off + nb_e * BLK
            last_e = jnp.where(counts[e] > 0, jnp.int32(e), last_e)
        nblk_tot = off // BLK

        iota16 = lax.iota(jnp.int32, 16)

        def p2_body(c, _):
            base = c * 16
            tvec = base + iota16
            for eref, rref, wref in ((e1_v, r1_v, w1_v),
                                     (e2_v, r2_v, w2_v)):
                evec = eref[pl.ds(base, 16)]
                rank = rref[pl.ds(base, 16)]
                wvec = wref[pl.ds(base, 16)]
                dest = rank
                for e in range(E):
                    dest = jnp.where(evec == e, rank + pad[e], dest)
                db = dest // BLK
                dz = jnp.zeros((16,), jnp.int32)
                dj = dest - db * BLK
                plsc.store_scatter(tokpad_v, [db, dz, dj], tvec)
                plsc.store_scatter(wpad_v, [db, dz, dj], wvec)
            return 0

        lax.fori_loop(0, T // 16, p2_body, 0)

        be = jnp.zeros((16,), jnp.int32)
        for e in range(E):
            lo = pad[e] // BLK
            hi = lo + (counts[e] + (BLK - 1)) // BLK
            be = jnp.where((iota16 >= lo) & (iota16 < hi), e, be)
        be = jnp.where(iota16 >= nblk_tot, last_e, be)
        bv = jnp.where(iota16 < nblk_tot, 1, 0)
        meta_v[pl.ds(0, 16)] = be
        meta_v[pl.ds(16, 16)] = bv

        pltpu.sync_copy(tokpad_v, tokpad_hbm)
        pltpu.sync_copy(wpad_v, wpad_hbm)
        pltpu.sync_copy(meta_v.at[pl.ds(0, 16)], be_hbm)
        pltpu.sync_copy(meta_v.at[pl.ds(16, 16)], bv_hbm)


def _sc_meta_shapes():
    return (
        jax.ShapeDtypeStruct((NBLK, 1, BLK), jnp.int32),
        jax.ShapeDtypeStruct((NBLK, 1, BLK), jnp.float32),
        jax.ShapeDtypeStruct((16,), jnp.int32),
        jax.ShapeDtypeStruct((16,), jnp.int32),
    )


@functools.cache
def _build_sc_meta():
    mesh = plsc.VectorSubcoreMesh(core_axis_name="c", subcore_axis_name="s")
    return pl.kernel(
        _sc_meta_body,
        out_type=_sc_meta_shapes(),
        mesh=mesh,
        compiler_params=pltpu.CompilerParams(needs_layout_passes=False),
        scratch_types=[
            pltpu.VMEM((T,), jnp.int32),
            pltpu.VMEM((T,), jnp.int32),
            pltpu.VMEM((T,), jnp.float32),
            pltpu.VMEM((T,), jnp.float32),
            pltpu.VMEM((T,), jnp.int32),
            pltpu.VMEM((T,), jnp.int32),
            pltpu.VMEM((NBLK, 1, BLK), jnp.int32),
            pltpu.VMEM((NBLK, 1, BLK), jnp.float32),
            pltpu.VMEM((32,), jnp.int32),
        ],
    )


def _sc_meta(e1, e2, w1, w2):
    return _build_sc_meta()(e1, e2, w1, w2)



def _ffn_kernel(be_ref, bv_ref, xn2_ref, h2_ref, tok_ref, wgu_ref, wd_ref,
                wpad_ref, out_ref):
    b = pl.program_id(0)

    @pl.when(b == 0)
    def _():
        out_ref[...] = h2_ref[...]

    @pl.when(bv_ref[b] == 1)
    def _():
        ids = tok_ref[0]
        rows = lax.broadcasted_iota(jnp.int32, (T, 1), 0)
        onehot = (rows == ids).astype(jnp.float32)
        x = lax.dot_general(onehot, xn2_ref[...],
                            (((0,), (0,)), ((), ())),
                            preferred_element_type=jnp.float32)
        gu = jnp.dot(x, wgu_ref[0], preferred_element_type=jnp.float32)
        g = gu[:, :I]
        u = gu[:, I:]
        act = g * (1.0 / (1.0 + jnp.exp(-g))) * u
        dout = jnp.dot(act, wd_ref[0], preferred_element_type=jnp.float32)
        wrow = wpad_ref[0]
        out_ref[...] += jnp.dot(onehot * wrow, dout,
                                preferred_element_type=jnp.float32)


def _run_ffn(block_expert, block_valid, xn2, h2, tok_pad, w_gate_up, w_down,
             w_pad):
    grid_spec = pltpu.PrefetchScalarGridSpec(
        num_scalar_prefetch=2,
        grid=(NBLK,),
        in_specs=[
            pl.BlockSpec((T, D), lambda b, be, bv: (0, 0)),
            pl.BlockSpec((T, D), lambda b, be, bv: (0, 0)),
            pl.BlockSpec((1, 1, BLK), lambda b, be, bv: (b, 0, 0)),
            pl.BlockSpec((1, D, 2 * I), lambda b, be, bv: (be[b], 0, 0)),
            pl.BlockSpec((1, I, D), lambda b, be, bv: (be[b], 0, 0)),
            pl.BlockSpec((1, 1, BLK), lambda b, be, bv: (b, 0, 0)),
        ],
        out_specs=pl.BlockSpec((T, D), lambda b, be, bv: (0, 0)),
    )
    return pl.pallas_call(
        _ffn_kernel,
        grid_spec=grid_spec,
        out_shape=jax.ShapeDtypeStruct((T, D), jnp.float32),
    )(block_expert, block_valid, xn2, h2, tok_pad, w_gate_up, w_down, w_pad)


def kernel(positions, hidden_states, w_in_ln, w_qkv, q_norm_w, k_norm_w,
           w_o, w_post_ln, w_gate, w_gate_up, w_down):
    del positions

    h2, xn2, e1, e2, w1, w2 = _run_attn(
        hidden_states, w_qkv,
        q_norm_w.reshape(1, HD), k_norm_w.reshape(1, HD), w_o,
        w_in_ln.reshape(1, D), w_post_ln.reshape(1, D), w_gate)

    tok_pad, w_pad, be, bv = _sc_meta(
        e1.reshape(T), e2.reshape(T), w1.reshape(T), w2.reshape(T))

    return _run_ffn(be, bv, xn2, h2, tok_pad, w_gate_up, w_down, w_pad)

# --- scband reference (transcript-rebuilt; emitter-appended) ---
"""Pipeline reference for scband-qwen3-moe-decoder-layer-59485297049806 (READ-ONLY COPY).

The authoritative reference and input builder live on the scoring server;
editing this copy changes nothing except your own understanding.
"""

import jax, jax.numpy as jnp
import numpy as np

T = 256
D = 1024
NH = 16
NKV = 4
HD = 64
E = 8
TOPK = 2
I = 768
EPS = 1e-06
THETA = 1000000.0


def rmsnorm(x, w, eps=EPS):
    var = jnp.mean(x * x, axis=-1, keepdims=True)
    return x * jax.lax.rsqrt(var + eps) * w


def apply_rope(q, k, positions):
    # neox-style rotate-half RoPE over full head_dim
    inv_freq = 1.0 / (THETA ** (jnp.arange(0, HD, 2, dtype=jnp.float32) / HD))
    freqs = positions.astype(jnp.float32)[:, None] * inv_freq[None, :]  # [T, HD/2]
    cos = jnp.cos(freqs)[:, None, :]
    sin = jnp.sin(freqs)[:, None, :]

    def rot(x):
        x1 = x[..., : HD // 2]
        x2 = x[..., HD // 2:]
        return jnp.concatenate([x1 * cos - x2 * sin, x2 * cos + x1 * sin], axis=-1)

    return rot(q), rot(k)


def setup_inputs(seed: int = 0) -> dict:
    key = jax.random.key(seed)
    ks = jax.random.split(key, 8)
    s = 0.02
    return {
        "positions": jnp.arange(T),
        "hidden_states": jax.random.normal(ks[0], (T, D), dtype=jnp.float32),
        "w_in_ln": jnp.ones((D,), dtype=jnp.float32),
        "w_qkv": jax.random.normal(ks[1], (D, NH * HD + 2 * NKV * HD), dtype=jnp.float32) * s,
        "q_norm_w": jnp.ones((HD,), dtype=jnp.float32),
        "k_norm_w": jnp.ones((HD,), dtype=jnp.float32),
        "w_o": jax.random.normal(ks[2], (NH * HD, D), dtype=jnp.float32) * s,
        "w_post_ln": jnp.ones((D,), dtype=jnp.float32),
        "w_gate": jax.random.normal(ks[3], (D, E), dtype=jnp.float32) * s,
        "w_gate_up": jax.random.normal(ks[4], (E, D, 2 * I), dtype=jnp.float32) * s,
        "w_down": jax.random.normal(ks[5], (E, I, D), dtype=jnp.float32) * s,
    }


def attention(x, positions, w_qkv, q_norm_w, k_norm_w, w_o):
    qkv = x @ w_qkv
    q, k, v = jnp.split(qkv, [NH * HD, NH * HD + NKV * HD], axis=-1)
    q = q.reshape(T, NH, HD)
    k = k.reshape(T, NKV, HD)
    v = v.reshape(T, NKV, HD)
    q = rmsnorm(q, q_norm_w)
    k = rmsnorm(k, k_norm_w)
    q, k = apply_rope(q, k, positions)
    rep = NH // NKV
    k = jnp.repeat(k, rep, axis=1)
    v = jnp.repeat(v, rep, axis=1)
    scores = jnp.einsum("thd,shd->hts", q, k) * (HD ** -0.5)
    mask = jnp.tril(jnp.ones((T, T), dtype=bool))
    scores = jnp.where(mask[None, :, :], scores, jnp.finfo(jnp.float32).min)
    probs = jax.nn.softmax(scores, axis=-1)
    out = jnp.einsum("hts,shd->thd", probs, v).reshape(T, NH * HD)
    return out @ w_o


def moe(x, w_gate, w_gate_up, w_down):
    router_logits = x @ w_gate  # [T, E]
    probs = jax.nn.softmax(router_logits, axis=-1)
    topk_w, topk_idx = jax.lax.top_k(probs, TOPK)  # [T, K]
    topk_w = topk_w / jnp.sum(topk_w, axis=-1, keepdims=True)  # renormalize (norm_topk_prob)
    route = jnp.zeros((T, E), dtype=x.dtype).at[jnp.arange(T)[:, None], topk_idx].set(topk_w)
    gu = jnp.einsum("td,edh->teh", x, w_gate_up)  # [T, E, 2I]
    g = gu[..., :I]
    u = gu[..., I:]
    act = jax.nn.silu(g) * u
    down = jnp.einsum("tei,eid->ted", act, w_down)  # [T, E, D]
    return jnp.einsum("te,ted->td", route, down)


def reference(positions, hidden_states, w_in_ln, w_qkv, q_norm_w, k_norm_w, w_o, w_post_ln, w_gate, w_gate_up, w_down):
    h = hidden_states
    attn_out = attention(rmsnorm(h, w_in_ln), positions, w_qkv, q_norm_w, k_norm_w, w_o)
    h = h + attn_out
    moe_out = moe(rmsnorm(h, w_post_ln), w_gate, w_gate_up, w_down)
    return h + moe_out

if __name__ == "__main__":
    import jax
    _d = setup_inputs()
    print(jax.jit(kernel)(*tuple(_d.values())))

</pallas_src>

<mosaic_0001>
#map = affine_map<(d0, d1) -> (0)>
#map1 = affine_map<(d0, d1) -> (0, 0, 0)>
module attributes {stable_mosaic.version = 14 : i64} {
  func.func @_sc_meta_body(%arg0: i32, %arg1: i32, %arg2: memref<256xi32, #tpu.memory_space<hbm>>, %arg3: memref<256xi32, #tpu.memory_space<hbm>>, %arg4: memref<256xf32, #tpu.memory_space<hbm>>, %arg5: memref<256xf32, #tpu.memory_space<hbm>>, %arg6: memref<12x1x128xi32, #tpu.memory_space<hbm>>, %arg7: memref<12x1x128xf32, #tpu.memory_space<hbm>>, %arg8: memref<16xi32, #tpu.memory_space<hbm>>, %arg9: memref<16xi32, #tpu.memory_space<hbm>>, %arg10: memref<256xi32, #tpu.memory_space<vmem>>, %arg11: memref<256xi32, #tpu.memory_space<vmem>>, %arg12: memref<256xf32, #tpu.memory_space<vmem>>, %arg13: memref<256xf32, #tpu.memory_space<vmem>>, %arg14: memref<256xi32, #tpu.memory_space<vmem>>, %arg15: memref<256xi32, #tpu.memory_space<vmem>>, %arg16: memref<12x1x128xi32, #tpu.memory_space<vmem>>, %arg17: memref<12x1x128xf32, #tpu.memory_space<vmem>>, %arg18: memref<32xi32, #tpu.memory_space<vmem>>) attributes {dimension_semantics = [#tpu.dimension_semantics<core_parallel>, #tpu.dimension_semantics<subcore_parallel>], iteration_bounds = array<i64: 2, 16>, scalar_prefetch = 0 : i64, scratch_operands = 9 : i64, tpu.core_type = #tpu.core_type<sc_vector_subcore>, window_params = [{transform_indices = #map}, {transform_indices = #map}, {transform_indices = #map}, {transform_indices = #map}, {transform_indices = #map1}, {transform_indices = #map1}, {transform_indices = #map}, {transform_indices = #map}]} {
    %mul3A = arith.constant 2 : i32
    %mul3A_0 = arith.muli %arg1, %mul3A : i32
    %add3A = arith.addi %mul3A_0, %arg0 : i32
    %eq3A = arith.constant 0 : i32
    %eq3A_1 = arith.cmpi eq, %add3A, %eq3A : i32
    %convert_element_type3A = arith.extui %eq3A_1 : i1 to i32
    %cond3A = arith.constant 0 : i32
    %cond3A_2 = arith.cmpi ne, %convert_element_type3A, %cond3A : i32
    scf.if %cond3A_2 {
      "tpu.region"() ({
        %run_scoped3A = tpu.sem_alloc : memref<!tpu.dma_semaphore, #tpu.memory_space<semaphore_mem>>
        tpu.enqueue_dma source(%arg2 : memref<256xi32, #tpu.memory_space<hbm>>) target(%arg10 : memref<256xi32, #tpu.memory_space<vmem>>) target_semaphore(%run_scoped3A : memref<!tpu.dma_semaphore, #tpu.memory_space<semaphore_mem>>)
        tpu.wait_dma2 semaphore(%run_scoped3A : memref<!tpu.dma_semaphore, #tpu.memory_space<semaphore_mem>>) src(%arg2 : memref<256xi32, #tpu.memory_space<hbm>>) dst(%arg10 : memref<256xi32, #tpu.memory_space<vmem>>)
        tpu.yield
      }) : () -> ()
      "tpu.region"() ({
        %run_scoped3A = tpu.sem_alloc : memref<!tpu.dma_semaphore, #tpu.memory_space<semaphore_mem>>
        tpu.enqueue_dma source(%arg3 : memref<256xi32, #tpu.memory_space<hbm>>) target(%arg11 : memref<256xi32, #tpu.memory_space<vmem>>) target_semaphore(%run_scoped3A : memref<!tpu.dma_semaphore, #tpu.memory_space<semaphore_mem>>)
        tpu.wait_dma2 semaphore(%run_scoped3A : memref<!tpu.dma_semaphore, #tpu.memory_space<semaphore_mem>>) src(%arg3 : memref<256xi32, #tpu.memory_space<hbm>>) dst(%arg11 : memref<256xi32, #tpu.memory_space<vmem>>)
        tpu.yield
      }) : () -> ()
      "tpu.region"() ({
        %run_scoped3A = tpu.sem_alloc : memref<!tpu.dma_semaphore, #tpu.memory_space<semaphore_mem>>
        tpu.enqueue_dma source(%arg4 : memref<256xf32, #tpu.memory_space<hbm>>) target(%arg12 : memref<256xf32, #tpu.memory_space<vmem>>) target_semaphore(%run_scoped3A : memref<!tpu.dma_semaphore, #tpu.memory_space<semaphore_mem>>)
        tpu.wait_dma2 semaphore(%run_scoped3A : memref<!tpu.dma_semaphore, #tpu.memory_space<semaphore_mem>>) src(%arg4 : memref<256xf32, #tpu.memory_space<hbm>>) dst(%arg12 : memref<256xf32, #tpu.memory_space<vmem>>)
        tpu.yield
      }) : () -> ()
      "tpu.region"() ({
        %run_scoped3A = tpu.sem_alloc : memref<!tpu.dma_semaphore, #tpu.memory_space<semaphore_mem>>
        tpu.enqueue_dma source(%arg5 : memref<256xf32, #tpu.memory_space<hbm>>) target(%arg13 : memref<256xf32, #tpu.memory_space<vmem>>) target_semaphore(%run_scoped3A : memref<!tpu.dma_semaphore, #tpu.memory_space<semaphore_mem>>)
        tpu.wait_dma2 semaphore(%run_scoped3A : memref<!tpu.dma_semaphore, #tpu.memory_space<semaphore_mem>>) src(%arg5 : memref<256xf32, #tpu.memory_space<hbm>>) dst(%arg13 : memref<256xf32, #tpu.memory_space<vmem>>)
        tpu.yield
      }) : () -> ()
      %broadcast_in_dim3A = arith.constant 0 : i32
      %broadcast_in_dim3A_3 = vector.broadcast %broadcast_in_dim3A : i32 to vector<16xi32>
      %broadcast_in_dim3A_4 = arith.constant 0.000000e+00 : f32
      %broadcast_in_dim3A_5 = vector.broadcast %broadcast_in_dim3A_4 : f32 to vector<16xf32>
      %swap3A = arith.constant 0 : i32
      %swap3A_6 = arith.constant 0 : i32
      %swap3A_7 = arith.index_cast %swap3A : i32 to index
      %swap3A_8 = arith.index_cast %swap3A_6 : i32 to index
      %swap3A_9 = arith.constant 0 : index
      %swap3A_10 = tpu.vector_load %arg16[%swap3A_7, %swap3A_8, %swap3A_9] {strides = array<i32>} : memref<12x1x128xi32, #tpu.memory_space<vmem>>, vector<16xi32>,
      tpu.vector_store %arg16[%swap3A_7, %swap3A_8, %swap3A_9], %broadcast_in_dim3A_3 {strides = array<i32>} : memref<12x1x128xi32, #tpu.memory_space<vmem>>, vector<16xi32>,
      %swap3A_11 = arith.constant 0 : i32
      %swap3A_12 = arith.constant 0 : i32
      %swap3A_13 = arith.index_cast %swap3A_11 : i32 to index
      %swap3A_14 = arith.index_cast %swap3A_12 : i32 to index
      %swap3A_15 = arith.constant 0 : index
      %swap3A_16 = tpu.vector_load %arg17[%swap3A_13, %swap3A_14, %swap3A_15] {strides = array<i32>} : memref<12x1x128xf32, #tpu.memory_space<vmem>>, vector<16xf32>,
      tpu.vector_store %arg17[%swap3A_13, %swap3A_14, %swap3A_15], %broadcast_in_dim3A_5 {strides = array<i32>} : memref<12x1x128xf32, #tpu.memory_space<vmem>>, vector<16xf32>,
      %swap3A_17 = arith.constant 0 : i32
      %swap3A_18 = arith.constant 0 : i32
      %swap3A_19 = arith.index_cast %swap3A_17 : i32 to index
      %swap3A_20 = arith.index_cast %swap3A_18 : i32 to index
      %swap3A_21 = arith.constant 16 : index
      %swap3A_22 = tpu.vector_load %arg16[%swap3A_19, %swap3A_20, %swap3A_21] {strides = array<i32>} : memref<12x1x128xi32, #tpu.memory_space<vmem>>, vector<16xi32>,
      tpu.vector_store %arg16[%swap3A_19, %swap3A_20, %swap3A_21], %broadcast_in_dim3A_3 {strides = array<i32>} : memref<12x1x128xi32, #tpu.memory_space<vmem>>, vector<16xi32>,
      %swap3A_23 = arith.constant 0 : i32
      %swap3A_24 = arith.constant 0 : i32
      %swap3A_25 = arith.index_cast %swap3A_23 : i32 to index
      %swap3A_26 = arith.index_cast %swap3A_24 : i32 to index
      %swap3A_27 = arith.constant 16 : index
      %swap3A_28 = tpu.vector_load %arg17[%swap3A_25, %swap3A_26, %swap3A_27] {strides = array<i32>} : memref<12x1x128xf32, #tpu.memory_space<vmem>>, vector<16xf32>,
      tpu.vector_store %arg17[%swap3A_25, %swap3A_26, %swap3A_27], %broadcast_in_dim3A_5 {strides = array<i32>} : memref<12x1x128xf32, #tpu.memory_space<vmem>>, vector<16xf32>,
      %swap3A_29 = arith.constant 0 : i32
      %swap3A_30 = arith.constant 0 : i32
      %swap3A_31 = arith.index_cast %swap3A_29 : i32 to index
      %swap3A_32 = arith.index_cast %swap3A_30 : i32 to index
      %swap3A_33 = arith.constant 32 : index
      %swap3A_34 = tpu.vector_load %arg16[%swap3A_31, %swap3A_32, %swap3A_33] {strides = array<i32>} : memref<12x1x128xi32, #tpu.memory_space<vmem>>, vector<16xi32>,
      tpu.vector_store %arg16[%swap3A_31, %swap3A_32, %swap3A_33], %broadcast_in_dim3A_3 {strides = array<i32>} : memref<12x1x128xi32, #tpu.memory_space<vmem>>, vector<16xi32>,
      %swap3A_35 = arith.constant 0 : i32
      %swap3A_36 = arith.constant 0 : i32
      %swap3A_37 = arith.index_cast %swap3A_35 : i32 to index
      %swap3A_38 = arith.index_cast %swap3A_36 : i32 to index
      %swap3A_39 = arith.constant 32 : index
      %swap3A_40 = tpu.vector_load %arg17[%swap3A_37, %swap3A_38, %swap3A_39] {strides = array<i32>} : memref<12x1x128xf32, #tpu.memory_space<vmem>>, vector<16xf32>,
      tpu.vector_store %arg17[%swap3A_37, %swap3A_38, %swap3A_39], %broadcast_in_dim3A_5 {strides = array<i32>} : memref<12x1x128xf32, #tpu.memory_space<vmem>>, vector<16xf32>,
      %swap3A_41 = arith.constant 0 : i32
      %swap3A_42 = arith.constant 0 : i32
      %swap3A_43 = arith.index_cast %swap3A_41 : i32 to index
      %swap3A_44 = arith.index_cast %swap3A_42 : i32 to index
      %swap3A_45 = arith.constant 48 : index
      %swap3A_46 = tpu.vector_load %arg16[%swap3A_43, %swap3A_44, %swap3A_45] {strides = array<i32>} : memref<12x1x128xi32, #tpu.memory_space<vmem>>, vector<16xi32>,
      tpu.vector_store %arg16[%swap3A_43, %swap3A_44, %swap3A_45], %broadcast_in_dim3A_3 {strides = array<i32>} : memref<12x1x128xi32, #tpu.memory_space<vmem>>, vector<16xi32>,
      %swap3A_47 = arith.constant 0 : i32
      %swap3A_48 = arith.constant 0 : i32
      %swap3A_49 = arith.index_cast %swap3A_47 : i32 to index
      %swap3A_50 = arith.index_cast %swap3A_48 : i32 to index
      %swap3A_51 = arith.constant 48 : index
      %swap3A_52 = tpu.vector_load %arg17[%swap3A_49, %swap3A_50, %swap3A_51] {strides = array<i32>} : memref<12x1x128xf32, #tpu.memory_space<vmem>>, vector<16xf32>,
      tpu.vector_store %arg17[%swap3A_49, %swap3A_50, %swap3A_51], %broadcast_in_dim3A_5 {strides = array<i32>} : memref<12x1x128xf32, #tpu.memory_space<vmem>>, vector<16xf32>,
      %swap3A_53 = arith.constant 0 : i32
      %swap3A_54 = arith.constant 0 : i32
      %swap3A_55 = arith.index_cast %swap3A_53 : i32 to index
      %swap3A_56 = arith.index_cast %swap3A_54 : i32 to index
      %swap3A_57 = arith.constant 64 : index
      %swap3A_58 = tpu.vector_load %arg16[%swap3A_55, %swap3A_56, %swap3A_57] {strides = array<i32>} : memref<12x1x128xi32, #tpu.memory_space<vmem>>, vector<16xi32>,
      tpu.vector_store %arg16[%swap3A_55, %swap3A_56, %swap3A_57], %broadcast_in_dim3A_3 {strides = array<i32>} : memref<12x1x128xi32, #tpu.memory_space<vmem>>, vector<16xi32>,
      %swap3A_59 = arith.constant 0 : i32
      %swap3A_60 = arith.constant 0 : i32
      %swap3A_61 = arith.index_cast %swap3A_59 : i32 to index
      %swap3A_62 = arith.index_cast %swap3A_60 : i32 to index
      %swap3A_63 = arith.constant 64 : index
      %swap3A_64 = tpu.vector_load %arg17[%swap3A_61, %swap3A_62, %swap3A_63] {strides = array<i32>} : memref<12x1x128xf32, #tpu.memory_space<vmem>>, vector<16xf32>,
      tpu.vector_store %arg17[%swap3A_61, %swap3A_62, %swap3A_63], %broadcast_in_dim3A_5 {strides = array<i32>} : memref<12x1x128xf32, #tpu.memory_space<vmem>>, vector<16xf32>,
      %swap3A_65 = arith.constant 0 : i32
      %swap3A_66 = arith.constant 0 : i32
      %swap3A_67 = arith.index_cast %swap3A_65 : i32 to index
      %swap3A_68 = arith.index_cast %swap3A_66 : i32 to index
      %swap3A_69 = arith.constant 80 : index
      %swap3A_70 = tpu.vector_load %arg16[%swap3A_67, %swap3A_68, %swap3A_69] {strides = array<i32>} : memref<12x1x128xi32, #tpu.memory_space<vmem>>, vector<16xi32>,
      tpu.vector_store %arg16[%swap3A_67, %swap3A_68, %swap3A_69], %broadcast_in_dim3A_3 {strides = array<i32>} : memref<12x1x128xi32, #tpu.memory_space<vmem>>, vector<16xi32>,
      %swap3A_71 = arith.constant 0 : i32
      %swap3A_72 = arith.constant 0 : i32
      %swap3A_73 = arith.index_cast %swap3A_71 : i32 to index
      %swap3A_74 = arith.index_cast %swap3A_72 : i32 to index
      %swap3A_75 = arith.constant 80 : index
      %swap3A_76 = tpu.vector_load %arg17[%swap3A_73, %swap3A_74, %swap3A_75] {strides = array<i32>} : memref<12x1x128xf32, #tpu.memory_space<vmem>>, vector<16xf32>,
      tpu.vector_store %arg17[%swap3A_73, %swap3A_74, %swap3A_75], %broadcast_in_dim3A_5 {strides = array<i32>} : memref<12x1x128xf32, #tpu.memory_space<vmem>>, vector<16xf32>,
      %swap3A_77 = arith.constant 0 : i32
      %swap3A_78 = arith.constant 0 : i32
      %swap3A_79 = arith.index_cast %swap3A_77 : i32 to index
      %swap3A_80 = arith.index_cast %swap3A_78 : i32 to index
      %swap3A_81 = arith.constant 96 : index
      %swap3A_82 = tpu.vector_load %arg16[%swap3A_79, %swap3A_80, %swap3A_81] {strides = array<i32>} : memref<12x1x128xi32, #tpu.memory_space<vmem>>, vector<16xi32>,
      tpu.vector_store %arg16[%swap3A_79, %swap3A_80, %swap3A_81], %broadcast_in_dim3A_3 {strides = array<i32>} : memref<12x1x128xi32, #tpu.memory_space<vmem>>, vector<16xi32>,
      %swap3A_83 = arith.constant 0 : i32
      %swap3A_84 = arith.constant 0 : i32
      %swap3A_85 = arith.index_cast %swap3A_83 : i32 to index
      %swap3A_86 = arith.index_cast %swap3A_84 : i32 to index
      %swap3A_87 = arith.constant 96 : index
      %swap3A_88 = tpu.vector_load %arg17[%swap3A_85, %swap3A_86, %swap3A_87] {strides = array<i32>} : memref<12x1x128xf32, #tpu.memory_space<vmem>>, vector<16xf32>,
      tpu.vector_store %arg17[%swap3A_85, %swap3A_86, %swap3A_87], %broadcast_in_dim3A_5 {strides = array<i32>} : memref<12x1x128xf32, #tpu.memory_space<vmem>>, vector<16xf32>,
      %swap3A_89 = arith.constant 0 : i32
      %swap3A_90 = arith.constant 0 : i32
      %swap3A_91 = arith.index_cast %swap3A_89 : i32 to index
      %swap3A_92 = arith.index_cast %swap3A_90 : i32 to index
      %swap3A_93 = arith.constant 112 : index
      %swap3A_94 = tpu.vector_load %arg16[%swap3A_91, %swap3A_92, %swap3A_93] {strides = array<i32>} : memref<12x1x128xi32, #tpu.memory_space<vmem>>, vector<16xi32>,
      tpu.vector_store %arg16[%swap3A_91, %swap3A_92, %swap3A_93], %broadcast_in_dim3A_3 {strides = array<i32>} : memref<12x1x128xi32, #tpu.memory_space<vmem>>, vector<16xi32>,
      %swap3A_95 = arith.constant 0 : i32
      %swap3A_96 = arith.constant 0 : i32
      %swap3A_97 = arith.index_cast %swap3A_95 : i32 to index
      %swap3A_98 = arith.index_cast %swap3A_96 : i32 to index
      %swap3A_99 = arith.constant 112 : index
      %swap3A_100 = tpu.vector_load %arg17[%swap3A_97, %swap3A_98, %swap3A_99] {strides = array<i32>} : memref<12x1x128xf32, #tpu.memory_space<vmem>>, vector<16xf32>,
      tpu.vector_store %arg17[%swap3A_97, %swap3A_98, %swap3A_99], %broadcast_in_dim3A_5 {strides = array<i32>} : memref<12x1x128xf32, #tpu.memory_space<vmem>>, vector<16xf32>,
      %swap3A_101 = arith.constant 1 : i32
      %swap3A_102 = arith.constant 0 : i32
      %swap3A_103 = arith.index_cast %swap3A_101 : i32 to index
      %swap3A_104 = arith.index_cast %swap3A_102 : i32 to index
      %swap3A_105 = arith.constant 0 : index
      %swap3A_106 = tpu.vector_load %arg16[%swap3A_103, %swap3A_104, %swap3A_105] {strides = array<i32>} : memref<12x1x128xi32, #tpu.memory_space<vmem>>, vector<16xi32>,
      tpu.vector_store %arg16[%swap3A_103, %swap3A_104, %swap3A_105], %broadcast_in_dim3A_3 {strides = array<i32>} : memref<12x1x128xi32, #tpu.memory_space<vmem>>, vector<16xi32>,
      %swap3A_107 = arith.constant 1 : i32
      %swap3A_108 = arith.constant 0 : i32
      %swap3A_109 = arith.index_cast %swap3A_107 : i32 to index
      %swap3A_110 = arith.index_cast %swap3A_108 : i32 to index
      %swap3A_111 = arith.constant 0 : index
      %swap3A_112 = tpu.vector_load %arg17[%swap3A_109, %swap3A_110, %swap3A_111] {strides = array<i32>} : memref<12x1x128xf32, #tpu.memory_space<vmem>>, vector<16xf32>,
      tpu.vector_store %arg17[%swap3A_109, %swap3A_110, %swap3A_111], %broadcast_in_dim3A_5 {strides = array<i32>} : memref<12x1x128xf32, #tpu.memory_space<vmem>>, vector<16xf32>,
      %swap3A_113 = arith.constant 1 : i32
      %swap3A_114 = arith.constant 0 : i32
      %swap3A_115 = arith.index_cast %swap3A_113 : i32 to index
      %swap3A_116 = arith.index_cast %swap3A_114 : i32 to index
      %swap3A_117 = arith.constant 16 : index
      %swap3A_118 = tpu.vector_load %arg16[%swap3A_115, %swap3A_116, %swap3A_117] {strides = array<i32>} : memref<12x1x128xi32, #tpu.memory_space<vmem>>, vector<16xi32>,
      tpu.vector_store %arg16[%swap3A_115, %swap3A_116, %swap3A_117], %broadcast_in_dim3A_3 {strides = array<i32>} : memref<12x1x128xi32, #tpu.memory_space<vmem>>, vector<16xi32>,
      %swap3A_119 = arith.constant 1 : i32
      %swap3A_120 = arith.constant 0 : i32
      %swap3A_121 = arith.index_cast %swap3A_119 : i32 to index
      %swap3A_122 = arith.index_cast %swap3A_120 : i32 to index
      %swap3A_123 = arith.constant 16 : index
      %swap3A_124 = tpu.vector_load %arg17[%swap3A_121, %swap3A_122, %swap3A_123] {strides = array<i32>} : memref<12x1x128xf32, #tpu.memory_space<vmem>>, vector<16xf32>,
      tpu.vector_store %arg17[%swap3A_121, %swap3A_122, %swap3A_123], %broadcast_in_dim3A_5 {strides = array<i32>} : memref<12x1x128xf32, #tpu.memory_space<vmem>>, vector<16xf32>,
      %swap3A_125 = arith.constant 1 : i32
      %swap3A_126 = arith.constant 0 : i32
      %swap3A_127 = arith.index_cast %swap3A_125 : i32 to index
      %swap3A_128 = arith.index_cast %swap3A_126 : i32 to index
      %swap3A_129 = arith.constant 32 : index
      %swap3A_130 = tpu.vector_load %arg16[%swap3A_127, %swap3A_128, %swap3A_129] {strides = array<i32>} : memref<12x1x128xi32, #tpu.memory_space<vmem>>, vector<16xi32>,
      tpu.vector_store %arg16[%swap3A_127, %swap3A_128, %swap3A_129], %broadcast_in_dim3A_3 {strides = array<i32>} : memref<12x1x128xi32, #tpu.memory_space<vmem>>, vector<16xi32>,
      %swap3A_131 = arith.constant 1 : i32
      %swap3A_132 = arith.constant 0 : i32
      %swap3A_133 = arith.index_cast %swap3A_131 : i32 to index
      %swap3A_134 = arith.index_cast %swap3A_132 : i32 to index
      %swap3A_135 = arith.constant 32 : index
      %swap3A_136 = tpu.vector_load %arg17[%swap3A_133, %swap3A_134, %swap3A_135] {strides = array<i32>} : memref<12x1x128xf32, #tpu.memory_space<vmem>>, vector<16xf32>,
      tpu.vector_store %arg17[%swap3A_133, %swap3A_134, %swap3A_135], %broadcast_in_dim3A_5 {strides = array<i32>} : memref<12x1x128xf32, #tpu.memory_space<vmem>>, vector<16xf32>,
      %swap3A_137 = arith.constant 1 : i32
      %swap3A_138 = arith.constant 0 : i32
      %swap3A_139 = arith.index_cast %swap3A_137 : i32 to index
      %swap3A_140 = arith.index_cast %swap3A_138 : i32 to index
      %swap3A_141 = arith.constant 48 : index
      %swap3A_142 = tpu.vector_load %arg16[%swap3A_139, %swap3A_140, %swap3A_141] {strides = array<i32>} : memref<12x1x128xi32, #tpu.memory_space<vmem>>, vector<16xi32>,
      tpu.vector_store %arg16[%swap3A_139, %swap3A_140, %swap3A_141], %broadcast_in_dim3A_3 {strides = array<i32>} : memref<12x1x128xi32, #tpu.memory_space<vmem>>, vector<16xi32>,
      %swap3A_143 = arith.constant 1 : i32
      %swap3A_144 = arith.constant 0 : i32
      %swap3A_145 = arith.index_cast %swap3A_143 : i32 to index
      %swap3A_146 = arith.index_cast %swap3A_144 : i32 to index
      %swap3A_147 = arith.constant 48 : index
      %swap3A_148 = tpu.vector_load %arg17[%swap3A_145, %swap3A_146, %swap3A_147] {strides = array<i32>} : memref<12x1x128xf32, #tpu.memory_space<vmem>>, vector<16xf32>,
      tpu.vector_store %arg17[%swap3A_145, %swap3A_146, %swap3A_147], %broadcast_in_dim3A_5 {strides = array<i32>} : memref<12x1x128xf32, #tpu.memory_space<vmem>>, vector<16xf32>,
      %swap3A_149 = arith.constant 1 : i32
      %swap3A_150 = arith.constant 0 : i32
      %swap3A_151 = arith.index_cast %swap3A_149 : i32 to index
      %swap3A_152 = arith.index_cast %swap3A_150 : i32 to index
      %swap3A_153 = arith.constant 64 : index
      %swap3A_154 = tpu.vector_load %arg16[%swap3A_151, %swap3A_152, %swap3A_153] {strides = array<i32>} : memref<12x1x128xi32, #tpu.memory_space<vmem>>, vector<16xi32>,
      tpu.vector_store %arg16[%swap3A_151, %swap3A_152, %swap3A_153], %broadcast_in_dim3A_3 {strides = array<i32>} : memref<12x1x128xi32, #tpu.memory_space<vmem>>, vector<16xi32>,
      %swap3A_155 = arith.constant 1 : i32
      %swap3A_156 = arith.constant 0 : i32
      %swap3A_157 = arith.index_cast %swap3A_155 : i32 to index
      %swap3A_158 = arith.index_cast %swap3A_156 : i32 to index
      %swap3A_159 = arith.constant 64 : index
      %swap3A_160 = tpu.vector_load %arg17[%swap3A_157, %swap3A_158, %swap3A_159] {strides = array<i32>} : memref<12x1x128xf32, #tpu.memory_space<vmem>>, vector<16xf32>,
      tpu.vector_store %arg17[%swap3A_157, %swap3A_158, %swap3A_159], %broadcast_in_dim3A_5 {strides = array<i32>} : memref<12x1x128xf32, #tpu.memory_space<vmem>>, vector<16xf32>,
      %swap3A_161 = arith.constant 1 : i32
      %swap3A_162 = arith.constant 0 : i32
      %swap3A_163 = arith.index_cast %swap3A_161 : i32 to index
      %swap3A_164 = arith.index_cast %swap3A_162 : i32 to index
      %swap3A_165 = arith.constant 80 : index
      %swap3A_166 = tpu.vector_load %arg16[%swap3A_163, %swap3A_164, %swap3A_165] {strides = array<i32>} : memref<12x1x128xi32, #tpu.memory_space<vmem>>, vector<16xi32>,
      tpu.vector_store %arg16[%swap3A_163, %swap3A_164, %swap3A_165], %broadcast_in_dim3A_3 {strides = array<i32>} : memref<12x1x128xi32, #tpu.memory_space<vmem>>, vector<16xi32>,
      %swap3A_167 = arith.constant 1 : i32
      %swap3A_168 = arith.constant 0 : i32
      %swap3A_169 = arith.index_cast %swap3A_167 : i32 to index
      %swap3A_170 = arith.index_cast %swap3A_168 : i32 to index
      %swap3A_171 = arith.constant 80 : index
      %swap3A_172 = tpu.vector_load %arg17[%swap3A_169, %swap3A_170, %swap3A_171] {strides = array<i32>} : memref<12x1x128xf32, #tpu.memory_space<vmem>>, vector<16xf32>,
      tpu.vector_store %arg17[%swap3A_169, %swap3A_170, %swap3A_171], %broadcast_in_dim3A_5 {strides = array<i32>} : memref<12x1x128xf32, #tpu.memory_space<vmem>>, vector<16xf32>,
      %swap3A_173 = arith.constant 1 : i32
      %swap3A_174 = arith.constant 0 : i32
      %swap3A_175 = arith.index_cast %swap3A_173 : i32 to index
      %swap3A_176 = arith.index_cast %swap3A_174 : i32 to index
      %swap3A_177 = arith.constant 96 : index
      %swap3A_178 = tpu.vector_load %arg16[%swap3A_175, %swap3A_176, %swap3A_177] {strides = array<i32>} : memref<12x1x128xi32, #tpu.memory_space<vmem>>, vector<16xi32>,
      tpu.vector_store %arg16[%swap3A_175, %swap3A_176, %swap3A_177], %broadcast_in_dim3A_3 {strides = array<i32>} : memref<12x1x128xi32, #tpu.memory_space<vmem>>, vector<16xi32>,
      %swap3A_179 = arith.constant 1 : i32
      %swap3A_180 = arith.constant 0 : i32
      %swap3A_181 = arith.index_cast %swap3A_179 : i32 to index
      %swap3A_182 = arith.index_cast %swap3A_180 : i32 to index
      %swap3A_183 = arith.constant 96 : index
      %swap3A_184 = tpu.vector_load %arg17[%swap3A_181, %swap3A_182, %swap3A_183] {strides = array<i32>} : memref<12x1x128xf32, #tpu.memory_space<vmem>>, vector<16xf32>,
      tpu.vector_store %arg17[%swap3A_181, %swap3A_182, %swap3A_183], %broadcast_in_dim3A_5 {strides = array<i32>} : memref<12x1x128xf32, #tpu.memory_space<vmem>>, vector<16xf32>,
      %swap3A_185 = arith.constant 1 : i32
      %swap3A_186 = arith.constant 0 : i32
      %swap3A_187 = arith.index_cast %swap3A_185 : i32 to index
      %swap3A_188 = arith.index_cast %swap3A_186 : i32 to index
      %swap3A_189 = arith.constant 112 : index
      %swap3A_190 = tpu.vector_load %arg16[%swap3A_187, %swap3A_188, %swap3A_189] {strides = array<i32>} : memref<12x1x128xi32, #tpu.memory_space<vmem>>, vector<16xi32>,
      tpu.vector_store %arg16[%swap3A_187, %swap3A_188, %swap3A_189], %broadcast_in_dim3A_3 {strides = array<i32>} : memref<12x1x128xi32, #tpu.memory_space<vmem>>, vector<16xi32>,
      %swap3A_191 = arith.constant 1 : i32
      %swap3A_192 = arith.constant 0 : i32
      %swap3A_193 = arith.index_cast %swap3A_191 : i32 to index
      %swap3A_194 = arith.index_cast %swap3A_192 : i32 to index
      %swap3A_195 = arith.constant 112 : index
      %swap3A_196 = tpu.vector_load %arg17[%swap3A_193, %swap3A_194, %swap3A_195] {strides = array<i32>} : memref<12x1x128xf32, #tpu.memory_space<vmem>>, vector<16xf32>,
      tpu.vector_store %arg17[%swap3A_193, %swap3A_194, %swap3A_195], %broadcast_in_dim3A_5 {strides = array<i32>} : memref<12x1x128xf32, #tpu.memory_space<vmem>>, vector<16xf32>,
      %swap3A_197 = arith.constant 2 : i32
      %swap3A_198 = arith.constant 0 : i32
      %swap3A_199 = arith.index_cast %swap3A_197 : i32 to index
      %swap3A_200 = arith.index_cast %swap3A_198 : i32 to index
      %swap3A_201 = arith.constant 0 : index
      %swap3A_202 = tpu.vector_load %arg16[%swap3A_199, %swap3A_200, %swap3A_201] {strides = array<i32>} : memref<12x1x128xi32, #tpu.memory_space<vmem>>, vector<16xi32>,
      tpu.vector_store %arg16[%swap3A_199, %swap3A_200, %swap3A_201], %broadcast_in_dim3A_3 {strides = array<i32>} : memref<12x1x128xi32, #tpu.memory_space<vmem>>, vector<16xi32>,
      %swap3A_203 = arith.constant 2 : i32
      %swap3A_204 = arith.constant 0 : i32
      %swap3A_205 = arith.index_cast %swap3A_203 : i32 to index
      %swap3A_206 = arith.index_cast %swap3A_204 : i32 to index
      %swap3A_207 = arith.constant 0 : index
      %swap3A_208 = tpu.vector_load %arg17[%swap3A_205, %swap3A_206, %swap3A_207] {strides = array<i32>} : memref<12x1x128xf32, #tpu.memory_space<vmem>>, vector<16xf32>,
      tpu.vector_store %arg17[%swap3A_205, %swap3A_206, %swap3A_207], %broadcast_in_dim3A_5 {strides = array<i32>} : memref<12x1x128xf32, #tpu.memory_space<vmem>>, vector<16xf32>,
      %swap3A_209 = arith.constant 2 : i32
      %swap3A_210 = arith.constant 0 : i32
      %swap3A_211 = arith.index_cast %swap3A_209 : i32 to index
      %swap3A_212 = arith.index_cast %swap3A_210 : i32 to index
      %swap3A_213 = arith.constant 16 : index
      %swap3A_214 = tpu.vector_load %arg16[%swap3A_211, %swap3A_212, %swap3A_213] {strides = array<i32>} : memref<12x1x128xi32, #tpu.memory_space<vmem>>, vector<16xi32>,
      tpu.vector_store %arg16[%swap3A_211, %swap3A_212, %swap3A_213], %broadcast_in_dim3A_3 {strides = array<i32>} : memref<12x1x128xi32, #tpu.memory_space<vmem>>, vector<16xi32>,
      %swap3A_215 = arith.constant 2 : i32
      %swap3A_216 = arith.constant 0 : i32
      %swap3A_217 = arith.index_cast %swap3A_215 : i32 to index
      %swap3A_218 = arith.index_cast %swap3A_216 : i32 to index
      %swap3A_219 = arith.constant 16 : index
      %swap3A_220 = tpu.vector_load %arg17[%swap3A_217, %swap3A_218, %swap3A_219] {strides = array<i32>} : memref<12x1x128xf32, #tpu.memory_space<vmem>>, vector<16xf32>,
      tpu.vector_store %arg17[%swap3A_217, %swap3A_218, %swap3A_219], %broadcast_in_dim3A_5 {strides = array<i32>} : memref<12x1x128xf32, #tpu.memory_space<vmem>>, vector<16xf32>,
      %swap3A_221 = arith.constant 2 : i32
      %swap3A_222 = arith.constant 0 : i32
      %swap3A_223 = arith.index_cast %swap3A_221 : i32 to index
      %swap3A_224 = arith.index_cast %swap3A_222 : i32 to index
      %swap3A_225 = arith.constant 32 : index
      %swap3A_226 = tpu.vector_load %arg16[%swap3A_223, %swap3A_224, %swap3A_225] {strides = array<i32>} : memref<12x1x128xi32, #tpu.memory_space<vmem>>, vector<16xi32>,
      tpu.vector_store %arg16[%swap3A_223, %swap3A_224, %swap3A_225], %broadcast_in_dim3A_3 {strides = array<i32>} : memref<12x1x128xi32, #tpu.memory_space<vmem>>, vector<16xi32>,
      %swap3A_227 = arith.constant 2 : i32
      %swap3A_228 = arith.constant 0 : i32
      %swap3A_229 = arith.index_cast %swap3A_227 : i32 to index
      %swap3A_230 = arith.index_cast %swap3A_228 : i32 to index
      %swap3A_231 = arith.constant 32 : index
      %swap3A_232 = tpu.vector_load %arg17[%swap3A_229, %swap3A_230, %swap3A_231] {strides = array<i32>} : memref<12x1x128xf32, #tpu.memory_space<vmem>>, vector<16xf32>,
      tpu.vector_store %arg17[%swap3A_229, %swap3A_230, %swap3A_231], %broadcast_in_dim3A_5 {strides = array<i32>} : memref<12x1x128xf32, #tpu.memory_space<vmem>>, vector<16xf32>,
      %swap3A_233 = arith.constant 2 : i32
      %swap3A_234 = arith.constant 0 : i32
      %swap3A_235 = arith.index_cast %swap3A_233 : i32 to index
      %swap3A_236 = arith.index_cast %swap3A_234 : i32 to index
      %swap3A_237 = arith.constant 48 : index
      %swap3A_238 = tpu.vector_load %arg16[%swap3A_235, %swap3A_236, %swap3A_237] {strides = array<i32>} : memref<12x1x128xi32, #tpu.memory_space<vmem>>, vector<16xi32>,
      tpu.vector_store %arg16[%swap3A_235, %swap3A_236, %swap3A_237], %broadcast_in_dim3A_3 {strides = array<i32>} : memref<12x1x128xi32, #tpu.memory_space<vmem>>, vector<16xi32>,
      %swap3A_239 = arith.constant 2 : i32
      %swap3A_240 = arith.constant 0 : i32
      %swap3A_241 = arith.index_cast %swap3A_239 : i32 to index
      %swap3A_242 = arith.index_cast %swap3A_240 : i32 to index
      %swap3A_243 = arith.constant 48 : index
      %swap3A_244 = tpu.vector_load %arg17[%swap3A_241, %swap3A_242, %swap3A_243] {strides = array<i32>} : memref<12x1x128xf32, #tpu.memory_space<vmem>>, vector<16xf32>,
      tpu.vector_store %arg17[%swap3A_241, %swap3A_242, %swap3A_243], %broadcast_in_dim3A_5 {strides = array<i32>} : memref<12x1x128xf32, #tpu.memory_space<vmem>>, vector<16xf32>,
      %swap3A_245 = arith.constant 2 : i32
      %swap3A_246 = arith.constant 0 : i32
      %swap3A_247 = arith.index_cast %swap3A_245 : i32 to index
      %swap3A_248 = arith.index_cast %swap3A_246 : i32 to index
      %swap3A_249 = arith.constant 64 : index
      %swap3A_250 = tpu.vector_load %arg16[%swap3A_247, %swap3A_248, %swap3A_249] {strides = array<i32>} : memref<12x1x128xi32, #tpu.memory_space<vmem>>, vector<16xi32>,
      tpu.vector_store %arg16[%swap3A_247, %swap3A_248, %swap3A_249], %broadcast_in_dim3A_3 {strides = array<i32>} : memref<12x1x128xi32, #tpu.memory_space<vmem>>, vector<16xi32>,
      %swap3A_251 = arith.constant 2 : i32
      %swap3A_252 = arith.constant 0 : i32
      %swap3A_253 = arith.index_cast %swap3A_251 : i32 to index
      %swap3A_254 = arith.index_cast %swap3A_252 : i32 to index
      %swap3A_255 = arith.constant 64 : index
      %swap3A_256 = tpu.vector_load %arg17[%swap3A_253, %swap3A_254, %swap3A_255] {strides = array<i32>} : memref<12x1x128xf32, #tpu.memory_space<vmem>>, vector<16xf32>,
      tpu.vector_store %arg17[%swap3A_253, %swap3A_254, %swap3A_255], %broadcast_in_dim3A_5 {strides = array<i32>} : memref<12x1x128xf32, #tpu.memory_space<vmem>>, vector<16xf32>,
      %swap3A_257 = arith.constant 2 : i32
      %swap3A_258 = arith.constant 0 : i32
      %swap3A_259 = arith.index_cast %swap3A_257 : i32 to index
      %swap3A_260 = arith.index_cast %swap3A_258 : i32 to index
      %swap3A_261 = arith.constant 80 : index
      %swap3A_262 = tpu.vector_load %arg16[%swap3A_259, %swap3A_260, %swap3A_261] {strides = array<i32>} : memref<12x1x128xi32, #tpu.memory_space<vmem>>, vector<16xi32>,
      tpu.vector_store %arg16[%swap3A_259, %swap3A_260, %swap3A_261], %broadcast_in_dim3A_3 {strides = array<i32>} : memref<12x1x128xi32, #tpu.memory_space<vmem>>, vector<16xi32>,
      %swap3A_263 = arith.constant 2 : i32
      %swap3A_264 = arith.constant 0 : i32
      %swap3A_265 = arith.index_cast %swap3A_263 : i32 to index
      %swap3A_266 = arith.index_cast %swap3A_264 : i32 to index
      %swap3A_267 = arith.constant 80 : index
      %swap3A_268 = tpu.vector_load %arg17[%swap3A_265, %swap3A_266, %swap3A_267] {strides = array<i32>} : memref<12x1x128xf32, #tpu.memory_space<vmem>>, vector<16xf32>,
      tpu.vector_store %arg17[%swap3A_265, %swap3A_266, %swap3A_267], %broadcast_in_dim3A_5 {strides = array<i32>} : memref<12x1x128xf32, #tpu.memory_space<vmem>>, vector<16xf32>,
      %swap3A_269 = arith.constant 2 : i32
      %swap3A_270 = arith.constant 0 : i32
      %swap3A_271 = arith.index_cast %swap3A_269 : i32 to index
      %swap3A_272 = arith.index_cast %swap3A_270 : i32 to index
      %swap3A_273 = arith.constant 96 : index
      %swap3A_274 = tpu.vector_load %arg16[%swap3A_271, %swap3A_272, %swap3A_273] {strides = array<i32>} : memref<12x1x128xi32, #tpu.memory_space<vmem>>, vector<16xi32>,
      tpu.vector_store %arg16[%swap3A_271, %swap3A_272, %swap3A_273], %broadcast_in_dim3A_3 {strides = array<i32>} : memref<12x1x128xi32, #tpu.memory_space<vmem>>, vector<16xi32>,
      %swap3A_275 = arith.constant 2 : i32
      %swap3A_276 = arith.constant 0 : i32
      %swap3A_277 = arith.index_cast %swap3A_275 : i32 to index
      %swap3A_278 = arith.index_cast %swap3A_276 : i32 to index
      %swap3A_279 = arith.constant 96 : index
      %swap3A_280 = tpu.vector_load %arg17[%swap3A_277, %swap3A_278, %swap3A_279] {strides = array<i32>} : memref<12x1x128xf32, #tpu.memory_space<vmem>>, vector<16xf32>,
      tpu.vector_store %arg17[%swap3A_277, %swap3A_278, %swap3A_279], %broadcast_in_dim3A_5 {strides = array<i32>} : memref<12x1x128xf32, #tpu.memory_space<vmem>>, vector<16xf32>,
      %swap3A_281 = arith.constant 2 : i32
      %swap3A_282 = arith.constant 0 : i32
      %swap3A_283 = arith.index_cast %swap3A_281 : i32 to index
      %swap3A_284 = arith.index_cast %swap3A_282 : i32 to index
      %swap3A_285 = arith.constant 112 : index
      %swap3A_286 = tpu.vector_load %arg16[%swap3A_283, %swap3A_284, %swap3A_285] {strides = array<i32>} : memref<12x1x128xi32, #tpu.memory_space<vmem>>, vector<16xi32>,
      tpu.vector_store %arg16[%swap3A_283, %swap3A_284, %swap3A_285], %broadcast_in_dim3A_3 {strides = array<i32>} : memref<12x1x128xi32, #tpu.memory_space<vmem>>, vector<16xi32>,
      %swap3A_287 = arith.constant 2 : i32
      %swap3A_288 = arith.constant 0 : i32
      %swap3A_289 = arith.index_cast %swap3A_287 : i32 to index
      %swap3A_290 = arith.index_cast %swap3A_288 : i32 to index
      %swap3A_291 = arith.constant 112 : index
      %swap3A_292 = tpu.vector_load %arg17[%swap3A_289, %swap3A_290, %swap3A_291] {strides = array<i32>} : memref<12x1x128xf32, #tpu.memory_space<vmem>>, vector<16xf32>,
      tpu.vector_store %arg17[%swap3A_289, %swap3A_290, %swap3A_291], %broadcast_in_dim3A_5 {strides = array<i32>} : memref<12x1x128xf32, #tpu.memory_space<vmem>>, vector<16xf32>,
      %swap3A_293 = arith.constant 3 : i32
      %swap3A_294 = arith.constant 0 : i32
      %swap3A_295 = arith.index_cast %swap3A_293 : i32 to index
      %swap3A_296 = arith.index_cast %swap3A_294 : i32 to index
      %swap3A_297 = arith.constant 0 : index
      %swap3A_298 = tpu.vector_load %arg16[%swap3A_295, %swap3A_296, %swap3A_297] {strides = array<i32>} : memref<12x1x128xi32, #tpu.memory_space<vmem>>, vector<16xi32>,
      tpu.vector_store %arg16[%swap3A_295, %swap3A_296, %swap3A_297], %broadcast_in_dim3A_3 {strides = array<i32>} : memref<12x1x128xi32, #tpu.memory_space<vmem>>, vector<16xi32>,
      %swap3A_299 = arith.constant 3 : i32
      %swap3A_300 = arith.constant 0 : i32
      %swap3A_301 = arith.index_cast %swap3A_299 : i32 to index
      %swap3A_302 = arith.index_cast %swap3A_300 : i32 to index
      %swap3A_303 = arith.constant 0 : index
      %swap3A_304 = tpu.vector_load %arg17[%swap3A_301, %swap3A_302, %swap3A_303] {strides = array<i32>} : memref<12x1x128xf32, #tpu.memory_space<vmem>>, vector<16xf32>,
      tpu.vector_store %arg17[%swap3A_301, %swap3A_302, %swap3A_303], %broadcast_in_dim3A_5 {strides = array<i32>} : memref<12x1x128xf32, #tpu.memory_space<vmem>>, vector<16xf32>,
      %swap3A_305 = arith.constant 3 : i32
      %swap3A_306 = arith.constant 0 : i32
      %swap3A_307 = arith.index_cast %swap3A_305 : i32 to index
      %swap3A_308 = arith.index_cast %swap3A_306 : i32 to index
      %swap3A_309 = arith.constant 16 : index
      %swap3A_310 = tpu.vector_load %arg16[%swap3A_307, %swap3A_308, %swap3A_309] {strides = array<i32>} : memref<12x1x128xi32, #tpu.memory_space<vmem>>, vector<16xi32>,
      tpu.vector_store %arg16[%swap3A_307, %swap3A_308, %swap3A_309], %broadcast_in_dim3A_3 {strides = array<i32>} : memref<12x1x128xi32, #tpu.memory_space<vmem>>, vector<16xi32>,
      %swap3A_311 = arith.constant 3 : i32
      %swap3A_312 = arith.constant 0 : i32
      %swap3A_313 = arith.index_cast %swap3A_311 : i32 to index
      %swap3A_314 = arith.index_cast %swap3A_312 : i32 to index
      %swap3A_315 = arith.constant 16 : index
      %swap3A_316 = tpu.vector_load %arg17[%swap3A_313, %swap3A_314, %swap3A_315] {strides = array<i32>} : memref<12x1x128xf32, #tpu.memory_space<vmem>>, vector<16xf32>,
      tpu.vector_store %arg17[%swap3A_313, %swap3A_314, %swap3A_315], %broadcast_in_dim3A_5 {strides = array<i32>} : memref<12x1x128xf32, #tpu.memory_space<vmem>>, vector<16xf32>,
      %swap3A_317 = arith.constant 3 : i32
      %swap3A_318 = arith.constant 0 : i32
      %swap3A_319 = arith.index_cast %swap3A_317 : i32 to index
      %swap3A_320 = arith.index_cast %swap3A_318 : i32 to index
      %swap3A_321 = arith.constant 32 : index
      %swap3A_322 = tpu.vector_load %arg16[%swap3A_319, %swap3A_320, %swap3A_321] {strides = array<i32>} : memref<12x1x128xi32, #tpu.memory_space<vmem>>, vector<16xi32>,
      tpu.vector_store %arg16[%swap3A_319, %swap3A_320, %swap3A_321], %broadcast_in_dim3A_3 {strides = array<i32>} : memref<12x1x128xi32, #tpu.memory_space<vmem>>, vector<16xi32>,
      %swap3A_323 = arith.constant 3 : i32
      %swap3A_324 = arith.constant 0 : i32
      %swap3A_325 = arith.index_cast %swap3A_323 : i32 to index
      %swap3A_326 = arith.index_cast %swap3A_324 : i32 to index
      %swap3A_327 = arith.constant 32 : index
      %swap3A_328 = tpu.vector_load %arg17[%swap3A_325, %swap3A_326, %swap3A_327] {strides = array<i32>} : memref<12x1x128xf32, #tpu.memory_space<vmem>>, vector<16xf32>,
      tpu.vector_store %arg17[%swap3A_325, %swap3A_326, %swap3A_327], %broadcast_in_dim3A_5 {strides = array<i32>} : memref<12x1x128xf32, #tpu.memory_space<vmem>>, vector<16xf32>,
      %swap3A_329 = arith.constant 3 : i32
      %swap3A_330 = arith.constant 0 : i32
      %swap3A_331 = arith.index_cast %swap3A_329 : i32 to index
      %swap3A_332 = arith.index_cast %swap3A_330 : i32 to index
      %swap3A_333 = arith.constant 48 : index
      %swap3A_334 = tpu.vector_load %arg16[%swap3A_331, %swap3A_332, %swap3A_333] {strides = array<i32>} : memref<12x1x128xi32, #tpu.memory_space<vmem>>, vector<16xi32>,
      tpu.vector_store %arg16[%swap3A_331, %swap3A_332, %swap3A_333], %broadcast_in_dim3A_3 {strides = array<i32>} : memref<12x1x128xi32, #tpu.memory_space<vmem>>, vector<16xi32>,
      %swap3A_335 = arith.constant 3 : i32
      %swap3A_336 = arith.constant 0 : i32
      %swap3A_337 = arith.index_cast %swap3A_335 : i32 to index
      %swap3A_338 = arith.index_cast %swap3A_336 : i32 to index
      %swap3A_339 = arith.constant 48 : index
      %swap3A_340 = tpu.vector_load %arg17[%swap3A_337, %swap3A_338, %swap3A_339] {strides = array<i32>} : memref<12x1x128xf32, #tpu.memory_space<vmem>>, vector<16xf32>,
      tpu.vector_store %arg17[%swap3A_337, %swap3A_338, %swap3A_339], %broadcast_in_dim3A_5 {strides = array<i32>} : memref<12x1x128xf32, #tpu.memory_space<vmem>>, vector<16xf32>,
      %swap3A_341 = arith.constant 3 : i32
      %swap3A_342 = arith.constant 0 : i32
      %swap3A_343 = arith.index_cast %swap3A_341 : i32 to index
      %swap3A_344 = arith.index_cast %swap3A_342 : i32 to index
      %swap3A_345 = arith.constant 64 : index
      %swap3A_346 = tpu.vector_load %arg16[%swap3A_343, %swap3A_344, %swap3A_345] {strides = array<i32>} : memref<12x1x128xi32, #tpu.memory_space<vmem>>, vector<16xi32>,
      tpu.vector_store %arg16[%swap3A_343, %swap3A_344, %swap3A_345], %broadcast_in_dim3A_3 {strides = array<i32>} : memref<12x1x128xi32, #tpu.memory_space<vmem>>, vector<16xi32>,
      %swap3A_347 = arith.constant 3 : i32
      %swap3A_348 = arith.constant 0 : i32
      %swap3A_349 = arith.index_cast %swap3A_347 : i32 to index
      %swap3A_350 = arith.index_cast %swap3A_348 : i32 to index
      %swap3A_351 = arith.constant 64 : index
      %swap3A_352 = tpu.vector_load %arg17[%swap3A_349, %swap3A_350, %swap3A_351] {strides = array<i32>} : memref<12x1x128xf32, #tpu.memory_space<vmem>>, vector<16xf32>,
      tpu.vector_store %arg17[%swap3A_349, %swap3A_350, %swap3A_351], %broadcast_in_dim3A_5 {strides = array<i32>} : memref<12x1x128xf32, #tpu.memory_space<vmem>>, vector<16xf32>,
      %swap3A_353 = arith.constant 3 : i32
      %swap3A_354 = arith.constant 0 : i32
      %swap3A_355 = arith.index_cast %swap3A_353 : i32 to index
      %swap3A_356 = arith.index_cast %swap3A_354 : i32 to index
      %swap3A_357 = arith.constant 80 : index
      %swap3A_358 = tpu.vector_load %arg16[%swap3A_355, %swap3A_356, %swap3A_357] {strides = array<i32>} : memref<12x1x128xi32, #tpu.memory_space<vmem>>, vector<16xi32>,
      tpu.vector_store %arg16[%swap3A_355, %swap3A_356, %swap3A_357], %broadcast_in_dim3A_3 {strides = array<i32>} : memref<12x1x128xi32, #tpu.memory_space<vmem>>, vector<16xi32>,
      %swap3A_359 = arith.constant 3 : i32
      %swap3A_360 = arith.constant 0 : i32
      %swap3A_361 = arith.index_cast %swap3A_359 : i32 to index
      %swap3A_362 = arith.index_cast %swap3A_360 : i32 to index
      %swap3A_363 = arith.constant 80 : index
      %swap3A_364 = tpu.vector_load %arg17[%swap3A_361, %swap3A_362, %swap3A_363] {strides = array<i32>} : memref<12x1x128xf32, #tpu.memory_space<vmem>>, vector<16xf32>,
      tpu.vector_store %arg17[%swap3A_361, %swap3A_362, %swap3A_363], %broadcast_in_dim3A_5 {strides = array<i32>} : memref<12x1x128xf32, #tpu.memory_space<vmem>>, vector<16xf32>,
      %swap3A_365 = arith.constant 3 : i32
      %swap3A_366 = arith.constant 0 : i32
      %swap3A_367 = arith.index_cast %swap3A_365 : i32 to index
      %swap3A_368 = arith.index_cast %swap3A_366 : i32 to index
      %swap3A_369 = arith.constant 96 : index
      %swap3A_370 = tpu.vector_load %arg16[%swap3A_367, %swap3A_368, %swap3A_369] {strides = array<i32>} : memref<12x1x128xi32, #tpu.memory_space<vmem>>, vector<16xi32>,
      tpu.vector_store %arg16[%swap3A_367, %swap3A_368, %swap3A_369], %broadcast_in_dim3A_3 {strides = array<i32>} : memref<12x1x128xi32, #tpu.memory_space<vmem>>, vector<16xi32>,
      %swap3A_371 = arith.constant 3 : i32
      %swap3A_372 = arith.constant 0 : i32
      %swap3A_373 = arith.index_cast %swap3A_371 : i32 to index
      %swap3A_374 = arith.index_cast %swap3A_372 : i32 to index
      %swap3A_375 = arith.constant 96 : index
      %swap3A_376 = tpu.vector_load %arg17[%swap3A_373, %swap3A_374, %swap3A_375] {strides = array<i32>} : memref<12x1x128xf32, #tpu.memory_space<vmem>>, vector<16xf32>,
      tpu.vector_store %arg17[%swap3A_373, %swap3A_374, %swap3A_375], %broadcast_in_dim3A_5 {strides = array<i32>} : memref<12x1x128xf32, #tpu.memory_space<vmem>>, vector<16xf32>,
      %swap3A_377 = arith.constant 3 : i32
      %swap3A_378 = arith.constant 0 : i32
      %swap3A_379 = arith.index_cast %swap3A_377 : i32 to index
      %swap3A_380 = arith.index_cast %swap3A_378 : i32 to index
      %swap3A_381 = arith.constant 112 : index
      %swap3A_382 = tpu.vector_load %arg16[%swap3A_379, %swap3A_380, %swap3A_381] {strides = array<i32>} : memref<12x1x128xi32, #tpu.memory_space<vmem>>, vector<16xi32>,
      tpu.vector_store %arg16[%swap3A_379, %swap3A_380, %swap3A_381], %broadcast_in_dim3A_3 {strides = array<i32>} : memref<12x1x128xi32, #tpu.memory_space<vmem>>, vector<16xi32>,
      %swap3A_383 = arith.constant 3 : i32
      %swap3A_384 = arith.constant 0 : i32
      %swap3A_385 = arith.index_cast %swap3A_383 : i32 to index
      %swap3A_386 = arith.index_cast %swap3A_384 : i32 to index
      %swap3A_387 = arith.constant 112 : index
      %swap3A_388 = tpu.vector_load %arg17[%swap3A_385, %swap3A_386, %swap3A_387] {strides = array<i32>} : memref<12x1x128xf32, #tpu.memory_space<vmem>>, vector<16xf32>,
      tpu.vector_store %arg17[%swap3A_385, %swap3A_386, %swap3A_387], %broadcast_in_dim3A_5 {strides = array<i32>} : memref<12x1x128xf32, #tpu.memory_space<vmem>>, vector<16xf32>,
      %swap3A_389 = arith.constant 4 : i32
      %swap3A_390 = arith.constant 0 : i32
      %swap3A_391 = arith.index_cast %swap3A_389 : i32 to index
      %swap3A_392 = arith.index_cast %swap3A_390 : i32 to index
      %swap3A_393 = arith.constant 0 : index
      %swap3A_394 = tpu.vector_load %arg16[%swap3A_391, %swap3A_392, %swap3A_393] {strides = array<i32>} : memref<12x1x128xi32, #tpu.memory_space<vmem>>, vector<16xi32>,
      tpu.vector_store %arg16[%swap3A_391, %swap3A_392, %swap3A_393], %broadcast_in_dim3A_3 {strides = array<i32>} : memref<12x1x128xi32, #tpu.memory_space<vmem>>, vector<16xi32>,
      %swap3A_395 = arith.constant 4 : i32
      %swap3A_396 = arith.constant 0 : i32
      %swap3A_397 = arith.index_cast %swap3A_395 : i32 to index
      %swap3A_398 = arith.index_cast %swap3A_396 : i32 to index
      %swap3A_399 = arith.constant 0 : index
      %swap3A_400 = tpu.vector_load %arg17[%swap3A_397, %swap3A_398, %swap3A_399] {strides = array<i32>} : memref<12x1x128xf32, #tpu.memory_space<vmem>>, vector<16xf32>,
      tpu.vector_store %arg17[%swap3A_397, %swap3A_398, %swap3A_399], %broadcast_in_dim3A_5 {strides = array<i32>} : memref<12x1x128xf32, #tpu.memory_space<vmem>>, vector<16xf32>,
      %swap3A_401 = arith.constant 4 : i32
      %swap3A_402 = arith.constant 0 : i32
      %swap3A_403 = arith.index_cast %swap3A_401 : i32 to index
      %swap3A_404 = arith.index_cast %swap3A_402 : i32 to index
      %swap3A_405 = arith.constant 16 : index
      %swap3A_406 = tpu.vector_load %arg16[%swap3A_403, %swap3A_404, %swap3A_405] {strides = array<i32>} : memref<12x1x128xi32, #tpu.memory_space<vmem>>, vector<16xi32>,
      tpu.vector_store %arg16[%swap3A_403, %swap3A_404, %swap3A_405], %broadcast_in_dim3A_3 {strides = array<i32>} : memref<12x1x128xi32, #tpu.memory_space<vmem>>, vector<16xi32>,
      %swap3A_407 = arith.constant 4 : i32
      %swap3A_408 = arith.constant 0 : i32
      %swap3A_409 = arith.index_cast %swap3A_407 : i32 to index
      %swap3A_410 = arith.index_cast %swap3A_408 : i32 to index
      %swap3A_411 = arith.constant 16 : index
      %swap3A_412 = tpu.vector_load %arg17[%swap3A_409, %swap3A_410, %swap3A_411] {strides = array<i32>} : memref<12x1x128xf32, #tpu.memory_space<vmem>>, vector<16xf32>,
      tpu.vector_store %arg17[%swap3A_409, %swap3A_410, %swap3A_411], %broadcast_in_dim3A_5 {strides = array<i32>} : memref<12x1x128xf32, #tpu.memory_space<vmem>>, vector<16xf32>,
      %swap3A_413 = arith.constant 4 : i32
      %swap3A_414 = arith.constant 0 : i32
      %swap3A_415 = arith.index_cast %swap3A_413 : i32 to index
      %swap3A_416 = arith.index_cast %swap3A_414 : i32 to index
      %swap3A_417 = arith.constant 32 : index
      %swap3A_418 = tpu.vector_load %arg16[%swap3A_415, %swap3A_416, %swap3A_417] {strides = array<i32>} : memref<12x1x128xi32, #tpu.memory_space<vmem>>, vector<16xi32>,
      tpu.vector_store %arg16[%swap3A_415, %swap3A_416, %swap3A_417], %broadcast_in_dim3A_3 {strides = array<i32>} : memref<12x1x128xi32, #tpu.memory_space<vmem>>, vector<16xi32>,
      %swap3A_419 = arith.constant 4 : i32
      %swap3A_420 = arith.constant 0 : i32
      %swap3A_421 = arith.index_cast %swap3A_419 : i32 to index
      %swap3A_422 = arith.index_cast %swap3A_420 : i32 to index
      %swap3A_423 = arith.constant 32 : index
      %swap3A_424 = tpu.vector_load %arg17[%swap3A_421, %swap3A_422, %swap3A_423] {strides = array<i32>} : memref<12x1x128xf32, #tpu.memory_space<vmem>>, vector<16xf32>,
      tpu.vector_store %arg17[%swap3A_421, %swap3A_422, %swap3A_423], %broadcast_in_dim3A_5 {strides = array<i32>} : memref<12x1x128xf32, #tpu.memory_space<vmem>>, vector<16xf32>,
      %swap3A_425 = arith.constant 4 : i32
      %swap3A_426 = arith.constant 0 : i32
      %swap3A_427 = arith.index_cast %swap3A_425 : i32 to index
      %swap3A_428 = arith.index_cast %swap3A_426 : i32 to index
      %swap3A_429 = arith.constant 48 : index
      %swap3A_430 = tpu.vector_load %arg16[%swap3A_427, %swap3A_428, %swap3A_429] {strides = array<i32>} : memref<12x1x128xi32, #tpu.memory_space<vmem>>, vector<16xi32>,
      tpu.vector_store %arg16[%swap3A_427, %swap3A_428, %swap3A_429], %broadcast_in_dim3A_3 {strides = array<i32>} : memref<12x1x128xi32, #tpu.memory_space<vmem>>, vector<16xi32>,
      %swap3A_431 = arith.constant 4 : i32
      %swap3A_432 = arith.constant 0 : i32
      %swap3A_433 = arith.index_cast %swap3A_431 : i32 to index
      %swap3A_434 = arith.index_cast %swap3A_432 : i32 to index
      %swap3A_435 = arith.constant 48 : index
      %swap3A_436 = tpu.vector_load %arg17[%swap3A_433, %swap3A_434, %swap3A_435] {strides = array<i32>} : memref<12x1x128xf32, #tpu.memory_space<vmem>>, vector<16xf32>,
      tpu.vector_store %arg17[%swap3A_433, %swap3A_434, %swap3A_435], %broadcast_in_dim3A_5 {strides = array<i32>} : memref<12x1x128xf32, #tpu.memory_space<vmem>>, vector<16xf32>,
      %swap3A_437 = arith.constant 4 : i32
      %swap3A_438 = arith.constant 0 : i32
      %swap3A_439 = arith.index_cast %swap3A_437 : i32 to index
      %swap3A_440 = arith.index_cast %swap3A_438 : i32 to index
      %swap3A_441 = arith.constant 64 : index
      %swap3A_442 = tpu.vector_load %arg16[%swap3A_439, %swap3A_440, %swap3A_441] {strides = array<i32>} : memref<12x1x128xi32, #tpu.memory_space<vmem>>, vector<16xi32>,
      tpu.vector_store %arg16[%swap3A_439, %swap3A_440, %swap3A_441], %broadcast_in_dim3A_3 {strides = array<i32>} : memref<12x1x128xi32, #tpu.memory_space<vmem>>, vector<16xi32>,
      %swap3A_443 = arith.constant 4 : i32
      %swap3A_444 = arith.constant 0 : i32
      %swap3A_445 = arith.index_cast %swap3A_443 : i32 to index
      %swap3A_446 = arith.index_cast %swap3A_444 : i32 to index
      %swap3A_447 = arith.constant 64 : index
      %swap3A_448 = tpu.vector_load %arg17[%swap3A_445, %swap3A_446, %swap3A_447] {strides = array<i32>} : memref<12x1x128xf32, #tpu.memory_space<vmem>>, vector<16xf32>,
      tpu.vector_store %arg17[%swap3A_445, %swap3A_446, %swap3A_447], %broadcast_in_dim3A_5 {strides = array<i32>} : memref<12x1x128xf32, #tpu.memory_space<vmem>>, vector<16xf32>,
      %swap3A_449 = arith.constant 4 : i32
      %swap3A_450 = arith.constant 0 : i32
      %swap3A_451 = arith.index_cast %swap3A_449 : i32 to index
      %swap3A_452 = arith.index_cast %swap3A_450 : i32 to index
      %swap3A_453 = arith.constant 80 : index
      %swap3A_454 = tpu.vector_load %arg16[%swap3A_451, %swap3A_452, %swap3A_453] {strides = array<i32>} : memref<12x1x128xi32, #tpu.memory_space<vmem>>, vector<16xi32>,
      tpu.vector_store %arg16[%swap3A_451, %swap3A_452, %swap3A_453], %broadcast_in_dim3A_3 {strides = array<i32>} : memref<12x1x128xi32, #tpu.memory_space<vmem>>, vector<16xi32>,
      %swap3A_455 = arith.constant 4 : i32
      %swap3A_456 = arith.constant 0 : i32
      %swap3A_457 = arith.index_cast %swap3A_455 : i32 to index
      %swap3A_458 = arith.index_cast %swap3A_456 : i32 to index
      %swap3A_459 = arith.constant 80 : index
      %swap3A_460 = tpu.vector_load %arg17[%swap3A_457, %swap3A_458, %swap3A_459] {strides = array<i32>} : memref<12x1x128xf32, #tpu.memory_space<vmem>>, vector<16xf32>,
      tpu.vector_store %arg17[%swap3A_457, %swap3A_458, %swap3A_459], %broadcast_in_dim3A_5 {strides = array<i32>} : memref<12x1x128xf32, #tpu.memory_space<vmem>>, vector<16xf32>,
      %swap3A_461 = arith.constant 4 : i32
      %swap3A_462 = arith.constant 0 : i32
      %swap3A_463 = arith.index_cast %swap3A_461 : i32 to index
      %swap3A_464 = arith.index_cast %swap3A_462 : i32 to index
      %swap3A_465 = arith.constant 96 : index
      %swap3A_466 = tpu.vector_load %arg16[%swap3A_463, %swap3A_464, %swap3A_465] {strides = array<i32>} : memref<12x1x128xi32, #tpu.memory_space<vmem>>, vector<16xi32>,
      tpu.vector_store %arg16[%swap3A_463, %swap3A_464, %swap3A_465], %broadcast_in_dim3A_3 {strides = array<i32>} : memref<12x1x128xi32, #tpu.memory_space<vmem>>, vector<16xi32>,
      %swap3A_467 = arith.constant 4 : i32
      %swap3A_468 = arith.constant 0 : i32
      %swap3A_469 = arith.index_cast %swap3A_467 : i32 to index
      %swap3A_470 = arith.index_cast %swap3A_468 : i32 to index
      %swap3A_471 = arith.constant 96 : index
      %swap3A_472 = tpu.vector_load %arg17[%swap3A_469, %swap3A_470, %swap3A_471] {strides = array<i32>} : memref<12x1x128xf32, #tpu.memory_space<vmem>>, vector<16xf32>,
      tpu.vector_store %arg17[%swap3A_469, %swap3A_470, %swap3A_471], %broadcast_in_dim3A_5 {strides = array<i32>} : memref<12x1x128xf32, #tpu.memory_space<vmem>>, vector<16xf32>,
      %swap3A_473 = arith.constant 4 : i32
      %swap3A_474 = arith.constant 0 : i32
      %swap3A_475 = arith.index_cast %swap3A_473 : i32 to index
      %swap3A_476 = arith.index_cast %swap3A_474 : i32 to index
      %swap3A_477 = arith.constant 112 : index
      %swap3A_478 = tpu.vector_load %arg16[%swap3A_475, %swap3A_476, %swap3A_477] {strides = array<i32>} : memref<12x1x128xi32, #tpu.memory_space<vmem>>, vector<16xi32>,
      tpu.vector_store %arg16[%swap3A_475, %swap3A_476, %swap3A_477], %broadcast_in_dim3A_3 {strides = array<i32>} : memref<12x1x128xi32, #tpu.memory_space<vmem>>, vector<16xi32>,
      %swap3A_479 = arith.constant 4 : i32
      %swap3A_480 = arith.constant 0 : i32
      %swap3A_481 = arith.index_cast %swap3A_479 : i32 to index
      %swap3A_482 = arith.index_cast %swap3A_480 : i32 to index
      %swap3A_483 = arith.constant 112 : index
      %swap3A_484 = tpu.vector_load %arg17[%swap3A_481, %swap3A_482, %swap3A_483] {strides = array<i32>} : memref<12x1x128xf32, #tpu.memory_space<vmem>>, vector<16xf32>,
      tpu.vector_store %arg17[%swap3A_481, %swap3A_482, %swap3A_483], %broadcast_in_dim3A_5 {strides = array<i32>} : memref<12x1x128xf32, #tpu.memory_space<vmem>>, vector<16xf32>,
      %swap3A_485 = arith.constant 5 : i32
      %swap3A_486 = arith.constant 0 : i32
      %swap3A_487 = arith.index_cast %swap3A_485 : i32 to index
      %swap3A_488 = arith.index_cast %swap3A_486 : i32 to index
      %swap3A_489 = arith.constant 0 : index
      %swap3A_490 = tpu.vector_load %arg16[%swap3A_487, %swap3A_488, %swap3A_489] {strides = array<i32>} : memref<12x1x128xi32, #tpu.memory_space<vmem>>, vector<16xi32>,
      tpu.vector_store %arg16[%swap3A_487, %swap3A_488, %swap3A_489], %broadcast_in_dim3A_3 {strides = array<i32>} : memref<12x1x128xi32, #tpu.memory_space<vmem>>, vector<16xi32>,
      %swap3A_491 = arith.constant 5 : i32
      %swap3A_492 = arith.constant 0 : i32
      %swap3A_493 = arith.index_cast %swap3A_491 : i32 to index
      %swap3A_494 = arith.index_cast %swap3A_492 : i32 to index
      %swap3A_495 = arith.constant 0 : index
      %swap3A_496 = tpu.vector_load %arg17[%swap3A_493, %swap3A_494, %swap3A_495] {strides = array<i32>} : memref<12x1x128xf32, #tpu.memory_space<vmem>>, vector<16xf32>,
      tpu.vector_store %arg17[%swap3A_493, %swap3A_494, %swap3A_495], %broadcast_in_dim3A_5 {strides = array<i32>} : memref<12x1x128xf32, #tpu.memory_space<vmem>>, vector<16xf32>,
      %swap3A_497 = arith.constant 5 : i32
      %swap3A_498 = arith.constant 0 : i32
      %swap3A_499 = arith.index_cast %swap3A_497 : i32 to index
      %swap3A_500 = arith.index_cast %swap3A_498 : i32 to index
      %swap3A_501 = arith.constant 16 : index
      %swap3A_502 = tpu.vector_load %arg16[%swap3A_499, %swap3A_500, %swap3A_501] {strides = array<i32>} : memref<12x1x128xi32, #tpu.memory_space<vmem>>, vector<16xi32>,
      tpu.vector_store %arg16[%swap3A_499, %swap3A_500, %swap3A_501], %broadcast_in_dim3A_3 {strides = array<i32>} : memref<12x1x128xi32, #tpu.memory_space<vmem>>, vector<16xi32>,
      %swap3A_503 = arith.constant 5 : i32
      %swap3A_504 = arith.constant 0 : i32
      %swap3A_505 = arith.index_cast %swap3A_503 : i32 to index
      %swap3A_506 = arith.index_cast %swap3A_504 : i32 to index
      %swap3A_507 = arith.constant 16 : index
      %swap3A_508 = tpu.vector_load %arg17[%swap3A_505, %swap3A_506, %swap3A_507] {strides = array<i32>} : memref<12x1x128xf32, #tpu.memory_space<vmem>>, vector<16xf32>,
      tpu.vector_store %arg17[%swap3A_505, %swap3A_506, %swap3A_507], %broadcast_in_dim3A_5 {strides = array<i32>} : memref<12x1x128xf32, #tpu.memory_space<vmem>>, vector<16xf32>,
      %swap3A_509 = arith.constant 5 : i32
      %swap3A_510 = arith.constant 0 : i32
      %swap3A_511 = arith.index_cast %swap3A_509 : i32 to index
      %swap3A_512 = arith.index_cast %swap3A_510 : i32 to index
      %swap3A_513 = arith.constant 32 : index
      %swap3A_514 = tpu.vector_load %arg16[%swap3A_511, %swap3A_512, %swap3A_513] {strides = array<i32>} : memref<12x1x128xi32, #tpu.memory_space<vmem>>, vector<16xi32>,
      tpu.vector_store %arg16[%swap3A_511, %swap3A_512, %swap3A_513], %broadcast_in_dim3A_3 {strides = array<i32>} : memref<12x1x128xi32, #tpu.memory_space<vmem>>, vector<16xi32>,
      %swap3A_515 = arith.constant 5 : i32
      %swap3A_516 = arith.constant 0 : i32
      %swap3A_517 = arith.index_cast %swap3A_515 : i32 to index
      %swap3A_518 = arith.index_cast %swap3A_516 : i32 to index
      %swap3A_519 = arith.constant 32 : index
      %swap3A_520 = tpu.vector_load %arg17[%swap3A_517, %swap3A_518, %swap3A_519] {strides = array<i32>} : memref<12x1x128xf32, #tpu.memory_space<vmem>>, vector<16xf32>,
      tpu.vector_store %arg17[%swap3A_517, %swap3A_518, %swap3A_519], %broadcast_in_dim3A_5 {strides = array<i32>} : memref<12x1x128xf32, #tpu.memory_space<vmem>>, vector<16xf32>,
      %swap3A_521 = arith.constant 5 : i32
      %swap3A_522 = arith.constant 0 : i32
      %swap3A_523 = arith.index_cast %swap3A_521 : i32 to index
      %swap3A_524 = arith.index_cast %swap3A_522 : i32 to index
      %swap3A_525 = arith.constant 48 : index
      %swap3A_526 = tpu.vector_load %arg16[%swap3A_523, %swap3A_524, %swap3A_525] {strides = array<i32>} : memref<12x1x128xi32, #tpu.memory_space<vmem>>, vector<16xi32>,
      tpu.vector_store %arg16[%swap3A_523, %swap3A_524, %swap3A_525], %broadcast_in_dim3A_3 {strides = array<i32>} : memref<12x1x128xi32, #tpu.memory_space<vmem>>, vector<16xi32>,
      %swap3A_527 = arith.constant 5 : i32
      %swap3A_528 = arith.constant 0 : i32
      %swap3A_529 = arith.index_cast %swap3A_527 : i32 to index
      %swap3A_530 = arith.index_cast %swap3A_528 : i32 to index
      %swap3A_531 = arith.constant 48 : index
      %swap3A_532 = tpu.vector_load %arg17[%swap3A_529, %swap3A_530, %swap3A_531] {strides = array<i32>} : memref<12x1x128xf32, #tpu.memory_space<vmem>>, vector<16xf32>,
      tpu.vector_store %arg17[%swap3A_529, %swap3A_530, %swap3A_531], %broadcast_in_dim3A_5 {strides = array<i32>} : memref<12x1x128xf32, #tpu.memory_space<vmem>>, vector<16xf32>,
      %swap3A_533 = arith.constant 5 : i32
      %swap3A_534 = arith.constant 0 : i32
      %swap3A_535 = arith.index_cast %swap3A_533 : i32 to index
      %swap3A_536 = arith.index_cast %swap3A_534 : i32 to index
      %swap3A_537 = arith.constant 64 : index
      %swap3A_538 = tpu.vector_load %arg16[%swap3A_535, %swap3A_536, %swap3A_537] {strides = array<i32>} : memref<12x1x128xi32, #tpu.memory_space<vmem>>, vector<16xi32>,
      tpu.vector_store %arg16[%swap3A_535, %swap3A_536, %swap3A_537], %broadcast_in_dim3A_3 {strides = array<i32>} : memref<12x1x128xi32, #tpu.memory_space<vmem>>, vector<16xi32>,
      %swap3A_539 = arith.constant 5 : i32
      %swap3A_540 = arith.constant 0 : i32
      %swap3A_541 = arith.index_cast %swap3A_539 : i32 to index
      %swap3A_542 = arith.index_cast %swap3A_540 : i32 to index
      %swap3A_543 = arith.constant 64 : index
      %swap3A_544 = tpu.vector_load %arg17[%swap3A_541, %swap3A_542, %swap3A_543] {strides = array<i32>} : memref<12x1x128xf32, #tpu.memory_space<vmem>>, vector<16xf32>,
      tpu.vector_store %arg17[%swap3A_541, %swap3A_542, %swap3A_543], %broadcast_in_dim3A_5 {strides = array<i32>} : memref<12x1x128xf32, #tpu.memory_space<vmem>>, vector<16xf32>,
      %swap3A_545 = arith.constant 5 : i32
      %swap3A_546 = arith.constant 0 : i32
      %swap3A_547 = arith.index_cast %swap3A_545 : i32 to index
      %swap3A_548 = arith.index_cast %swap3A_546 : i32 to index
      %swap3A_549 = arith.constant 80 : index
      %swap3A_550 = tpu.vector_load %arg16[%swap3A_547, %swap3A_548, %swap3A_549] {strides = array<i32>} : memref<12x1x128xi32, #tpu.memory_space<vmem>>, vector<16xi32>,
      tpu.vector_store %arg16[%swap3A_547, %swap3A_548, %swap3A_549], %broadcast_in_dim3A_3 {strides = array<i32>} : memref<12x1x128xi32, #tpu.memory_space<vmem>>, vector<16xi32>,
      %swap3A_551 = arith.constant 5 : i32
      %swap3A_552 = arith.constant 0 : i32
      %swap3A_553 = arith.index_cast %swap3A_551 : i32 to index
      %swap3A_554 = arith.index_cast %swap3A_552 : i32 to index
      %swap3A_555 = arith.constant 80 : index
      %swap3A_556 = tpu.vector_load %arg17[%swap3A_553, %swap3A_554, %swap3A_555] {strides = array<i32>} : memref<12x1x128xf32, #tpu.memory_space<vmem>>, vector<16xf32>,
      tpu.vector_store %arg17[%swap3A_553, %swap3A_554, %swap3A_555], %broadcast_in_dim3A_5 {strides = array<i32>} : memref<12x1x128xf32, #tpu.memory_space<vmem>>, vector<16xf32>,
      %swap3A_557 = arith.constant 5 : i32
      %swap3A_558 = arith.constant 0 : i32
      %swap3A_559 = arith.index_cast %swap3A_557 : i32 to index
      %swap3A_560 = arith.index_cast %swap3A_558 : i32 to index
      %swap3A_561 = arith.constant 96 : index
      %swap3A_562 = tpu.vector_load %arg16[%swap3A_559, %swap3A_560, %swap3A_561] {strides = array<i32>} : memref<12x1x128xi32, #tpu.memory_space<vmem>>, vector<16xi32>,
      tpu.vector_store %arg16[%swap3A_559, %swap3A_560, %swap3A_561], %broadcast_in_dim3A_3 {strides = array<i32>} : memref<12x1x128xi32, #tpu.memory_space<vmem>>, vector<16xi32>,
      %swap3A_563 = arith.constant 5 : i32
      %swap3A_564 = arith.constant 0 : i32
      %swap3A_565 = arith.index_cast %swap3A_563 : i32 to index
      %swap3A_566 = arith.index_cast %swap3A_564 : i32 to index
      %swap3A_567 = arith.constant 96 : index
      %swap3A_568 = tpu.vector_load %arg17[%swap3A_565, %swap3A_566, %swap3A_567] {strides = array<i32>} : memref<12x1x128xf32, #tpu.memory_space<vmem>>, vector<16xf32>,
      tpu.vector_store %arg17[%swap3A_565, %swap3A_566, %swap3A_567], %broadcast_in_dim3A_5 {strides = array<i32>} : memref<12x1x128xf32, #tpu.memory_space<vmem>>, vector<16xf32>,
      %swap3A_569 = arith.constant 5 : i32
      %swap3A_570 = arith.constant 0 : i32
      %swap3A_571 = arith.index_cast %swap3A_569 : i32 to index
      %swap3A_572 = arith.index_cast %swap3A_570 : i32 to index
      %swap3A_573 = arith.constant 112 : index
      %swap3A_574 = tpu.vector_load %arg16[%swap3A_571, %swap3A_572, %swap3A_573] {strides = array<i32>} : memref<12x1x128xi32, #tpu.memory_space<vmem>>, vector<16xi32>,
      tpu.vector_store %arg16[%swap3A_571, %swap3A_572, %swap3A_573], %broadcast_in_dim3A_3 {strides = array<i32>} : memref<12x1x128xi32, #tpu.memory_space<vmem>>, vector<16xi32>,
      %swap3A_575 = arith.constant 5 : i32
      %swap3A_576 = arith.constant 0 : i32
      %swap3A_577 = arith.index_cast %swap3A_575 : i32 to index
      %swap3A_578 = arith.index_cast %swap3A_576 : i32 to index
      %swap3A_579 = arith.constant 112 : index
      %swap3A_580 = tpu.vector_load %arg17[%swap3A_577, %swap3A_578, %swap3A_579] {strides = array<i32>} : memref<12x1x128xf32, #tpu.memory_space<vmem>>, vector<16xf32>,
      tpu.vector_store %arg17[%swap3A_577, %swap3A_578, %swap3A_579], %broadcast_in_dim3A_5 {strides = array<i32>} : memref<12x1x128xf32, #tpu.memory_space<vmem>>, vector<16xf32>,
      %swap3A_581 = arith.constant 6 : i32
      %swap3A_582 = arith.constant 0 : i32
      %swap3A_583 = arith.index_cast %swap3A_581 : i32 to index
      %swap3A_584 = arith.index_cast %swap3A_582 : i32 to index
      %swap3A_585 = arith.constant 0 : index
      %swap3A_586 = tpu.vector_load %arg16[%swap3A_583, %swap3A_584, %swap3A_585] {strides = array<i32>} : memref<12x1x128xi32, #tpu.memory_space<vmem>>, vector<16xi32>,
      tpu.vector_store %arg16[%swap3A_583, %swap3A_584, %swap3A_585], %broadcast_in_dim3A_3 {strides = array<i32>} : memref<12x1x128xi32, #tpu.memory_space<vmem>>, vector<16xi32>,
      %swap3A_587 = arith.constant 6 : i32
      %swap3A_588 = arith.constant 0 : i32
      %swap3A_589 = arith.index_cast %swap3A_587 : i32 to index
      %swap3A_590 = arith.index_cast %swap3A_588 : i32 to index
      %swap3A_591 = arith.constant 0 : index
      %swap3A_592 = tpu.vector_load %arg17[%swap3A_589, %swap3A_590, %swap3A_591] {strides = array<i32>} : memref<12x1x128xf32, #tpu.memory_space<vmem>>, vector<16xf32>,
      tpu.vector_store %arg17[%swap3A_589, %swap3A_590, %swap3A_591], %broadcast_in_dim3A_5 {strides = array<i32>} : memref<12x1x128xf32, #tpu.memory_space<vmem>>, vector<16xf32>,
      %swap3A_593 = arith.constant 6 : i32
      %swap3A_594 = arith.constant 0 : i32
      %swap3A_595 = arith.index_cast %swap3A_593 : i32 to index
      %swap3A_596 = arith.index_cast %swap3A_594 : i32 to index
      %swap3A_597 = arith.constant 16 : index
      %swap3A_598 = tpu.vector_load %arg16[%swap3A_595, %swap3A_596, %swap3A_597] {strides = array<i32>} : memref<12x1x128xi32, #tpu.memory_space<vmem>>, vector<16xi32>,
      tpu.vector_store %arg16[%swap3A_595, %swap3A_596, %swap3A_597], %broadcast_in_dim3A_3 {strides = array<i32>} : memref<12x1x128xi32, #tpu.memory_space<vmem>>, vector<16xi32>,
      %swap3A_599 = arith.constant 6 : i32
      %swap3A_600 = arith.constant 0 : i32
      %swap3A_601 = arith.index_cast %swap3A_599 : i32 to index
      %swap3A_602 = arith.index_cast %swap3A_600 : i32 to index
      %swap3A_603 = arith.constant 16 : index
      %swap3A_604 = tpu.vector_load %arg17[%swap3A_601, %swap3A_602, %swap3A_603] {strides = array<i32>} : memref<12x1x128xf32, #tpu.memory_space<vmem>>, vector<16xf32>,
      tpu.vector_store %arg17[%swap3A_601, %swap3A_602, %swap3A_603], %broadcast_in_dim3A_5 {strides = array<i32>} : memref<12x1x128xf32, #tpu.memory_space<vmem>>, vector<16xf32>,
      %swap3A_605 = arith.constant 6 : i32
      %swap3A_606 = arith.constant 0 : i32
      %swap3A_607 = arith.index_cast %swap3A_605 : i32 to index
      %swap3A_608 = arith.index_cast %swap3A_606 : i32 to index
      %swap3A_609 = arith.constant 32 : index
      %swap3A_610 = tpu.vector_load %arg16[%swap3A_607, %swap3A_608, %swap3A_609] {strides = array<i32>} : memref<12x1x128xi32, #tpu.memory_space<vmem>>, vector<16xi32>,
      tpu.vector_store %arg16[%swap3A_607, %swap3A_608, %swap3A_609], %broadcast_in_dim3A_3 {strides = array<i32>} : memref<12x1x128xi32, #tpu.memory_space<vmem>>, vector<16xi32>,
      %swap3A_611 = arith.constant 6 : i32
      %swap3A_612 = arith.constant 0 : i32
      %swap3A_613 = arith.index_cast %swap3A_611 : i32 to index
      %swap3A_614 = arith.index_cast %swap3A_612 : i32 to index
      %swap3A_615 = arith.constant 32 : index
      %swap3A_616 = tpu.vector_load %arg17[%swap3A_613, %swap3A_614, %swap3A_615] {strides = array<i32>} : memref<12x1x128xf32, #tpu.memory_space<vmem>>, vector<16xf32>,
      tpu.vector_store %arg17[%swap3A_613, %swap3A_614, %swap3A_615], %broadcast_in_dim3A_5 {strides = array<i32>} : memref<12x1x128xf32, #tpu.memory_space<vmem>>, vector<16xf32>,
      %swap3A_617 = arith.constant 6 : i32
      %swap3A_618 = arith.constant 0 : i32
      %swap3A_619 = arith.index_cast %swap3A_617 : i32 to index
      %swap3A_620 = arith.index_cast %swap3A_618 : i32 to index
      %swap3A_621 = arith.constant 48 : index
      %swap3A_622 = tpu.vector_load %arg16[%swap3A_619, %swap3A_620, %swap3A_621] {strides = array<i32>} : memref<12x1x128xi32, #tpu.memory_space<vmem>>, vector<16xi32>,
      tpu.vector_store %arg16[%swap3A_619, %swap3A_620, %swap3A_621], %broadcast_in_dim3A_3 {strides = array<i32>} : memref<12x1x128xi32, #tpu.memory_space<vmem>>, vector<16xi32>,
      %swap3A_623 = arith.constant 6 : i32
      %swap3A_624 = arith.constant 0 : i32
      %swap3A_625 = arith.index_cast %swap3A_623 : i32 to index
      %swap3A_626 = arith.index_cast %swap3A_624 : i32 to index
      %swap3A_627 = arith.constant 48 : index
      %swap3A_628 = tpu.vector_load %arg17[%swap3A_625, %swap3A_626, %swap3A_627] {strides = array<i32>} : memref<12x1x128xf32, #tpu.memory_space<vmem>>, vector<16xf32>,
      tpu.vector_store %arg17[%swap3A_625, %swap3A_626, %swap3A_627], %broadcast_in_dim3A_5 {strides = array<i32>} : memref<12x1x128xf32, #tpu.memory_space<vmem>>, vector<16xf32>,
      %swap3A_629 = arith.constant 6 : i32
      %swap3A_630 = arith.constant 0 : i32
      %swap3A_631 = arith.index_cast %swap3A_629 : i32 to index
      %swap3A_632 = arith.index_cast %swap3A_630 : i32 to index
      %swap3A_633 = arith.constant 64 : index
      %swap3A_634 = tpu.vector_load %arg16[%swap3A_631, %swap3A_632, %swap3A_633] {strides = array<i32>} : memref<12x1x128xi32, #tpu.memory_space<vmem>>, vector<16xi32>,
      tpu.vector_store %arg16[%swap3A_631, %swap3A_632, %swap3A_633], %broadcast_in_dim3A_3 {strides = array<i32>} : memref<12x1x128xi32, #tpu.memory_space<vmem>>, vector<16xi32>,
      %swap3A_635 = arith.constant 6 : i32
      %swap3A_636 = arith.constant 0 : i32
      %swap3A_637 = arith.index_cast %swap3A_635 : i32 to index
      %swap3A_638 = arith.index_cast %swap3A_636 : i32 to index
      %swap3A_639 = arith.constant 64 : index
      %swap3A_640 = tpu.vector_load %arg17[%swap3A_637, %swap3A_638, %swap3A_639] {strides = array<i32>} : memref<12x1x128xf32, #tpu.memory_space<vmem>>, vector<16xf32>,
      tpu.vector_store %arg17[%swap3A_637, %swap3A_638, %swap3A_639], %broadcast_in_dim3A_5 {strides = array<i32>} : memref<12x1x128xf32, #tpu.memory_space<vmem>>, vector<16xf32>,
      %swap3A_641 = arith.constant 6 : i32
      %swap3A_642 = arith.constant 0 : i32
      %swap3A_643 = arith.index_cast %swap3A_641 : i32 to index
      %swap3A_644 = arith.index_cast %swap3A_642 : i32 to index
      %swap3A_645 = arith.constant 80 : index
      %swap3A_646 = tpu.vector_load %arg16[%swap3A_643, %swap3A_644, %swap3A_645] {strides = array<i32>} : memref<12x1x128xi32, #tpu.memory_space<vmem>>, vector<16xi32>,
      tpu.vector_store %arg16[%swap3A_643, %swap3A_644, %swap3A_645], %broadcast_in_dim3A_3 {strides = array<i32>} : memref<12x1x128xi32, #tpu.memory_space<vmem>>, vector<16xi32>,
      %swap3A_647 = arith.constant 6 : i32
      %swap3A_648 = arith.constant 0 : i32
      %swap3A_649 = arith.index_cast %swap3A_647 : i32 to index
      %swap3A_650 = arith.index_cast %swap3A_648 : i32 to index
      %swap3A_651 = arith.constant 80 : index
      %swap3A_652 = tpu.vector_load %arg17[%swap3A_649, %swap3A_650, %swap3A_651] {strides = array<i32>} : memref<12x1x128xf32, #tpu.memory_space<vmem>>, vector<16xf32>,
      tpu.vector_store %arg17[%swap3A_649, %swap3A_650, %swap3A_651], %broadcast_in_dim3A_5 {strides = array<i32>} : memref<12x1x128xf32, #tpu.memory_space<vmem>>, vector<16xf32>,
      %swap3A_653 = arith.constant 6 : i32
      %swap3A_654 = arith.constant 0 : i32
      %swap3A_655 = arith.index_cast %swap3A_653 : i32 to index
      %swap3A_656 = arith.index_cast %swap3A_654 : i32 to index
      %swap3A_657 = arith.constant 96 : index
      %swap3A_658 = tpu.vector_load %arg16[%swap3A_655, %swap3A_656, %swap3A_657] {strides = array<i32>} : memref<12x1x128xi32, #tpu.memory_space<vmem>>, vector<16xi32>,
      tpu.vector_store %arg16[%swap3A_655, %swap3A_656, %swap3A_657], %broadcast_in_dim3A_3 {strides = array<i32>} : memref<12x1x128xi32, #tpu.memory_space<vmem>>, vector<16xi32>,
      %swap3A_659 = arith.constant 6 : i32
      %swap3A_660 = arith.constant 0 : i32
      %swap3A_661 = arith.index_cast %swap3A_659 : i32 to index
      %swap3A_662 = arith.index_cast %swap3A_660 : i32 to index
      %swap3A_663 = arith.constant 96 : index
      %swap3A_664 = tpu.vector_load %arg17[%swap3A_661, %swap3A_662, %swap3A_663] {strides = array<i32>} : memref<12x1x128xf32, #tpu.memory_space<vmem>>, vector<16xf32>,
      tpu.vector_store %arg17[%swap3A_661, %swap3A_662, %swap3A_663], %broadcast_in_dim3A_5 {strides = array<i32>} : memref<12x1x128xf32, #tpu.memory_space<vmem>>, vector<16xf32>,
      %swap3A_665 = arith.constant 6 : i32
      %swap3A_666 = arith.constant 0 : i32
      %swap3A_667 = arith.index_cast %swap3A_665 : i32 to index
      %swap3A_668 = arith.index_cast %swap3A_666 : i32 to index
      %swap3A_669 = arith.constant 112 : index
      %swap3A_670 = tpu.vector_load %arg16[%swap3A_667, %swap3A_668, %swap3A_669] {strides = array<i32>} : memref<12x1x128xi32, #tpu.memory_space<vmem>>, vector<16xi32>,
      tpu.vector_store %arg16[%swap3A_667, %swap3A_668, %swap3A_669], %broadcast_in_dim3A_3 {strides = array<i32>} : memref<12x1x128xi32, #tpu.memory_space<vmem>>, vector<16xi32>,
      %swap3A_671 = arith.constant 6 : i32
      %swap3A_672 = arith.constant 0 : i32
      %swap3A_673 = arith.index_cast %swap3A_671 : i32 to index
      %swap3A_674 = arith.index_cast %swap3A_672 : i32 to index
      %swap3A_675 = arith.constant 112 : index
      %swap3A_676 = tpu.vector_load %arg17[%swap3A_673, %swap3A_674, %swap3A_675] {strides = array<i32>} : memref<12x1x128xf32, #tpu.memory_space<vmem>>, vector<16xf32>,
      tpu.vector_store %arg17[%swap3A_673, %swap3A_674, %swap3A_675], %broadcast_in_dim3A_5 {strides = array<i32>} : memref<12x1x128xf32, #tpu.memory_space<vmem>>, vector<16xf32>,
      %swap3A_677 = arith.constant 7 : i32
      %swap3A_678 = arith.constant 0 : i32
      %swap3A_679 = arith.index_cast %swap3A_677 : i32 to index
      %swap3A_680 = arith.index_cast %swap3A_678 : i32 to index
      %swap3A_681 = arith.constant 0 : index
      %swap3A_682 = tpu.vector_load %arg16[%swap3A_679, %swap3A_680, %swap3A_681] {strides = array<i32>} : memref<12x1x128xi32, #tpu.memory_space<vmem>>, vector<16xi32>,
      tpu.vector_store %arg16[%swap3A_679, %swap3A_680, %swap3A_681], %broadcast_in_dim3A_3 {strides = array<i32>} : memref<12x1x128xi32, #tpu.memory_space<vmem>>, vector<16xi32>,
      %swap3A_683 = arith.constant 7 : i32
      %swap3A_684 = arith.constant 0 : i32
      %swap3A_685 = arith.index_cast %swap3A_683 : i32 to index
      %swap3A_686 = arith.index_cast %swap3A_684 : i32 to index
      %swap3A_687 = arith.constant 0 : index
      %swap3A_688 = tpu.vector_load %arg17[%swap3A_685, %swap3A_686, %swap3A_687] {strides = array<i32>} : memref<12x1x128xf32, #tpu.memory_space<vmem>>, vector<16xf32>,
      tpu.vector_store %arg17[%swap3A_685, %swap3A_686, %swap3A_687], %broadcast_in_dim3A_5 {strides = array<i32>} : memref<12x1x128xf32, #tpu.memory_space<vmem>>, vector<16xf32>,
      %swap3A_689 = arith.constant 7 : i32
      %swap3A_690 = arith.constant 0 : i32
      %swap3A_691 = arith.index_cast %swap3A_689 : i32 to index
      %swap3A_692 = arith.index_cast %swap3A_690 : i32 to index
      %swap3A_693 = arith.constant 16 : index
      %swap3A_694 = tpu.vector_load %arg16[%swap3A_691, %swap3A_692, %swap3A_693] {strides = array<i32>} : memref<12x1x128xi32, #tpu.memory_space<vmem>>, vector<16xi32>,
      tpu.vector_store %arg16[%swap3A_691, %swap3A_692, %swap3A_693], %broadcast_in_dim3A_3 {strides = array<i32>} : memref<12x1x128xi32, #tpu.memory_space<vmem>>, vector<16xi32>,
      %swap3A_695 = arith.constant 7 : i32
      %swap3A_696 = arith.constant 0 : i32
      %swap3A_697 = arith.index_cast %swap3A_695 : i32 to index
      %swap3A_698 = arith.index_cast %swap3A_696 : i32 to index
      %swap3A_699 = arith.constant 16 : index
      %swap3A_700 = tpu.vector_load %arg17[%swap3A_697, %swap3A_698, %swap3A_699] {strides = array<i32>} : memref<12x1x128xf32, #tpu.memory_space<vmem>>, vector<16xf32>,
      tpu.vector_store %arg17[%swap3A_697, %swap3A_698, %swap3A_699], %broadcast_in_dim3A_5 {strides = array<i32>} : memref<12x1x128xf32, #tpu.memory_space<vmem>>, vector<16xf32>,
      %swap3A_701 = arith.constant 7 : i32
      %swap3A_702 = arith.constant 0 : i32
      %swap3A_703 = arith.index_cast %swap3A_701 : i32 to index
      %swap3A_704 = arith.index_cast %swap3A_702 : i32 to index
      %swap3A_705 = arith.constant 32 : index
      %swap3A_706 = tpu.vector_load %arg16[%swap3A_703, %swap3A_704, %swap3A_705] {strides = array<i32>} : memref<12x1x128xi32, #tpu.memory_space<vmem>>, vector<16xi32>,
      tpu.vector_store %arg16[%swap3A_703, %swap3A_704, %swap3A_705], %broadcast_in_dim3A_3 {strides = array<i32>} : memref<12x1x128xi32, #tpu.memory_space<vmem>>, vector<16xi32>,
      %swap3A_707 = arith.constant 7 : i32
      %swap3A_708 = arith.constant 0 : i32
      %swap3A_709 = arith.index_cast %swap3A_707 : i32 to index
      %swap3A_710 = arith.index_cast %swap3A_708 : i32 to index
      %swap3A_711 = arith.constant 32 : index
      %swap3A_712 = tpu.vector_load %arg17[%swap3A_709, %swap3A_710, %swap3A_711] {strides = array<i32>} : memref<12x1x128xf32, #tpu.memory_space<vmem>>, vector<16xf32>,
      tpu.vector_store %arg17[%swap3A_709, %swap3A_710, %swap3A_711], %broadcast_in_dim3A_5 {strides = array<i32>} : memref<12x1x128xf32, #tpu.memory_space<vmem>>, vector<16xf32>,
      %swap3A_713 = arith.constant 7 : i32
      %swap3A_714 = arith.constant 0 : i32
      %swap3A_715 = arith.index_cast %swap3A_713 : i32 to index
      %swap3A_716 = arith.index_cast %swap3A_714 : i32 to index
      %swap3A_717 = arith.constant 48 : index
      %swap3A_718 = tpu.vector_load %arg16[%swap3A_715, %swap3A_716, %swap3A_717] {strides = array<i32>} : memref<12x1x128xi32, #tpu.memory_space<vmem>>, vector<16xi32>,
      tpu.vector_store %arg16[%swap3A_715, %swap3A_716, %swap3A_717], %broadcast_in_dim3A_3 {strides = array<i32>} : memref<12x1x128xi32, #tpu.memory_space<vmem>>, vector<16xi32>,
      %swap3A_719 = arith.constant 7 : i32
      %swap3A_720 = arith.constant 0 : i32
      %swap3A_721 = arith.index_cast %swap3A_719 : i32 to index
      %swap3A_722 = arith.index_cast %swap3A_720 : i32 to index
      %swap3A_723 = arith.constant 48 : index
      %swap3A_724 = tpu.vector_load %arg17[%swap3A_721, %swap3A_722, %swap3A_723] {strides = array<i32>} : memref<12x1x128xf32, #tpu.memory_space<vmem>>, vector<16xf32>,
      tpu.vector_store %arg17[%swap3A_721, %swap3A_722, %swap3A_723], %broadcast_in_dim3A_5 {strides = array<i32>} : memref<12x1x128xf32, #tpu.memory_space<vmem>>, vector<16xf32>,
      %swap3A_725 = arith.constant 7 : i32
      %swap3A_726 = arith.constant 0 : i32
      %swap3A_727 = arith.index_cast %swap3A_725 : i32 to index
      %swap3A_728 = arith.index_cast %swap3A_726 : i32 to index
      %swap3A_729 = arith.constant 64 : index
      %swap3A_730 = tpu.vector_load %arg16[%swap3A_727, %swap3A_728, %swap3A_729] {strides = array<i32>} : memref<12x1x128xi32, #tpu.memory_space<vmem>>, vector<16xi32>,
      tpu.vector_store %arg16[%swap3A_727, %swap3A_728, %swap3A_729], %broadcast_in_dim3A_3 {strides = array<i32>} : memref<12x1x128xi32, #tpu.memory_space<vmem>>, vector<16xi32>,
      %swap3A_731 = arith.constant 7 : i32
      %swap3A_732 = arith.constant 0 : i32
      %swap3A_733 = arith.index_cast %swap3A_731 : i32 to index
      %swap3A_734 = arith.index_cast %swap3A_732 : i32 to index
      %swap3A_735 = arith.constant 64 : index
      %swap3A_736 = tpu.vector_load %arg17[%swap3A_733, %swap3A_734, %swap3A_735] {strides = array<i32>} : memref<12x1x128xf32, #tpu.memory_space<vmem>>, vector<16xf32>,
      tpu.vector_store %arg17[%swap3A_733, %swap3A_734, %swap3A_735], %broadcast_in_dim3A_5 {strides = array<i32>} : memref<12x1x128xf32, #tpu.memory_space<vmem>>, vector<16xf32>,
      %swap3A_737 = arith.constant 7 : i32
      %swap3A_738 = arith.constant 0 : i32
      %swap3A_739 = arith.index_cast %swap3A_737 : i32 to index
      %swap3A_740 = arith.index_cast %swap3A_738 : i32 to index
      %swap3A_741 = arith.constant 80 : index
      %swap3A_742 = tpu.vector_load %arg16[%swap3A_739, %swap3A_740, %swap3A_741] {strides = array<i32>} : memref<12x1x128xi32, #tpu.memory_space<vmem>>, vector<16xi32>,
      tpu.vector_store %arg16[%swap3A_739, %swap3A_740, %swap3A_741], %broadcast_in_dim3A_3 {strides = array<i32>} : memref<12x1x128xi32, #tpu.memory_space<vmem>>, vector<16xi32>,
      %swap3A_743 = arith.constant 7 : i32
      %swap3A_744 = arith.constant 0 : i32
      %swap3A_745 = arith.index_cast %swap3A_743 : i32 to index
      %swap3A_746 = arith.index_cast %swap3A_744 : i32 to index
      %swap3A_747 = arith.constant 80 : index
      %swap3A_748 = tpu.vector_load %arg17[%swap3A_745, %swap3A_746, %swap3A_747] {strides = array<i32>} : memref<12x1x128xf32, #tpu.memory_space<vmem>>, vector<16xf32>,
      tpu.vector_store %arg17[%swap3A_745, %swap3A_746, %swap3A_747], %broadcast_in_dim3A_5 {strides = array<i32>} : memref<12x1x128xf32, #tpu.memory_space<vmem>>, vector<16xf32>,
      %swap3A_749 = arith.constant 7 : i32
      %swap3A_750 = arith.constant 0 : i32
      %swap3A_751 = arith.index_cast %swap3A_749 : i32 to index
      %swap3A_752 = arith.index_cast %swap3A_750 : i32 to index
      %swap3A_753 = arith.constant 96 : index
      %swap3A_754 = tpu.vector_load %arg16[%swap3A_751, %swap3A_752, %swap3A_753] {strides = array<i32>} : memref<12x1x128xi32, #tpu.memory_space<vmem>>, vector<16xi32>,
      tpu.vector_store %arg16[%swap3A_751, %swap3A_752, %swap3A_753], %broadcast_in_dim3A_3 {strides = array<i32>} : memref<12x1x128xi32, #tpu.memory_space<vmem>>, vector<16xi32>,
      %swap3A_755 = arith.constant 7 : i32
      %swap3A_756 = arith.constant 0 : i32
      %swap3A_757 = arith.index_cast %swap3A_755 : i32 to index
      %swap3A_758 = arith.index_cast %swap3A_756 : i32 to index
      %swap3A_759 = arith.constant 96 : index
      %swap3A_760 = tpu.vector_load %arg17[%swap3A_757, %swap3A_758, %swap3A_759] {strides = array<i32>} : memref<12x1x128xf32, #tpu.memory_space<vmem>>, vector<16xf32>,
      tpu.vector_store %arg17[%swap3A_757, %swap3A_758, %swap3A_759], %broadcast_in_dim3A_5 {strides = array<i32>} : memref<12x1x128xf32, #tpu.memory_space<vmem>>, vector<16xf32>,
      %swap3A_761 = arith.constant 7 : i32
      %swap3A_762 = arith.constant 0 : i32
      %swap3A_763 = arith.index_cast %swap3A_761 : i32 to index
      %swap3A_764 = arith.index_cast %swap3A_762 : i32 to index
      %swap3A_765 = arith.constant 112 : index
      %swap3A_766 = tpu.vector_load %arg16[%swap3A_763, %swap3A_764, %swap3A_765] {strides = array<i32>} : memref<12x1x128xi32, #tpu.memory_space<vmem>>, vector<16xi32>,
      tpu.vector_store %arg16[%swap3A_763, %swap3A_764, %swap3A_765], %broadcast_in_dim3A_3 {strides = array<i32>} : memref<12x1x128xi32, #tpu.memory_space<vmem>>, vector<16xi32>,
      %swap3A_767 = arith.constant 7 : i32
      %swap3A_768 = arith.constant 0 : i32
      %swap3A_769 = arith.index_cast %swap3A_767 : i32 to index
      %swap3A_770 = arith.index_cast %swap3A_768 : i32 to index
      %swap3A_771 = arith.constant 112 : index
      %swap3A_772 = tpu.vector_load %arg17[%swap3A_769, %swap3A_770, %swap3A_771] {strides = array<i32>} : memref<12x1x128xf32, #tpu.memory_space<vmem>>, vector<16xf32>,
      tpu.vector_store %arg17[%swap3A_769, %swap3A_770, %swap3A_771], %broadcast_in_dim3A_5 {strides = array<i32>} : memref<12x1x128xf32, #tpu.memory_space<vmem>>, vector<16xf32>,
      %swap3A_773 = arith.constant 8 : i32
      %swap3A_774 = arith.constant 0 : i32
      %swap3A_775 = arith.index_cast %swap3A_773 : i32 to index
      %swap3A_776 = arith.index_cast %swap3A_774 : i32 to index
      %swap3A_777 = arith.constant 0 : index
      %swap3A_778 = tpu.vector_load %arg16[%swap3A_775, %swap3A_776, %swap3A_777] {strides = array<i32>} : memref<12x1x128xi32, #tpu.memory_space<vmem>>, vector<16xi32>,
      tpu.vector_store %arg16[%swap3A_775, %swap3A_776, %swap3A_777], %broadcast_in_dim3A_3 {strides = array<i32>} : memref<12x1x128xi32, #tpu.memory_space<vmem>>, vector<16xi32>,
      %swap3A_779 = arith.constant 8 : i32
      %swap3A_780 = arith.constant 0 : i32
      %swap3A_781 = arith.index_cast %swap3A_779 : i32 to index
      %swap3A_782 = arith.index_cast %swap3A_780 : i32 to index
      %swap3A_783 = arith.constant 0 : index
      %swap3A_784 = tpu.vector_load %arg17[%swap3A_781, %swap3A_782, %swap3A_783] {strides = array<i32>} : memref<12x1x128xf32, #tpu.memory_space<vmem>>, vector<16xf32>,
      tpu.vector_store %arg17[%swap3A_781, %swap3A_782, %swap3A_783], %broadcast_in_dim3A_5 {strides = array<i32>} : memref<12x1x128xf32, #tpu.memory_space<vmem>>, vector<16xf32>,
      %swap3A_785 = arith.constant 8 : i32
      %swap3A_786 = arith.constant 0 : i32
      %swap3A_787 = arith.index_cast %swap3A_785 : i32 to index
      %swap3A_788 = arith.index_cast %swap3A_786 : i32 to index
      %swap3A_789 = arith.constant 16 : index
      %swap3A_790 = tpu.vector_load %arg16[%swap3A_787, %swap3A_788, %swap3A_789] {strides = array<i32>} : memref<12x1x128xi32, #tpu.memory_space<vmem>>, vector<16xi32>,
      tpu.vector_store %arg16[%swap3A_787, %swap3A_788, %swap3A_789], %broadcast_in_dim3A_3 {strides = array<i32>} : memref<12x1x128xi32, #tpu.memory_space<vmem>>, vector<16xi32>,
      %swap3A_791 = arith.constant 8 : i32
      %swap3A_792 = arith.constant 0 : i32
      %swap3A_793 = arith.index_cast %swap3A_791 : i32 to index
      %swap3A_794 = arith.index_cast %swap3A_792 : i32 to index
      %swap3A_795 = arith.constant 16 : index
      %swap3A_796 = tpu.vector_load %arg17[%swap3A_793, %swap3A_794, %swap3A_795] {strides = array<i32>} : memref<12x1x128xf32, #tpu.memory_space<vmem>>, vector<16xf32>,
      tpu.vector_store %arg17[%swap3A_793, %swap3A_794, %swap3A_795], %broadcast_in_dim3A_5 {strides = array<i32>} : memref<12x1x128xf32, #tpu.memory_space<vmem>>, vector<16xf32>,
      %swap3A_797 = arith.constant 8 : i32
      %swap3A_798 = arith.constant 0 : i32
      %swap3A_799 = arith.index_cast %swap3A_797 : i32 to index
      %swap3A_800 = arith.index_cast %swap3A_798 : i32 to index
      %swap3A_801 = arith.constant 32 : index
      %swap3A_802 = tpu.vector_load %arg16[%swap3A_799, %swap3A_800, %swap3A_801] {strides = array<i32>} : memref<12x1x128xi32, #tpu.memory_space<vmem>>, vector<16xi32>,
      tpu.vector_store %arg16[%swap3A_799, %swap3A_800, %swap3A_801], %broadcast_in_dim3A_3 {strides = array<i32>} : memref<12x1x128xi32, #tpu.memory_space<vmem>>, vector<16xi32>,
      %swap3A_803 = arith.constant 8 : i32
      %swap3A_804 = arith.constant 0 : i32
      %swap3A_805 = arith.index_cast %swap3A_803 : i32 to index
      %swap3A_806 = arith.index_cast %swap3A_804 : i32 to index
      %swap3A_807 = arith.constant 32 : index
      %swap3A_808 = tpu.vector_load %arg17[%swap3A_805, %swap3A_806, %swap3A_807] {strides = array<i32>} : memref<12x1x128xf32, #tpu.memory_space<vmem>>, vector<16xf32>,
      tpu.vector_store %arg17[%swap3A_805, %swap3A_806, %swap3A_807], %broadcast_in_dim3A_5 {strides = array<i32>} : memref<12x1x128xf32, #tpu.memory_space<vmem>>, vector<16xf32>,
      %swap3A_809 = arith.constant 8 : i32
      %swap3A_810 = arith.constant 0 : i32
      %swap3A_811 = arith.index_cast %swap3A_809 : i32 to index
      %swap3A_812 = arith.index_cast %swap3A_810 : i32 to index
      %swap3A_813 = arith.constant 48 : index
      %swap3A_814 = tpu.vector_load %arg16[%swap3A_811, %swap3A_812, %swap3A_813] {strides = array<i32>} : memref<12x1x128xi32, #tpu.memory_space<vmem>>, vector<16xi32>,
      tpu.vector_store %arg16[%swap3A_811, %swap3A_812, %swap3A_813], %broadcast_in_dim3A_3 {strides = array<i32>} : memref<12x1x128xi32, #tpu.memory_space<vmem>>, vector<16xi32>,
      %swap3A_815 = arith.constant 8 : i32
      %swap3A_816 = arith.constant 0 : i32
      %swap3A_817 = arith.index_cast %swap3A_815 : i32 to index
      %swap3A_818 = arith.index_cast %swap3A_816 : i32 to index
      %swap3A_819 = arith.constant 48 : index
      %swap3A_820 = tpu.vector_load %arg17[%swap3A_817, %swap3A_818, %swap3A_819] {strides = array<i32>} : memref<12x1x128xf32, #tpu.memory_space<vmem>>, vector<16xf32>,
      tpu.vector_store %arg17[%swap3A_817, %swap3A_818, %swap3A_819], %broadcast_in_dim3A_5 {strides = array<i32>} : memref<12x1x128xf32, #tpu.memory_space<vmem>>, vector<16xf32>,
      %swap3A_821 = arith.constant 8 : i32
      %swap3A_822 = arith.constant 0 : i32
      %swap3A_823 = arith.index_cast %swap3A_821 : i32 to index
      %swap3A_824 = arith.index_cast %swap3A_822 : i32 to index
      %swap3A_825 = arith.constant 64 : index
      %swap3A_826 = tpu.vector_load %arg16[%swap3A_823, %swap3A_824, %swap3A_825] {strides = array<i32>} : memref<12x1x128xi32, #tpu.memory_space<vmem>>, vector<16xi32>,
      tpu.vector_store %arg16[%swap3A_823, %swap3A_824, %swap3A_825], %broadcast_in_dim3A_3 {strides = array<i32>} : memref<12x1x128xi32, #tpu.memory_space<vmem>>, vector<16xi32>,
      %swap3A_827 = arith.constant 8 : i32
      %swap3A_828 = arith.constant 0 : i32
      %swap3A_829 = arith.index_cast %swap3A_827 : i32 to index
      %swap3A_830 = arith.index_cast %swap3A_828 : i32 to index
      %swap3A_831 = arith.constant 64 : index
      %swap3A_832 = tpu.vector_load %arg17[%swap3A_829, %swap3A_830, %swap3A_831] {strides = array<i32>} : memref<12x1x128xf32, #tpu.memory_space<vmem>>, vector<16xf32>,
      tpu.vector_store %arg17[%swap3A_829, %swap3A_830, %swap3A_831], %broadcast_in_dim3A_5 {strides = array<i32>} : memref<12x1x128xf32, #tpu.memory_space<vmem>>, vector<16xf32>,
      %swap3A_833 = arith.constant 8 : i32
      %swap3A_834 = arith.constant 0 : i32
      %swap3A_835 = arith.index_cast %swap3A_833 : i32 to index
      %swap3A_836 = arith.index_cast %swap3A_834 : i32 to index
      %swap3A_837 = arith.constant 80 : index
      %swap3A_838 = tpu.vector_load %arg16[%swap3A_835, %swap3A_836, %swap3A_837] {strides = array<i32>} : memref<12x1x128xi32, #tpu.memory_space<vmem>>, vector<16xi32>,
      tpu.vector_store %arg16[%swap3A_835, %swap3A_836, %swap3A_837], %broadcast_in_dim3A_3 {strides = array<i32>} : memref<12x1x128xi32, #tpu.memory_space<vmem>>, vector<16xi32>,
      %swap3A_839 = arith.constant 8 : i32
      %swap3A_840 = arith.constant 0 : i32
      %swap3A_841 = arith.index_cast %swap3A_839 : i32 to index
      %swap3A_842 = arith.index_cast %swap3A_840 : i32 to index
      %swap3A_843 = arith.constant 80 : index
      %swap3A_844 = tpu.vector_load %arg17[%swap3A_841, %swap3A_842, %swap3A_843] {strides = array<i32>} : memref<12x1x128xf32, #tpu.memory_space<vmem>>, vector<16xf32>,
      tpu.vector_store %arg17[%swap3A_841, %swap3A_842, %swap3A_843], %broadcast_in_dim3A_5 {strides = array<i32>} : memref<12x1x128xf32, #tpu.memory_space<vmem>>, vector<16xf32>,
      %swap3A_845 = arith.constant 8 : i32
      %swap3A_846 = arith.constant 0 : i32
      %swap3A_847 = arith.index_cast %swap3A_845 : i32 to index
      %swap3A_848 = arith.index_cast %swap3A_846 : i32 to index
      %swap3A_849 = arith.constant 96 : index
      %swap3A_850 = tpu.vector_load %arg16[%swap3A_847, %swap3A_848, %swap3A_849] {strides = array<i32>} : memref<12x1x128xi32, #tpu.memory_space<vmem>>, vector<16xi32>,
      tpu.vector_store %arg16[%swap3A_847, %swap3A_848, %swap3A_849], %broadcast_in_dim3A_3 {strides = array<i32>} : memref<12x1x128xi32, #tpu.memory_space<vmem>>, vector<16xi32>,
      %swap3A_851 = arith.constant 8 : i32
      %swap3A_852 = arith.constant 0 : i32
      %swap3A_853 = arith.index_cast %swap3A_851 : i32 to index
      %swap3A_854 = arith.index_cast %swap3A_852 : i32 to index
      %swap3A_855 = arith.constant 96 : index
      %swap3A_856 = tpu.vector_load %arg17[%swap3A_853, %swap3A_854, %swap3A_855] {strides = array<i32>} : memref<12x1x128xf32, #tpu.memory_space<vmem>>, vector<16xf32>,
      tpu.vector_store %arg17[%swap3A_853, %swap3A_854, %swap3A_855], %broadcast_in_dim3A_5 {strides = array<i32>} : memref<12x1x128xf32, #tpu.memory_space<vmem>>, vector<16xf32>,
      %swap3A_857 = arith.constant 8 : i32
      %swap3A_858 = arith.constant 0 : i32
      %swap3A_859 = arith.index_cast %swap3A_857 : i32 to index
      %swap3A_860 = arith.index_cast %swap3A_858 : i32 to index
      %swap3A_861 = arith.constant 112 : index
      %swap3A_862 = tpu.vector_load %arg16[%swap3A_859, %swap3A_860, %swap3A_861] {strides = array<i32>} : memref<12x1x128xi32, #tpu.memory_space<vmem>>, vector<16xi32>,
      tpu.vector_store %arg16[%swap3A_859, %swap3A_860, %swap3A_861], %broadcast_in_dim3A_3 {strides = array<i32>} : memref<12x1x128xi32, #tpu.memory_space<vmem>>, vector<16xi32>,
      %swap3A_863 = arith.constant 8 : i32
      %swap3A_864 = arith.constant 0 : i32
      %swap3A_865 = arith.index_cast %swap3A_863 : i32 to index
      %swap3A_866 = arith.index_cast %swap3A_864 : i32 to index
      %swap3A_867 = arith.constant 112 : index
      %swap3A_868 = tpu.vector_load %arg17[%swap3A_865, %swap3A_866, %swap3A_867] {strides = array<i32>} : memref<12x1x128xf32, #tpu.memory_space<vmem>>, vector<16xf32>,
      tpu.vector_store %arg17[%swap3A_865, %swap3A_866, %swap3A_867], %broadcast_in_dim3A_5 {strides = array<i32>} : memref<12x1x128xf32, #tpu.memory_space<vmem>>, vector<16xf32>,
      %swap3A_869 = arith.constant 9 : i32
      %swap3A_870 = arith.constant 0 : i32
      %swap3A_871 = arith.index_cast %swap3A_869 : i32 to index
      %swap3A_872 = arith.index_cast %swap3A_870 : i32 to index
      %swap3A_873 = arith.constant 0 : index
      %swap3A_874 = tpu.vector_load %arg16[%swap3A_871, %swap3A_872, %swap3A_873] {strides = array<i32>} : memref<12x1x128xi32, #tpu.memory_space<vmem>>, vector<16xi32>,
      tpu.vector_store %arg16[%swap3A_871, %swap3A_872, %swap3A_873], %broadcast_in_dim3A_3 {strides = array<i32>} : memref<12x1x128xi32, #tpu.memory_space<vmem>>, vector<16xi32>,
      %swap3A_875 = arith.constant 9 : i32
      %swap3A_876 = arith.constant 0 : i32
      %swap3A_877 = arith.index_cast %swap3A_875 : i32 to index
      %swap3A_878 = arith.index_cast %swap3A_876 : i32 to index
      %swap3A_879 = arith.constant 0 : index
      %swap3A_880 = tpu.vector_load %arg17[%swap3A_877, %swap3A_878, %swap3A_879] {strides = array<i32>} : memref<12x1x128xf32, #tpu.memory_space<vmem>>, vector<16xf32>,
      tpu.vector_store %arg17[%swap3A_877, %swap3A_878, %swap3A_879], %broadcast_in_dim3A_5 {strides = array<i32>} : memref<12x1x128xf32, #tpu.memory_space<vmem>>, vector<16xf32>,
      %swap3A_881 = arith.constant 9 : i32
      %swap3A_882 = arith.constant 0 : i32
      %swap3A_883 = arith.index_cast %swap3A_881 : i32 to index
      %swap3A_884 = arith.index_cast %swap3A_882 : i32 to index
      %swap3A_885 = arith.constant 16 : index
      %swap3A_886 = tpu.vector_load %arg16[%swap3A_883, %swap3A_884, %swap3A_885] {strides = array<i32>} : memref<12x1x128xi32, #tpu.memory_space<vmem>>, vector<16xi32>,
      tpu.vector_store %arg16[%swap3A_883, %swap3A_884, %swap3A_885], %broadcast_in_dim3A_3 {strides = array<i32>} : memref<12x1x128xi32, #tpu.memory_space<vmem>>, vector<16xi32>,
      %swap3A_887 = arith.constant 9 : i32
      %swap3A_888 = arith.constant 0 : i32
      %swap3A_889 = arith.index_cast %swap3A_887 : i32 to index
      %swap3A_890 = arith.index_cast %swap3A_888 : i32 to index
      %swap3A_891 = arith.constant 16 : index
      %swap3A_892 = tpu.vector_load %arg17[%swap3A_889, %swap3A_890, %swap3A_891] {strides = array<i32>} : memref<12x1x128xf32, #tpu.memory_space<vmem>>, vector<16xf32>,
      tpu.vector_store %arg17[%swap3A_889, %swap3A_890, %swap3A_891], %broadcast_in_dim3A_5 {strides = array<i32>} : memref<12x1x128xf32, #tpu.memory_space<vmem>>, vector<16xf32>,
      %swap3A_893 = arith.constant 9 : i32
      %swap3A_894 = arith.constant 0 : i32
      %swap3A_895 = arith.index_cast %swap3A_893 : i32 to index
      %swap3A_896 = arith.index_cast %swap3A_894 : i32 to index
      %swap3A_897 = arith.constant 32 : index
      %swap3A_898 = tpu.vector_load %arg16[%swap3A_895, %swap3A_896, %swap3A_897] {strides = array<i32>} : memref<12x1x128xi32, #tpu.memory_space<vmem>>, vector<16xi32>,
      tpu.vector_store %arg16[%swap3A_895, %swap3A_896, %swap3A_897], %broadcast_in_dim3A_3 {strides = array<i32>} : memref<12x1x128xi32, #tpu.memory_space<vmem>>, vector<16xi32>,
      %swap3A_899 = arith.constant 9 : i32
      %swap3A_900 = arith.constant 0 : i32
      %swap3A_901 = arith.index_cast %swap3A_899 : i32 to index
      %swap3A_902 = arith.index_cast %swap3A_900 : i32 to index
      %swap3A_903 = arith.constant 32 : index
      %swap3A_904 = tpu.vector_load %arg17[%swap3A_901, %swap3A_902, %swap3A_903] {strides = array<i32>} : memref<12x1x128xf32, #tpu.memory_space<vmem>>, vector<16xf32>,
      tpu.vector_store %arg17[%swap3A_901, %swap3A_902, %swap3A_903], %broadcast_in_dim3A_5 {strides = array<i32>} : memref<12x1x128xf32, #tpu.memory_space<vmem>>, vector<16xf32>,
      %swap3A_905 = arith.constant 9 : i32
      %swap3A_906 = arith.constant 0 : i32
      %swap3A_907 = arith.index_cast %swap3A_905 : i32 to index
      %swap3A_908 = arith.index_cast %swap3A_906 : i32 to index
      %swap3A_909 = arith.constant 48 : index
      %swap3A_910 = tpu.vector_load %arg16[%swap3A_907, %swap3A_908, %swap3A_909] {strides = array<i32>} : memref<12x1x128xi32, #tpu.memory_space<vmem>>, vector<16xi32>,
      tpu.vector_store %arg16[%swap3A_907, %swap3A_908, %swap3A_909], %broadcast_in_dim3A_3 {strides = array<i32>} : memref<12x1x128xi32, #tpu.memory_space<vmem>>, vector<16xi32>,
      %swap3A_911 = arith.constant 9 : i32
      %swap3A_912 = arith.constant 0 : i32
      %swap3A_913 = arith.index_cast %swap3A_911 : i32 to index
      %swap3A_914 = arith.index_cast %swap3A_912 : i32 to index
      %swap3A_915 = arith.constant 48 : index
      %swap3A_916 = tpu.vector_load %arg17[%swap3A_913, %swap3A_914, %swap3A_915] {strides = array<i32>} : memref<12x1x128xf32, #tpu.memory_space<vmem>>, vector<16xf32>,
      tpu.vector_store %arg17[%swap3A_913, %swap3A_914, %swap3A_915], %broadcast_in_dim3A_5 {strides = array<i32>} : memref<12x1x128xf32, #tpu.memory_space<vmem>>, vector<16xf32>,
      %swap3A_917 = arith.constant 9 : i32
      %swap3A_918 = arith.constant 0 : i32
      %swap3A_919 = arith.index_cast %swap3A_917 : i32 to index
      %swap3A_920 = arith.index_cast %swap3A_918 : i32 to index
      %swap3A_921 = arith.constant 64 : index
      %swap3A_922 = tpu.vector_load %arg16[%swap3A_919, %swap3A_920, %swap3A_921] {strides = array<i32>} : memref<12x1x128xi32, #tpu.memory_space<vmem>>, vector<16xi32>,
      tpu.vector_store %arg16[%swap3A_919, %swap3A_920, %swap3A_921], %broadcast_in_dim3A_3 {strides = array<i32>} : memref<12x1x128xi32, #tpu.memory_space<vmem>>, vector<16xi32>,
      %swap3A_923 = arith.constant 9 : i32
      %swap3A_924 = arith.constant 0 : i32
      %swap3A_925 = arith.index_cast %swap3A_923 : i32 to index
      %swap3A_926 = arith.index_cast %swap3A_924 : i32 to index
      %swap3A_927 = arith.constant 64 : index
      %swap3A_928 = tpu.vector_load %arg17[%swap3A_925, %swap3A_926, %swap3A_927] {strides = array<i32>} : memref<12x1x128xf32, #tpu.memory_space<vmem>>, vector<16xf32>,
      tpu.vector_store %arg17[%swap3A_925, %swap3A_926, %swap3A_927], %broadcast_in_dim3A_5 {strides = array<i32>} : memref<12x1x128xf32, #tpu.memory_space<vmem>>, vector<16xf32>,
      %swap3A_929 = arith.constant 9 : i32
      %swap3A_930 = arith.constant 0 : i32
      %swap3A_931 = arith.index_cast %swap3A_929 : i32 to index
      %swap3A_932 = arith.index_cast %swap3A_930 : i32 to index
      %swap3A_933 = arith.constant 80 : index
      %swap3A_934 = tpu.vector_load %arg16[%swap3A_931, %swap3A_932, %swap3A_933] {strides = array<i32>} : memref<12x1x128xi32, #tpu.memory_space<vmem>>, vector<16xi32>,
      tpu.vector_store %arg16[%swap3A_931, %swap3A_932, %swap3A_933], %broadcast_in_dim3A_3 {strides = array<i32>} : memref<12x1x128xi32, #tpu.memory_space<vmem>>, vector<16xi32>,
      %swap3A_935 = arith.constant 9 : i32
      %swap3A_936 = arith.constant 0 : i32
      %swap3A_937 = arith.index_cast %swap3A_935 : i32 to index
      %swap3A_938 = arith.index_cast %swap3A_936 : i32 to index
      %swap3A_939 = arith.constant 80 : index
      %swap3A_940 = tpu.vector_load %arg17[%swap3A_937, %swap3A_938, %swap3A_939] {strides = array<i32>} : memref<12x1x128xf32, #tpu.memory_space<vmem>>, vector<16xf32>,
      tpu.vector_store %arg17[%swap3A_937, %swap3A_938, %swap3A_939], %broadcast_in_dim3A_5 {strides = array<i32>} : memref<12x1x128xf32, #tpu.memory_space<vmem>>, vector<16xf32>,
      %swap3A_941 = arith.constant 9 : i32
      %swap3A_942 = arith.constant 0 : i32
      %swap3A_943 = arith.index_cast %swap3A_941 : i32 to index
      %swap3A_944 = arith.index_cast %swap3A_942 : i32 to index
      %swap3A_945 = arith.constant 96 : index
      %swap3A_946 = tpu.vector_load %arg16[%swap3A_943, %swap3A_944, %swap3A_945] {strides = array<i32>} : memref<12x1x128xi32, #tpu.memory_space<vmem>>, vector<16xi32>,
      tpu.vector_store %arg16[%swap3A_943, %swap3A_944, %swap3A_945], %broadcast_in_dim3A_3 {strides = array<i32>} : memref<12x1x128xi32, #tpu.memory_space<vmem>>, vector<16xi32>,
      %swap3A_947 = arith.constant 9 : i32
      %swap3A_948 = arith.constant 0 : i32
      %swap3A_949 = arith.index_cast %swap3A_947 : i32 to index
      %swap3A_950 = arith.index_cast %swap3A_948 : i32 to index
      %swap3A_951 = arith.constant 96 : index
      %swap3A_952 = tpu.vector_load %arg17[%swap3A_949, %swap3A_950, %swap3A_951] {strides = array<i32>} : memref<12x1x128xf32, #tpu.memory_space<vmem>>, vector<16xf32>,
      tpu.vector_store %arg17[%swap3A_949, %swap3A_950, %swap3A_951], %broadcast_in_dim3A_5 {strides = array<i32>} : memref<12x1x128xf32, #tpu.memory_space<vmem>>, vector<16xf32>,
      %swap3A_953 = arith.constant 9 : i32
      %swap3A_954 = arith.constant 0 : i32
      %swap3A_955 = arith.index_cast %swap3A_953 : i32 to index
      %swap3A_956 = arith.index_cast %swap3A_954 : i32 to index
      %swap3A_957 = arith.constant 112 : index
      %swap3A_958 = tpu.vector_load %arg16[%swap3A_955, %swap3A_956, %swap3A_957] {strides = array<i32>} : memref<12x1x128xi32, #tpu.memory_space<vmem>>, vector<16xi32>,
      tpu.vector_store %arg16[%swap3A_955, %swap3A_956, %swap3A_957], %broadcast_in_dim3A_3 {strides = array<i32>} : memref<12x1x128xi32, #tpu.memory_space<vmem>>, vector<16xi32>,
      %swap3A_959 = arith.constant 9 : i32
      %swap3A_960 = arith.constant 0 : i32
      %swap3A_961 = arith.index_cast %swap3A_959 : i32 to index
      %swap3A_962 = arith.index_cast %swap3A_960 : i32 to index
      %swap3A_963 = arith.constant 112 : index
      %swap3A_964 = tpu.vector_load %arg17[%swap3A_961, %swap3A_962, %swap3A_963] {strides = array<i32>} : memref<12x1x128xf32, #tpu.memory_space<vmem>>, vector<16xf32>,
      tpu.vector_store %arg17[%swap3A_961, %swap3A_962, %swap3A_963], %broadcast_in_dim3A_5 {strides = array<i32>} : memref<12x1x128xf32, #tpu.memory_space<vmem>>, vector<16xf32>,
      %swap3A_965 = arith.constant 10 : i32
      %swap3A_966 = arith.constant 0 : i32
      %swap3A_967 = arith.index_cast %swap3A_965 : i32 to index
      %swap3A_968 = arith.index_cast %swap3A_966 : i32 to index
      %swap3A_969 = arith.constant 0 : index
      %swap3A_970 = tpu.vector_load %arg16[%swap3A_967, %swap3A_968, %swap3A_969] {strides = array<i32>} : memref<12x1x128xi32, #tpu.memory_space<vmem>>, vector<16xi32>,
      tpu.vector_store %arg16[%swap3A_967, %swap3A_968, %swap3A_969], %broadcast_in_dim3A_3 {strides = array<i32>} : memref<12x1x128xi32, #tpu.memory_space<vmem>>, vector<16xi32>,
      %swap3A_971 = arith.constant 10 : i32
      %swap3A_972 = arith.constant 0 : i32
      %swap3A_973 = arith.index_cast %swap3A_971 : i32 to index
      %swap3A_974 = arith.index_cast %swap3A_972 : i32 to index
      %swap3A_975 = arith.constant 0 : index
      %swap3A_976 = tpu.vector_load %arg17[%swap3A_973, %swap3A_974, %swap3A_975] {strides = array<i32>} : memref<12x1x128xf32, #tpu.memory_space<vmem>>, vector<16xf32>,
      tpu.vector_store %arg17[%swap3A_973, %swap3A_974, %swap3A_975], %broadcast_in_dim3A_5 {strides = array<i32>} : memref<12x1x128xf32, #tpu.memory_space<vmem>>, vector<16xf32>,
      %swap3A_977 = arith.constant 10 : i32
      %swap3A_978 = arith.constant 0 : i32
      %swap3A_979 = arith.index_cast %swap3A_977 : i32 to index
      %swap3A_980 = arith.index_cast %swap3A_978 : i32 to index
      %swap3A_981 = arith.constant 16 : index
      %swap3A_982 = tpu.vector_load %arg16[%swap3A_979, %swap3A_980, %swap3A_981] {strides = array<i32>} : memref<12x1x128xi32, #tpu.memory_space<vmem>>, vector<16xi32>,
      tpu.vector_store %arg16[%swap3A_979, %swap3A_980, %swap3A_981], %broadcast_in_dim3A_3 {strides = array<i32>} : memref<12x1x128xi32, #tpu.memory_space<vmem>>, vector<16xi32>,
      %swap3A_983 = arith.constant 10 : i32
      %swap3A_984 = arith.constant 0 : i32
      %swap3A_985 = arith.index_cast %swap3A_983 : i32 to index
      %swap3A_986 = arith.index_cast %swap3A_984 : i32 to index
      %swap3A_987 = arith.constant 16 : index
      %swap3A_988 = tpu.vector_load %arg17[%swap3A_985, %swap3A_986, %swap3A_987] {strides = array<i32>} : memref<12x1x128xf32, #tpu.memory_space<vmem>>, vector<16xf32>,
      tpu.vector_store %arg17[%swap3A_985, %swap3A_986, %swap3A_987], %broadcast_in_dim3A_5 {strides = array<i32>} : memref<12x1x128xf32, #tpu.memory_space<vmem>>, vector<16xf32>,
      %swap3A_989 = arith.constant 10 : i32
      %swap3A_990 = arith.constant 0 : i32
      %swap3A_991 = arith.index_cast %swap3A_989 : i32 to index
      %swap3A_992 = arith.index_cast %swap3A_990 : i32 to index
      %swap3A_993 = arith.constant 32 : index
      %swap3A_994 = tpu.vector_load %arg16[%swap3A_991, %swap3A_992, %swap3A_993] {strides = array<i32>} : memref<12x1x128xi32, #tpu.memory_space<vmem>>, vector<16xi32>,
      tpu.vector_store %arg16[%swap3A_991, %swap3A_992, %swap3A_993], %broadcast_in_dim3A_3 {strides = array<i32>} : memref<12x1x128xi32, #tpu.memory_space<vmem>>, vector<16xi32>,
      %swap3A_995 = arith.constant 10 : i32
      %swap3A_996 = arith.constant 0 : i32
      %swap3A_997 = arith.index_cast %swap3A_995 : i32 to index
      %swap3A_998 = arith.index_cast %swap3A_996 : i32 to index
      %swap3A_999 = arith.constant 32 : index
      %swap3A_1000 = tpu.vector_load %arg17[%swap3A_997, %swap3A_998, %swap3A_999] {strides = array<i32>} : memref<12x1x128xf32, #tpu.memory_space<vmem>>, vector<16xf32>,
      tpu.vector_store %arg17[%swap3A_997, %swap3A_998, %swap3A_999], %broadcast_in_dim3A_5 {strides = array<i32>} : memref<12x1x128xf32, #tpu.memory_space<vmem>>, vector<16xf32>,
      %swap3A_1001 = arith.constant 10 : i32
      %swap3A_1002 = arith.constant 0 : i32
      %swap3A_1003 = arith.index_cast %swap3A_1001 : i32 to index
      %swap3A_1004 = arith.index_cast %swap3A_1002 : i32 to index
      %swap3A_1005 = arith.constant 48 : index
      %swap3A_1006 = tpu.vector_load %arg16[%swap3A_1003, %swap3A_1004, %swap3A_1005] {strides = array<i32>} : memref<12x1x128xi32, #tpu.memory_space<vmem>>, vector<16xi32>,
      tpu.vector_store %arg16[%swap3A_1003, %swap3A_1004, %swap3A_1005], %broadcast_in_dim3A_3 {strides = array<i32>} : memref<12x1x128xi32, #tpu.memory_space<vmem>>, vector<16xi32>,
      %swap3A_1007 = arith.constant 10 : i32
      %swap3A_1008 = arith.constant 0 : i32
      %swap3A_1009 = arith.index_cast %swap3A_1007 : i32 to index
      %swap3A_1010 = arith.index_cast %swap3A_1008 : i32 to index
      %swap3A_1011 = arith.constant 48 : index
      %swap3A_1012 = tpu.vector_load %arg17[%swap3A_1009, %swap3A_1010, %swap3A_1011] {strides = array<i32>} : memref<12x1x128xf32, #tpu.memory_space<vmem>>, vector<16xf32>,
      tpu.vector_store %arg17[%swap3A_1009, %swap3A_1010, %swap3A_1011], %broadcast_in_dim3A_5 {strides = array<i32>} : memref<12x1x128xf32, #tpu.memory_space<vmem>>, vector<16xf32>,
      %swap3A_1013 = arith.constant 10 : i32
      %swap3A_1014 = arith.constant 0 : i32
      %swap3A_1015 = arith.index_cast %swap3A_1013 : i32 to index
      %swap3A_1016 = arith.index_cast %swap3A_1014 : i32 to index
      %swap3A_1017 = arith.constant 64 : index
      %swap3A_1018 = tpu.vector_load %arg16[%swap3A_1015, %swap3A_1016, %swap3A_1017] {strides = array<i32>} : memref<12x1x128xi32, #tpu.memory_space<vmem>>, vector<16xi32>,
      tpu.vector_store %arg16[%swap3A_1015, %swap3A_1016, %swap3A_1017], %broadcast_in_dim3A_3 {strides = array<i32>} : memref<12x1x128xi32, #tpu.memory_space<vmem>>, vector<16xi32>,
      %swap3A_1019 = arith.constant 10 : i32
      %swap3A_1020 = arith.constant 0 : i32
      %swap3A_1021 = arith.index_cast %swap3A_1019 : i32 to index
      %swap3A_1022 = arith.index_cast %swap3A_1020 : i32 to index
      %swap3A_1023 = arith.constant 64 : index
      %swap3A_1024 = tpu.vector_load %arg17[%swap3A_1021, %swap3A_1022, %swap3A_1023] {strides = array<i32>} : memref<12x1x128xf32, #tpu.memory_space<vmem>>, vector<16xf32>,
      tpu.vector_store %arg17[%swap3A_1021, %swap3A_1022, %swap3A_1023], %broadcast_in_dim3A_5 {strides = array<i32>} : memref<12x1x128xf32, #tpu.memory_space<vmem>>, vector<16xf32>,
      %swap3A_1025 = arith.constant 10 : i32
      %swap3A_1026 = arith.constant 0 : i32
      %swap3A_1027 = arith.index_cast %swap3A_1025 : i32 to index
      %swap3A_1028 = arith.index_cast %swap3A_1026 : i32 to index
      %swap3A_1029 = arith.constant 80 : index
      %swap3A_1030 = tpu.vector_load %arg16[%swap3A_1027, %swap3A_1028, %swap3A_1029] {strides = array<i32>} : memref<12x1x128xi32, #tpu.memory_space<vmem>>, vector<16xi32>,
      tpu.vector_store %arg16[%swap3A_1027, %swap3A_1028, %swap3A_1029], %broadcast_in_dim3A_3 {strides = array<i32>} : memref<12x1x128xi32, #tpu.memory_space<vmem>>, vector<16xi32>,
      %swap3A_1031 = arith.constant 10 : i32
      %swap3A_1032 = arith.constant 0 : i32
      %swap3A_1033 = arith.index_cast %swap3A_1031 : i32 to index
      %swap3A_1034 = arith.index_cast %swap3A_1032 : i32 to index
      %swap3A_1035 = arith.constant 80 : index
      %swap3A_1036 = tpu.vector_load %arg17[%swap3A_1033, %swap3A_1034, %swap3A_1035] {strides = array<i32>} : memref<12x1x128xf32, #tpu.memory_space<vmem>>, vector<16xf32>,
      tpu.vector_store %arg17[%swap3A_1033, %swap3A_1034, %swap3A_1035], %broadcast_in_dim3A_5 {strides = array<i32>} : memref<12x1x128xf32, #tpu.memory_space<vmem>>, vector<16xf32>,
      %swap3A_1037 = arith.constant 10 : i32
      %swap3A_1038 = arith.constant 0 : i32
      %swap3A_1039 = arith.index_cast %swap3A_1037 : i32 to index
      %swap3A_1040 = arith.index_cast %swap3A_1038 : i32 to index
      %swap3A_1041 = arith.constant 96 : index
      %swap3A_1042 = tpu.vector_load %arg16[%swap3A_1039, %swap3A_1040, %swap3A_1041] {strides = array<i32>} : memref<12x1x128xi32, #tpu.memory_space<vmem>>, vector<16xi32>,
      tpu.vector_store %arg16[%swap3A_1039, %swap3A_1040, %swap3A_1041], %broadcast_in_dim3A_3 {strides = array<i32>} : memref<12x1x128xi32, #tpu.memory_space<vmem>>, vector<16xi32>,
      %swap3A_1043 = arith.constant 10 : i32
      %swap3A_1044 = arith.constant 0 : i32
      %swap3A_1045 = arith.index_cast %swap3A_1043 : i32 to index
      %swap3A_1046 = arith.index_cast %swap3A_1044 : i32 to index
      %swap3A_1047 = arith.constant 96 : index
      %swap3A_1048 = tpu.vector_load %arg17[%swap3A_1045, %swap3A_1046, %swap3A_1047] {strides = array<i32>} : memref<12x1x128xf32, #tpu.memory_space<vmem>>, vector<16xf32>,
      tpu.vector_store %arg17[%swap3A_1045, %swap3A_1046, %swap3A_1047], %broadcast_in_dim3A_5 {strides = array<i32>} : memref<12x1x128xf32, #tpu.memory_space<vmem>>, vector<16xf32>,
      %swap3A_1049 = arith.constant 10 : i32
      %swap3A_1050 = arith.constant 0 : i32
      %swap3A_1051 = arith.index_cast %swap3A_1049 : i32 to index
      %swap3A_1052 = arith.index_cast %swap3A_1050 : i32 to index
      %swap3A_1053 = arith.constant 112 : index
      %swap3A_1054 = tpu.vector_load %arg16[%swap3A_1051, %swap3A_1052, %swap3A_1053] {strides = array<i32>} : memref<12x1x128xi32, #tpu.memory_space<vmem>>, vector<16xi32>,
      tpu.vector_store %arg16[%swap3A_1051, %swap3A_1052, %swap3A_1053], %broadcast_in_dim3A_3 {strides = array<i32>} : memref<12x1x128xi32, #tpu.memory_space<vmem>>, vector<16xi32>,
      %swap3A_1055 = arith.constant 10 : i32
      %swap3A_1056 = arith.constant 0 : i32
      %swap3A_1057 = arith.index_cast %swap3A_1055 : i32 to index
      %swap3A_1058 = arith.index_cast %swap3A_1056 : i32 to index
      %swap3A_1059 = arith.constant 112 : index
      %swap3A_1060 = tpu.vector_load %arg17[%swap3A_1057, %swap3A_1058, %swap3A_1059] {strides = array<i32>} : memref<12x1x128xf32, #tpu.memory_space<vmem>>, vector<16xf32>,
      tpu.vector_store %arg17[%swap3A_1057, %swap3A_1058, %swap3A_1059], %broadcast_in_dim3A_5 {strides = array<i32>} : memref<12x1x128xf32, #tpu.memory_space<vmem>>, vector<16xf32>,
      %swap3A_1061 = arith.constant 11 : i32
      %swap3A_1062 = arith.constant 0 : i32
      %swap3A_1063 = arith.index_cast %swap3A_1061 : i32 to index
      %swap3A_1064 = arith.index_cast %swap3A_1062 : i32 to index
      %swap3A_1065 = arith.constant 0 : index
      %swap3A_1066 = tpu.vector_load %arg16[%swap3A_1063, %swap3A_1064, %swap3A_1065] {strides = array<i32>} : memref<12x1x128xi32, #tpu.memory_space<vmem>>, vector<16xi32>,
      tpu.vector_store %arg16[%swap3A_1063, %swap3A_1064, %swap3A_1065], %broadcast_in_dim3A_3 {strides = array<i32>} : memref<12x1x128xi32, #tpu.memory_space<vmem>>, vector<16xi32>,
      %swap3A_1067 = arith.constant 11 : i32
      %swap3A_1068 = arith.constant 0 : i32
      %swap3A_1069 = arith.index_cast %swap3A_1067 : i32 to index
      %swap3A_1070 = arith.index_cast %swap3A_1068 : i32 to index
      %swap3A_1071 = arith.constant 0 : index
      %swap3A_1072 = tpu.vector_load %arg17[%swap3A_1069, %swap3A_1070, %swap3A_1071] {strides = array<i32>} : memref<12x1x128xf32, #tpu.memory_space<vmem>>, vector<16xf32>,
      tpu.vector_store %arg17[%swap3A_1069, %swap3A_1070, %swap3A_1071], %broadcast_in_dim3A_5 {strides = array<i32>} : memref<12x1x128xf32, #tpu.memory_space<vmem>>, vector<16xf32>,
      %swap3A_1073 = arith.constant 11 : i32
      %swap3A_1074 = arith.constant 0 : i32
      %swap3A_1075 = arith.index_cast %swap3A_1073 : i32 to index
      %swap3A_1076 = arith.index_cast %swap3A_1074 : i32 to index
      %swap3A_1077 = arith.constant 16 : index
      %swap3A_1078 = tpu.vector_load %arg16[%swap3A_1075, %swap3A_1076, %swap3A_1077] {strides = array<i32>} : memref<12x1x128xi32, #tpu.memory_space<vmem>>, vector<16xi32>,
      tpu.vector_store %arg16[%swap3A_1075, %swap3A_1076, %swap3A_1077], %broadcast_in_dim3A_3 {strides = array<i32>} : memref<12x1x128xi32, #tpu.memory_space<vmem>>, vector<16xi32>,
      %swap3A_1079 = arith.constant 11 : i32
      %swap3A_1080 = arith.constant 0 : i32
      %swap3A_1081 = arith.index_cast %swap3A_1079 : i32 to index
      %swap3A_1082 = arith.index_cast %swap3A_1080 : i32 to index
      %swap3A_1083 = arith.constant 16 : index
      %swap3A_1084 = tpu.vector_load %arg17[%swap3A_1081, %swap3A_1082, %swap3A_1083] {strides = array<i32>} : memref<12x1x128xf32, #tpu.memory_space<vmem>>, vector<16xf32>,
      tpu.vector_store %arg17[%swap3A_1081, %swap3A_1082, %swap3A_1083], %broadcast_in_dim3A_5 {strides = array<i32>} : memref<12x1x128xf32, #tpu.memory_space<vmem>>, vector<16xf32>,
      %swap3A_1085 = arith.constant 11 : i32
      %swap3A_1086 = arith.constant 0 : i32
      %swap3A_1087 = arith.index_cast %swap3A_1085 : i32 to index
      %swap3A_1088 = arith.index_cast %swap3A_1086 : i32 to index
      %swap3A_1089 = arith.constant 32 : index
      %swap3A_1090 = tpu.vector_load %arg16[%swap3A_1087, %swap3A_1088, %swap3A_1089] {strides = array<i32>} : memref<12x1x128xi32, #tpu.memory_space<vmem>>, vector<16xi32>,
      tpu.vector_store %arg16[%swap3A_1087, %swap3A_1088, %swap3A_1089], %broadcast_in_dim3A_3 {strides = array<i32>} : memref<12x1x128xi32, #tpu.memory_space<vmem>>, vector<16xi32>,
      %swap3A_1091 = arith.constant 11 : i32
      %swap3A_1092 = arith.constant 0 : i32
      %swap3A_1093 = arith.index_cast %swap3A_1091 : i32 to index
      %swap3A_1094 = arith.index_cast %swap3A_1092 : i32 to index
      %swap3A_1095 = arith.constant 32 : index
      %swap3A_1096 = tpu.vector_load %arg17[%swap3A_1093, %swap3A_1094, %swap3A_1095] {strides = array<i32>} : memref<12x1x128xf32, #tpu.memory_space<vmem>>, vector<16xf32>,
      tpu.vector_store %arg17[%swap3A_1093, %swap3A_1094, %swap3A_1095], %broadcast_in_dim3A_5 {strides = array<i32>} : memref<12x1x128xf32, #tpu.memory_space<vmem>>, vector<16xf32>,
      %swap3A_1097 = arith.constant 11 : i32
      %swap3A_1098 = arith.constant 0 : i32
      %swap3A_1099 = arith.index_cast %swap3A_1097 : i32 to index
      %swap3A_1100 = arith.index_cast %swap3A_1098 : i32 to index
      %swap3A_1101 = arith.constant 48 : index
      %swap3A_1102 = tpu.vector_load %arg16[%swap3A_1099, %swap3A_1100, %swap3A_1101] {strides = array<i32>} : memref<12x1x128xi32, #tpu.memory_space<vmem>>, vector<16xi32>,
      tpu.vector_store %arg16[%swap3A_1099, %swap3A_1100, %swap3A_1101], %broadcast_in_dim3A_3 {strides = array<i32>} : memref<12x1x128xi32, #tpu.memory_space<vmem>>, vector<16xi32>,
      %swap3A_1103 = arith.constant 11 : i32
      %swap3A_1104 = arith.constant 0 : i32
      %swap3A_1105 = arith.index_cast %swap3A_1103 : i32 to index
      %swap3A_1106 = arith.index_cast %swap3A_1104 : i32 to index
      %swap3A_1107 = arith.constant 48 : index
      %swap3A_1108 = tpu.vector_load %arg17[%swap3A_1105, %swap3A_1106, %swap3A_1107] {strides = array<i32>} : memref<12x1x128xf32, #tpu.memory_space<vmem>>, vector<16xf32>,
      tpu.vector_store %arg17[%swap3A_1105, %swap3A_1106, %swap3A_1107], %broadcast_in_dim3A_5 {strides = array<i32>} : memref<12x1x128xf32, #tpu.memory_space<vmem>>, vector<16xf32>,
      %swap3A_1109 = arith.constant 11 : i32
      %swap3A_1110 = arith.constant 0 : i32
      %swap3A_1111 = arith.index_cast %swap3A_1109 : i32 to index
      %swap3A_1112 = arith.index_cast %swap3A_1110 : i32 to index
      %swap3A_1113 = arith.constant 64 : index
      %swap3A_1114 = tpu.vector_load %arg16[%swap3A_1111, %swap3A_1112, %swap3A_1113] {strides = array<i32>} : memref<12x1x128xi32, #tpu.memory_space<vmem>>, vector<16xi32>,
      tpu.vector_store %arg16[%swap3A_1111, %swap3A_1112, %swap3A_1113], %broadcast_in_dim3A_3 {strides = array<i32>} : memref<12x1x128xi32, #tpu.memory_space<vmem>>, vector<16xi32>,
      %swap3A_1115 = arith.constant 11 : i32
      %swap3A_1116 = arith.constant 0 : i32
      %swap3A_1117 = arith.index_cast %swap3A_1115 : i32 to index
      %swap3A_1118 = arith.index_cast %swap3A_1116 : i32 to index
      %swap3A_1119 = arith.constant 64 : index
      %swap3A_1120 = tpu.vector_load %arg17[%swap3A_1117, %swap3A_1118, %swap3A_1119] {strides = array<i32>} : memref<12x1x128xf32, #tpu.memory_space<vmem>>, vector<16xf32>,
      tpu.vector_store %arg17[%swap3A_1117, %swap3A_1118, %swap3A_1119], %broadcast_in_dim3A_5 {strides = array<i32>} : memref<12x1x128xf32, #tpu.memory_space<vmem>>, vector<16xf32>,
      %swap3A_1121 = arith.constant 11 : i32
      %swap3A_1122 = arith.constant 0 : i32
      %swap3A_1123 = arith.index_cast %swap3A_1121 : i32 to index
      %swap3A_1124 = arith.index_cast %swap3A_1122 : i32 to index
      %swap3A_1125 = arith.constant 80 : index
      %swap3A_1126 = tpu.vector_load %arg16[%swap3A_1123, %swap3A_1124, %swap3A_1125] {strides = array<i32>} : memref<12x1x128xi32, #tpu.memory_space<vmem>>, vector<16xi32>,
      tpu.vector_store %arg16[%swap3A_1123, %swap3A_1124, %swap3A_1125], %broadcast_in_dim3A_3 {strides = array<i32>} : memref<12x1x128xi32, #tpu.memory_space<vmem>>, vector<16xi32>,
      %swap3A_1127 = arith.constant 11 : i32
      %swap3A_1128 = arith.constant 0 : i32
      %swap3A_1129 = arith.index_cast %swap3A_1127 : i32 to index
      %swap3A_1130 = arith.index_cast %swap3A_1128 : i32 to index
      %swap3A_1131 = arith.constant 80 : index
      %swap3A_1132 = tpu.vector_load %arg17[%swap3A_1129, %swap3A_1130, %swap3A_1131] {strides = array<i32>} : memref<12x1x128xf32, #tpu.memory_space<vmem>>, vector<16xf32>,
      tpu.vector_store %arg17[%swap3A_1129, %swap3A_1130, %swap3A_1131], %broadcast_in_dim3A_5 {strides = array<i32>} : memref<12x1x128xf32, #tpu.memory_space<vmem>>, vector<16xf32>,
      %swap3A_1133 = arith.constant 11 : i32
      %swap3A_1134 = arith.constant 0 : i32
      %swap3A_1135 = arith.index_cast %swap3A_1133 : i32 to index
      %swap3A_1136 = arith.index_cast %swap3A_1134 : i32 to index
      %swap3A_1137 = arith.constant 96 : index
      %swap3A_1138 = tpu.vector_load %arg16[%swap3A_1135, %swap3A_1136, %swap3A_1137] {strides = array<i32>} : memref<12x1x128xi32, #tpu.memory_space<vmem>>, vector<16xi32>,
      tpu.vector_store %arg16[%swap3A_1135, %swap3A_1136, %swap3A_1137], %broadcast_in_dim3A_3 {strides = array<i32>} : memref<12x1x128xi32, #tpu.memory_space<vmem>>, vector<16xi32>,
      %swap3A_1139 = arith.constant 11 : i32
      %swap3A_1140 = arith.constant 0 : i32
      %swap3A_1141 = arith.index_cast %swap3A_1139 : i32 to index
      %swap3A_1142 = arith.index_cast %swap3A_1140 : i32 to index
      %swap3A_1143 = arith.constant 96 : index
      %swap3A_1144 = tpu.vector_load %arg17[%swap3A_1141, %swap3A_1142, %swap3A_1143] {strides = array<i32>} : memref<12x1x128xf32, #tpu.memory_space<vmem>>, vector<16xf32>,
      tpu.vector_store %arg17[%swap3A_1141, %swap3A_1142, %swap3A_1143], %broadcast_in_dim3A_5 {strides = array<i32>} : memref<12x1x128xf32, #tpu.memory_space<vmem>>, vector<16xf32>,
      %swap3A_1145 = arith.constant 11 : i32
      %swap3A_1146 = arith.constant 0 : i32
      %swap3A_1147 = arith.index_cast %swap3A_1145 : i32 to index
      %swap3A_1148 = arith.index_cast %swap3A_1146 : i32 to index
      %swap3A_1149 = arith.constant 112 : index
      %swap3A_1150 = tpu.vector_load %arg16[%swap3A_1147, %swap3A_1148, %swap3A_1149] {strides = array<i32>} : memref<12x1x128xi32, #tpu.memory_space<vmem>>, vector<16xi32>,
      tpu.vector_store %arg16[%swap3A_1147, %swap3A_1148, %swap3A_1149], %broadcast_in_dim3A_3 {strides = array<i32>} : memref<12x1x128xi32, #tpu.memory_space<vmem>>, vector<16xi32>,
      %swap3A_1151 = arith.constant 11 : i32
      %swap3A_1152 = arith.constant 0 : i32
      %swap3A_1153 = arith.index_cast %swap3A_1151 : i32 to index
      %swap3A_1154 = arith.index_cast %swap3A_1152 : i32 to index
      %swap3A_1155 = arith.constant 112 : index
      %swap3A_1156 = tpu.vector_load %arg17[%swap3A_1153, %swap3A_1154, %swap3A_1155] {strides = array<i32>} : memref<12x1x128xf32, #tpu.memory_space<vmem>>, vector<16xf32>,
      tpu.vector_store %arg17[%swap3A_1153, %swap3A_1154, %swap3A_1155], %broadcast_in_dim3A_5 {strides = array<i32>} : memref<12x1x128xf32, #tpu.memory_space<vmem>>, vector<16xf32>,
      %scan3A = arith.constant 0 : i32
      %scan3A_1157 = arith.constant 0 : i32
      %scan3A_1158 = arith.constant 0 : i32
      %scan3A_1159 = arith.constant 0 : i32
      %scan3A_1160 = arith.constant 0 : i32
      %scan3A_1161 = arith.constant 0 : i32
      %scan3A_1162 = arith.constant 0 : i32
      %scan3A_1163 = arith.constant 0 : i32
      %scan3A_1164 = arith.constant 0 : i32
      %scan3A_1165 = arith.constant 16 : i32
      %scan3A_1166 = arith.addi %scan3A_1164, %scan3A_1165 : i32
      %scan3A_1167 = arith.constant 1 : i32
      %scan3A_1168:8 = scf.for %scan3A_1947 = %scan3A_1164 to %scan3A_1166 step %scan3A_1167 iter_args(%scan3A_1948 = %scan3A, %scan3A_1949 = %scan3A_1157, %scan3A_1950 = %scan3A_1158, %scan3A_1951 = %scan3A_1159, %scan3A_1952 = %scan3A_1160, %scan3A_1953 = %scan3A_1161, %scan3A_1954 = %scan3A_1162, %scan3A_1955 = %scan3A_1163) -> (i32, i32, i32, i32, i32, i32, i32, i32)  : i32 {
        %mul3A_1956 = arith.constant 16 : i32
        %mul3A_1957 = arith.muli %scan3A_1947, %mul3A_1956 : i32
        %get3A = arith.index_cast %mul3A_1957 : i32 to index
        %get3A_1958 = tpu.vector_load %arg10[%get3A] {strides = array<i32>} : memref<256xi32, #tpu.memory_space<vmem>>, vector<16xi32>,
        %eq3A_1959 = arith.constant 0 : i32
        %eq3A_1960 = vector.broadcast %eq3A_1959 : i32 to vector<16xi32>
        %eq3A_1961 = arith.cmpi eq, %get3A_1958, %eq3A_1960 : vector<16xi32>
        %jit3A_1962 = arith.constant 1 : i32
        %jit3A_1963 = arith.constant 0 : i32
        %broadcast_in_dim3A_1964 = vector.broadcast %jit3A_1962 : i32 to vector<16xi32>
        %broadcast_in_dim3A_1965 = vector.broadcast %jit3A_1963 : i32 to vector<16xi32>
        %select_n3A_1966 = arith.select %eq3A_1961, %broadcast_in_dim3A_1964, %broadcast_in_dim3A_1965 : vector<16xi1>, vector<16xi32>
        %cumsum3A = arith.constant true
        %cumsum3A_1967 = vector.broadcast %cumsum3A : i1 to vector<16xi1>
        %cumsum3A_1968 = tpu.scan <sum>, %select_n3A_1966 masked %cumsum3A_1967 : vector<16xi32>, vector<16xi1> -> vector<16xi32>
        %sub3A_1969 = arith.subi %cumsum3A_1968, %select_n3A_1966 : vector<16xi32>
        %add3A_1970 = vector.broadcast %scan3A_1948 : i32 to vector<16xi32>
        %add3A_1971 = arith.addi %add3A_1970, %sub3A_1969 : vector<16xi32>
        %select_n3A_1972 = arith.select %eq3A_1961, %add3A_1971, %broadcast_in_dim3A_3 : vector<16xi1>, vector<16xi32>
        %reduce_sum3A = arith.constant true
        %reduce_sum3A_1973 = vector.broadcast %reduce_sum3A : i1 to vector<16xi1>
        %reduce_sum3A_1974 = tpu.scan <sum>, %select_n3A_1966 masked %reduce_sum3A_1973 : vector<16xi32>, vector<16xi1> -> vector<16xi32>
        %reduce_sum3A_1975 = vector.extract %reduce_sum3A_1974[15] : i32 from vector<16xi32>
        %add3A_1976 = arith.addi %scan3A_1948, %reduce_sum3A_1975 : i32
        %eq3A_1977 = arith.constant 1 : i32
        %eq3A_1978 = vector.broadcast %eq3A_1977 : i32 to vector<16xi32>
        %eq3A_1979 = arith.cmpi eq, %get3A_1958, %eq3A_1978 : vector<16xi32>
        %jit3A_1980 = arith.constant 1 : i32
        %jit3A_1981 = arith.constant 0 : i32
        %broadcast_in_dim3A_1982 = vector.broadcast %jit3A_1980 : i32 to vector<16xi32>
        %broadcast_in_dim3A_1983 = vector.broadcast %jit3A_1981 : i32 to vector<16xi32>
        %select_n3A_1984 = arith.select %eq3A_1979, %broadcast_in_dim3A_1982, %broadcast_in_dim3A_1983 : vector<16xi1>, vector<16xi32>
        %cumsum3A_1985 = arith.constant true
        %cumsum3A_1986 = vector.broadcast %cumsum3A_1985 : i1 to vector<16xi1>
        %cumsum3A_1987 = tpu.scan <sum>, %select_n3A_1984 masked %cumsum3A_1986 : vector<16xi32>, vector<16xi1> -> vector<16xi32>
        %sub3A_1988 = arith.subi %cumsum3A_1987, %select_n3A_1984 : vector<16xi32>
        %add3A_1989 = vector.broadcast %scan3A_1949 : i32 to vector<16xi32>
        %add3A_1990 = arith.addi %add3A_1989, %sub3A_1988 : vector<16xi32>
        %select_n3A_1991 = arith.select %eq3A_1979, %add3A_1990, %select_n3A_1972 : vector<16xi1>, vector<16xi32>
        %reduce_sum3A_1992 = arith.constant true
        %reduce_sum3A_1993 = vector.broadcast %reduce_sum3A_1992 : i1 to vector<16xi1>
        %reduce_sum3A_1994 = tpu.scan <sum>, %select_n3A_1984 masked %reduce_sum3A_1993 : vector<16xi32>, vector<16xi1> -> vector<16xi32>
        %reduce_sum3A_1995 = vector.extract %reduce_sum3A_1994[15] : i32 from vector<16xi32>
        %add3A_1996 = arith.addi %scan3A_1949, %reduce_sum3A_1995 : i32
        %eq3A_1997 = arith.constant 2 : i32
        %eq3A_1998 = vector.broadcast %eq3A_1997 : i32 to vector<16xi32>
        %eq3A_1999 = arith.cmpi eq, %get3A_1958, %eq3A_1998 : vector<16xi32>
        %jit3A_2000 = arith.constant 1 : i32
        %jit3A_2001 = arith.constant 0 : i32
        %broadcast_in_dim3A_2002 = vector.broadcast %jit3A_2000 : i32 to vector<16xi32>
        %broadcast_in_dim3A_2003 = vector.broadcast %jit3A_2001 : i32 to vector<16xi32>
        %select_n3A_2004 = arith.select %eq3A_1999, %broadcast_in_dim3A_2002, %broadcast_in_dim3A_2003 : vector<16xi1>, vector<16xi32>
        %cumsum3A_2005 = arith.constant true
        %cumsum3A_2006 = vector.broadcast %cumsum3A_2005 : i1 to vector<16xi1>
        %cumsum3A_2007 = tpu.scan <sum>, %select_n3A_2004 masked %cumsum3A_2006 : vector<16xi32>, vector<16xi1> -> vector<16xi32>
        %sub3A_2008 = arith.subi %cumsum3A_2007, %select_n3A_2004 : vector<16xi32>
        %add3A_2009 = vector.broadcast %scan3A_1950 : i32 to vector<16xi32>
        %add3A_2010 = arith.addi %add3A_2009, %sub3A_2008 : vector<16xi32>
        %select_n3A_2011 = arith.select %eq3A_1999, %add3A_2010, %select_n3A_1991 : vector<16xi1>, vector<16xi32>
        %reduce_sum3A_2012 = arith.constant true
        %reduce_sum3A_2013 = vector.broadcast %reduce_sum3A_2012 : i1 to vector<16xi1>
        %reduce_sum3A_2014 = tpu.scan <sum>, %select_n3A_2004 masked %reduce_sum3A_2013 : vector<16xi32>, vector<16xi1> -> vector<16xi32>
        %reduce_sum3A_2015 = vector.extract %reduce_sum3A_2014[15] : i32 from vector<16xi32>
        %add3A_2016 = arith.addi %scan3A_1950, %reduce_sum3A_2015 : i32
        %eq3A_2017 = arith.constant 3 : i32
        %eq3A_2018 = vector.broadcast %eq3A_2017 : i32 to vector<16xi32>
        %eq3A_2019 = arith.cmpi eq, %get3A_1958, %eq3A_2018 : vector<16xi32>
        %jit3A_2020 = arith.constant 1 : i32
        %jit3A_2021 = arith.constant 0 : i32
        %broadcast_in_dim3A_2022 = vector.broadcast %jit3A_2020 : i32 to vector<16xi32>
        %broadcast_in_dim3A_2023 = vector.broadcast %jit3A_2021 : i32 to vector<16xi32>
        %select_n3A_2024 = arith.select %eq3A_2019, %broadcast_in_dim3A_2022, %broadcast_in_dim3A_2023 : vector<16xi1>, vector<16xi32>
        %cumsum3A_2025 = arith.constant true
        %cumsum3A_2026 = vector.broadcast %cumsum3A_2025 : i1 to vector<16xi1>
        %cumsum3A_2027 = tpu.scan <sum>, %select_n3A_2024 masked %cumsum3A_2026 : vector<16xi32>, vector<16xi1> -> vector<16xi32>
        %sub3A_2028 = arith.subi %cumsum3A_2027, %select_n3A_2024 : vector<16xi32>
        %add3A_2029 = vector.broadcast %scan3A_1951 : i32 to vector<16xi32>
        %add3A_2030 = arith.addi %add3A_2029, %sub3A_2028 : vector<16xi32>
        %select_n3A_2031 = arith.select %eq3A_2019, %add3A_2030, %select_n3A_2011 : vector<16xi1>, vector<16xi32>
        %reduce_sum3A_2032 = arith.constant true
        %reduce_sum3A_2033 = vector.broadcast %reduce_sum3A_2032 : i1 to vector<16xi1>
        %reduce_sum3A_2034 = tpu.scan <sum>, %select_n3A_2024 masked %reduce_sum3A_2033 : vector<16xi32>, vector<16xi1> -> vector<16xi32>
        %reduce_sum3A_2035 = vector.extract %reduce_sum3A_2034[15] : i32 from vector<16xi32>
        %add3A_2036 = arith.addi %scan3A_1951, %reduce_sum3A_2035 : i32
        %eq3A_2037 = arith.constant 4 : i32
        %eq3A_2038 = vector.broadcast %eq3A_2037 : i32 to vector<16xi32>
        %eq3A_2039 = arith.cmpi eq, %get3A_1958, %eq3A_2038 : vector<16xi32>
        %jit3A_2040 = arith.constant 1 : i32
        %jit3A_2041 = arith.constant 0 : i32
        %broadcast_in_dim3A_2042 = vector.broadcast %jit3A_2040 : i32 to vector<16xi32>
        %broadcast_in_dim3A_2043 = vector.broadcast %jit3A_2041 : i32 to vector<16xi32>
        %select_n3A_2044 = arith.select %eq3A_2039, %broadcast_in_dim3A_2042, %broadcast_in_dim3A_2043 : vector<16xi1>, vector<16xi32>
        %cumsum3A_2045 = arith.constant true
        %cumsum3A_2046 = vector.broadcast %cumsum3A_2045 : i1 to vector<16xi1>
        %cumsum3A_2047 = tpu.scan <sum>, %select_n3A_2044 masked %cumsum3A_2046 : vector<16xi32>, vector<16xi1> -> vector<16xi32>
        %sub3A_2048 = arith.subi %cumsum3A_2047, %select_n3A_2044 : vector<16xi32>
        %add3A_2049 = vector.broadcast %scan3A_1952 : i32 to vector<16xi32>
        %add3A_2050 = arith.addi %add3A_2049, %sub3A_2048 : vector<16xi32>
        %select_n3A_2051 = arith.select %eq3A_2039, %add3A_2050, %select_n3A_2031 : vector<16xi1>, vector<16xi32>
        %reduce_sum3A_2052 = arith.constant true
        %reduce_sum3A_2053 = vector.broadcast %reduce_sum3A_2052 : i1 to vector<16xi1>
        %reduce_sum3A_2054 = tpu.scan <sum>, %select_n3A_2044 masked %reduce_sum3A_2053 : vector<16xi32>, vector<16xi1> -> vector<16xi32>
        %reduce_sum3A_2055 = vector.extract %reduce_sum3A_2054[15] : i32 from vector<16xi32>
        %add3A_2056 = arith.addi %scan3A_1952, %reduce_sum3A_2055 : i32
        %eq3A_2057 = arith.constant 5 : i32
        %eq3A_2058 = vector.broadcast %eq3A_2057 : i32 to vector<16xi32>
        %eq3A_2059 = arith.cmpi eq, %get3A_1958, %eq3A_2058 : vector<16xi32>
        %jit3A_2060 = arith.constant 1 : i32
        %jit3A_2061 = arith.constant 0 : i32
        %broadcast_in_dim3A_2062 = vector.broadcast %jit3A_2060 : i32 to vector<16xi32>
        %broadcast_in_dim3A_2063 = vector.broadcast %jit3A_2061 : i32 to vector<16xi32>
        %select_n3A_2064 = arith.select %eq3A_2059, %broadcast_in_dim3A_2062, %broadcast_in_dim3A_2063 : vector<16xi1>, vector<16xi32>
        %cumsum3A_2065 = arith.constant true
        %cumsum3A_2066 = vector.broadcast %cumsum3A_2065 : i1 to vector<16xi1>
        %cumsum3A_2067 = tpu.scan <sum>, %select_n3A_2064 masked %cumsum3A_2066 : vector<16xi32>, vector<16xi1> -> vector<16xi32>
        %sub3A_2068 = arith.subi %cumsum3A_2067, %select_n3A_2064 : vector<16xi32>
        %add3A_2069 = vector.broadcast %scan3A_1953 : i32 to vector<16xi32>
        %add3A_2070 = arith.addi %add3A_2069, %sub3A_2068 : vector<16xi32>
        %select_n3A_2071 = arith.select %eq3A_2059, %add3A_2070, %select_n3A_2051 : vector<16xi1>, vector<16xi32>
        %reduce_sum3A_2072 = arith.constant true
        %reduce_sum3A_2073 = vector.broadcast %reduce_sum3A_2072 : i1 to vector<16xi1>
        %reduce_sum3A_2074 = tpu.scan <sum>, %select_n3A_2064 masked %reduce_sum3A_2073 : vector<16xi32>, vector<16xi1> -> vector<16xi32>
        %reduce_sum3A_2075 = vector.extract %reduce_sum3A_2074[15] : i32 from vector<16xi32>
        %add3A_2076 = arith.addi %scan3A_1953, %reduce_sum3A_2075 : i32
        %eq3A_2077 = arith.constant 6 : i32
        %eq3A_2078 = vector.broadcast %eq3A_2077 : i32 to vector<16xi32>
        %eq3A_2079 = arith.cmpi eq, %get3A_1958, %eq3A_2078 : vector<16xi32>
        %jit3A_2080 = arith.constant 1 : i32
        %jit3A_2081 = arith.constant 0 : i32
        %broadcast_in_dim3A_2082 = vector.broadcast %jit3A_2080 : i32 to vector<16xi32>
        %broadcast_in_dim3A_2083 = vector.broadcast %jit3A_2081 : i32 to vector<16xi32>
        %select_n3A_2084 = arith.select %eq3A_2079, %broadcast_in_dim3A_2082, %broadcast_in_dim3A_2083 : vector<16xi1>, vector<16xi32>
        %cumsum3A_2085 = arith.constant true
        %cumsum3A_2086 = vector.broadcast %cumsum3A_2085 : i1 to vector<16xi1>
        %cumsum3A_2087 = tpu.scan <sum>, %select_n3A_2084 masked %cumsum3A_2086 : vector<16xi32>, vector<16xi1> -> vector<16xi32>
        %sub3A_2088 = arith.subi %cumsum3A_2087, %select_n3A_2084 : vector<16xi32>
        %add3A_2089 = vector.broadcast %scan3A_1954 : i32 to vector<16xi32>
        %add3A_2090 = arith.addi %add3A_2089, %sub3A_2088 : vector<16xi32>
        %select_n3A_2091 = arith.select %eq3A_2079, %add3A_2090, %select_n3A_2071 : vector<16xi1>, vector<16xi32>
        %reduce_sum3A_2092 = arith.constant true
        %reduce_sum3A_2093 = vector.broadcast %reduce_sum3A_2092 : i1 to vector<16xi1>
        %reduce_sum3A_2094 = tpu.scan <sum>, %select_n3A_2084 masked %reduce_sum3A_2093 : vector<16xi32>, vector<16xi1> -> vector<16xi32>
        %reduce_sum3A_2095 = vector.extract %reduce_sum3A_2094[15] : i32 from vector<16xi32>
        %add3A_2096 = arith.addi %scan3A_1954, %reduce_sum3A_2095 : i32
        %eq3A_2097 = arith.constant 7 : i32
        %eq3A_2098 = vector.broadcast %eq3A_2097 : i32 to vector<16xi32>
        %eq3A_2099 = arith.cmpi eq, %get3A_1958, %eq3A_2098 : vector<16xi32>
        %jit3A_2100 = arith.constant 1 : i32
        %jit3A_2101 = arith.constant 0 : i32
        %broadcast_in_dim3A_2102 = vector.broadcast %jit3A_2100 : i32 to vector<16xi32>
        %broadcast_in_dim3A_2103 = vector.broadcast %jit3A_2101 : i32 to vector<16xi32>
        %select_n3A_2104 = arith.select %eq3A_2099, %broadcast_in_dim3A_2102, %broadcast_in_dim3A_2103 : vector<16xi1>, vector<16xi32>
        %cumsum3A_2105 = arith.constant true
        %cumsum3A_2106 = vector.broadcast %cumsum3A_2105 : i1 to vector<16xi1>
        %cumsum3A_2107 = tpu.scan <sum>, %select_n3A_2104 masked %cumsum3A_2106 : vector<16xi32>, vector<16xi1> -> vector<16xi32>
        %sub3A_2108 = arith.subi %cumsum3A_2107, %select_n3A_2104 : vector<16xi32>
        %add3A_2109 = vector.broadcast %scan3A_1955 : i32 to vector<16xi32>
        %add3A_2110 = arith.addi %add3A_2109, %sub3A_2108 : vector<16xi32>
        %select_n3A_2111 = arith.select %eq3A_2099, %add3A_2110, %select_n3A_2091 : vector<16xi1>, vector<16xi32>
        %reduce_sum3A_2112 = arith.constant true
        %reduce_sum3A_2113 = vector.broadcast %reduce_sum3A_2112 : i1 to vector<16xi1>
        %reduce_sum3A_2114 = tpu.scan <sum>, %select_n3A_2104 masked %reduce_sum3A_2113 : vector<16xi32>, vector<16xi1> -> vector<16xi32>
        %reduce_sum3A_2115 = vector.extract %reduce_sum3A_2114[15] : i32 from vector<16xi32>
        %add3A_2116 = arith.addi %scan3A_1955, %reduce_sum3A_2115 : i32
        %swap3A_2117 = arith.index_cast %mul3A_1957 : i32 to index
        %swap3A_2118 = tpu.vector_load %arg14[%swap3A_2117] {strides = array<i32>} : memref<256xi32, #tpu.memory_space<vmem>>, vector<16xi32>,
        tpu.vector_store %arg14[%swap3A_2117], %select_n3A_2111 {strides = array<i32>} : memref<256xi32, #tpu.memory_space<vmem>>, vector<16xi32>,
        %get3A_2119 = arith.index_cast %mul3A_1957 : i32 to index
        %get3A_2120 = tpu.vector_load %arg11[%get3A_2119] {strides = array<i32>} : memref<256xi32, #tpu.memory_space<vmem>>, vector<16xi32>,
        %eq3A_2121 = arith.constant 0 : i32
        %eq3A_2122 = vector.broadcast %eq3A_2121 : i32 to vector<16xi32>
        %eq3A_2123 = arith.cmpi eq, %get3A_2120, %eq3A_2122 : vector<16xi32>
        %jit3A_2124 = arith.constant 1 : i32
        %jit3A_2125 = arith.constant 0 : i32
        %broadcast_in_dim3A_2126 = vector.broadcast %jit3A_2124 : i32 to vector<16xi32>
        %broadcast_in_dim3A_2127 = vector.broadcast %jit3A_2125 : i32 to vector<16xi32>
        %select_n3A_2128 = arith.select %eq3A_2123, %broadcast_in_dim3A_2126, %broadcast_in_dim3A_2127 : vector<16xi1>, vector<16xi32>
        %cumsum3A_2129 = arith.constant true
        %cumsum3A_2130 = vector.broadcast %cumsum3A_2129 : i1 to vector<16xi1>
        %cumsum3A_2131 = tpu.scan <sum>, %select_n3A_2128 masked %cumsum3A_2130 : vector<16xi32>, vector<16xi1> -> vector<16xi32>
        %sub3A_2132 = arith.subi %cumsum3A_2131, %select_n3A_2128 : vector<16xi32>
        %add3A_2133 = vector.broadcast %add3A_1976 : i32 to vector<16xi32>
        %add3A_2134 = arith.addi %add3A_2133, %sub3A_2132 : vector<16xi32>
        %select_n3A_2135 = arith.select %eq3A_2123, %add3A_2134, %broadcast_in_dim3A_3 : vector<16xi1>, vector<16xi32>
        %reduce_sum3A_2136 = arith.constant true
        %reduce_sum3A_2137 = vector.broadcast %reduce_sum3A_2136 : i1 to vector<16xi1>
        %reduce_sum3A_2138 = tpu.scan <sum>, %select_n3A_2128 masked %reduce_sum3A_2137 : vector<16xi32>, vector<16xi1> -> vector<16xi32>
        %reduce_sum3A_2139 = vector.extract %reduce_sum3A_2138[15] : i32 from vector<16xi32>
        %add3A_2140 = arith.addi %add3A_1976, %reduce_sum3A_2139 : i32
        %eq3A_2141 = arith.constant 1 : i32
        %eq3A_2142 = vector.broadcast %eq3A_2141 : i32 to vector<16xi32>
        %eq3A_2143 = arith.cmpi eq, %get3A_2120, %eq3A_2142 : vector<16xi32>
        %jit3A_2144 = arith.constant 1 : i32
        %jit3A_2145 = arith.constant 0 : i32
        %broadcast_in_dim3A_2146 = vector.broadcast %jit3A_2144 : i32 to vector<16xi32>
        %broadcast_in_dim3A_2147 = vector.broadcast %jit3A_2145 : i32 to vector<16xi32>
        %select_n3A_2148 = arith.select %eq3A_2143, %broadcast_in_dim3A_2146, %broadcast_in_dim3A_2147 : vector<16xi1>, vector<16xi32>
        %cumsum3A_2149 = arith.constant true
        %cumsum3A_2150 = vector.broadcast %cumsum3A_2149 : i1 to vector<16xi1>
        %cumsum3A_2151 = tpu.scan <sum>, %select_n3A_2148 masked %cumsum3A_2150 : vector<16xi32>, vector<16xi1> -> vector<16xi32>
        %sub3A_2152 = arith.subi %cumsum3A_2151, %select_n3A_2148 : vector<16xi32>
        %add3A_2153 = vector.broadcast %add3A_1996 : i32 to vector<16xi32>
        %add3A_2154 = arith.addi %add3A_2153, %sub3A_2152 : vector<16xi32>
        %select_n3A_2155 = arith.select %eq3A_2143, %add3A_2154, %select_n3A_2135 : vector<16xi1>, vector<16xi32>
        %reduce_sum3A_2156 = arith.constant true
        %reduce_sum3A_2157 = vector.broadcast %reduce_sum3A_2156 : i1 to vector<16xi1>
        %reduce_sum3A_2158 = tpu.scan <sum>, %select_n3A_2148 masked %reduce_sum3A_2157 : vector<16xi32>, vector<16xi1> -> vector<16xi32>
        %reduce_sum3A_2159 = vector.extract %reduce_sum3A_2158[15] : i32 from vector<16xi32>
        %add3A_2160 = arith.addi %add3A_1996, %reduce_sum3A_2159 : i32
        %eq3A_2161 = arith.constant 2 : i32
        %eq3A_2162 = vector.broadcast %eq3A_2161 : i32 to vector<16xi32>
        %eq3A_2163 = arith.cmpi eq, %get3A_2120, %eq3A_2162 : vector<16xi32>
        %jit3A_2164 = arith.constant 1 : i32
        %jit3A_2165 = arith.constant 0 : i32
        %broadcast_in_dim3A_2166 = vector.broadcast %jit3A_2164 : i32 to vector<16xi32>
        %broadcast_in_dim3A_2167 = vector.broadcast %jit3A_2165 : i32 to vector<16xi32>
        %select_n3A_2168 = arith.select %eq3A_2163, %broadcast_in_dim3A_2166, %broadcast_in_dim3A_2167 : vector<16xi1>, vector<16xi32>
        %cumsum3A_2169 = arith.constant true
        %cumsum3A_2170 = vector.broadcast %cumsum3A_2169 : i1 to vector<16xi1>
        %cumsum3A_2171 = tpu.scan <sum>, %select_n3A_2168 masked %cumsum3A_2170 : vector<16xi32>, vector<16xi1> -> vector<16xi32>
        %sub3A_2172 = arith.subi %cumsum3A_2171, %select_n3A_2168 : vector<16xi32>
        %add3A_2173 = vector.broadcast %add3A_2016 : i32 to vector<16xi32>
        %add3A_2174 = arith.addi %add3A_2173, %sub3A_2172 : vector<16xi32>
        %select_n3A_2175 = arith.select %eq3A_2163, %add3A_2174, %select_n3A_2155 : vector<16xi1>, vector<16xi32>
        %reduce_sum3A_2176 = arith.constant true
        %reduce_sum3A_2177 = vector.broadcast %reduce_sum3A_2176 : i1 to vector<16xi1>
        %reduce_sum3A_2178 = tpu.scan <sum>, %select_n3A_2168 masked %reduce_sum3A_2177 : vector<16xi32>, vector<16xi1> -> vector<16xi32>
        %reduce_sum3A_2179 = vector.extract %reduce_sum3A_2178[15] : i32 from vector<16xi32>
        %add3A_2180 = arith.addi %add3A_2016, %reduce_sum3A_2179 : i32
        %eq3A_2181 = arith.constant 3 : i32
        %eq3A_2182 = vector.broadcast %eq3A_2181 : i32 to vector<16xi32>
        %eq3A_2183 = arith.cmpi eq, %get3A_2120, %eq3A_2182 : vector<16xi32>
        %jit3A_2184 = arith.constant 1 : i32
        %jit3A_2185 = arith.constant 0 : i32
        %broadcast_in_dim3A_2186 = vector.broadcast %jit3A_2184 : i32 to vector<16xi32>
        %broadcast_in_dim3A_2187 = vector.broadcast %jit3A_2185 : i32 to vector<16xi32>
        %select_n3A_2188 = arith.select %eq3A_2183, %broadcast_in_dim3A_2186, %broadcast_in_dim3A_2187 : vector<16xi1>, vector<16xi32>
        %cumsum3A_2189 = arith.constant true
        %cumsum3A_2190 = vector.broadcast %cumsum3A_2189 : i1 to vector<16xi1>
        %cumsum3A_2191 = tpu.scan <sum>, %select_n3A_2188 masked %cumsum3A_2190 : vector<16xi32>, vector<16xi1> -> vector<16xi32>
        %sub3A_2192 = arith.subi %cumsum3A_2191, %select_n3A_2188 : vector<16xi32>
        %add3A_2193 = vector.broadcast %add3A_2036 : i32 to vector<16xi32>
        %add3A_2194 = arith.addi %add3A_2193, %sub3A_2192 : vector<16xi32>
        %select_n3A_2195 = arith.select %eq3A_2183, %add3A_2194, %select_n3A_2175 : vector<16xi1>, vector<16xi32>
        %reduce_sum3A_2196 = arith.constant true
        %reduce_sum3A_2197 = vector.broadcast %reduce_sum3A_2196 : i1 to vector<16xi1>
        %reduce_sum3A_2198 = tpu.scan <sum>, %select_n3A_2188 masked %reduce_sum3A_2197 : vector<16xi32>, vector<16xi1> -> vector<16xi32>
        %reduce_sum3A_2199 = vector.extract %reduce_sum3A_2198[15] : i32 from vector<16xi32>
        %add3A_2200 = arith.addi %add3A_2036, %reduce_sum3A_2199 : i32
        %eq3A_2201 = arith.constant 4 : i32
        %eq3A_2202 = vector.broadcast %eq3A_2201 : i32 to vector<16xi32>
        %eq3A_2203 = arith.cmpi eq, %get3A_2120, %eq3A_2202 : vector<16xi32>
        %jit3A_2204 = arith.constant 1 : i32
        %jit3A_2205 = arith.constant 0 : i32
        %broadcast_in_dim3A_2206 = vector.broadcast %jit3A_2204 : i32 to vector<16xi32>
        %broadcast_in_dim3A_2207 = vector.broadcast %jit3A_2205 : i32 to vector<16xi32>
        %select_n3A_2208 = arith.select %eq3A_2203, %broadcast_in_dim3A_2206, %broadcast_in_dim3A_2207 : vector<16xi1>, vector<16xi32>
        %cumsum3A_2209 = arith.constant true
        %cumsum3A_2210 = vector.broadcast %cumsum3A_2209 : i1 to vector<16xi1>
        %cumsum3A_2211 = tpu.scan <sum>, %select_n3A_2208 masked %cumsum3A_2210 : vector<16xi32>, vector<16xi1> -> vector<16xi32>
        %sub3A_2212 = arith.subi %cumsum3A_2211, %select_n3A_2208 : vector<16xi32>
        %add3A_2213 = vector.broadcast %add3A_2056 : i32 to vector<16xi32>
        %add3A_2214 = arith.addi %add3A_2213, %sub3A_2212 : vector<16xi32>
        %select_n3A_2215 = arith.select %eq3A_2203, %add3A_2214, %select_n3A_2195 : vector<16xi1>, vector<16xi32>
        %reduce_sum3A_2216 = arith.constant true
        %reduce_sum3A_2217 = vector.broadcast %reduce_sum3A_2216 : i1 to vector<16xi1>
        %reduce_sum3A_2218 = tpu.scan <sum>, %select_n3A_2208 masked %reduce_sum3A_2217 : vector<16xi32>, vector<16xi1> -> vector<16xi32>
        %reduce_sum3A_2219 = vector.extract %reduce_sum3A_2218[15] : i32 from vector<16xi32>
        %add3A_2220 = arith.addi %add3A_2056, %reduce_sum3A_2219 : i32
        %eq3A_2221 = arith.constant 5 : i32
        %eq3A_2222 = vector.broadcast %eq3A_2221 : i32 to vector<16xi32>
        %eq3A_2223 = arith.cmpi eq, %get3A_2120, %eq3A_2222 : vector<16xi32>
        %jit3A_2224 = arith.constant 1 : i32
        %jit3A_2225 = arith.constant 0 : i32
        %broadcast_in_dim3A_2226 = vector.broadcast %jit3A_2224 : i32 to vector<16xi32>
        %broadcast_in_dim3A_2227 = vector.broadcast %jit3A_2225 : i32 to vector<16xi32>
        %select_n3A_2228 = arith.select %eq3A_2223, %broadcast_in_dim3A_2226, %broadcast_in_dim3A_2227 : vector<16xi1>, vector<16xi32>
        %cumsum3A_2229 = arith.constant true
        %cumsum3A_2230 = vector.broadcast %cumsum3A_2229 : i1 to vector<16xi1>
        %cumsum3A_2231 = tpu.scan <sum>, %select_n3A_2228 masked %cumsum3A_2230 : vector<16xi32>, vector<16xi1> -> vector<16xi32>
        %sub3A_2232 = arith.subi %cumsum3A_2231, %select_n3A_2228 : vector<16xi32>
        %add3A_2233 = vector.broadcast %add3A_2076 : i32 to vector<16xi32>
        %add3A_2234 = arith.addi %add3A_2233, %sub3A_2232 : vector<16xi32>
        %select_n3A_2235 = arith.select %eq3A_2223, %add3A_2234, %select_n3A_2215 : vector<16xi1>, vector<16xi32>
        %reduce_sum3A_2236 = arith.constant true
        %reduce_sum3A_2237 = vector.broadcast %reduce_sum3A_2236 : i1 to vector<16xi1>
        %reduce_sum3A_2238 = tpu.scan <sum>, %select_n3A_2228 masked %reduce_sum3A_2237 : vector<16xi32>, vector<16xi1> -> vector<16xi32>
        %reduce_sum3A_2239 = vector.extract %reduce_sum3A_2238[15] : i32 from vector<16xi32>
        %add3A_2240 = arith.addi %add3A_2076, %reduce_sum3A_2239 : i32
        %eq3A_2241 = arith.constant 6 : i32
        %eq3A_2242 = vector.broadcast %eq3A_2241 : i32 to vector<16xi32>
        %eq3A_2243 = arith.cmpi eq, %get3A_2120, %eq3A_2242 : vector<16xi32>
        %jit3A_2244 = arith.constant 1 : i32
        %jit3A_2245 = arith.constant 0 : i32
        %broadcast_in_dim3A_2246 = vector.broadcast %jit3A_2244 : i32 to vector<16xi32>
        %broadcast_in_dim3A_2247 = vector.broadcast %jit3A_2245 : i32 to vector<16xi32>
        %select_n3A_2248 = arith.select %eq3A_2243, %broadcast_in_dim3A_2246, %broadcast_in_dim3A_2247 : vector<16xi1>, vector<16xi32>
        %cumsum3A_2249 = arith.constant true
        %cumsum3A_2250 = vector.broadcast %cumsum3A_2249 : i1 to vector<16xi1>
        %cumsum3A_2251 = tpu.scan <sum>, %select_n3A_2248 masked %cumsum3A_2250 : vector<16xi32>, vector<16xi1> -> vector<16xi32>
        %sub3A_2252 = arith.subi %cumsum3A_2251, %select_n3A_2248 : vector<16xi32>
        %add3A_2253 = vector.broadcast %add3A_2096 : i32 to vector<16xi32>
        %add3A_2254 = arith.addi %add3A_2253, %sub3A_2252 : vector<16xi32>
        %select_n3A_2255 = arith.select %eq3A_2243, %add3A_2254, %select_n3A_2235 : vector<16xi1>, vector<16xi32>
        %reduce_sum3A_2256 = arith.constant true
        %reduce_sum3A_2257 = vector.broadcast %reduce_sum3A_2256 : i1 to vector<16xi1>
        %reduce_sum3A_2258 = tpu.scan <sum>, %select_n3A_2248 masked %reduce_sum3A_2257 : vector<16xi32>, vector<16xi1> -> vector<16xi32>
        %reduce_sum3A_2259 = vector.extract %reduce_sum3A_2258[15] : i32 from vector<16xi32>
        %add3A_2260 = arith.addi %add3A_2096, %reduce_sum3A_2259 : i32
        %eq3A_2261 = arith.constant 7 : i32
        %eq3A_2262 = vector.broadcast %eq3A_2261 : i32 to vector<16xi32>
        %eq3A_2263 = arith.cmpi eq, %get3A_2120, %eq3A_2262 : vector<16xi32>
        %jit3A_2264 = arith.constant 1 : i32
        %jit3A_2265 = arith.constant 0 : i32
        %broadcast_in_dim3A_2266 = vector.broadcast %jit3A_2264 : i32 to vector<16xi32>
        %broadcast_in_dim3A_2267 = vector.broadcast %jit3A_2265 : i32 to vector<16xi32>
        %select_n3A_2268 = arith.select %eq3A_2263, %broadcast_in_dim3A_2266, %broadcast_in_dim3A_2267 : vector<16xi1>, vector<16xi32>
        %cumsum3A_2269 = arith.constant true
        %cumsum3A_2270 = vector.broadcast %cumsum3A_2269 : i1 to vector<16xi1>
        %cumsum3A_2271 = tpu.scan <sum>, %select_n3A_2268 masked %cumsum3A_2270 : vector<16xi32>, vector<16xi1> -> vector<16xi32>
        %sub3A_2272 = arith.subi %cumsum3A_2271, %select_n3A_2268 : vector<16xi32>
        %add3A_2273 = vector.broadcast %add3A_2116 : i32 to vector<16xi32>
        %add3A_2274 = arith.addi %add3A_2273, %sub3A_2272 : vector<16xi32>
        %select_n3A_2275 = arith.select %eq3A_2263, %add3A_2274, %select_n3A_2255 : vector<16xi1>, vector<16xi32>
        %reduce_sum3A_2276 = arith.constant true
        %reduce_sum3A_2277 = vector.broadcast %reduce_sum3A_2276 : i1 to vector<16xi1>
        %reduce_sum3A_2278 = tpu.scan <sum>, %select_n3A_2268 masked %reduce_sum3A_2277 : vector<16xi32>, vector<16xi1> -> vector<16xi32>
        %reduce_sum3A_2279 = vector.extract %reduce_sum3A_2278[15] : i32 from vector<16xi32>
        %add3A_2280 = arith.addi %add3A_2116, %reduce_sum3A_2279 : i32
        %swap3A_2281 = arith.index_cast %mul3A_1957 : i32 to index
        %swap3A_2282 = tpu.vector_load %arg15[%swap3A_2281] {strides = array<i32>} : memref<256xi32, #tpu.memory_space<vmem>>, vector<16xi32>,
        tpu.vector_store %arg15[%swap3A_2281], %select_n3A_2275 {strides = array<i32>} : memref<256xi32, #tpu.memory_space<vmem>>, vector<16xi32>,
        scf.yield %add3A_2140, %add3A_2160, %add3A_2180, %add3A_2200, %add3A_2220, %add3A_2240, %add3A_2260, %add3A_2280 : i32, i32, i32, i32, i32, i32, i32, i32
      }
      %scan3A_1169 = arith.constant 16 : i32
      %add3A_1170 = arith.constant 127 : i32
      %add3A_1171 = arith.addi %scan3A_1168#0, %add3A_1170 : i32
      %jit3A = arith.constant 128 : i32
      %div3A = arith.divsi %add3A_1171, %jit3A : i32
      %sign3A = arith.constant 0 : i32
      %sign3A_1172 = arith.cmpi sgt, %add3A_1171, %sign3A : i32
      %sign3A_1173 = arith.extui %sign3A_1172 : i1 to i32
      %sign3A_1174 = arith.constant 0 : i32
      %sign3A_1175 = arith.cmpi slt, %add3A_1171, %sign3A_1174 : i32
      %sign3A_1176 = arith.extui %sign3A_1175 : i1 to i32
      %sign3A_1177 = arith.subi %sign3A_1173, %sign3A_1176 : i32
      %sign3A_1178 = arith.constant 0 : i32
      %sign3A_1179 = arith.cmpi sgt, %jit3A, %sign3A_1178 : i32
      %sign3A_1180 = arith.extui %sign3A_1179 : i1 to i32
      %sign3A_1181 = arith.constant 0 : i32
      %sign3A_1182 = arith.cmpi slt, %jit3A, %sign3A_1181 : i32
      %sign3A_1183 = arith.extui %sign3A_1182 : i1 to i32
      %sign3A_1184 = arith.subi %sign3A_1180, %sign3A_1183 : i32
      %ne3A = arith.cmpi ne, %sign3A_1177, %sign3A_1184 : i32
      %rem3A = arith.remsi %add3A_1171, %jit3A : i32
      %ne3A_1185 = arith.constant 0 : i32
      %ne3A_1186 = arith.cmpi ne, %rem3A, %ne3A_1185 : i32
      %and3A = arith.andi %ne3A, %ne3A_1186 : i1
      %sub3A = arith.constant 1 : i32
      %sub3A_1187 = arith.subi %div3A, %sub3A : i32
      %select_n3A = arith.select %and3A, %sub3A_1187, %div3A : i32
      %mul3A_1188 = arith.constant 128 : i32
      %mul3A_1189 = arith.muli %select_n3A, %mul3A_1188 : i32
      %add3A_1190 = arith.constant 0 : i32
      %add3A_1191 = arith.addi %add3A_1190, %mul3A_1189 : i32
      %gt3A = arith.constant 0 : i32
      %gt3A_1192 = arith.cmpi sgt, %scan3A_1168#0, %gt3A : i32
      %jit3A_1193 = arith.constant 0 : i32
      %jit3A_1194 = arith.constant 0 : i32
      %select_n3A_1195 = arith.select %gt3A_1192, %jit3A_1193, %jit3A_1194 : i32
      %add3A_1196 = arith.constant 127 : i32
      %add3A_1197 = arith.addi %scan3A_1168#1, %add3A_1196 : i32
      %jit3A_1198 = arith.constant 128 : i32
      %div3A_1199 = arith.divsi %add3A_1197, %jit3A_1198 : i32
      %sign3A_1200 = arith.constant 0 : i32
      %sign3A_1201 = arith.cmpi sgt, %add3A_1197, %sign3A_1200 : i32
      %sign3A_1202 = arith.extui %sign3A_1201 : i1 to i32
      %sign3A_1203 = arith.constant 0 : i32
      %sign3A_1204 = arith.cmpi slt, %add3A_1197, %sign3A_1203 : i32
      %sign3A_1205 = arith.extui %sign3A_1204 : i1 to i32
      %sign3A_1206 = arith.subi %sign3A_1202, %sign3A_1205 : i32
      %sign3A_1207 = arith.constant 0 : i32
      %sign3A_1208 = arith.cmpi sgt, %jit3A_1198, %sign3A_1207 : i32
      %sign3A_1209 = arith.extui %sign3A_1208 : i1 to i32
      %sign3A_1210 = arith.constant 0 : i32
      %sign3A_1211 = arith.cmpi slt, %jit3A_1198, %sign3A_1210 : i32
      %sign3A_1212 = arith.extui %sign3A_1211 : i1 to i32
      %sign3A_1213 = arith.subi %sign3A_1209, %sign3A_1212 : i32
      %ne3A_1214 = arith.cmpi ne, %sign3A_1206, %sign3A_1213 : i32
      %rem3A_1215 = arith.remsi %add3A_1197, %jit3A_1198 : i32
      %ne3A_1216 = arith.constant 0 : i32
      %ne3A_1217 = arith.cmpi ne, %rem3A_1215, %ne3A_1216 : i32
      %and3A_1218 = arith.andi %ne3A_1214, %ne3A_1217 : i1
      %sub3A_1219 = arith.constant 1 : i32
      %sub3A_1220 = arith.subi %div3A_1199, %sub3A_1219 : i32
      %select_n3A_1221 = arith.select %and3A_1218, %sub3A_1220, %div3A_1199 : i32
      %mul3A_1222 = arith.constant 128 : i32
      %mul3A_1223 = arith.muli %select_n3A_1221, %mul3A_1222 : i32
      %add3A_1224 = arith.addi %add3A_1191, %mul3A_1223 : i32
      %gt3A_1225 = arith.constant 0 : i32
      %gt3A_1226 = arith.cmpi sgt, %scan3A_1168#1, %gt3A_1225 : i32
      %jit3A_1227 = arith.constant 1 : i32
      %select_n3A_1228 = arith.select %gt3A_1226, %jit3A_1227, %select_n3A_1195 : i32
      %add3A_1229 = arith.constant 127 : i32
      %add3A_1230 = arith.addi %scan3A_1168#2, %add3A_1229 : i32
      %jit3A_1231 = arith.constant 128 : i32
      %div3A_1232 = arith.divsi %add3A_1230, %jit3A_1231 : i32
      %sign3A_1233 = arith.constant 0 : i32
      %sign3A_1234 = arith.cmpi sgt, %add3A_1230, %sign3A_1233 : i32
      %sign3A_1235 = arith.extui %sign3A_1234 : i1 to i32
      %sign3A_1236 = arith.constant 0 : i32
      %sign3A_1237 = arith.cmpi slt, %add3A_1230, %sign3A_1236 : i32
      %sign3A_1238 = arith.extui %sign3A_1237 : i1 to i32
      %sign3A_1239 = arith.subi %sign3A_1235, %sign3A_1238 : i32
      %sign3A_1240 = arith.constant 0 : i32
      %sign3A_1241 = arith.cmpi sgt, %jit3A_1231, %sign3A_1240 : i32
      %sign3A_1242 = arith.extui %sign3A_1241 : i1 to i32
      %sign3A_1243 = arith.constant 0 : i32
      %sign3A_1244 = arith.cmpi slt, %jit3A_1231, %sign3A_1243 : i32
      %sign3A_1245 = arith.extui %sign3A_1244 : i1 to i32
      %sign3A_1246 = arith.subi %sign3A_1242, %sign3A_1245 : i32
      %ne3A_1247 = arith.cmpi ne, %sign3A_1239, %sign3A_1246 : i32
      %rem3A_1248 = arith.remsi %add3A_1230, %jit3A_1231 : i32
      %ne3A_1249 = arith.constant 0 : i32
      %ne3A_1250 = arith.cmpi ne, %rem3A_1248, %ne3A_1249 : i32
      %and3A_1251 = arith.andi %ne3A_1247, %ne3A_1250 : i1
      %sub3A_1252 = arith.constant 1 : i32
      %sub3A_1253 = arith.subi %div3A_1232, %sub3A_1252 : i32
      %select_n3A_1254 = arith.select %and3A_1251, %sub3A_1253, %div3A_1232 : i32
      %mul3A_1255 = arith.constant 128 : i32
      %mul3A_1256 = arith.muli %select_n3A_1254, %mul3A_1255 : i32
      %add3A_1257 = arith.addi %add3A_1224, %mul3A_1256 : i32
      %gt3A_1258 = arith.constant 0 : i32
      %gt3A_1259 = arith.cmpi sgt, %scan3A_1168#2, %gt3A_1258 : i32
      %jit3A_1260 = arith.constant 2 : i32
      %select_n3A_1261 = arith.select %gt3A_1259, %jit3A_1260, %select_n3A_1228 : i32
      %add3A_1262 = arith.constant 127 : i32
      %add3A_1263 = arith.addi %scan3A_1168#3, %add3A_1262 : i32
      %jit3A_1264 = arith.constant 128 : i32
      %div3A_1265 = arith.divsi %add3A_1263, %jit3A_1264 : i32
      %sign3A_1266 = arith.constant 0 : i32
      %sign3A_1267 = arith.cmpi sgt, %add3A_1263, %sign3A_1266 : i32
      %sign3A_1268 = arith.extui %sign3A_1267 : i1 to i32
      %sign3A_1269 = arith.constant 0 : i32
      %sign3A_1270 = arith.cmpi slt, %add3A_1263, %sign3A_1269 : i32
      %sign3A_1271 = arith.extui %sign3A_1270 : i1 to i32
      %sign3A_1272 = arith.subi %sign3A_1268, %sign3A_1271 : i32
      %sign3A_1273 = arith.constant 0 : i32
      %sign3A_1274 = arith.cmpi sgt, %jit3A_1264, %sign3A_1273 : i32
      %sign3A_1275 = arith.extui %sign3A_1274 : i1 to i32
      %sign3A_1276 = arith.constant 0 : i32
      %sign3A_1277 = arith.cmpi slt, %jit3A_1264, %sign3A_1276 : i32
      %sign3A_1278 = arith.extui %sign3A_1277 : i1 to i32
      %sign3A_1279 = arith.subi %sign3A_1275, %sign3A_1278 : i32
      %ne3A_1280 = arith.cmpi ne, %sign3A_1272, %sign3A_1279 : i32
      %rem3A_1281 = arith.remsi %add3A_1263, %jit3A_1264 : i32
      %ne3A_1282 = arith.constant 0 : i32
      %ne3A_1283 = arith.cmpi ne, %rem3A_1281, %ne3A_1282 : i32
      %and3A_1284 = arith.andi %ne3A_1280, %ne3A_1283 : i1
      %sub3A_1285 = arith.constant 1 : i32
      %sub3A_1286 = arith.subi %div3A_1265, %sub3A_1285 : i32
      %select_n3A_1287 = arith.select %and3A_1284, %sub3A_1286, %div3A_1265 : i32
      %mul3A_1288 = arith.constant 128 : i32
      %mul3A_1289 = arith.muli %select_n3A_1287, %mul3A_1288 : i32
      %add3A_1290 = arith.addi %add3A_1257, %mul3A_1289 : i32
      %gt3A_1291 = arith.constant 0 : i32
      %gt3A_1292 = arith.cmpi sgt, %scan3A_1168#3, %gt3A_1291 : i32
      %jit3A_1293 = arith.constant 3 : i32
      %select_n3A_1294 = arith.select %gt3A_1292, %jit3A_1293, %select_n3A_1261 : i32
      %add3A_1295 = arith.constant 127 : i32
      %add3A_1296 = arith.addi %scan3A_1168#4, %add3A_1295 : i32
      %jit3A_1297 = arith.constant 128 : i32
      %div3A_1298 = arith.divsi %add3A_1296, %jit3A_1297 : i32
      %sign3A_1299 = arith.constant 0 : i32
      %sign3A_1300 = arith.cmpi sgt, %add3A_1296, %sign3A_1299 : i32
      %sign3A_1301 = arith.extui %sign3A_1300 : i1 to i32
      %sign3A_1302 = arith.constant 0 : i32
      %sign3A_1303 = arith.cmpi slt, %add3A_1296, %sign3A_1302 : i32
      %sign3A_1304 = arith.extui %sign3A_1303 : i1 to i32
      %sign3A_1305 = arith.subi %sign3A_1301, %sign3A_1304 : i32
      %sign3A_1306 = arith.constant 0 : i32
      %sign3A_1307 = arith.cmpi sgt, %jit3A_1297, %sign3A_1306 : i32
      %sign3A_1308 = arith.extui %sign3A_1307 : i1 to i32
      %sign3A_1309 = arith.constant 0 : i32
      %sign3A_1310 = arith.cmpi slt, %jit3A_1297, %sign3A_1309 : i32
      %sign3A_1311 = arith.extui %sign3A_1310 : i1 to i32
      %sign3A_1312 = arith.subi %sign3A_1308, %sign3A_1311 : i32
      %ne3A_1313 = arith.cmpi ne, %sign3A_1305, %sign3A_1312 : i32
      %rem3A_1314 = arith.remsi %add3A_1296, %jit3A_1297 : i32
      %ne3A_1315 = arith.constant 0 : i32
      %ne3A_1316 = arith.cmpi ne, %rem3A_1314, %ne3A_1315 : i32
      %and3A_1317 = arith.andi %ne3A_1313, %ne3A_1316 : i1
      %sub3A_1318 = arith.constant 1 : i32
      %sub3A_1319 = arith.subi %div3A_1298, %sub3A_1318 : i32
      %select_n3A_1320 = arith.select %and3A_1317, %sub3A_1319, %div3A_1298 : i32
      %mul3A_1321 = arith.constant 128 : i32
      %mul3A_1322 = arith.muli %select_n3A_1320, %mul3A_1321 : i32
      %add3A_1323 = arith.addi %add3A_1290, %mul3A_1322 : i32
      %gt3A_1324 = arith.constant 0 : i32
      %gt3A_1325 = arith.cmpi sgt, %scan3A_1168#4, %gt3A_1324 : i32
      %jit3A_1326 = arith.constant 4 : i32
      %select_n3A_1327 = arith.select %gt3A_1325, %jit3A_1326, %select_n3A_1294 : i32
      %add3A_1328 = arith.constant 127 : i32
      %add3A_1329 = arith.addi %scan3A_1168#5, %add3A_1328 : i32
      %jit3A_1330 = arith.constant 128 : i32
      %div3A_1331 = arith.divsi %add3A_1329, %jit3A_1330 : i32
      %sign3A_1332 = arith.constant 0 : i32
      %sign3A_1333 = arith.cmpi sgt, %add3A_1329, %sign3A_1332 : i32
      %sign3A_1334 = arith.extui %sign3A_1333 : i1 to i32
      %sign3A_1335 = arith.constant 0 : i32
      %sign3A_1336 = arith.cmpi slt, %add3A_1329, %sign3A_1335 : i32
      %sign3A_1337 = arith.extui %sign3A_1336 : i1 to i32
      %sign3A_1338 = arith.subi %sign3A_1334, %sign3A_1337 : i32
      %sign3A_1339 = arith.constant 0 : i32
      %sign3A_1340 = arith.cmpi sgt, %jit3A_1330, %sign3A_1339 : i32
      %sign3A_1341 = arith.extui %sign3A_1340 : i1 to i32
      %sign3A_1342 = arith.constant 0 : i32
      %sign3A_1343 = arith.cmpi slt, %jit3A_1330, %sign3A_1342 : i32
      %sign3A_1344 = arith.extui %sign3A_1343 : i1 to i32
      %sign3A_1345 = arith.subi %sign3A_1341, %sign3A_1344 : i32
      %ne3A_1346 = arith.cmpi ne, %sign3A_1338, %sign3A_1345 : i32
      %rem3A_1347 = arith.remsi %add3A_1329, %jit3A_1330 : i32
      %ne3A_1348 = arith.constant 0 : i32
      %ne3A_1349 = arith.cmpi ne, %rem3A_1347, %ne3A_1348 : i32
      %and3A_1350 = arith.andi %ne3A_1346, %ne3A_1349 : i1
      %sub3A_1351 = arith.constant 1 : i32
      %sub3A_1352 = arith.subi %div3A_1331, %sub3A_1351 : i32
      %select_n3A_1353 = arith.select %and3A_1350, %sub3A_1352, %div3A_1331 : i32
      %mul3A_1354 = arith.constant 128 : i32
      %mul3A_1355 = arith.muli %select_n3A_1353, %mul3A_1354 : i32
      %add3A_1356 = arith.addi %add3A_1323, %mul3A_1355 : i32
      %gt3A_1357 = arith.constant 0 : i32
      %gt3A_1358 = arith.cmpi sgt, %scan3A_1168#5, %gt3A_1357 : i32
      %jit3A_1359 = arith.constant 5 : i32
      %select_n3A_1360 = arith.select %gt3A_1358, %jit3A_1359, %select_n3A_1327 : i32
      %add3A_1361 = arith.constant 127 : i32
      %add3A_1362 = arith.addi %scan3A_1168#6, %add3A_1361 : i32
      %jit3A_1363 = arith.constant 128 : i32
      %div3A_1364 = arith.divsi %add3A_1362, %jit3A_1363 : i32
      %sign3A_1365 = arith.constant 0 : i32
      %sign3A_1366 = arith.cmpi sgt, %add3A_1362, %sign3A_1365 : i32
      %sign3A_1367 = arith.extui %sign3A_1366 : i1 to i32
      %sign3A_1368 = arith.constant 0 : i32
      %sign3A_1369 = arith.cmpi slt, %add3A_1362, %sign3A_1368 : i32
      %sign3A_1370 = arith.extui %sign3A_1369 : i1 to i32
      %sign3A_1371 = arith.subi %sign3A_1367, %sign3A_1370 : i32
      %sign3A_1372 = arith.constant 0 : i32
      %sign3A_1373 = arith.cmpi sgt, %jit3A_1363, %sign3A_1372 : i32
      %sign3A_1374 = arith.extui %sign3A_1373 : i1 to i32
      %sign3A_1375 = arith.constant 0 : i32
      %sign3A_1376 = arith.cmpi slt, %jit3A_1363, %sign3A_1375 : i32
      %sign3A_1377 = arith.extui %sign3A_1376 : i1 to i32
      %sign3A_1378 = arith.subi %sign3A_1374, %sign3A_1377 : i32
      %ne3A_1379 = arith.cmpi ne, %sign3A_1371, %sign3A_1378 : i32
      %rem3A_1380 = arith.remsi %add3A_1362, %jit3A_1363 : i32
      %ne3A_1381 = arith.constant 0 : i32
      %ne3A_1382 = arith.cmpi ne, %rem3A_1380, %ne3A_1381 : i32
      %and3A_1383 = arith.andi %ne3A_1379, %ne3A_1382 : i1
      %sub3A_1384 = arith.constant 1 : i32
      %sub3A_1385 = arith.subi %div3A_1364, %sub3A_1384 : i32
      %select_n3A_1386 = arith.select %and3A_1383, %sub3A_1385, %div3A_1364 : i32
      %mul3A_1387 = arith.constant 128 : i32
      %mul3A_1388 = arith.muli %select_n3A_1386, %mul3A_1387 : i32
      %add3A_1389 = arith.addi %add3A_1356, %mul3A_1388 : i32
      %gt3A_1390 = arith.constant 0 : i32
      %gt3A_1391 = arith.cmpi sgt, %scan3A_1168#6, %gt3A_1390 : i32
      %jit3A_1392 = arith.constant 6 : i32
      %select_n3A_1393 = arith.select %gt3A_1391, %jit3A_1392, %select_n3A_1360 : i32
      %add3A_1394 = arith.constant 127 : i32
      %add3A_1395 = arith.addi %scan3A_1168#7, %add3A_1394 : i32
      %jit3A_1396 = arith.constant 128 : i32
      %div3A_1397 = arith.divsi %add3A_1395, %jit3A_1396 : i32
      %sign3A_1398 = arith.constant 0 : i32
      %sign3A_1399 = arith.cmpi sgt, %add3A_1395, %sign3A_1398 : i32
      %sign3A_1400 = arith.extui %sign3A_1399 : i1 to i32
      %sign3A_1401 = arith.constant 0 : i32
      %sign3A_1402 = arith.cmpi slt, %add3A_1395, %sign3A_1401 : i32
      %sign3A_1403 = arith.extui %sign3A_1402 : i1 to i32
      %sign3A_1404 = arith.subi %sign3A_1400, %sign3A_1403 : i32
      %sign3A_1405 = arith.constant 0 : i32
      %sign3A_1406 = arith.cmpi sgt, %jit3A_1396, %sign3A_1405 : i32
      %sign3A_1407 = arith.extui %sign3A_1406 : i1 to i32
      %sign3A_1408 = arith.constant 0 : i32
      %sign3A_1409 = arith.cmpi slt, %jit3A_1396, %sign3A_1408 : i32
      %sign3A_1410 = arith.extui %sign3A_1409 : i1 to i32
      %sign3A_1411 = arith.subi %sign3A_1407, %sign3A_1410 : i32
      %ne3A_1412 = arith.cmpi ne, %sign3A_1404, %sign3A_1411 : i32
      %rem3A_1413 = arith.remsi %add3A_1395, %jit3A_1396 : i32
      %ne3A_1414 = arith.constant 0 : i32
      %ne3A_1415 = arith.cmpi ne, %rem3A_1413, %ne3A_1414 : i32
      %and3A_1416 = arith.andi %ne3A_1412, %ne3A_1415 : i1
      %sub3A_1417 = arith.constant 1 : i32
      %sub3A_1418 = arith.subi %div3A_1397, %sub3A_1417 : i32
      %select_n3A_1419 = arith.select %and3A_1416, %sub3A_1418, %div3A_1397 : i32
      %mul3A_1420 = arith.constant 128 : i32
      %mul3A_1421 = arith.muli %select_n3A_1419, %mul3A_1420 : i32
      %add3A_1422 = arith.addi %add3A_1389, %mul3A_1421 : i32
      %gt3A_1423 = arith.constant 0 : i32
      %gt3A_1424 = arith.cmpi sgt, %scan3A_1168#7, %gt3A_1423 : i32
      %jit3A_1425 = arith.constant 7 : i32
      %select_n3A_1426 = arith.select %gt3A_1424, %jit3A_1425, %select_n3A_1393 : i32
      %jit3A_1427 = arith.constant 128 : i32
      %div3A_1428 = arith.divsi %add3A_1422, %jit3A_1427 : i32
      %sign3A_1429 = arith.constant 0 : i32
      %sign3A_1430 = arith.cmpi sgt, %add3A_1422, %sign3A_1429 : i32
      %sign3A_1431 = arith.extui %sign3A_1430 : i1 to i32
      %sign3A_1432 = arith.constant 0 : i32
      %sign3A_1433 = arith.cmpi slt, %add3A_1422, %sign3A_1432 : i32
      %sign3A_1434 = arith.extui %sign3A_1433 : i1 to i32
      %sign3A_1435 = arith.subi %sign3A_1431, %sign3A_1434 : i32
      %sign3A_1436 = arith.constant 0 : i32
      %sign3A_1437 = arith.cmpi sgt, %jit3A_1427, %sign3A_1436 : i32
      %sign3A_1438 = arith.extui %sign3A_1437 : i1 to i32
      %sign3A_1439 = arith.constant 0 : i32
      %sign3A_1440 = arith.cmpi slt, %jit3A_1427, %sign3A_1439 : i32
      %sign3A_1441 = arith.extui %sign3A_1440 : i1 to i32
      %sign3A_1442 = arith.subi %sign3A_1438, %sign3A_1441 : i32
      %ne3A_1443 = arith.cmpi ne, %sign3A_1435, %sign3A_1442 : i32
      %rem3A_1444 = arith.remsi %add3A_1422, %jit3A_1427 : i32
      %ne3A_1445 = arith.constant 0 : i32
      %ne3A_1446 = arith.cmpi ne, %rem3A_1444, %ne3A_1445 : i32
      %and3A_1447 = arith.andi %ne3A_1443, %ne3A_1446 : i1
      %sub3A_1448 = arith.constant 1 : i32
      %sub3A_1449 = arith.subi %div3A_1428, %sub3A_1448 : i32
      %select_n3A_1450 = arith.select %and3A_1447, %sub3A_1449, %div3A_1428 : i32
      %iota3A = tpu.iota {dimensions = array<i32: 0>} : vector<16xi32>
      %scan3A_1451 = arith.constant 0 : i32
      %scan3A_1452 = arith.constant 0 : i32
      %scan3A_1453 = arith.constant 0 : i32
      %scan3A_1454 = arith.constant 16 : i32
      %scan3A_1455 = arith.addi %scan3A_1453, %scan3A_1454 : i32
      %scan3A_1456 = arith.constant 1 : i32
      %scan3A_1457 = scf.for %scan3A_1947 = %scan3A_1453 to %scan3A_1455 step %scan3A_1456 iter_args(%scan3A_1948 = %scan3A_1452) -> (i32)  : i32 {
        %mul3A_1949 = arith.constant 16 : i32
        %mul3A_1950 = arith.muli %scan3A_1947, %mul3A_1949 : i32
        %add3A_1951 = vector.broadcast %mul3A_1950 : i32 to vector<16xi32>
        %add3A_1952 = arith.addi %add3A_1951, %iota3A : vector<16xi32>
        %get3A = arith.index_cast %mul3A_1950 : i32 to index
        %get3A_1953 = tpu.vector_load %arg10[%get3A] {strides = array<i32>} : memref<256xi32, #tpu.memory_space<vmem>>, vector<16xi32>,
        %get3A_1954 = arith.index_cast %mul3A_1950 : i32 to index
        %get3A_1955 = tpu.vector_load %arg14[%get3A_1954] {strides = array<i32>} : memref<256xi32, #tpu.memory_space<vmem>>, vector<16xi32>,
        %get3A_1956 = arith.index_cast %mul3A_1950 : i32 to index
        %get3A_1957 = tpu.vector_load %arg12[%get3A_1956] {strides = array<i32>} : memref<256xf32, #tpu.memory_space<vmem>>, vector<16xf32>,
        %eq3A_1958 = arith.constant 0 : i32
        %eq3A_1959 = vector.broadcast %eq3A_1958 : i32 to vector<16xi32>
        %eq3A_1960 = arith.cmpi eq, %get3A_1953, %eq3A_1959 : vector<16xi32>
        %add3A_1961 = vector.broadcast %scan3A_1451 : i32 to vector<16xi32>
        %add3A_1962 = arith.addi %get3A_1955, %add3A_1961 : vector<16xi32>
        %select_n3A_1963 = arith.select %eq3A_1960, %add3A_1962, %get3A_1955 : vector<16xi1>, vector<16xi32>
        %eq3A_1964 = arith.constant 1 : i32
        %eq3A_1965 = vector.broadcast %eq3A_1964 : i32 to vector<16xi32>
        %eq3A_1966 = arith.cmpi eq, %get3A_1953, %eq3A_1965 : vector<16xi32>
        %add3A_1967 = vector.broadcast %add3A_1191 : i32 to vector<16xi32>
        %add3A_1968 = arith.addi %get3A_1955, %add3A_1967 : vector<16xi32>
        %select_n3A_1969 = arith.select %eq3A_1966, %add3A_1968, %select_n3A_1963 : vector<16xi1>, vector<16xi32>
        %eq3A_1970 = arith.constant 2 : i32
        %eq3A_1971 = vector.broadcast %eq3A_1970 : i32 to vector<16xi32>
        %eq3A_1972 = arith.cmpi eq, %get3A_1953, %eq3A_1971 : vector<16xi32>
        %add3A_1973 = vector.broadcast %add3A_1224 : i32 to vector<16xi32>
        %add3A_1974 = arith.addi %get3A_1955, %add3A_1973 : vector<16xi32>
        %select_n3A_1975 = arith.select %eq3A_1972, %add3A_1974, %select_n3A_1969 : vector<16xi1>, vector<16xi32>
        %eq3A_1976 = arith.constant 3 : i32
        %eq3A_1977 = vector.broadcast %eq3A_1976 : i32 to vector<16xi32>
        %eq3A_1978 = arith.cmpi eq, %get3A_1953, %eq3A_1977 : vector<16xi32>
        %add3A_1979 = vector.broadcast %add3A_1257 : i32 to vector<16xi32>
        %add3A_1980 = arith.addi %get3A_1955, %add3A_1979 : vector<16xi32>
        %select_n3A_1981 = arith.select %eq3A_1978, %add3A_1980, %select_n3A_1975 : vector<16xi1>, vector<16xi32>
        %eq3A_1982 = arith.constant 4 : i32
        %eq3A_1983 = vector.broadcast %eq3A_1982 : i32 to vector<16xi32>
        %eq3A_1984 = arith.cmpi eq, %get3A_1953, %eq3A_1983 : vector<16xi32>
        %add3A_1985 = vector.broadcast %add3A_1290 : i32 to vector<16xi32>
        %add3A_1986 = arith.addi %get3A_1955, %add3A_1985 : vector<16xi32>
        %select_n3A_1987 = arith.select %eq3A_1984, %add3A_1986, %select_n3A_1981 : vector<16xi1>, vector<16xi32>
        %eq3A_1988 = arith.constant 5 : i32
        %eq3A_1989 = vector.broadcast %eq3A_1988 : i32 to vector<16xi32>
        %eq3A_1990 = arith.cmpi eq, %get3A_1953, %eq3A_1989 : vector<16xi32>
        %add3A_1991 = vector.broadcast %add3A_1323 : i32 to vector<16xi32>
        %add3A_1992 = arith.addi %get3A_1955, %add3A_1991 : vector<16xi32>
        %select_n3A_1993 = arith.select %eq3A_1990, %add3A_1992, %select_n3A_1987 : vector<16xi1>, vector<16xi32>
        %eq3A_1994 = arith.constant 6 : i32
        %eq3A_1995 = vector.broadcast %eq3A_1994 : i32 to vector<16xi32>
        %eq3A_1996 = arith.cmpi eq, %get3A_1953, %eq3A_1995 : vector<16xi32>
        %add3A_1997 = vector.broadcast %add3A_1356 : i32 to vector<16xi32>
        %add3A_1998 = arith.addi %get3A_1955, %add3A_1997 : vector<16xi32>
        %select_n3A_1999 = arith.select %eq3A_1996, %add3A_1998, %select_n3A_1993 : vector<16xi1>, vector<16xi32>
        %eq3A_2000 = arith.constant 7 : i32
        %eq3A_2001 = vector.broadcast %eq3A_2000 : i32 to vector<16xi32>
        %eq3A_2002 = arith.cmpi eq, %get3A_1953, %eq3A_2001 : vector<16xi32>
        %add3A_2003 = vector.broadcast %add3A_1389 : i32 to vector<16xi32>
        %add3A_2004 = arith.addi %get3A_1955, %add3A_2003 : vector<16xi32>
        %select_n3A_2005 = arith.select %eq3A_2002, %add3A_2004, %select_n3A_1999 : vector<16xi1>, vector<16xi32>
        %jit3A_2006 = arith.constant 128 : i32
        %div3A_2007 = vector.broadcast %jit3A_2006 : i32 to vector<16xi32>
        %div3A_2008 = arith.divsi %select_n3A_2005, %div3A_2007 : vector<16xi32>
        %sign3A_2009 = arith.constant 0 : i32
        %sign3A_2010 = vector.broadcast %sign3A_2009 : i32 to vector<16xi32>
        %sign3A_2011 = arith.cmpi sgt, %select_n3A_2005, %sign3A_2010 : vector<16xi32>
        %sign3A_2012 = arith.extui %sign3A_2011 : vector<16xi1> to vector<16xi32>
        %sign3A_2013 = arith.constant 0 : i32
        %sign3A_2014 = vector.broadcast %sign3A_2013 : i32 to vector<16xi32>
        %sign3A_2015 = arith.cmpi slt, %select_n3A_2005, %sign3A_2014 : vector<16xi32>
        %sign3A_2016 = arith.extui %sign3A_2015 : vector<16xi1> to vector<16xi32>
        %sign3A_2017 = arith.subi %sign3A_2012, %sign3A_2016 : vector<16xi32>
        %sign3A_2018 = arith.constant 0 : i32
        %sign3A_2019 = arith.cmpi sgt, %jit3A_2006, %sign3A_2018 : i32
        %sign3A_2020 = arith.extui %sign3A_2019 : i1 to i32
        %sign3A_2021 = arith.constant 0 : i32
        %sign3A_2022 = arith.cmpi slt, %jit3A_2006, %sign3A_2021 : i32
        %sign3A_2023 = arith.extui %sign3A_2022 : i1 to i32
        %sign3A_2024 = arith.subi %sign3A_2020, %sign3A_2023 : i32
        %ne3A_2025 = vector.broadcast %sign3A_2024 : i32 to vector<16xi32>
        %ne3A_2026 = arith.cmpi ne, %sign3A_2017, %ne3A_2025 : vector<16xi32>
        %rem3A_2027 = vector.broadcast %jit3A_2006 : i32 to vector<16xi32>
        %rem3A_2028 = arith.remsi %select_n3A_2005, %rem3A_2027 : vector<16xi32>
        %ne3A_2029 = arith.constant 0 : i32
        %ne3A_2030 = vector.broadcast %ne3A_2029 : i32 to vector<16xi32>
        %ne3A_2031 = arith.cmpi ne, %rem3A_2028, %ne3A_2030 : vector<16xi32>
        %and3A_2032 = arith.andi %ne3A_2026, %ne3A_2031 : vector<16xi1>
        %sub3A_2033 = arith.constant 1 : i32
        %sub3A_2034 = vector.broadcast %sub3A_2033 : i32 to vector<16xi32>
        %sub3A_2035 = arith.subi %div3A_2008, %sub3A_2034 : vector<16xi32>
        %select_n3A_2036 = arith.select %and3A_2032, %sub3A_2035, %div3A_2008 : vector<16xi1>, vector<16xi32>
        %broadcast_in_dim3A_2037 = arith.constant 0 : i32
        %broadcast_in_dim3A_2038 = vector.broadcast %broadcast_in_dim3A_2037 : i32 to vector<16xi32>
        %mul3A_2039 = arith.constant 128 : i32
        %mul3A_2040 = vector.broadcast %mul3A_2039 : i32 to vector<16xi32>
        %mul3A_2041 = arith.muli %select_n3A_2036, %mul3A_2040 : vector<16xi32>
        %sub3A_2042 = arith.subi %select_n3A_2005, %mul3A_2041 : vector<16xi32>
        tpu.vector_store_idx %arg16[%select_n3A_2036, %broadcast_in_dim3A_2038, %sub3A_2042], %add3A_1952 : memref<12x1x128xi32, #tpu.memory_space<vmem>>[vector<16xi32>, vector<16xi32>, vector<16xi32>], vector<16xi32>,
        tpu.vector_store_idx %arg17[%select_n3A_2036, %broadcast_in_dim3A_2038, %sub3A_2042], %get3A_1957 : memref<12x1x128xf32, #tpu.memory_space<vmem>>[vector<16xi32>, vector<16xi32>, vector<16xi32>], vector<16xf32>,
        %get3A_2043 = arith.index_cast %mul3A_1950 : i32 to index
        %get3A_2044 = tpu.vector_load %arg11[%get3A_2043] {strides = array<i32>} : memref<256xi32, #tpu.memory_space<vmem>>, vector<16xi32>,
        %get3A_2045 = arith.index_cast %mul3A_1950 : i32 to index
        %get3A_2046 = tpu.vector_load %arg15[%get3A_2045] {strides = array<i32>} : memref<256xi32, #tpu.memory_space<vmem>>, vector<16xi32>,
        %get3A_2047 = arith.index_cast %mul3A_1950 : i32 to index
        %get3A_2048 = tpu.vector_load %arg13[%get3A_2047] {strides = array<i32>} : memref<256xf32, #tpu.memory_space<vmem>>, vector<16xf32>,
        %eq3A_2049 = arith.constant 0 : i32
        %eq3A_2050 = vector.broadcast %eq3A_2049 : i32 to vector<16xi32>
        %eq3A_2051 = arith.cmpi eq, %get3A_2044, %eq3A_2050 : vector<16xi32>
        %add3A_2052 = vector.broadcast %scan3A_1451 : i32 to vector<16xi32>
        %add3A_2053 = arith.addi %get3A_2046, %add3A_2052 : vector<16xi32>
        %select_n3A_2054 = arith.select %eq3A_2051, %add3A_2053, %get3A_2046 : vector<16xi1>, vector<16xi32>
        %eq3A_2055 = arith.constant 1 : i32
        %eq3A_2056 = vector.broadcast %eq3A_2055 : i32 to vector<16xi32>
        %eq3A_2057 = arith.cmpi eq, %get3A_2044, %eq3A_2056 : vector<16xi32>
        %add3A_2058 = vector.broadcast %add3A_1191 : i32 to vector<16xi32>
        %add3A_2059 = arith.addi %get3A_2046, %add3A_2058 : vector<16xi32>
        %select_n3A_2060 = arith.select %eq3A_2057, %add3A_2059, %select_n3A_2054 : vector<16xi1>, vector<16xi32>
        %eq3A_2061 = arith.constant 2 : i32
        %eq3A_2062 = vector.broadcast %eq3A_2061 : i32 to vector<16xi32>
        %eq3A_2063 = arith.cmpi eq, %get3A_2044, %eq3A_2062 : vector<16xi32>
        %add3A_2064 = vector.broadcast %add3A_1224 : i32 to vector<16xi32>
        %add3A_2065 = arith.addi %get3A_2046, %add3A_2064 : vector<16xi32>
        %select_n3A_2066 = arith.select %eq3A_2063, %add3A_2065, %select_n3A_2060 : vector<16xi1>, vector<16xi32>
        %eq3A_2067 = arith.constant 3 : i32
        %eq3A_2068 = vector.broadcast %eq3A_2067 : i32 to vector<16xi32>
        %eq3A_2069 = arith.cmpi eq, %get3A_2044, %eq3A_2068 : vector<16xi32>
        %add3A_2070 = vector.broadcast %add3A_1257 : i32 to vector<16xi32>
        %add3A_2071 = arith.addi %get3A_2046, %add3A_2070 : vector<16xi32>
        %select_n3A_2072 = arith.select %eq3A_2069, %add3A_2071, %select_n3A_2066 : vector<16xi1>, vector<16xi32>
        %eq3A_2073 = arith.constant 4 : i32
        %eq3A_2074 = vector.broadcast %eq3A_2073 : i32 to vector<16xi32>
        %eq3A_2075 = arith.cmpi eq, %get3A_2044, %eq3A_2074 : vector<16xi32>
        %add3A_2076 = vector.broadcast %add3A_1290 : i32 to vector<16xi32>
        %add3A_2077 = arith.addi %get3A_2046, %add3A_2076 : vector<16xi32>
        %select_n3A_2078 = arith.select %eq3A_2075, %add3A_2077, %select_n3A_2072 : vector<16xi1>, vector<16xi32>
        %eq3A_2079 = arith.constant 5 : i32
        %eq3A_2080 = vector.broadcast %eq3A_2079 : i32 to vector<16xi32>
        %eq3A_2081 = arith.cmpi eq, %get3A_2044, %eq3A_2080 : vector<16xi32>
        %add3A_2082 = vector.broadcast %add3A_1323 : i32 to vector<16xi32>
        %add3A_2083 = arith.addi %get3A_2046, %add3A_2082 : vector<16xi32>
        %select_n3A_2084 = arith.select %eq3A_2081, %add3A_2083, %select_n3A_2078 : vector<16xi1>, vector<16xi32>
        %eq3A_2085 = arith.constant 6 : i32
        %eq3A_2086 = vector.broadcast %eq3A_2085 : i32 to vector<16xi32>
        %eq3A_2087 = arith.cmpi eq, %get3A_2044, %eq3A_2086 : vector<16xi32>
        %add3A_2088 = vector.broadcast %add3A_1356 : i32 to vector<16xi32>
        %add3A_2089 = arith.addi %get3A_2046, %add3A_2088 : vector<16xi32>
        %select_n3A_2090 = arith.select %eq3A_2087, %add3A_2089, %select_n3A_2084 : vector<16xi1>, vector<16xi32>
        %eq3A_2091 = arith.constant 7 : i32
        %eq3A_2092 = vector.broadcast %eq3A_2091 : i32 to vector<16xi32>
        %eq3A_2093 = arith.cmpi eq, %get3A_2044, %eq3A_2092 : vector<16xi32>
        %add3A_2094 = vector.broadcast %add3A_1389 : i32 to vector<16xi32>
        %add3A_2095 = arith.addi %get3A_2046, %add3A_2094 : vector<16xi32>
        %select_n3A_2096 = arith.select %eq3A_2093, %add3A_2095, %select_n3A_2090 : vector<16xi1>, vector<16xi32>
        %jit3A_2097 = arith.constant 128 : i32
        %div3A_2098 = vector.broadcast %jit3A_2097 : i32 to vector<16xi32>
        %div3A_2099 = arith.divsi %select_n3A_2096, %div3A_2098 : vector<16xi32>
        %sign3A_2100 = arith.constant 0 : i32
        %sign3A_2101 = vector.broadcast %sign3A_2100 : i32 to vector<16xi32>
        %sign3A_2102 = arith.cmpi sgt, %select_n3A_2096, %sign3A_2101 : vector<16xi32>
        %sign3A_2103 = arith.extui %sign3A_2102 : vector<16xi1> to vector<16xi32>
        %sign3A_2104 = arith.constant 0 : i32
        %sign3A_2105 = vector.broadcast %sign3A_2104 : i32 to vector<16xi32>
        %sign3A_2106 = arith.cmpi slt, %select_n3A_2096, %sign3A_2105 : vector<16xi32>
        %sign3A_2107 = arith.extui %sign3A_2106 : vector<16xi1> to vector<16xi32>
        %sign3A_2108 = arith.subi %sign3A_2103, %sign3A_2107 : vector<16xi32>
        %sign3A_2109 = arith.constant 0 : i32
        %sign3A_2110 = arith.cmpi sgt, %jit3A_2097, %sign3A_2109 : i32
        %sign3A_2111 = arith.extui %sign3A_2110 : i1 to i32
        %sign3A_2112 = arith.constant 0 : i32
        %sign3A_2113 = arith.cmpi slt, %jit3A_2097, %sign3A_2112 : i32
        %sign3A_2114 = arith.extui %sign3A_2113 : i1 to i32
        %sign3A_2115 = arith.subi %sign3A_2111, %sign3A_2114 : i32
        %ne3A_2116 = vector.broadcast %sign3A_2115 : i32 to vector<16xi32>
        %ne3A_2117 = arith.cmpi ne, %sign3A_2108, %ne3A_2116 : vector<16xi32>
        %rem3A_2118 = vector.broadcast %jit3A_2097 : i32 to vector<16xi32>
        %rem3A_2119 = arith.remsi %select_n3A_2096, %rem3A_2118 : vector<16xi32>
        %ne3A_2120 = arith.constant 0 : i32
        %ne3A_2121 = vector.broadcast %ne3A_2120 : i32 to vector<16xi32>
        %ne3A_2122 = arith.cmpi ne, %rem3A_2119, %ne3A_2121 : vector<16xi32>
        %and3A_2123 = arith.andi %ne3A_2117, %ne3A_2122 : vector<16xi1>
        %sub3A_2124 = arith.constant 1 : i32
        %sub3A_2125 = vector.broadcast %sub3A_2124 : i32 to vector<16xi32>
        %sub3A_2126 = arith.subi %div3A_2099, %sub3A_2125 : vector<16xi32>
        %select_n3A_2127 = arith.select %and3A_2123, %sub3A_2126, %div3A_2099 : vector<16xi1>, vector<16xi32>
        %broadcast_in_dim3A_2128 = arith.constant 0 : i32
        %broadcast_in_dim3A_2129 = vector.broadcast %broadcast_in_dim3A_2128 : i32 to vector<16xi32>
        %mul3A_2130 = arith.constant 128 : i32
        %mul3A_2131 = vector.broadcast %mul3A_2130 : i32 to vector<16xi32>
        %mul3A_2132 = arith.muli %select_n3A_2127, %mul3A_2131 : vector<16xi32>
        %sub3A_2133 = arith.subi %select_n3A_2096, %mul3A_2132 : vector<16xi32>
        tpu.vector_store_idx %arg16[%select_n3A_2127, %broadcast_in_dim3A_2129, %sub3A_2133], %add3A_1952 : memref<12x1x128xi32, #tpu.memory_space<vmem>>[vector<16xi32>, vector<16xi32>, vector<16xi32>], vector<16xi32>,
        tpu.vector_store_idx %arg17[%select_n3A_2127, %broadcast_in_dim3A_2129, %sub3A_2133], %get3A_2048 : memref<12x1x128xf32, #tpu.memory_space<vmem>>[vector<16xi32>, vector<16xi32>, vector<16xi32>], vector<16xf32>,
        %scan3A_2134 = arith.constant 0 : i32
        scf.yield %scan3A_2134 : i32
      }
      %scan3A_1458 = arith.constant 16 : i32
      %broadcast_in_dim3A_1459 = arith.constant 0 : i32
      %broadcast_in_dim3A_1460 = vector.broadcast %broadcast_in_dim3A_1459 : i32 to vector<16xi32>
      %jit3A_1461 = arith.constant 0 : i32
      %jit3A_1462 = arith.constant 128 : i32
      %div3A_1463 = arith.divsi %jit3A_1461, %jit3A_1462 : i32
      %sign3A_1464 = arith.constant 0 : i32
      %sign3A_1465 = arith.cmpi sgt, %jit3A_1461, %sign3A_1464 : i32
      %sign3A_1466 = arith.extui %sign3A_1465 : i1 to i32
      %sign3A_1467 = arith.constant 0 : i32
      %sign3A_1468 = arith.cmpi slt, %jit3A_1461, %sign3A_1467 : i32
      %sign3A_1469 = arith.extui %sign3A_1468 : i1 to i32
      %sign3A_1470 = arith.subi %sign3A_1466, %sign3A_1469 : i32
      %sign3A_1471 = arith.constant 0 : i32
      %sign3A_1472 = arith.cmpi sgt, %jit3A_1462, %sign3A_1471 : i32
      %sign3A_1473 = arith.extui %sign3A_1472 : i1 to i32
      %sign3A_1474 = arith.constant 0 : i32
      %sign3A_1475 = arith.cmpi slt, %jit3A_1462, %sign3A_1474 : i32
      %sign3A_1476 = arith.extui %sign3A_1475 : i1 to i32
      %sign3A_1477 = arith.subi %sign3A_1473, %sign3A_1476 : i32
      %ne3A_1478 = arith.cmpi ne, %sign3A_1470, %sign3A_1477 : i32
      %rem3A_1479 = arith.remsi %jit3A_1461, %jit3A_1462 : i32
      %ne3A_1480 = arith.constant 0 : i32
      %ne3A_1481 = arith.cmpi ne, %rem3A_1479, %ne3A_1480 : i32
      %and3A_1482 = arith.andi %ne3A_1478, %ne3A_1481 : i1
      %sub3A_1483 = arith.constant 1 : i32
      %sub3A_1484 = arith.subi %div3A_1463, %sub3A_1483 : i32
      %select_n3A_1485 = arith.select %and3A_1482, %sub3A_1484, %div3A_1463 : i32
      %add3A_1486 = arith.constant 127 : i32
      %add3A_1487 = arith.addi %scan3A_1168#0, %add3A_1486 : i32
      %jit3A_1488 = arith.constant 128 : i32
      %div3A_1489 = arith.divsi %add3A_1487, %jit3A_1488 : i32
      %sign3A_1490 = arith.constant 0 : i32
      %sign3A_1491 = arith.cmpi sgt, %add3A_1487, %sign3A_1490 : i32
      %sign3A_1492 = arith.extui %sign3A_1491 : i1 to i32
      %sign3A_1493 = arith.constant 0 : i32
      %sign3A_1494 = arith.cmpi slt, %add3A_1487, %sign3A_1493 : i32
      %sign3A_1495 = arith.extui %sign3A_1494 : i1 to i32
      %sign3A_1496 = arith.subi %sign3A_1492, %sign3A_1495 : i32
      %sign3A_1497 = arith.constant 0 : i32
      %sign3A_1498 = arith.cmpi sgt, %jit3A_1488, %sign3A_1497 : i32
      %sign3A_1499 = arith.extui %sign3A_1498 : i1 to i32
      %sign3A_1500 = arith.constant 0 : i32
      %sign3A_1501 = arith.cmpi slt, %jit3A_1488, %sign3A_1500 : i32
      %sign3A_1502 = arith.extui %sign3A_1501 : i1 to i32
      %sign3A_1503 = arith.subi %sign3A_1499, %sign3A_1502 : i32
      %ne3A_1504 = arith.cmpi ne, %sign3A_1496, %sign3A_1503 : i32
      %rem3A_1505 = arith.remsi %add3A_1487, %jit3A_1488 : i32
      %ne3A_1506 = arith.constant 0 : i32
      %ne3A_1507 = arith.cmpi ne, %rem3A_1505, %ne3A_1506 : i32
      %and3A_1508 = arith.andi %ne3A_1504, %ne3A_1507 : i1
      %sub3A_1509 = arith.constant 1 : i32
      %sub3A_1510 = arith.subi %div3A_1489, %sub3A_1509 : i32
      %select_n3A_1511 = arith.select %and3A_1508, %sub3A_1510, %div3A_1489 : i32
      %add3A_1512 = arith.addi %select_n3A_1485, %select_n3A_1511 : i32
      %ge3A = vector.broadcast %select_n3A_1485 : i32 to vector<16xi32>
      %ge3A_1513 = arith.cmpi sge, %iota3A, %ge3A : vector<16xi32>
      %lt3A = vector.broadcast %add3A_1512 : i32 to vector<16xi32>
      %lt3A_1514 = arith.cmpi slt, %iota3A, %lt3A : vector<16xi32>
      %and3A_1515 = arith.andi %ge3A_1513, %lt3A_1514 : vector<16xi1>
      %jit3A_1516 = arith.constant 0 : i32
      %broadcast_in_dim3A_1517 = vector.broadcast %jit3A_1516 : i32 to vector<16xi32>
      %select_n3A_1518 = arith.select %and3A_1515, %broadcast_in_dim3A_1517, %broadcast_in_dim3A_1460 : vector<16xi1>, vector<16xi32>
      %jit3A_1519 = arith.constant 128 : i32
      %div3A_1520 = arith.divsi %add3A_1191, %jit3A_1519 : i32
      %sign3A_1521 = arith.constant 0 : i32
      %sign3A_1522 = arith.cmpi sgt, %add3A_1191, %sign3A_1521 : i32
      %sign3A_1523 = arith.extui %sign3A_1522 : i1 to i32
      %sign3A_1524 = arith.constant 0 : i32
      %sign3A_1525 = arith.cmpi slt, %add3A_1191, %sign3A_1524 : i32
      %sign3A_1526 = arith.extui %sign3A_1525 : i1 to i32
      %sign3A_1527 = arith.subi %sign3A_1523, %sign3A_1526 : i32
      %sign3A_1528 = arith.constant 0 : i32
      %sign3A_1529 = arith.cmpi sgt, %jit3A_1519, %sign3A_1528 : i32
      %sign3A_1530 = arith.extui %sign3A_1529 : i1 to i32
      %sign3A_1531 = arith.constant 0 : i32
      %sign3A_1532 = arith.cmpi slt, %jit3A_1519, %sign3A_1531 : i32
      %sign3A_1533 = arith.extui %sign3A_1532 : i1 to i32
      %sign3A_1534 = arith.subi %sign3A_1530, %sign3A_1533 : i32
      %ne3A_1535 = arith.cmpi ne, %sign3A_1527, %sign3A_1534 : i32
      %rem3A_1536 = arith.remsi %add3A_1191, %jit3A_1519 : i32
      %ne3A_1537 = arith.constant 0 : i32
      %ne3A_1538 = arith.cmpi ne, %rem3A_1536, %ne3A_1537 : i32
      %and3A_1539 = arith.andi %ne3A_1535, %ne3A_1538 : i1
      %sub3A_1540 = arith.constant 1 : i32
      %sub3A_1541 = arith.subi %div3A_1520, %sub3A_1540 : i32
      %select_n3A_1542 = arith.select %and3A_1539, %sub3A_1541, %div3A_1520 : i32
      %add3A_1543 = arith.constant 127 : i32
      %add3A_1544 = arith.addi %scan3A_1168#1, %add3A_1543 : i32
      %jit3A_1545 = arith.constant 128 : i32
      %div3A_1546 = arith.divsi %add3A_1544, %jit3A_1545 : i32
      %sign3A_1547 = arith.constant 0 : i32
      %sign3A_1548 = arith.cmpi sgt, %add3A_1544, %sign3A_1547 : i32
      %sign3A_1549 = arith.extui %sign3A_1548 : i1 to i32
      %sign3A_1550 = arith.constant 0 : i32
      %sign3A_1551 = arith.cmpi slt, %add3A_1544, %sign3A_1550 : i32
      %sign3A_1552 = arith.extui %sign3A_1551 : i1 to i32
      %sign3A_1553 = arith.subi %sign3A_1549, %sign3A_1552 : i32
      %sign3A_1554 = arith.constant 0 : i32
      %sign3A_1555 = arith.cmpi sgt, %jit3A_1545, %sign3A_1554 : i32
      %sign3A_1556 = arith.extui %sign3A_1555 : i1 to i32
      %sign3A_1557 = arith.constant 0 : i32
      %sign3A_1558 = arith.cmpi slt, %jit3A_1545, %sign3A_1557 : i32
      %sign3A_1559 = arith.extui %sign3A_1558 : i1 to i32
      %sign3A_1560 = arith.subi %sign3A_1556, %sign3A_1559 : i32
      %ne3A_1561 = arith.cmpi ne, %sign3A_1553, %sign3A_1560 : i32
      %rem3A_1562 = arith.remsi %add3A_1544, %jit3A_1545 : i32
      %ne3A_1563 = arith.constant 0 : i32
      %ne3A_1564 = arith.cmpi ne, %rem3A_1562, %ne3A_1563 : i32
      %and3A_1565 = arith.andi %ne3A_1561, %ne3A_1564 : i1
      %sub3A_1566 = arith.constant 1 : i32
      %sub3A_1567 = arith.subi %div3A_1546, %sub3A_1566 : i32
      %select_n3A_1568 = arith.select %and3A_1565, %sub3A_1567, %div3A_1546 : i32
      %add3A_1569 = arith.addi %select_n3A_1542, %select_n3A_1568 : i32
      %ge3A_1570 = vector.broadcast %select_n3A_1542 : i32 to vector<16xi32>
      %ge3A_1571 = arith.cmpi sge, %iota3A, %ge3A_1570 : vector<16xi32>
      %lt3A_1572 = vector.broadcast %add3A_1569 : i32 to vector<16xi32>
      %lt3A_1573 = arith.cmpi slt, %iota3A, %lt3A_1572 : vector<16xi32>
      %and3A_1574 = arith.andi %ge3A_1571, %lt3A_1573 : vector<16xi1>
      %jit3A_1575 = arith.constant 1 : i32
      %broadcast_in_dim3A_1576 = vector.broadcast %jit3A_1575 : i32 to vector<16xi32>
      %select_n3A_1577 = arith.select %and3A_1574, %broadcast_in_dim3A_1576, %select_n3A_1518 : vector<16xi1>, vector<16xi32>
      %jit3A_1578 = arith.constant 128 : i32
      %div3A_1579 = arith.divsi %add3A_1224, %jit3A_1578 : i32
      %sign3A_1580 = arith.constant 0 : i32
      %sign3A_1581 = arith.cmpi sgt, %add3A_1224, %sign3A_1580 : i32
      %sign3A_1582 = arith.extui %sign3A_1581 : i1 to i32
      %sign3A_1583 = arith.constant 0 : i32
      %sign3A_1584 = arith.cmpi slt, %add3A_1224, %sign3A_1583 : i32
      %sign3A_1585 = arith.extui %sign3A_1584 : i1 to i32
      %sign3A_1586 = arith.subi %sign3A_1582, %sign3A_1585 : i32
      %sign3A_1587 = arith.constant 0 : i32
      %sign3A_1588 = arith.cmpi sgt, %jit3A_1578, %sign3A_1587 : i32
      %sign3A_1589 = arith.extui %sign3A_1588 : i1 to i32
      %sign3A_1590 = arith.constant 0 : i32
      %sign3A_1591 = arith.cmpi slt, %jit3A_1578, %sign3A_1590 : i32
      %sign3A_1592 = arith.extui %sign3A_1591 : i1 to i32
      %sign3A_1593 = arith.subi %sign3A_1589, %sign3A_1592 : i32
      %ne3A_1594 = arith.cmpi ne, %sign3A_1586, %sign3A_1593 : i32
      %rem3A_1595 = arith.remsi %add3A_1224, %jit3A_1578 : i32
      %ne3A_1596 = arith.constant 0 : i32
      %ne3A_1597 = arith.cmpi ne, %rem3A_1595, %ne3A_1596 : i32
      %and3A_1598 = arith.andi %ne3A_1594, %ne3A_1597 : i1
      %sub3A_1599 = arith.constant 1 : i32
      %sub3A_1600 = arith.subi %div3A_1579, %sub3A_1599 : i32
      %select_n3A_1601 = arith.select %and3A_1598, %sub3A_1600, %div3A_1579 : i32
      %add3A_1602 = arith.constant 127 : i32
      %add3A_1603 = arith.addi %scan3A_1168#2, %add3A_1602 : i32
      %jit3A_1604 = arith.constant 128 : i32
      %div3A_1605 = arith.divsi %add3A_1603, %jit3A_1604 : i32
      %sign3A_1606 = arith.constant 0 : i32
      %sign3A_1607 = arith.cmpi sgt, %add3A_1603, %sign3A_1606 : i32
      %sign3A_1608 = arith.extui %sign3A_1607 : i1 to i32
      %sign3A_1609 = arith.constant 0 : i32
      %sign3A_1610 = arith.cmpi slt, %add3A_1603, %sign3A_1609 : i32
      %sign3A_1611 = arith.extui %sign3A_1610 : i1 to i32
      %sign3A_1612 = arith.subi %sign3A_1608, %sign3A_1611 : i32
      %sign3A_1613 = arith.constant 0 : i32
      %sign3A_1614 = arith.cmpi sgt, %jit3A_1604, %sign3A_1613 : i32
      %sign3A_1615 = arith.extui %sign3A_1614 : i1 to i32
      %sign3A_1616 = arith.constant 0 : i32
      %sign3A_1617 = arith.cmpi slt, %jit3A_1604, %sign3A_1616 : i32
      %sign3A_1618 = arith.extui %sign3A_1617 : i1 to i32
      %sign3A_1619 = arith.subi %sign3A_1615, %sign3A_1618 : i32
      %ne3A_1620 = arith.cmpi ne, %sign3A_1612, %sign3A_1619 : i32
      %rem3A_1621 = arith.remsi %add3A_1603, %jit3A_1604 : i32
      %ne3A_1622 = arith.constant 0 : i32
      %ne3A_1623 = arith.cmpi ne, %rem3A_1621, %ne3A_1622 : i32
      %and3A_1624 = arith.andi %ne3A_1620, %ne3A_1623 : i1
      %sub3A_1625 = arith.constant 1 : i32
      %sub3A_1626 = arith.subi %div3A_1605, %sub3A_1625 : i32
      %select_n3A_1627 = arith.select %and3A_1624, %sub3A_1626, %div3A_1605 : i32
      %add3A_1628 = arith.addi %select_n3A_1601, %select_n3A_1627 : i32
      %ge3A_1629 = vector.broadcast %select_n3A_1601 : i32 to vector<16xi32>
      %ge3A_1630 = arith.cmpi sge, %iota3A, %ge3A_1629 : vector<16xi32>
      %lt3A_1631 = vector.broadcast %add3A_1628 : i32 to vector<16xi32>
      %lt3A_1632 = arith.cmpi slt, %iota3A, %lt3A_1631 : vector<16xi32>
      %and3A_1633 = arith.andi %ge3A_1630, %lt3A_1632 : vector<16xi1>
      %jit3A_1634 = arith.constant 2 : i32
      %broadcast_in_dim3A_1635 = vector.broadcast %jit3A_1634 : i32 to vector<16xi32>
      %select_n3A_1636 = arith.select %and3A_1633, %broadcast_in_dim3A_1635, %select_n3A_1577 : vector<16xi1>, vector<16xi32>
      %jit3A_1637 = arith.constant 128 : i32
      %div3A_1638 = arith.divsi %add3A_1257, %jit3A_1637 : i32
      %sign3A_1639 = arith.constant 0 : i32
      %sign3A_1640 = arith.cmpi sgt, %add3A_1257, %sign3A_1639 : i32
      %sign3A_1641 = arith.extui %sign3A_1640 : i1 to i32
      %sign3A_1642 = arith.constant 0 : i32
      %sign3A_1643 = arith.cmpi slt, %add3A_1257, %sign3A_1642 : i32
      %sign3A_1644 = arith.extui %sign3A_1643 : i1 to i32
      %sign3A_1645 = arith.subi %sign3A_1641, %sign3A_1644 : i32
      %sign3A_1646 = arith.constant 0 : i32
      %sign3A_1647 = arith.cmpi sgt, %jit3A_1637, %sign3A_1646 : i32
      %sign3A_1648 = arith.extui %sign3A_1647 : i1 to i32
      %sign3A_1649 = arith.constant 0 : i32
      %sign3A_1650 = arith.cmpi slt, %jit3A_1637, %sign3A_1649 : i32
      %sign3A_1651 = arith.extui %sign3A_1650 : i1 to i32
      %sign3A_1652 = arith.subi %sign3A_1648, %sign3A_1651 : i32
      %ne3A_1653 = arith.cmpi ne, %sign3A_1645, %sign3A_1652 : i32
      %rem3A_1654 = arith.remsi %add3A_1257, %jit3A_1637 : i32
      %ne3A_1655 = arith.constant 0 : i32
      %ne3A_1656 = arith.cmpi ne, %rem3A_1654, %ne3A_1655 : i32
      %and3A_1657 = arith.andi %ne3A_1653, %ne3A_1656 : i1
      %sub3A_1658 = arith.constant 1 : i32
      %sub3A_1659 = arith.subi %div3A_1638, %sub3A_1658 : i32
      %select_n3A_1660 = arith.select %and3A_1657, %sub3A_1659, %div3A_1638 : i32
      %add3A_1661 = arith.constant 127 : i32
      %add3A_1662 = arith.addi %scan3A_1168#3, %add3A_1661 : i32
      %jit3A_1663 = arith.constant 128 : i32
      %div3A_1664 = arith.divsi %add3A_1662, %jit3A_1663 : i32
      %sign3A_1665 = arith.constant 0 : i32
      %sign3A_1666 = arith.cmpi sgt, %add3A_1662, %sign3A_1665 : i32
      %sign3A_1667 = arith.extui %sign3A_1666 : i1 to i32
      %sign3A_1668 = arith.constant 0 : i32
      %sign3A_1669 = arith.cmpi slt, %add3A_1662, %sign3A_1668 : i32
      %sign3A_1670 = arith.extui %sign3A_1669 : i1 to i32
      %sign3A_1671 = arith.subi %sign3A_1667, %sign3A_1670 : i32
      %sign3A_1672 = arith.constant 0 : i32
      %sign3A_1673 = arith.cmpi sgt, %jit3A_1663, %sign3A_1672 : i32
      %sign3A_1674 = arith.extui %sign3A_1673 : i1 to i32
      %sign3A_1675 = arith.constant 0 : i32
      %sign3A_1676 = arith.cmpi slt, %jit3A_1663, %sign3A_1675 : i32
      %sign3A_1677 = arith.extui %sign3A_1676 : i1 to i32
      %sign3A_1678 = arith.subi %sign3A_1674, %sign3A_1677 : i32
      %ne3A_1679 = arith.cmpi ne, %sign3A_1671, %sign3A_1678 : i32
      %rem3A_1680 = arith.remsi %add3A_1662, %jit3A_1663 : i32
      %ne3A_1681 = arith.constant 0 : i32
      %ne3A_1682 = arith.cmpi ne, %rem3A_1680, %ne3A_1681 : i32
      %and3A_1683 = arith.andi %ne3A_1679, %ne3A_1682 : i1
      %sub3A_1684 = arith.constant 1 : i32
      %sub3A_1685 = arith.subi %div3A_1664, %sub3A_1684 : i32
      %select_n3A_1686 = arith.select %and3A_1683, %sub3A_1685, %div3A_1664 : i32
      %add3A_1687 = arith.addi %select_n3A_1660, %select_n3A_1686 : i32
      %ge3A_1688 = vector.broadcast %select_n3A_1660 : i32 to vector<16xi32>
      %ge3A_1689 = arith.cmpi sge, %iota3A, %ge3A_1688 : vector<16xi32>
      %lt3A_1690 = vector.broadcast %add3A_1687 : i32 to vector<16xi32>
      %lt3A_1691 = arith.cmpi slt, %iota3A, %lt3A_1690 : vector<16xi32>
      %and3A_1692 = arith.andi %ge3A_1689, %lt3A_1691 : vector<16xi1>
      %jit3A_1693 = arith.constant 3 : i32
      %broadcast_in_dim3A_1694 = vector.broadcast %jit3A_1693 : i32 to vector<16xi32>
      %select_n3A_1695 = arith.select %and3A_1692, %broadcast_in_dim3A_1694, %select_n3A_1636 : vector<16xi1>, vector<16xi32>
      %jit3A_1696 = arith.constant 128 : i32
      %div3A_1697 = arith.divsi %add3A_1290, %jit3A_1696 : i32
      %sign3A_1698 = arith.constant 0 : i32
      %sign3A_1699 = arith.cmpi sgt, %add3A_1290, %sign3A_1698 : i32
      %sign3A_1700 = arith.extui %sign3A_1699 : i1 to i32
      %sign3A_1701 = arith.constant 0 : i32
      %sign3A_1702 = arith.cmpi slt, %add3A_1290, %sign3A_1701 : i32
      %sign3A_1703 = arith.extui %sign3A_1702 : i1 to i32
      %sign3A_1704 = arith.subi %sign3A_1700, %sign3A_1703 : i32
      %sign3A_1705 = arith.constant 0 : i32
      %sign3A_1706 = arith.cmpi sgt, %jit3A_1696, %sign3A_1705 : i32
      %sign3A_1707 = arith.extui %sign3A_1706 : i1 to i32
      %sign3A_1708 = arith.constant 0 : i32
      %sign3A_1709 = arith.cmpi slt, %jit3A_1696, %sign3A_1708 : i32
      %sign3A_1710 = arith.extui %sign3A_1709 : i1 to i32
      %sign3A_1711 = arith.subi %sign3A_1707, %sign3A_1710 : i32
      %ne3A_1712 = arith.cmpi ne, %sign3A_1704, %sign3A_1711 : i32
      %rem3A_1713 = arith.remsi %add3A_1290, %jit3A_1696 : i32
      %ne3A_1714 = arith.constant 0 : i32
      %ne3A_1715 = arith.cmpi ne, %rem3A_1713, %ne3A_1714 : i32
      %and3A_1716 = arith.andi %ne3A_1712, %ne3A_1715 : i1
      %sub3A_1717 = arith.constant 1 : i32
      %sub3A_1718 = arith.subi %div3A_1697, %sub3A_1717 : i32
      %select_n3A_1719 = arith.select %and3A_1716, %sub3A_1718, %div3A_1697 : i32
      %add3A_1720 = arith.constant 127 : i32
      %add3A_1721 = arith.addi %scan3A_1168#4, %add3A_1720 : i32
      %jit3A_1722 = arith.constant 128 : i32
      %div3A_1723 = arith.divsi %add3A_1721, %jit3A_1722 : i32
      %sign3A_1724 = arith.constant 0 : i32
      %sign3A_1725 = arith.cmpi sgt, %add3A_1721, %sign3A_1724 : i32
      %sign3A_1726 = arith.extui %sign3A_1725 : i1 to i32
      %sign3A_1727 = arith.constant 0 : i32
      %sign3A_1728 = arith.cmpi slt, %add3A_1721, %sign3A_1727 : i32
      %sign3A_1729 = arith.extui %sign3A_1728 : i1 to i32
      %sign3A_1730 = arith.subi %sign3A_1726, %sign3A_1729 : i32
      %sign3A_1731 = arith.constant 0 : i32
      %sign3A_1732 = arith.cmpi sgt, %jit3A_1722, %sign3A_1731 : i32
      %sign3A_1733 = arith.extui %sign3A_1732 : i1 to i32
      %sign3A_1734 = arith.constant 0 : i32
      %sign3A_1735 = arith.cmpi slt, %jit3A_1722, %sign3A_1734 : i32
      %sign3A_1736 = arith.extui %sign3A_1735 : i1 to i32
      %sign3A_1737 = arith.subi %sign3A_1733, %sign3A_1736 : i32
      %ne3A_1738 = arith.cmpi ne, %sign3A_1730, %sign3A_1737 : i32
      %rem3A_1739 = arith.remsi %add3A_1721, %jit3A_1722 : i32
      %ne3A_1740 = arith.constant 0 : i32
      %ne3A_1741 = arith.cmpi ne, %rem3A_1739, %ne3A_1740 : i32
      %and3A_1742 = arith.andi %ne3A_1738, %ne3A_1741 : i1
      %sub3A_1743 = arith.constant 1 : i32
      %sub3A_1744 = arith.subi %div3A_1723, %sub3A_1743 : i32
      %select_n3A_1745 = arith.select %and3A_1742, %sub3A_1744, %div3A_1723 : i32
      %add3A_1746 = arith.addi %select_n3A_1719, %select_n3A_1745 : i32
      %ge3A_1747 = vector.broadcast %select_n3A_1719 : i32 to vector<16xi32>
      %ge3A_1748 = arith.cmpi sge, %iota3A, %ge3A_1747 : vector<16xi32>
      %lt3A_1749 = vector.broadcast %add3A_1746 : i32 to vector<16xi32>
      %lt3A_1750 = arith.cmpi slt, %iota3A, %lt3A_1749 : vector<16xi32>
      %and3A_1751 = arith.andi %ge3A_1748, %lt3A_1750 : vector<16xi1>
      %jit3A_1752 = arith.constant 4 : i32
      %broadcast_in_dim3A_1753 = vector.broadcast %jit3A_1752 : i32 to vector<16xi32>
      %select_n3A_1754 = arith.select %and3A_1751, %broadcast_in_dim3A_1753, %select_n3A_1695 : vector<16xi1>, vector<16xi32>
      %jit3A_1755 = arith.constant 128 : i32
      %div3A_1756 = arith.divsi %add3A_1323, %jit3A_1755 : i32
      %sign3A_1757 = arith.constant 0 : i32
      %sign3A_1758 = arith.cmpi sgt, %add3A_1323, %sign3A_1757 : i32
      %sign3A_1759 = arith.extui %sign3A_1758 : i1 to i32
      %sign3A_1760 = arith.constant 0 : i32
      %sign3A_1761 = arith.cmpi slt, %add3A_1323, %sign3A_1760 : i32
      %sign3A_1762 = arith.extui %sign3A_1761 : i1 to i32
      %sign3A_1763 = arith.subi %sign3A_1759, %sign3A_1762 : i32
      %sign3A_1764 = arith.constant 0 : i32
      %sign3A_1765 = arith.cmpi sgt, %jit3A_1755, %sign3A_1764 : i32
      %sign3A_1766 = arith.extui %sign3A_1765 : i1 to i32
      %sign3A_1767 = arith.constant 0 : i32
      %sign3A_1768 = arith.cmpi slt, %jit3A_1755, %sign3A_1767 : i32
      %sign3A_1769 = arith.extui %sign3A_1768 : i1 to i32
      %sign3A_1770 = arith.subi %sign3A_1766, %sign3A_1769 : i32
      %ne3A_1771 = arith.cmpi ne, %sign3A_1763, %sign3A_1770 : i32
      %rem3A_1772 = arith.remsi %add3A_1323, %jit3A_1755 : i32
      %ne3A_1773 = arith.constant 0 : i32
      %ne3A_1774 = arith.cmpi ne, %rem3A_1772, %ne3A_1773 : i32
      %and3A_1775 = arith.andi %ne3A_1771, %ne3A_1774 : i1
      %sub3A_1776 = arith.constant 1 : i32
      %sub3A_1777 = arith.subi %div3A_1756, %sub3A_1776 : i32
      %select_n3A_1778 = arith.select %and3A_1775, %sub3A_1777, %div3A_1756 : i32
      %add3A_1779 = arith.constant 127 : i32
      %add3A_1780 = arith.addi %scan3A_1168#5, %add3A_1779 : i32
      %jit3A_1781 = arith.constant 128 : i32
      %div3A_1782 = arith.divsi %add3A_1780, %jit3A_1781 : i32
      %sign3A_1783 = arith.constant 0 : i32
      %sign3A_1784 = arith.cmpi sgt, %add3A_1780, %sign3A_1783 : i32
      %sign3A_1785 = arith.extui %sign3A_1784 : i1 to i32
      %sign3A_1786 = arith.constant 0 : i32
      %sign3A_1787 = arith.cmpi slt, %add3A_1780, %sign3A_1786 : i32
      %sign3A_1788 = arith.extui %sign3A_1787 : i1 to i32
      %sign3A_1789 = arith.subi %sign3A_1785, %sign3A_1788 : i32
      %sign3A_1790 = arith.constant 0 : i32
      %sign3A_1791 = arith.cmpi sgt, %jit3A_1781, %sign3A_1790 : i32
      %sign3A_1792 = arith.extui %sign3A_1791 : i1 to i32
      %sign3A_1793 = arith.constant 0 : i32
      %sign3A_1794 = arith.cmpi slt, %jit3A_1781, %sign3A_1793 : i32
      %sign3A_1795 = arith.extui %sign3A_1794 : i1 to i32
      %sign3A_1796 = arith.subi %sign3A_1792, %sign3A_1795 : i32
      %ne3A_1797 = arith.cmpi ne, %sign3A_1789, %sign3A_1796 : i32
      %rem3A_1798 = arith.remsi %add3A_1780, %jit3A_1781 : i32
      %ne3A_1799 = arith.constant 0 : i32
      %ne3A_1800 = arith.cmpi ne, %rem3A_1798, %ne3A_1799 : i32
      %and3A_1801 = arith.andi %ne3A_1797, %ne3A_1800 : i1
      %sub3A_1802 = arith.constant 1 : i32
      %sub3A_1803 = arith.subi %div3A_1782, %sub3A_1802 : i32
      %select_n3A_1804 = arith.select %and3A_1801, %sub3A_1803, %div3A_1782 : i32
      %add3A_1805 = arith.addi %select_n3A_1778, %select_n3A_1804 : i32
      %ge3A_1806 = vector.broadcast %select_n3A_1778 : i32 to vector<16xi32>
      %ge3A_1807 = arith.cmpi sge, %iota3A, %ge3A_1806 : vector<16xi32>
      %lt3A_1808 = vector.broadcast %add3A_1805 : i32 to vector<16xi32>
      %lt3A_1809 = arith.cmpi slt, %iota3A, %lt3A_1808 : vector<16xi32>
      %and3A_1810 = arith.andi %ge3A_1807, %lt3A_1809 : vector<16xi1>
      %jit3A_1811 = arith.constant 5 : i32
      %broadcast_in_dim3A_1812 = vector.broadcast %jit3A_1811 : i32 to vector<16xi32>
      %select_n3A_1813 = arith.select %and3A_1810, %broadcast_in_dim3A_1812, %select_n3A_1754 : vector<16xi1>, vector<16xi32>
      %jit3A_1814 = arith.constant 128 : i32
      %div3A_1815 = arith.divsi %add3A_1356, %jit3A_1814 : i32
      %sign3A_1816 = arith.constant 0 : i32
      %sign3A_1817 = arith.cmpi sgt, %add3A_1356, %sign3A_1816 : i32
      %sign3A_1818 = arith.extui %sign3A_1817 : i1 to i32
      %sign3A_1819 = arith.constant 0 : i32
      %sign3A_1820 = arith.cmpi slt, %add3A_1356, %sign3A_1819 : i32
      %sign3A_1821 = arith.extui %sign3A_1820 : i1 to i32
      %sign3A_1822 = arith.subi %sign3A_1818, %sign3A_1821 : i32
      %sign3A_1823 = arith.constant 0 : i32
      %sign3A_1824 = arith.cmpi sgt, %jit3A_1814, %sign3A_1823 : i32
      %sign3A_1825 = arith.extui %sign3A_1824 : i1 to i32
      %sign3A_1826 = arith.constant 0 : i32
      %sign3A_1827 = arith.cmpi slt, %jit3A_1814, %sign3A_1826 : i32
      %sign3A_1828 = arith.extui %sign3A_1827 : i1 to i32
      %sign3A_1829 = arith.subi %sign3A_1825, %sign3A_1828 : i32
      %ne3A_1830 = arith.cmpi ne, %sign3A_1822, %sign3A_1829 : i32
      %rem3A_1831 = arith.remsi %add3A_1356, %jit3A_1814 : i32
      %ne3A_1832 = arith.constant 0 : i32
      %ne3A_1833 = arith.cmpi ne, %rem3A_1831, %ne3A_1832 : i32
      %and3A_1834 = arith.andi %ne3A_1830, %ne3A_1833 : i1
      %sub3A_1835 = arith.constant 1 : i32
      %sub3A_1836 = arith.subi %div3A_1815, %sub3A_1835 : i32
      %select_n3A_1837 = arith.select %and3A_1834, %sub3A_1836, %div3A_1815 : i32
      %add3A_1838 = arith.constant 127 : i32
      %add3A_1839 = arith.addi %scan3A_1168#6, %add3A_1838 : i32
      %jit3A_1840 = arith.constant 128 : i32
      %div3A_1841 = arith.divsi %add3A_1839, %jit3A_1840 : i32
      %sign3A_1842 = arith.constant 0 : i32
      %sign3A_1843 = arith.cmpi sgt, %add3A_1839, %sign3A_1842 : i32
      %sign3A_1844 = arith.extui %sign3A_1843 : i1 to i32
      %sign3A_1845 = arith.constant 0 : i32
      %sign3A_1846 = arith.cmpi slt, %add3A_1839, %sign3A_1845 : i32
      %sign3A_1847 = arith.extui %sign3A_1846 : i1 to i32
      %sign3A_1848 = arith.subi %sign3A_1844, %sign3A_1847 : i32
      %sign3A_1849 = arith.constant 0 : i32
      %sign3A_1850 = arith.cmpi sgt, %jit3A_1840, %sign3A_1849 : i32
      %sign3A_1851 = arith.extui %sign3A_1850 : i1 to i32
      %sign3A_1852 = arith.constant 0 : i32
      %sign3A_1853 = arith.cmpi slt, %jit3A_1840, %sign3A_1852 : i32
      %sign3A_1854 = arith.extui %sign3A_1853 : i1 to i32
      %sign3A_1855 = arith.subi %sign3A_1851, %sign3A_1854 : i32
      %ne3A_1856 = arith.cmpi ne, %sign3A_1848, %sign3A_1855 : i32
      %rem3A_1857 = arith.remsi %add3A_1839, %jit3A_1840 : i32
      %ne3A_1858 = arith.constant 0 : i32
      %ne3A_1859 = arith.cmpi ne, %rem3A_1857, %ne3A_1858 : i32
      %and3A_1860 = arith.andi %ne3A_1856, %ne3A_1859 : i1
      %sub3A_1861 = arith.constant 1 : i32
      %sub3A_1862 = arith.subi %div3A_1841, %sub3A_1861 : i32
      %select_n3A_1863 = arith.select %and3A_1860, %sub3A_1862, %div3A_1841 : i32
      %add3A_1864 = arith.addi %select_n3A_1837, %select_n3A_1863 : i32
      %ge3A_1865 = vector.broadcast %select_n3A_1837 : i32 to vector<16xi32>
      %ge3A_1866 = arith.cmpi sge, %iota3A, %ge3A_1865 : vector<16xi32>
      %lt3A_1867 = vector.broadcast %add3A_1864 : i32 to vector<16xi32>
      %lt3A_1868 = arith.cmpi slt, %iota3A, %lt3A_1867 : vector<16xi32>
      %and3A_1869 = arith.andi %ge3A_1866, %lt3A_1868 : vector<16xi1>
      %jit3A_1870 = arith.constant 6 : i32
      %broadcast_in_dim3A_1871 = vector.broadcast %jit3A_1870 : i32 to vector<16xi32>
      %select_n3A_1872 = arith.select %and3A_1869, %broadcast_in_dim3A_1871, %select_n3A_1813 : vector<16xi1>, vector<16xi32>
      %jit3A_1873 = arith.constant 128 : i32
      %div3A_1874 = arith.divsi %add3A_1389, %jit3A_1873 : i32
      %sign3A_1875 = arith.constant 0 : i32
      %sign3A_1876 = arith.cmpi sgt, %add3A_1389, %sign3A_1875 : i32
      %sign3A_1877 = arith.extui %sign3A_1876 : i1 to i32
      %sign3A_1878 = arith.constant 0 : i32
      %sign3A_1879 = arith.cmpi slt, %add3A_1389, %sign3A_1878 : i32
      %sign3A_1880 = arith.extui %sign3A_1879 : i1 to i32
      %sign3A_1881 = arith.subi %sign3A_1877, %sign3A_1880 : i32
      %sign3A_1882 = arith.constant 0 : i32
      %sign3A_1883 = arith.cmpi sgt, %jit3A_1873, %sign3A_1882 : i32
      %sign3A_1884 = arith.extui %sign3A_1883 : i1 to i32
      %sign3A_1885 = arith.constant 0 : i32
      %sign3A_1886 = arith.cmpi slt, %jit3A_1873, %sign3A_1885 : i32
      %sign3A_1887 = arith.extui %sign3A_1886 : i1 to i32
      %sign3A_1888 = arith.subi %sign3A_1884, %sign3A_1887 : i32
      %ne3A_1889 = arith.cmpi ne, %sign3A_1881, %sign3A_1888 : i32
      %rem3A_1890 = arith.remsi %add3A_1389, %jit3A_1873 : i32
      %ne3A_1891 = arith.constant 0 : i32
      %ne3A_1892 = arith.cmpi ne, %rem3A_1890, %ne3A_1891 : i32
      %and3A_1893 = arith.andi %ne3A_1889, %ne3A_1892 : i1
      %sub3A_1894 = arith.constant 1 : i32
      %sub3A_1895 = arith.subi %div3A_1874, %sub3A_1894 : i32
      %select_n3A_1896 = arith.select %and3A_1893, %sub3A_1895, %div3A_1874 : i32
      %add3A_1897 = arith.constant 127 : i32
      %add3A_1898 = arith.addi %scan3A_1168#7, %add3A_1897 : i32
      %jit3A_1899 = arith.constant 128 : i32
      %div3A_1900 = arith.divsi %add3A_1898, %jit3A_1899 : i32
      %sign3A_1901 = arith.constant 0 : i32
      %sign3A_1902 = arith.cmpi sgt, %add3A_1898, %sign3A_1901 : i32
      %sign3A_1903 = arith.extui %sign3A_1902 : i1 to i32
      %sign3A_1904 = arith.constant 0 : i32
      %sign3A_1905 = arith.cmpi slt, %add3A_1898, %sign3A_1904 : i32
      %sign3A_1906 = arith.extui %sign3A_1905 : i1 to i32
      %sign3A_1907 = arith.subi %sign3A_1903, %sign3A_1906 : i32
      %sign3A_1908 = arith.constant 0 : i32
      %sign3A_1909 = arith.cmpi sgt, %jit3A_1899, %sign3A_1908 : i32
      %sign3A_1910 = arith.extui %sign3A_1909 : i1 to i32
      %sign3A_1911 = arith.constant 0 : i32
      %sign3A_1912 = arith.cmpi slt, %jit3A_1899, %sign3A_1911 : i32
      %sign3A_1913 = arith.extui %sign3A_1912 : i1 to i32
      %sign3A_1914 = arith.subi %sign3A_1910, %sign3A_1913 : i32
      %ne3A_1915 = arith.cmpi ne, %sign3A_1907, %sign3A_1914 : i32
      %rem3A_1916 = arith.remsi %add3A_1898, %jit3A_1899 : i32
      %ne3A_1917 = arith.constant 0 : i32
      %ne3A_1918 = arith.cmpi ne, %rem3A_1916, %ne3A_1917 : i32
      %and3A_1919 = arith.andi %ne3A_1915, %ne3A_1918 : i1
      %sub3A_1920 = arith.constant 1 : i32
      %sub3A_1921 = arith.subi %div3A_1900, %sub3A_1920 : i32
      %select_n3A_1922 = arith.select %and3A_1919, %sub3A_1921, %div3A_1900 : i32
      %add3A_1923 = arith.addi %select_n3A_1896, %select_n3A_1922 : i32
      %ge3A_1924 = vector.broadcast %select_n3A_1896 : i32 to vector<16xi32>
      %ge3A_1925 = arith.cmpi sge, %iota3A, %ge3A_1924 : vector<16xi32>
      %lt3A_1926 = vector.broadcast %add3A_1923 : i32 to vector<16xi32>
      %lt3A_1927 = arith.cmpi slt, %iota3A, %lt3A_1926 : vector<16xi32>
      %and3A_1928 = arith.andi %ge3A_1925, %lt3A_1927 : vector<16xi1>
      %jit3A_1929 = arith.constant 7 : i32
      %broadcast_in_dim3A_1930 = vector.broadcast %jit3A_1929 : i32 to vector<16xi32>
      %select_n3A_1931 = arith.select %and3A_1928, %broadcast_in_dim3A_1930, %select_n3A_1872 : vector<16xi1>, vector<16xi32>
      %ge3A_1932 = vector.broadcast %select_n3A_1450 : i32 to vector<16xi32>
      %ge3A_1933 = arith.cmpi sge, %iota3A, %ge3A_1932 : vector<16xi32>
      %broadcast_in_dim3A_1934 = vector.broadcast %select_n3A_1426 : i32 to vector<16xi32>
      %select_n3A_1935 = arith.select %ge3A_1933, %broadcast_in_dim3A_1934, %select_n3A_1931 : vector<16xi1>, vector<16xi32>
      %lt3A_1936 = vector.broadcast %select_n3A_1450 : i32 to vector<16xi32>
      %lt3A_1937 = arith.cmpi slt, %iota3A, %lt3A_1936 : vector<16xi32>
      %jit3A_1938 = arith.constant 1 : i32
      %jit3A_1939 = arith.constant 0 : i32
      %broadcast_in_dim3A_1940 = vector.broadcast %jit3A_1938 : i32 to vector<16xi32>
      %broadcast_in_dim3A_1941 = vector.broadcast %jit3A_1939 : i32 to vector<16xi32>
      %select_n3A_1942 = arith.select %lt3A_1937, %broadcast_in_dim3A_1940, %broadcast_in_dim3A_1941 : vector<16xi1>, vector<16xi32>
      %swap3A_1943 = arith.constant 0 : index
      %swap3A_1944 = tpu.vector_load %arg18[%swap3A_1943] {strides = array<i32>} : memref<32xi32, #tpu.memory_space<vmem>>, vector<16xi32>,
      tpu.vector_store %arg18[%swap3A_1943], %select_n3A_1935 {strides = array<i32>} : memref<32xi32, #tpu.memory_space<vmem>>, vector<16xi32>,
      %swap3A_1945 = arith.constant 16 : index
      %swap3A_1946 = tpu.vector_load %arg18[%swap3A_1945] {strides = array<i32>} : memref<32xi32, #tpu.memory_space<vmem>>, vector<16xi32>,
      tpu.vector_store %arg18[%swap3A_1945], %select_n3A_1942 {strides = array<i32>} : memref<32xi32, #tpu.memory_space<vmem>>, vector<16xi32>,
      "tpu.region"() ({
        %run_scoped3A = tpu.sem_alloc : memref<!tpu.dma_semaphore, #tpu.memory_space<semaphore_mem>>
        tpu.enqueue_dma source(%arg16 : memref<12x1x128xi32, #tpu.memory_space<vmem>>) target(%arg6 : memref<12x1x128xi32, #tpu.memory_space<hbm>>) target_semaphore(%run_scoped3A : memref<!tpu.dma_semaphore, #tpu.memory_space<semaphore_mem>>)
        tpu.wait_dma2 semaphore(%run_scoped3A : memref<!tpu.dma_semaphore, #tpu.memory_space<semaphore_mem>>) src(%arg16 : memref<12x1x128xi32, #tpu.memory_space<vmem>>) dst(%arg6 : memref<12x1x128xi32, #tpu.memory_space<hbm>>)
        tpu.yield
      }) : () -> ()
      "tpu.region"() ({
        %run_scoped3A = tpu.sem_alloc : memref<!tpu.dma_semaphore, #tpu.memory_space<semaphore_mem>>
        tpu.enqueue_dma source(%arg17 : memref<12x1x128xf32, #tpu.memory_space<vmem>>) target(%arg7 : memref<12x1x128xf32, #tpu.memory_space<hbm>>) target_semaphore(%run_scoped3A : memref<!tpu.dma_semaphore, #tpu.memory_space<semaphore_mem>>)
        tpu.wait_dma2 semaphore(%run_scoped3A : memref<!tpu.dma_semaphore, #tpu.memory_space<semaphore_mem>>) src(%arg17 : memref<12x1x128xf32, #tpu.memory_space<vmem>>) dst(%arg7 : memref<12x1x128xf32, #tpu.memory_space<hbm>>)
        tpu.yield
      }) : () -> ()
      "tpu.region"() ({
        %run_scoped3A = tpu.sem_alloc : memref<!tpu.dma_semaphore, #tpu.memory_space<semaphore_mem>>
        %dma_start3A = arith.constant 0 : i32
        %dma_start3A_1947 = tpu.memref_slice %arg18[%dma_start3A] : memref<32xi32, #tpu.memory_space<vmem>> -> memref<16xi32, #tpu.memory_space<vmem>>
        %dma_start3A_1948 = arith.constant 0 : i32
        %dma_start3A_1949 = tpu.memref_slice %arg18[%dma_start3A_1948] : memref<32xi32, #tpu.memory_space<vmem>> -> memref<16xi32, #tpu.memory_space<vmem>>
        tpu.enqueue_dma source(%dma_start3A_1949 : memref<16xi32, #tpu.memory_space<vmem>>) target(%arg8 : memref<16xi32, #tpu.memory_space<hbm>>) target_semaphore(%run_scoped3A : memref<!tpu.dma_semaphore, #tpu.memory_space<semaphore_mem>>)
        %dma_wait3A = arith.constant 0 : i32
        %dma_wait3A_1950 = tpu.memref_slice %arg18[%dma_wait3A] : memref<32xi32, #tpu.memory_space<vmem>> -> memref<16xi32, #tpu.memory_space<vmem>>
        %dma_wait3A_1951 = arith.constant 0 : i32
        %dma_wait3A_1952 = tpu.memref_slice %arg18[%dma_wait3A_1951] : memref<32xi32, #tpu.memory_space<vmem>> -> memref<16xi32, #tpu.memory_space<vmem>>
        tpu.wait_dma2 semaphore(%run_scoped3A : memref<!tpu.dma_semaphore, #tpu.memory_space<semaphore_mem>>) src(%dma_wait3A_1952 : memref<16xi32, #tpu.memory_space<vmem>>) dst(%arg8 : memref<16xi32, #tpu.memory_space<hbm>>)
        tpu.yield
      }) : () -> ()
      "tpu.region"() ({
        %run_scoped3A = tpu.sem_alloc : memref<!tpu.dma_semaphore, #tpu.memory_space<semaphore_mem>>
        %dma_start3A = arith.constant 16 : i32
        %dma_start3A_1947 = tpu.memref_slice %arg18[%dma_start3A] : memref<32xi32, #tpu.memory_space<vmem>> -> memref<16xi32, #tpu.memory_space<vmem>>
        %dma_start3A_1948 = arith.constant 16 : i32
        %dma_start3A_1949 = tpu.memref_slice %arg18[%dma_start3A_1948] : memref<32xi32, #tpu.memory_space<vmem>> -> memref<16xi32, #tpu.memory_space<vmem>>
        tpu.enqueue_dma source(%dma_start3A_1949 : memref<16xi32, #tpu.memory_space<vmem>>) target(%arg9 : memref<16xi32, #tpu.memory_space<hbm>>) target_semaphore(%run_scoped3A : memref<!tpu.dma_semaphore, #tpu.memory_space<semaphore_mem>>)
        %dma_wait3A = arith.constant 16 : i32
        %dma_wait3A_1950 = tpu.memref_slice %arg18[%dma_wait3A] : memref<32xi32, #tpu.memory_space<vmem>> -> memref<16xi32, #tpu.memory_space<vmem>>
        %dma_wait3A_1951 = arith.constant 16 : i32
        %dma_wait3A_1952 = tpu.memref_slice %arg18[%dma_wait3A_1951] : memref<32xi32, #tpu.memory_space<vmem>> -> memref<16xi32, #tpu.memory_space<vmem>>
        tpu.wait_dma2 semaphore(%run_scoped3A : memref<!tpu.dma_semaphore, #tpu.memory_space<semaphore_mem>>) src(%dma_wait3A_1952 : memref<16xi32, #tpu.memory_space<vmem>>) dst(%arg9 : memref<16xi32, #tpu.memory_space<hbm>>)
        tpu.yield
      }) : () -> ()
    } else {
    }
    return
  }
}

module attributes {stable_mosaic.version = 14 : i64} {
  func.func @_ffn_kernel(%arg0: i32, %arg1: memref<16xi32, #tpu.memory_space<smem>>, %arg2: memref<16xi32, #tpu.memory_space<smem>>, %arg3: memref<256x1024xf32, #tpu.memory_space<vmem>>, %arg4: memref<256x1024xf32, #tpu.memory_space<vmem>>, %arg5: memref<1x1x128xi32, #tpu.memory_space<vmem>>, %arg6: memref<1x1024x1536xf32, #tpu.memory_space<vmem>>, %arg7: memref<1x768x1024xf32, #tpu.memory_space<vmem>>, %arg8: memref<1x1x128xf32, #tpu.memory_space<vmem>>, %arg9: memref<256x1024xf32, #tpu.memory_space<vmem>>) attributes {dimension_semantics = [#tpu.dimension_semantics<arbitrary>], iteration_bounds = array<i64: 12>, scalar_prefetch = 2 : i64, scratch_operands = 0 : i64, tpu.core_type = #tpu.core_type<tc>, window_params = [{pipeline_mode = #tpu.pipeline_mode<synchronous>, transform_indices = @transform_0, window_bounds = array<i64: 256, 1024>}, {pipeline_mode = #tpu.pipeline_mode<synchronous>, transform_indices = @transform_1, window_bounds = array<i64: 256, 1024>}, {transform_indices = @transform_2, window_bounds = array<i64: 1, 1, 128>}, {transform_indices = @transform_3, window_bounds = array<i64: 1, 1024, 1536>}, {transform_indices = @transform_4, window_bounds = array<i64: 1, 768, 1024>}, {transform_indices = @transform_5, window_bounds = array<i64: 1, 1, 128>}, {pipeline_mode = #tpu.pipeline_mode<synchronous>, transform_indices = @transform_6, window_bounds = array<i64: 256, 1024>}]} {
    %eq3A = arith.constant 0 : i32
    %eq3A_0 = arith.cmpi eq, %arg0, %eq3A : i32
    %convert_element_type3A = arith.extui %eq3A_0 : i1 to i32
    %cond3A = arith.constant 0 : i32
    %cond3A_1 = arith.cmpi ne, %convert_element_type3A, %cond3A : i32
    scf.if %cond3A_1 {
      %get3A_8 = arith.constant 0 : index
      %get3A_9 = arith.constant 0 : index
      %get3A_10 = vector.load %arg4[%get3A_8, %get3A_9] : memref<256x1024xf32, #tpu.memory_space<vmem>>, vector<256x1024xf32>
      %swap3A = arith.constant 0 : index
      %swap3A_11 = arith.constant 0 : index
      %swap3A_12 = vector.load %arg9[%swap3A, %swap3A_11] : memref<256x1024xf32, #tpu.memory_space<vmem>>, vector<256x1024xf32>
      tpu.vector_store %arg9[%swap3A, %swap3A_11], %get3A_10 {strides = array<i32>} : memref<256x1024xf32, #tpu.memory_space<vmem>>, vector<256x1024xf32>,
    } else {
    }
    %get3A = arith.index_cast %arg0 : i32 to index
    %get3A_2 = memref.load %arg2[%get3A] : memref<16xi32, #tpu.memory_space<smem>>
    %eq3A_3 = arith.constant 1 : i32
    %eq3A_4 = arith.cmpi eq, %get3A_2, %eq3A_3 : i32
    %convert_element_type3A_5 = arith.extui %eq3A_4 : i1 to i32
    %cond3A_6 = arith.constant 0 : i32
    %cond3A_7 = arith.cmpi ne, %convert_element_type3A_5, %cond3A_6 : i32
    scf.if %cond3A_7 {
      %get3A_8 = arith.constant 0 : index
      %get3A_9 = arith.constant 0 : index
      %get3A_10 = arith.constant 0 : index
      %get3A_11 = vector.load %arg5[%get3A_8, %get3A_9, %get3A_10] : memref<1x1x128xi32, #tpu.memory_space<vmem>>, vector<1x1x128xi32>
      %get3A_12 = vector.shape_cast %get3A_11 : vector<1x1x128xi32> to vector<1x128xi32>
      %iota3A = tpu.iota {dimensions = array<i32: 0>} : vector<256x1xi32>
      %eq3A_13 = vector.broadcast %iota3A : vector<256x1xi32> to vector<256x128xi32>
      %eq3A_14 = vector.broadcast %get3A_12 : vector<1x128xi32> to vector<256x128xi32>
      %eq3A_15 = arith.cmpi eq, %eq3A_13, %eq3A_14 : vector<256x128xi32>
      %convert_element_type3A_16 = arith.extui %eq3A_15 : vector<256x128xi1> to vector<256x128xi32>
      %convert_element_type3A_17 = arith.sitofp %convert_element_type3A_16 : vector<256x128xi32> to vector<256x128xf32>
      %get3A_18 = arith.constant 0 : index
      %get3A_19 = arith.constant 0 : index
      %get3A_20 = vector.load %arg3[%get3A_18, %get3A_19] : memref<256x1024xf32, #tpu.memory_space<vmem>>, vector<256x1024xf32>
      %dot_general3A = arith.constant dense<0.000000e+00> : vector<128x1024xf32>
      %dot_general3A_21 = tpu.matmul %convert_element_type3A_17, %get3A_20, %dot_general3A {dimension_numbers = #tpu.dot_dimension_numbers<[0], [0], [1], [1], [0, 1, 1, 1], [], []>, transpose_lhs_hint = false} : vector<256x128xf32>, vector<256x1024xf32>, vector<128x1024xf32> -> vector<128x1024xf32>
      %get3A_22 = arith.constant 0 : index
      %get3A_23 = arith.constant 0 : index
      %get3A_24 = arith.constant 0 : index
      %get3A_25 = vector.load %arg6[%get3A_22, %get3A_23, %get3A_24] : memref<1x1024x1536xf32, #tpu.memory_space<vmem>>, vector<1x1024x1536xf32>
      %get3A_26 = vector.shape_cast %get3A_25 : vector<1x1024x1536xf32> to vector<1024x1536xf32>
      %dot_general3A_27 = arith.constant dense<0.000000e+00> : vector<128x1536xf32>
      %dot_general3A_28 = tpu.matmul %dot_general3A_21, %get3A_26, %dot_general3A_27 {dimension_numbers = #tpu.dot_dimension_numbers<[1], [0], [0], [1], [0, 0, 1, 1], [], []>, transpose_lhs_hint = false} : vector<128x1024xf32>, vector<1024x1536xf32>, vector<128x1536xf32> -> vector<128x1536xf32>
      %slice3A = vector.extract_strided_slice %dot_general3A_28 {offsets = [0, 0], sizes = [128, 768], strides = [1, 1]} : vector<128x1536xf32> to vector<128x768xf32>
      %slice3A_29 = vector.extract_strided_slice %dot_general3A_28 {offsets = [0, 768], sizes = [128, 768], strides = [1, 1]} : vector<128x1536xf32> to vector<128x768xf32>
      %neg3A = arith.constant 0.000000e+00 : f32
      %neg3A_30 = vector.broadcast %neg3A : f32 to vector<128x768xf32>
      %neg3A_31 = arith.subf %neg3A_30, %slice3A : vector<128x768xf32>
      %exp3A = math.exp %neg3A_31 : vector<128x768xf32>
      %add3A = arith.constant 1.000000e+00 : f32
      %add3A_32 = vector.broadcast %add3A : f32 to vector<128x768xf32>
      %add3A_33 = arith.addf %add3A_32, %exp3A : vector<128x768xf32>
      %div3A = arith.constant 1.000000e+00 : f32
      %div3A_34 = vector.broadcast %div3A : f32 to vector<128x768xf32>
      %div3A_35 = arith.divf %div3A_34, %add3A_33 : vector<128x768xf32>
      %mul3A = arith.mulf %slice3A, %div3A_35 : vector<128x768xf32>
      %mul3A_36 = arith.mulf %mul3A, %slice3A_29 : vector<128x768xf32>
      %get3A_37 = arith.constant 0 : index
      %get3A_38 = arith.constant 0 : index
      %get3A_39 = arith.constant 0 : index
      %get3A_40 = vector.load %arg7[%get3A_37, %get3A_38, %get3A_39] : memref<1x768x1024xf32, #tpu.memory_space<vmem>>, vector<1x768x1024xf32>
      %get3A_41 = vector.shape_cast %get3A_40 : vector<1x768x1024xf32> to vector<768x1024xf32>
      %dot_general3A_42 = arith.constant dense<0.000000e+00> : vector<128x1024xf32>
      %dot_general3A_43 = tpu.matmul %mul3A_36, %get3A_41, %dot_general3A_42 {dimension_numbers = #tpu.dot_dimension_numbers<[1], [0], [0], [1], [0, 0, 1, 1], [], []>, transpose_lhs_hint = false} : vector<128x768xf32>, vector<768x1024xf32>, vector<128x1024xf32> -> vector<128x1024xf32>
      %get3A_44 = arith.constant 0 : index
      %get3A_45 = arith.constant 0 : index
      %get3A_46 = arith.constant 0 : index
      %get3A_47 = vector.load %arg8[%get3A_44, %get3A_45, %get3A_46] : memref<1x1x128xf32, #tpu.memory_space<vmem>>, vector<1x1x128xf32>
      %get3A_48 = vector.shape_cast %get3A_47 : vector<1x1x128xf32> to vector<1x128xf32>
      %get3A_49 = arith.constant 0 : index
      %get3A_50 = arith.constant 0 : index
      %get3A_51 = vector.load %arg9[%get3A_49, %get3A_50] : memref<256x1024xf32, #tpu.memory_space<vmem>>, vector<256x1024xf32>
      %mul3A_52 = vector.broadcast %get3A_48 : vector<1x128xf32> to vector<256x128xf32>
      %mul3A_53 = arith.mulf %convert_element_type3A_17, %mul3A_52 : vector<256x128xf32>
      %dot_general3A_54 = arith.constant dense<0.000000e+00> : vector<256x1024xf32>
      %dot_general3A_55 = tpu.matmul %mul3A_53, %dot_general3A_43, %dot_general3A_54 {dimension_numbers = #tpu.dot_dimension_numbers<[1], [0], [0], [1], [0, 0, 1, 1], [], []>, transpose_lhs_hint = false} : vector<256x128xf32>, vector<128x1024xf32>, vector<256x1024xf32> -> vector<256x1024xf32>
      %add3A_56 = arith.addf %get3A_51, %dot_general3A_55 : vector<256x1024xf32>
      %swap3A = arith.constant 0 : index
      %swap3A_57 = arith.constant 0 : index
      %swap3A_58 = vector.load %arg9[%swap3A, %swap3A_57] : memref<256x1024xf32, #tpu.memory_space<vmem>>, vector<256x1024xf32>
      tpu.vector_store %arg9[%swap3A, %swap3A_57], %add3A_56 {strides = array<i32>} : memref<256x1024xf32, #tpu.memory_space<vmem>>, vector<256x1024xf32>,
    } else {
    }
    return
  }
  func.func @transform_0(%arg0: i32, %arg1: memref<16xi32, #tpu.memory_space<smem>>, %arg2: memref<16xi32, #tpu.memory_space<smem>>) -> (i32, i32) {
    %c0_i32 = arith.constant 0 : i32
    %c0_i32_0 = arith.constant 0 : i32
    %c0_i32_1 = arith.constant 0 : i32
    return %c0_i32, %c0_i32_0 : i32, i32
  }
  func.func @transform_1(%arg0: i32, %arg1: memref<16xi32, #tpu.memory_space<smem>>, %arg2: memref<16xi32, #tpu.memory_space<smem>>) -> (i32, i32) {
    %c0_i32 = arith.constant 0 : i32
    %c0_i32_0 = arith.constant 0 : i32
    %c0_i32_1 = arith.constant 0 : i32
    return %c0_i32, %c0_i32_0 : i32, i32
  }
  func.func @transform_2(%arg0: i32, %arg1: memref<16xi32, #tpu.memory_space<smem>>, %arg2: memref<16xi32, #tpu.memory_space<smem>>) -> (i32, i32, i32) {
    %c0_i32 = arith.constant 0 : i32
    %c0_i32_0 = arith.constant 0 : i32
    %c0_i32_1 = arith.constant 0 : i32
    return %arg0, %c0_i32, %c0_i32_0 : i32, i32, i32
  }
  func.func @transform_3(%arg0: i32, %arg1: memref<16xi32, #tpu.memory_space<smem>>, %arg2: memref<16xi32, #tpu.memory_space<smem>>) -> (i32, i32, i32) {
    %get3A = arith.index_cast %arg0 : i32 to index
    %get3A_0 = memref.load %arg1[%get3A] : memref<16xi32, #tpu.memory_space<smem>>
    %c0_i32 = arith.constant 0 : i32
    %c0_i32_1 = arith.constant 0 : i32
    %c0_i32_2 = arith.constant 0 : i32
    return %get3A_0, %c0_i32, %c0_i32_1 : i32, i32, i32
  }
  func.func @transform_4(%arg0: i32, %arg1: memref<16xi32, #tpu.memory_space<smem>>, %arg2: memref<16xi32, #tpu.memory_space<smem>>) -> (i32, i32, i32) {
    %get3A = arith.index_cast %arg0 : i32 to index
    %get3A_0 = memref.load %arg1[%get3A] : memref<16xi32, #tpu.memory_space<smem>>
    %c0_i32 = arith.constant 0 : i32
    %c0_i32_1 = arith.constant 0 : i32
    %c0_i32_2 = arith.constant 0 : i32
    return %get3A_0, %c0_i32, %c0_i32_1 : i32, i32, i32
  }
  func.func @transform_5(%arg0: i32, %arg1: memref<16xi32, #tpu.memory_space<smem>>, %arg2: memref<16xi32, #tpu.memory_space<smem>>) -> (i32, i32, i32) {
    %c0_i32 = arith.constant 0 : i32
    %c0_i32_0 = arith.constant 0 : i32
    %c0_i32_1 = arith.constant 0 : i32
    return %arg0, %c0_i32, %c0_i32_0 : i32, i32, i32
  }
  func.func @transform_6(%arg0: i32, %arg1: memref<16xi32, #tpu.memory_space<smem>>, %arg2: memref<16xi32, #tpu.memory_space<smem>>) -> (i32, i32) {
    %c0_i32 = arith.constant 0 : i32
    %c0_i32_0 = arith.constant 0 : i32
    %c0_i32_1 = arith.constant 0 : i32
    return %c0_i32, %c0_i32_0 : i32, i32
  }
}

module attributes {stable_mosaic.version = 14 : i64} {
  func.func @_attn_kernel(%arg0: memref<256x1024xf32, #tpu.memory_space<vmem>>, %arg1: memref<1024x1536xf32, #tpu.memory_space<vmem>>, %arg2: memref<1x64xf32, #tpu.memory_space<vmem>>, %arg3: memref<1x64xf32, #tpu.memory_space<vmem>>, %arg4: memref<1024x1024xf32, #tpu.memory_space<vmem>>, %arg5: memref<1x1024xf32, #tpu.memory_space<vmem>>, %arg6: memref<1x1024xf32, #tpu.memory_space<vmem>>, %arg7: memref<1024x8xf32, #tpu.memory_space<vmem>>, %arg8: memref<256x1024xf32, #tpu.memory_space<vmem>>, %arg9: memref<256x1024xf32, #tpu.memory_space<vmem>>, %arg10: memref<1x256xi32, #tpu.memory_space<vmem>>, %arg11: memref<1x256xi32, #tpu.memory_space<vmem>>, %arg12: memref<1x256xf32, #tpu.memory_space<vmem>>, %arg13: memref<1x256xf32, #tpu.memory_space<vmem>>) attributes {dimension_semantics = [], scalar_prefetch = 0 : i64, scratch_operands = 0 : i64, tpu.core_type = #tpu.core_type<tc>} {
    %get3A = arith.constant 0 : index
    %get3A_0 = arith.constant 0 : index
    %get3A_1 = vector.load %arg0[%get3A, %get3A_0] : memref<256x1024xf32, #tpu.memory_space<vmem>>, vector<256x1024xf32>
    %mul3A = arith.mulf %get3A_1, %get3A_1 : vector<256x1024xf32>
    %reduce_sum3A = arith.constant dense<0.000000e+00> : vector<256xf32>
    %reduce_sum3A_2 = vector.multi_reduction <add>, %mul3A, %reduce_sum3A [1] : vector<256x1024xf32> to vector<256xf32>
    %broadcast_in_dim3A = vector.shape_cast %reduce_sum3A_2 : vector<256xf32> to vector<256x1xf32>
    %div3A = arith.constant 1.024000e+03 : f32
    %div3A_3 = vector.broadcast %div3A : f32 to vector<256x1xf32>
    %div3A_4 = arith.divf %broadcast_in_dim3A, %div3A_3 : vector<256x1xf32>
    %add3A = arith.constant 9.99999997E-7 : f32
    %add3A_5 = vector.broadcast %add3A : f32 to vector<256x1xf32>
    %add3A_6 = arith.addf %div3A_4, %add3A_5 : vector<256x1xf32>
    %rsqrt3A = math.rsqrt %add3A_6 : vector<256x1xf32>
    %mul3A_7 = vector.broadcast %rsqrt3A : vector<256x1xf32> to vector<256x1024xf32>
    %mul3A_8 = arith.mulf %get3A_1, %mul3A_7 : vector<256x1024xf32>
    %get3A_9 = arith.constant 0 : index
    %get3A_10 = arith.constant 0 : index
    %get3A_11 = vector.load %arg5[%get3A_9, %get3A_10] : memref<1x1024xf32, #tpu.memory_space<vmem>>, vector<1x1024xf32>
    %mul3A_12 = vector.broadcast %get3A_11 : vector<1x1024xf32> to vector<256x1024xf32>
    %mul3A_13 = arith.mulf %mul3A_8, %mul3A_12 : vector<256x1024xf32>
    %get3A_14 = arith.constant 0 : index
    %get3A_15 = arith.constant 0 : index
    %get3A_16 = vector.load %arg1[%get3A_14, %get3A_15] : memref<1024x1536xf32, #tpu.memory_space<vmem>>, vector<1024x1536xf32>
    %dot_general3A = arith.constant dense<0.000000e+00> : vector<256x1536xf32>
    %dot_general3A_17 = tpu.matmul %mul3A_13, %get3A_16, %dot_general3A {dimension_numbers = #tpu.dot_dimension_numbers<[1], [0], [0], [1], [0, 0, 1, 1], [], []>, transpose_lhs_hint = false} : vector<256x1024xf32>, vector<1024x1536xf32>, vector<256x1536xf32> -> vector<256x1536xf32>
    %iota3A = tpu.iota {dimensions = array<i32: 0>} : vector<256x32xi32>
    %convert_element_type3A = arith.sitofp %iota3A : vector<256x32xi32> to vector<256x32xf32>
    %iota3A_18 = tpu.iota {dimensions = array<i32: 1>} : vector<256x32xi32>
    %convert_element_type3A_19 = arith.sitofp %iota3A_18 : vector<256x32xi32> to vector<256x32xf32>
    %mul3A_20 = arith.constant -0.431734711 : f32
    %mul3A_21 = vector.broadcast %mul3A_20 : f32 to vector<256x32xf32>
    %mul3A_22 = arith.mulf %convert_element_type3A_19, %mul3A_21 : vector<256x32xf32>
    %exp3A = math.exp %mul3A_22 : vector<256x32xf32>
    %mul3A_23 = arith.mulf %convert_element_type3A, %exp3A : vector<256x32xf32>
    %cos3A = math.cos %mul3A_23 : vector<256x32xf32>
    %sin3A = math.sin %mul3A_23 : vector<256x32xf32>
    %iota3A_24 = tpu.iota {dimensions = array<i32: 0>} : vector<1024x256xi32>
    %iota3A_25 = tpu.iota {dimensions = array<i32: 1>} : vector<1024x256xi32>
    %jit3A = arith.constant 256 : i32
    %eq3A = arith.constant 0 : i32
    %eq3A_26 = arith.cmpi eq, %jit3A, %eq3A : i32
    %jit3A_27 = arith.constant 1 : i32
    %select_n3A = arith.select %eq3A_26, %jit3A_27, %jit3A : i32
    %rem3A = vector.broadcast %select_n3A : i32 to vector<1024x256xi32>
    %rem3A_28 = arith.remsi %iota3A_24, %rem3A : vector<1024x256xi32>
    %ne3A = arith.constant 0 : i32
    %ne3A_29 = vector.broadcast %ne3A : i32 to vector<1024x256xi32>
    %ne3A_30 = arith.cmpi ne, %rem3A_28, %ne3A_29 : vector<1024x256xi32>
    %lt3A = arith.constant 0 : i32
    %lt3A_31 = vector.broadcast %lt3A : i32 to vector<1024x256xi32>
    %lt3A_32 = arith.cmpi slt, %rem3A_28, %lt3A_31 : vector<1024x256xi32>
    %lt3A_33 = arith.constant 0 : i32
    %lt3A_34 = arith.cmpi slt, %select_n3A, %lt3A_33 : i32
    %ne3A_35 = vector.broadcast %lt3A_34 : i1 to vector<1024x256xi1>
    %ne3A_36 = vector.broadcast %ne3A_35 : vector<1024x256xi1> to vector<1024x256xi1>
    %ne3A_37 = arith.xori %lt3A_32, %ne3A_36 : vector<1024x256xi1>
    %and3A = arith.andi %ne3A_37, %ne3A_30 : vector<1024x256xi1>
    %add3A_38 = vector.broadcast %select_n3A : i32 to vector<1024x256xi32>
    %add3A_39 = arith.addi %rem3A_28, %add3A_38 : vector<1024x256xi32>
    %select_n3A_40 = arith.select %and3A, %add3A_39, %rem3A_28 : vector<1024x256xi1>, vector<1024x256xi32>
    %le3A = arith.cmpi sle, %iota3A_25, %select_n3A_40 : vector<1024x256xi32>
    %slice3A = vector.extract_strided_slice %dot_general3A_17 {offsets = [0, 1024], sizes = [256, 64], strides = [1, 1]} : vector<256x1536xf32> to vector<256x64xf32>
    %get3A_41 = arith.constant 0 : index
    %get3A_42 = arith.constant 0 : index
    %get3A_43 = vector.load %arg3[%get3A_41, %get3A_42] : memref<1x64xf32, #tpu.memory_space<vmem>>, vector<1x64xf32>
    %mul3A_44 = arith.mulf %slice3A, %slice3A : vector<256x64xf32>
    %reduce_sum3A_45 = arith.constant dense<0.000000e+00> : vector<256xf32>
    %reduce_sum3A_46 = vector.multi_reduction <add>, %mul3A_44, %reduce_sum3A_45 [1] : vector<256x64xf32> to vector<256xf32>
    %broadcast_in_dim3A_47 = vector.shape_cast %reduce_sum3A_46 : vector<256xf32> to vector<256x1xf32>
    %div3A_48 = arith.constant 6.400000e+01 : f32
    %div3A_49 = vector.broadcast %div3A_48 : f32 to vector<256x1xf32>
    %div3A_50 = arith.divf %broadcast_in_dim3A_47, %div3A_49 : vector<256x1xf32>
    %add3A_51 = arith.constant 9.99999997E-7 : f32
    %add3A_52 = vector.broadcast %add3A_51 : f32 to vector<256x1xf32>
    %add3A_53 = arith.addf %div3A_50, %add3A_52 : vector<256x1xf32>
    %rsqrt3A_54 = math.rsqrt %add3A_53 : vector<256x1xf32>
    %mul3A_55 = vector.broadcast %rsqrt3A_54 : vector<256x1xf32> to vector<256x64xf32>
    %mul3A_56 = arith.mulf %slice3A, %mul3A_55 : vector<256x64xf32>
    %mul3A_57 = vector.broadcast %get3A_43 : vector<1x64xf32> to vector<256x64xf32>
    %mul3A_58 = arith.mulf %mul3A_56, %mul3A_57 : vector<256x64xf32>
    %slice3A_59 = vector.extract_strided_slice %mul3A_58 {offsets = [0, 0], sizes = [256, 32], strides = [1, 1]} : vector<256x64xf32> to vector<256x32xf32>
    %slice3A_60 = vector.extract_strided_slice %mul3A_58 {offsets = [0, 32], sizes = [256, 32], strides = [1, 1]} : vector<256x64xf32> to vector<256x32xf32>
    %mul3A_61 = arith.mulf %slice3A_59, %cos3A : vector<256x32xf32>
    %mul3A_62 = arith.mulf %slice3A_60, %sin3A : vector<256x32xf32>
    %sub3A = arith.subf %mul3A_61, %mul3A_62 : vector<256x32xf32>
    %mul3A_63 = arith.mulf %slice3A_60, %cos3A : vector<256x32xf32>
    %mul3A_64 = arith.mulf %slice3A_59, %sin3A : vector<256x32xf32>
    %add3A_65 = arith.addf %mul3A_63, %mul3A_64 : vector<256x32xf32>
    %concatenate3A = tpu.concatenate %sub3A, %add3A_65 in 1 : vector<256x32xf32>, vector<256x32xf32> -> vector<256x64xf32>
    %slice3A_66 = vector.extract_strided_slice %dot_general3A_17 {offsets = [0, 1280], sizes = [256, 64], strides = [1, 1]} : vector<256x1536xf32> to vector<256x64xf32>
    %slice3A_67 = vector.extract_strided_slice %dot_general3A_17 {offsets = [0, 0], sizes = [256, 64], strides = [1, 1]} : vector<256x1536xf32> to vector<256x64xf32>
    %get3A_68 = arith.constant 0 : index
    %get3A_69 = arith.constant 0 : index
    %get3A_70 = vector.load %arg2[%get3A_68, %get3A_69] : memref<1x64xf32, #tpu.memory_space<vmem>>, vector<1x64xf32>
    %mul3A_71 = arith.mulf %slice3A_67, %slice3A_67 : vector<256x64xf32>
    %reduce_sum3A_72 = arith.constant dense<0.000000e+00> : vector<256xf32>
    %reduce_sum3A_73 = vector.multi_reduction <add>, %mul3A_71, %reduce_sum3A_72 [1] : vector<256x64xf32> to vector<256xf32>
    %broadcast_in_dim3A_74 = vector.shape_cast %reduce_sum3A_73 : vector<256xf32> to vector<256x1xf32>
    %div3A_75 = arith.constant 6.400000e+01 : f32
    %div3A_76 = vector.broadcast %div3A_75 : f32 to vector<256x1xf32>
    %div3A_77 = arith.divf %broadcast_in_dim3A_74, %div3A_76 : vector<256x1xf32>
    %add3A_78 = arith.constant 9.99999997E-7 : f32
    %add3A_79 = vector.broadcast %add3A_78 : f32 to vector<256x1xf32>
    %add3A_80 = arith.addf %div3A_77, %add3A_79 : vector<256x1xf32>
    %rsqrt3A_81 = math.rsqrt %add3A_80 : vector<256x1xf32>
    %mul3A_82 = vector.broadcast %rsqrt3A_81 : vector<256x1xf32> to vector<256x64xf32>
    %mul3A_83 = arith.mulf %slice3A_67, %mul3A_82 : vector<256x64xf32>
    %mul3A_84 = vector.broadcast %get3A_70 : vector<1x64xf32> to vector<256x64xf32>
    %mul3A_85 = arith.mulf %mul3A_83, %mul3A_84 : vector<256x64xf32>
    %slice3A_86 = vector.extract_strided_slice %mul3A_85 {offsets = [0, 0], sizes = [256, 32], strides = [1, 1]} : vector<256x64xf32> to vector<256x32xf32>
    %slice3A_87 = vector.extract_strided_slice %mul3A_85 {offsets = [0, 32], sizes = [256, 32], strides = [1, 1]} : vector<256x64xf32> to vector<256x32xf32>
    %mul3A_88 = arith.mulf %slice3A_86, %cos3A : vector<256x32xf32>
    %mul3A_89 = arith.mulf %slice3A_87, %sin3A : vector<256x32xf32>
    %sub3A_90 = arith.subf %mul3A_88, %mul3A_89 : vector<256x32xf32>
    %mul3A_91 = arith.mulf %slice3A_87, %cos3A : vector<256x32xf32>
    %mul3A_92 = arith.mulf %slice3A_86, %sin3A : vector<256x32xf32>
    %add3A_93 = arith.addf %mul3A_91, %mul3A_92 : vector<256x32xf32>
    %concatenate3A_94 = tpu.concatenate %sub3A_90, %add3A_93 in 1 : vector<256x32xf32>, vector<256x32xf32> -> vector<256x64xf32>
    %slice3A_95 = vector.extract_strided_slice %dot_general3A_17 {offsets = [0, 64], sizes = [256, 64], strides = [1, 1]} : vector<256x1536xf32> to vector<256x64xf32>
    %get3A_96 = arith.constant 0 : index
    %get3A_97 = arith.constant 0 : index
    %get3A_98 = vector.load %arg2[%get3A_96, %get3A_97] : memref<1x64xf32, #tpu.memory_space<vmem>>, vector<1x64xf32>
    %mul3A_99 = arith.mulf %slice3A_95, %slice3A_95 : vector<256x64xf32>
    %reduce_sum3A_100 = arith.constant dense<0.000000e+00> : vector<256xf32>
    %reduce_sum3A_101 = vector.multi_reduction <add>, %mul3A_99, %reduce_sum3A_100 [1] : vector<256x64xf32> to vector<256xf32>
    %broadcast_in_dim3A_102 = vector.shape_cast %reduce_sum3A_101 : vector<256xf32> to vector<256x1xf32>
    %div3A_103 = arith.constant 6.400000e+01 : f32
    %div3A_104 = vector.broadcast %div3A_103 : f32 to vector<256x1xf32>
    %div3A_105 = arith.divf %broadcast_in_dim3A_102, %div3A_104 : vector<256x1xf32>
    %add3A_106 = arith.constant 9.99999997E-7 : f32
    %add3A_107 = vector.broadcast %add3A_106 : f32 to vector<256x1xf32>
    %add3A_108 = arith.addf %div3A_105, %add3A_107 : vector<256x1xf32>
    %rsqrt3A_109 = math.rsqrt %add3A_108 : vector<256x1xf32>
    %mul3A_110 = vector.broadcast %rsqrt3A_109 : vector<256x1xf32> to vector<256x64xf32>
    %mul3A_111 = arith.mulf %slice3A_95, %mul3A_110 : vector<256x64xf32>
    %mul3A_112 = vector.broadcast %get3A_98 : vector<1x64xf32> to vector<256x64xf32>
    %mul3A_113 = arith.mulf %mul3A_111, %mul3A_112 : vector<256x64xf32>
    %slice3A_114 = vector.extract_strided_slice %mul3A_113 {offsets = [0, 0], sizes = [256, 32], strides = [1, 1]} : vector<256x64xf32> to vector<256x32xf32>
    %slice3A_115 = vector.extract_strided_slice %mul3A_113 {offsets = [0, 32], sizes = [256, 32], strides = [1, 1]} : vector<256x64xf32> to vector<256x32xf32>
    %mul3A_116 = arith.mulf %slice3A_114, %cos3A : vector<256x32xf32>
    %mul3A_117 = arith.mulf %slice3A_115, %sin3A : vector<256x32xf32>
    %sub3A_118 = arith.subf %mul3A_116, %mul3A_117 : vector<256x32xf32>
    %mul3A_119 = arith.mulf %slice3A_115, %cos3A : vector<256x32xf32>
    %mul3A_120 = arith.mulf %slice3A_114, %sin3A : vector<256x32xf32>
    %add3A_121 = arith.addf %mul3A_119, %mul3A_120 : vector<256x32xf32>
    %concatenate3A_122 = tpu.concatenate %sub3A_118, %add3A_121 in 1 : vector<256x32xf32>, vector<256x32xf32> -> vector<256x64xf32>
    %slice3A_123 = vector.extract_strided_slice %dot_general3A_17 {offsets = [0, 128], sizes = [256, 64], strides = [1, 1]} : vector<256x1536xf32> to vector<256x64xf32>
    %get3A_124 = arith.constant 0 : index
    %get3A_125 = arith.constant 0 : index
    %get3A_126 = vector.load %arg2[%get3A_124, %get3A_125] : memref<1x64xf32, #tpu.memory_space<vmem>>, vector<1x64xf32>
    %mul3A_127 = arith.mulf %slice3A_123, %slice3A_123 : vector<256x64xf32>
    %reduce_sum3A_128 = arith.constant dense<0.000000e+00> : vector<256xf32>
    %reduce_sum3A_129 = vector.multi_reduction <add>, %mul3A_127, %reduce_sum3A_128 [1] : vector<256x64xf32> to vector<256xf32>
    %broadcast_in_dim3A_130 = vector.shape_cast %reduce_sum3A_129 : vector<256xf32> to vector<256x1xf32>
    %div3A_131 = arith.constant 6.400000e+01 : f32
    %div3A_132 = vector.broadcast %div3A_131 : f32 to vector<256x1xf32>
    %div3A_133 = arith.divf %broadcast_in_dim3A_130, %div3A_132 : vector<256x1xf32>
    %add3A_134 = arith.constant 9.99999997E-7 : f32
    %add3A_135 = vector.broadcast %add3A_134 : f32 to vector<256x1xf32>
    %add3A_136 = arith.addf %div3A_133, %add3A_135 : vector<256x1xf32>
    %rsqrt3A_137 = math.rsqrt %add3A_136 : vector<256x1xf32>
    %mul3A_138 = vector.broadcast %rsqrt3A_137 : vector<256x1xf32> to vector<256x64xf32>
    %mul3A_139 = arith.mulf %slice3A_123, %mul3A_138 : vector<256x64xf32>
    %mul3A_140 = vector.broadcast %get3A_126 : vector<1x64xf32> to vector<256x64xf32>
    %mul3A_141 = arith.mulf %mul3A_139, %mul3A_140 : vector<256x64xf32>
    %slice3A_142 = vector.extract_strided_slice %mul3A_141 {offsets = [0, 0], sizes = [256, 32], strides = [1, 1]} : vector<256x64xf32> to vector<256x32xf32>
    %slice3A_143 = vector.extract_strided_slice %mul3A_141 {offsets = [0, 32], sizes = [256, 32], strides = [1, 1]} : vector<256x64xf32> to vector<256x32xf32>
    %mul3A_144 = arith.mulf %slice3A_142, %cos3A : vector<256x32xf32>
    %mul3A_145 = arith.mulf %slice3A_143, %sin3A : vector<256x32xf32>
    %sub3A_146 = arith.subf %mul3A_144, %mul3A_145 : vector<256x32xf32>
    %mul3A_147 = arith.mulf %slice3A_143, %cos3A : vector<256x32xf32>
    %mul3A_148 = arith.mulf %slice3A_142, %sin3A : vector<256x32xf32>
    %add3A_149 = arith.addf %mul3A_147, %mul3A_148 : vector<256x32xf32>
    %concatenate3A_150 = tpu.concatenate %sub3A_146, %add3A_149 in 1 : vector<256x32xf32>, vector<256x32xf32> -> vector<256x64xf32>
    %slice3A_151 = vector.extract_strided_slice %dot_general3A_17 {offsets = [0, 192], sizes = [256, 64], strides = [1, 1]} : vector<256x1536xf32> to vector<256x64xf32>
    %get3A_152 = arith.constant 0 : index
    %get3A_153 = arith.constant 0 : index
    %get3A_154 = vector.load %arg2[%get3A_152, %get3A_153] : memref<1x64xf32, #tpu.memory_space<vmem>>, vector<1x64xf32>
    %mul3A_155 = arith.mulf %slice3A_151, %slice3A_151 : vector<256x64xf32>
    %reduce_sum3A_156 = arith.constant dense<0.000000e+00> : vector<256xf32>
    %reduce_sum3A_157 = vector.multi_reduction <add>, %mul3A_155, %reduce_sum3A_156 [1] : vector<256x64xf32> to vector<256xf32>
    %broadcast_in_dim3A_158 = vector.shape_cast %reduce_sum3A_157 : vector<256xf32> to vector<256x1xf32>
    %div3A_159 = arith.constant 6.400000e+01 : f32
    %div3A_160 = vector.broadcast %div3A_159 : f32 to vector<256x1xf32>
    %div3A_161 = arith.divf %broadcast_in_dim3A_158, %div3A_160 : vector<256x1xf32>
    %add3A_162 = arith.constant 9.99999997E-7 : f32
    %add3A_163 = vector.broadcast %add3A_162 : f32 to vector<256x1xf32>
    %add3A_164 = arith.addf %div3A_161, %add3A_163 : vector<256x1xf32>
    %rsqrt3A_165 = math.rsqrt %add3A_164 : vector<256x1xf32>
    %mul3A_166 = vector.broadcast %rsqrt3A_165 : vector<256x1xf32> to vector<256x64xf32>
    %mul3A_167 = arith.mulf %slice3A_151, %mul3A_166 : vector<256x64xf32>
    %mul3A_168 = vector.broadcast %get3A_154 : vector<1x64xf32> to vector<256x64xf32>
    %mul3A_169 = arith.mulf %mul3A_167, %mul3A_168 : vector<256x64xf32>
    %slice3A_170 = vector.extract_strided_slice %mul3A_169 {offsets = [0, 0], sizes = [256, 32], strides = [1, 1]} : vector<256x64xf32> to vector<256x32xf32>
    %slice3A_171 = vector.extract_strided_slice %mul3A_169 {offsets = [0, 32], sizes = [256, 32], strides = [1, 1]} : vector<256x64xf32> to vector<256x32xf32>
    %mul3A_172 = arith.mulf %slice3A_170, %cos3A : vector<256x32xf32>
    %mul3A_173 = arith.mulf %slice3A_171, %sin3A : vector<256x32xf32>
    %sub3A_174 = arith.subf %mul3A_172, %mul3A_173 : vector<256x32xf32>
    %mul3A_175 = arith.mulf %slice3A_171, %cos3A : vector<256x32xf32>
    %mul3A_176 = arith.mulf %slice3A_170, %sin3A : vector<256x32xf32>
    %add3A_177 = arith.addf %mul3A_175, %mul3A_176 : vector<256x32xf32>
    %concatenate3A_178 = tpu.concatenate %sub3A_174, %add3A_177 in 1 : vector<256x32xf32>, vector<256x32xf32> -> vector<256x64xf32>
    %concatenate3A_179 = tpu.concatenate %concatenate3A_94, %concatenate3A_122, %concatenate3A_150, %concatenate3A_178 in 0 : vector<256x64xf32>, vector<256x64xf32>, vector<256x64xf32>, vector<256x64xf32> -> vector<1024x64xf32>
    %dot_general3A_180 = arith.constant dense<0.000000e+00> : vector<1024x256xf32>
    %dot_general3A_181 = tpu.matmul %concatenate3A_179, %concatenate3A, %dot_general3A_180 {dimension_numbers = #tpu.dot_dimension_numbers<[1], [1], [0], [0], [0, 0, 1, 0], [], []>, transpose_lhs_hint = false} : vector<1024x64xf32>, vector<256x64xf32>, vector<1024x256xf32> -> vector<1024x256xf32>
    %mul3A_182 = arith.constant 1.250000e-01 : f32
    %mul3A_183 = vector.broadcast %mul3A_182 : f32 to vector<1024x256xf32>
    %mul3A_184 = arith.mulf %dot_general3A_181, %mul3A_183 : vector<1024x256xf32>
    %jit3A_185 = arith.constant -3.000000e+38 : f32
    %broadcast_in_dim3A_186 = vector.broadcast %jit3A_185 : f32 to vector<1024x256xf32>
    %select_n3A_187 = arith.select %le3A, %mul3A_184, %broadcast_in_dim3A_186 : vector<1024x256xi1>, vector<1024x256xf32>
    %reduce_max3A = arith.constant dense<0xFF800000> : vector<1024xf32>
    %reduce_max3A_188 = vector.multi_reduction <maximumf>, %select_n3A_187, %reduce_max3A [1] : vector<1024x256xf32> to vector<1024xf32>
    %broadcast_in_dim3A_189 = vector.shape_cast %reduce_max3A_188 : vector<1024xf32> to vector<1024x1xf32>
    %sub3A_190 = vector.broadcast %broadcast_in_dim3A_189 : vector<1024x1xf32> to vector<1024x256xf32>
    %sub3A_191 = arith.subf %select_n3A_187, %sub3A_190 : vector<1024x256xf32>
    %exp3A_192 = math.exp %sub3A_191 : vector<1024x256xf32>
    %dot_general3A_193 = arith.constant dense<0.000000e+00> : vector<1024x64xf32>
    %dot_general3A_194 = tpu.matmul %exp3A_192, %slice3A_66, %dot_general3A_193 {dimension_numbers = #tpu.dot_dimension_numbers<[1], [0], [0], [1], [0, 0, 1, 1], [], []>, transpose_lhs_hint = false} : vector<1024x256xf32>, vector<256x64xf32>, vector<1024x64xf32> -> vector<1024x64xf32>
    %reduce_sum3A_195 = arith.constant dense<0.000000e+00> : vector<1024xf32>
    %reduce_sum3A_196 = vector.multi_reduction <add>, %exp3A_192, %reduce_sum3A_195 [1] : vector<1024x256xf32> to vector<1024xf32>
    %broadcast_in_dim3A_197 = vector.shape_cast %reduce_sum3A_196 : vector<1024xf32> to vector<1024x1xf32>
    %div3A_198 = vector.broadcast %broadcast_in_dim3A_197 : vector<1024x1xf32> to vector<1024x64xf32>
    %div3A_199 = arith.divf %dot_general3A_194, %div3A_198 : vector<1024x64xf32>
    %slice3A_200 = vector.extract_strided_slice %div3A_199 {offsets = [0, 0], sizes = [256, 64], strides = [1, 1]} : vector<1024x64xf32> to vector<256x64xf32>
    %slice3A_201 = vector.extract_strided_slice %div3A_199 {offsets = [256, 0], sizes = [256, 64], strides = [1, 1]} : vector<1024x64xf32> to vector<256x64xf32>
    %slice3A_202 = vector.extract_strided_slice %div3A_199 {offsets = [512, 0], sizes = [256, 64], strides = [1, 1]} : vector<1024x64xf32> to vector<256x64xf32>
    %slice3A_203 = vector.extract_strided_slice %div3A_199 {offsets = [768, 0], sizes = [256, 64], strides = [1, 1]} : vector<1024x64xf32> to vector<256x64xf32>
    %slice3A_204 = vector.extract_strided_slice %dot_general3A_17 {offsets = [0, 1088], sizes = [256, 64], strides = [1, 1]} : vector<256x1536xf32> to vector<256x64xf32>
    %get3A_205 = arith.constant 0 : index
    %get3A_206 = arith.constant 0 : index
    %get3A_207 = vector.load %arg3[%get3A_205, %get3A_206] : memref<1x64xf32, #tpu.memory_space<vmem>>, vector<1x64xf32>
    %mul3A_208 = arith.mulf %slice3A_204, %slice3A_204 : vector<256x64xf32>
    %reduce_sum3A_209 = arith.constant dense<0.000000e+00> : vector<256xf32>
    %reduce_sum3A_210 = vector.multi_reduction <add>, %mul3A_208, %reduce_sum3A_209 [1] : vector<256x64xf32> to vector<256xf32>
    %broadcast_in_dim3A_211 = vector.shape_cast %reduce_sum3A_210 : vector<256xf32> to vector<256x1xf32>
    %div3A_212 = arith.constant 6.400000e+01 : f32
    %div3A_213 = vector.broadcast %div3A_212 : f32 to vector<256x1xf32>
    %div3A_214 = arith.divf %broadcast_in_dim3A_211, %div3A_213 : vector<256x1xf32>
    %add3A_215 = arith.constant 9.99999997E-7 : f32
    %add3A_216 = vector.broadcast %add3A_215 : f32 to vector<256x1xf32>
    %add3A_217 = arith.addf %div3A_214, %add3A_216 : vector<256x1xf32>
    %rsqrt3A_218 = math.rsqrt %add3A_217 : vector<256x1xf32>
    %mul3A_219 = vector.broadcast %rsqrt3A_218 : vector<256x1xf32> to vector<256x64xf32>
    %mul3A_220 = arith.mulf %slice3A_204, %mul3A_219 : vector<256x64xf32>
    %mul3A_221 = vector.broadcast %get3A_207 : vector<1x64xf32> to vector<256x64xf32>
    %mul3A_222 = arith.mulf %mul3A_220, %mul3A_221 : vector<256x64xf32>
    %slice3A_223 = vector.extract_strided_slice %mul3A_222 {offsets = [0, 0], sizes = [256, 32], strides = [1, 1]} : vector<256x64xf32> to vector<256x32xf32>
    %slice3A_224 = vector.extract_strided_slice %mul3A_222 {offsets = [0, 32], sizes = [256, 32], strides = [1, 1]} : vector<256x64xf32> to vector<256x32xf32>
    %mul3A_225 = arith.mulf %slice3A_223, %cos3A : vector<256x32xf32>
    %mul3A_226 = arith.mulf %slice3A_224, %sin3A : vector<256x32xf32>
    %sub3A_227 = arith.subf %mul3A_225, %mul3A_226 : vector<256x32xf32>
    %mul3A_228 = arith.mulf %slice3A_224, %cos3A : vector<256x32xf32>
    %mul3A_229 = arith.mulf %slice3A_223, %sin3A : vector<256x32xf32>
    %add3A_230 = arith.addf %mul3A_228, %mul3A_229 : vector<256x32xf32>
    %concatenate3A_231 = tpu.concatenate %sub3A_227, %add3A_230 in 1 : vector<256x32xf32>, vector<256x32xf32> -> vector<256x64xf32>
    %slice3A_232 = vector.extract_strided_slice %dot_general3A_17 {offsets = [0, 1344], sizes = [256, 64], strides = [1, 1]} : vector<256x1536xf32> to vector<256x64xf32>
    %slice3A_233 = vector.extract_strided_slice %dot_general3A_17 {offsets = [0, 256], sizes = [256, 64], strides = [1, 1]} : vector<256x1536xf32> to vector<256x64xf32>
    %get3A_234 = arith.constant 0 : index
    %get3A_235 = arith.constant 0 : index
    %get3A_236 = vector.load %arg2[%get3A_234, %get3A_235] : memref<1x64xf32, #tpu.memory_space<vmem>>, vector<1x64xf32>
    %mul3A_237 = arith.mulf %slice3A_233, %slice3A_233 : vector<256x64xf32>
    %reduce_sum3A_238 = arith.constant dense<0.000000e+00> : vector<256xf32>
    %reduce_sum3A_239 = vector.multi_reduction <add>, %mul3A_237, %reduce_sum3A_238 [1] : vector<256x64xf32> to vector<256xf32>
    %broadcast_in_dim3A_240 = vector.shape_cast %reduce_sum3A_239 : vector<256xf32> to vector<256x1xf32>
    %div3A_241 = arith.constant 6.400000e+01 : f32
    %div3A_242 = vector.broadcast %div3A_241 : f32 to vector<256x1xf32>
    %div3A_243 = arith.divf %broadcast_in_dim3A_240, %div3A_242 : vector<256x1xf32>
    %add3A_244 = arith.constant 9.99999997E-7 : f32
    %add3A_245 = vector.broadcast %add3A_244 : f32 to vector<256x1xf32>
    %add3A_246 = arith.addf %div3A_243, %add3A_245 : vector<256x1xf32>
    %rsqrt3A_247 = math.rsqrt %add3A_246 : vector<256x1xf32>
    %mul3A_248 = vector.broadcast %rsqrt3A_247 : vector<256x1xf32> to vector<256x64xf32>
    %mul3A_249 = arith.mulf %slice3A_233, %mul3A_248 : vector<256x64xf32>
    %mul3A_250 = vector.broadcast %get3A_236 : vector<1x64xf32> to vector<256x64xf32>
    %mul3A_251 = arith.mulf %mul3A_249, %mul3A_250 : vector<256x64xf32>
    %slice3A_252 = vector.extract_strided_slice %mul3A_251 {offsets = [0, 0], sizes = [256, 32], strides = [1, 1]} : vector<256x64xf32> to vector<256x32xf32>
    %slice3A_253 = vector.extract_strided_slice %mul3A_251 {offsets = [0, 32], sizes = [256, 32], strides = [1, 1]} : vector<256x64xf32> to vector<256x32xf32>
    %mul3A_254 = arith.mulf %slice3A_252, %cos3A : vector<256x32xf32>
    %mul3A_255 = arith.mulf %slice3A_253, %sin3A : vector<256x32xf32>
    %sub3A_256 = arith.subf %mul3A_254, %mul3A_255 : vector<256x32xf32>
    %mul3A_257 = arith.mulf %slice3A_253, %cos3A : vector<256x32xf32>
    %mul3A_258 = arith.mulf %slice3A_252, %sin3A : vector<256x32xf32>
    %add3A_259 = arith.addf %mul3A_257, %mul3A_258 : vector<256x32xf32>
    %concatenate3A_260 = tpu.concatenate %sub3A_256, %add3A_259 in 1 : vector<256x32xf32>, vector<256x32xf32> -> vector<256x64xf32>
    %slice3A_261 = vector.extract_strided_slice %dot_general3A_17 {offsets = [0, 320], sizes = [256, 64], strides = [1, 1]} : vector<256x1536xf32> to vector<256x64xf32>
    %get3A_262 = arith.constant 0 : index
    %get3A_263 = arith.constant 0 : index
    %get3A_264 = vector.load %arg2[%get3A_262, %get3A_263] : memref<1x64xf32, #tpu.memory_space<vmem>>, vector<1x64xf32>
    %mul3A_265 = arith.mulf %slice3A_261, %slice3A_261 : vector<256x64xf32>
    %reduce_sum3A_266 = arith.constant dense<0.000000e+00> : vector<256xf32>
    %reduce_sum3A_267 = vector.multi_reduction <add>, %mul3A_265, %reduce_sum3A_266 [1] : vector<256x64xf32> to vector<256xf32>
    %broadcast_in_dim3A_268 = vector.shape_cast %reduce_sum3A_267 : vector<256xf32> to vector<256x1xf32>
    %div3A_269 = arith.constant 6.400000e+01 : f32
    %div3A_270 = vector.broadcast %div3A_269 : f32 to vector<256x1xf32>
    %div3A_271 = arith.divf %broadcast_in_dim3A_268, %div3A_270 : vector<256x1xf32>
    %add3A_272 = arith.constant 9.99999997E-7 : f32
    %add3A_273 = vector.broadcast %add3A_272 : f32 to vector<256x1xf32>
    %add3A_274 = arith.addf %div3A_271, %add3A_273 : vector<256x1xf32>
    %rsqrt3A_275 = math.rsqrt %add3A_274 : vector<256x1xf32>
    %mul3A_276 = vector.broadcast %rsqrt3A_275 : vector<256x1xf32> to vector<256x64xf32>
    %mul3A_277 = arith.mulf %slice3A_261, %mul3A_276 : vector<256x64xf32>
    %mul3A_278 = vector.broadcast %get3A_264 : vector<1x64xf32> to vector<256x64xf32>
    %mul3A_279 = arith.mulf %mul3A_277, %mul3A_278 : vector<256x64xf32>
    %slice3A_280 = vector.extract_strided_slice %mul3A_279 {offsets = [0, 0], sizes = [256, 32], strides = [1, 1]} : vector<256x64xf32> to vector<256x32xf32>
    %slice3A_281 = vector.extract_strided_slice %mul3A_279 {offsets = [0, 32], sizes = [256, 32], strides = [1, 1]} : vector<256x64xf32> to vector<256x32xf32>
    %mul3A_282 = arith.mulf %slice3A_280, %cos3A : vector<256x32xf32>
    %mul3A_283 = arith.mulf %slice3A_281, %sin3A : vector<256x32xf32>
    %sub3A_284 = arith.subf %mul3A_282, %mul3A_283 : vector<256x32xf32>
    %mul3A_285 = arith.mulf %slice3A_281, %cos3A : vector<256x32xf32>
    %mul3A_286 = arith.mulf %slice3A_280, %sin3A : vector<256x32xf32>
    %add3A_287 = arith.addf %mul3A_285, %mul3A_286 : vector<256x32xf32>
    %concatenate3A_288 = tpu.concatenate %sub3A_284, %add3A_287 in 1 : vector<256x32xf32>, vector<256x32xf32> -> vector<256x64xf32>
    %slice3A_289 = vector.extract_strided_slice %dot_general3A_17 {offsets = [0, 384], sizes = [256, 64], strides = [1, 1]} : vector<256x1536xf32> to vector<256x64xf32>
    %get3A_290 = arith.constant 0 : index
    %get3A_291 = arith.constant 0 : index
    %get3A_292 = vector.load %arg2[%get3A_290, %get3A_291] : memref<1x64xf32, #tpu.memory_space<vmem>>, vector<1x64xf32>
    %mul3A_293 = arith.mulf %slice3A_289, %slice3A_289 : vector<256x64xf32>
    %reduce_sum3A_294 = arith.constant dense<0.000000e+00> : vector<256xf32>
    %reduce_sum3A_295 = vector.multi_reduction <add>, %mul3A_293, %reduce_sum3A_294 [1] : vector<256x64xf32> to vector<256xf32>
    %broadcast_in_dim3A_296 = vector.shape_cast %reduce_sum3A_295 : vector<256xf32> to vector<256x1xf32>
    %div3A_297 = arith.constant 6.400000e+01 : f32
    %div3A_298 = vector.broadcast %div3A_297 : f32 to vector<256x1xf32>
    %div3A_299 = arith.divf %broadcast_in_dim3A_296, %div3A_298 : vector<256x1xf32>
    %add3A_300 = arith.constant 9.99999997E-7 : f32
    %add3A_301 = vector.broadcast %add3A_300 : f32 to vector<256x1xf32>
    %add3A_302 = arith.addf %div3A_299, %add3A_301 : vector<256x1xf32>
    %rsqrt3A_303 = math.rsqrt %add3A_302 : vector<256x1xf32>
    %mul3A_304 = vector.broadcast %rsqrt3A_303 : vector<256x1xf32> to vector<256x64xf32>
    %mul3A_305 = arith.mulf %slice3A_289, %mul3A_304 : vector<256x64xf32>
    %mul3A_306 = vector.broadcast %get3A_292 : vector<1x64xf32> to vector<256x64xf32>
    %mul3A_307 = arith.mulf %mul3A_305, %mul3A_306 : vector<256x64xf32>
    %slice3A_308 = vector.extract_strided_slice %mul3A_307 {offsets = [0, 0], sizes = [256, 32], strides = [1, 1]} : vector<256x64xf32> to vector<256x32xf32>
    %slice3A_309 = vector.extract_strided_slice %mul3A_307 {offsets = [0, 32], sizes = [256, 32], strides = [1, 1]} : vector<256x64xf32> to vector<256x32xf32>
    %mul3A_310 = arith.mulf %slice3A_308, %cos3A : vector<256x32xf32>
    %mul3A_311 = arith.mulf %slice3A_309, %sin3A : vector<256x32xf32>
    %sub3A_312 = arith.subf %mul3A_310, %mul3A_311 : vector<256x32xf32>
    %mul3A_313 = arith.mulf %slice3A_309, %cos3A : vector<256x32xf32>
    %mul3A_314 = arith.mulf %slice3A_308, %sin3A : vector<256x32xf32>
    %add3A_315 = arith.addf %mul3A_313, %mul3A_314 : vector<256x32xf32>
    %concatenate3A_316 = tpu.concatenate %sub3A_312, %add3A_315 in 1 : vector<256x32xf32>, vector<256x32xf32> -> vector<256x64xf32>
    %slice3A_317 = vector.extract_strided_slice %dot_general3A_17 {offsets = [0, 448], sizes = [256, 64], strides = [1, 1]} : vector<256x1536xf32> to vector<256x64xf32>
    %get3A_318 = arith.constant 0 : index
    %get3A_319 = arith.constant 0 : index
    %get3A_320 = vector.load %arg2[%get3A_318, %get3A_319] : memref<1x64xf32, #tpu.memory_space<vmem>>, vector<1x64xf32>
    %mul3A_321 = arith.mulf %slice3A_317, %slice3A_317 : vector<256x64xf32>
    %reduce_sum3A_322 = arith.constant dense<0.000000e+00> : vector<256xf32>
    %reduce_sum3A_323 = vector.multi_reduction <add>, %mul3A_321, %reduce_sum3A_322 [1] : vector<256x64xf32> to vector<256xf32>
    %broadcast_in_dim3A_324 = vector.shape_cast %reduce_sum3A_323 : vector<256xf32> to vector<256x1xf32>
    %div3A_325 = arith.constant 6.400000e+01 : f32
    %div3A_326 = vector.broadcast %div3A_325 : f32 to vector<256x1xf32>
    %div3A_327 = arith.divf %broadcast_in_dim3A_324, %div3A_326 : vector<256x1xf32>
    %add3A_328 = arith.constant 9.99999997E-7 : f32
    %add3A_329 = vector.broadcast %add3A_328 : f32 to vector<256x1xf32>
    %add3A_330 = arith.addf %div3A_327, %add3A_329 : vector<256x1xf32>
    %rsqrt3A_331 = math.rsqrt %add3A_330 : vector<256x1xf32>
    %mul3A_332 = vector.broadcast %rsqrt3A_331 : vector<256x1xf32> to vector<256x64xf32>
    %mul3A_333 = arith.mulf %slice3A_317, %mul3A_332 : vector<256x64xf32>
    %mul3A_334 = vector.broadcast %get3A_320 : vector<1x64xf32> to vector<256x64xf32>
    %mul3A_335 = arith.mulf %mul3A_333, %mul3A_334 : vector<256x64xf32>
    %slice3A_336 = vector.extract_strided_slice %mul3A_335 {offsets = [0, 0], sizes = [256, 32], strides = [1, 1]} : vector<256x64xf32> to vector<256x32xf32>
    %slice3A_337 = vector.extract_strided_slice %mul3A_335 {offsets = [0, 32], sizes = [256, 32], strides = [1, 1]} : vector<256x64xf32> to vector<256x32xf32>
    %mul3A_338 = arith.mulf %slice3A_336, %cos3A : vector<256x32xf32>
    %mul3A_339 = arith.mulf %slice3A_337, %sin3A : vector<256x32xf32>
    %sub3A_340 = arith.subf %mul3A_338, %mul3A_339 : vector<256x32xf32>
    %mul3A_341 = arith.mulf %slice3A_337, %cos3A : vector<256x32xf32>
    %mul3A_342 = arith.mulf %slice3A_336, %sin3A : vector<256x32xf32>
    %add3A_343 = arith.addf %mul3A_341, %mul3A_342 : vector<256x32xf32>
    %concatenate3A_344 = tpu.concatenate %sub3A_340, %add3A_343 in 1 : vector<256x32xf32>, vector<256x32xf32> -> vector<256x64xf32>
    %concatenate3A_345 = tpu.concatenate %concatenate3A_260, %concatenate3A_288, %concatenate3A_316, %concatenate3A_344 in 0 : vector<256x64xf32>, vector<256x64xf32>, vector<256x64xf32>, vector<256x64xf32> -> vector<1024x64xf32>
    %dot_general3A_346 = arith.constant dense<0.000000e+00> : vector<1024x256xf32>
    %dot_general3A_347 = tpu.matmul %concatenate3A_345, %concatenate3A_231, %dot_general3A_346 {dimension_numbers = #tpu.dot_dimension_numbers<[1], [1], [0], [0], [0, 0, 1, 0], [], []>, transpose_lhs_hint = false} : vector<1024x64xf32>, vector<256x64xf32>, vector<1024x256xf32> -> vector<1024x256xf32>
    %mul3A_348 = arith.constant 1.250000e-01 : f32
    %mul3A_349 = vector.broadcast %mul3A_348 : f32 to vector<1024x256xf32>
    %mul3A_350 = arith.mulf %dot_general3A_347, %mul3A_349 : vector<1024x256xf32>
    %jit3A_351 = arith.constant -3.000000e+38 : f32
    %broadcast_in_dim3A_352 = vector.broadcast %jit3A_351 : f32 to vector<1024x256xf32>
    %select_n3A_353 = arith.select %le3A, %mul3A_350, %broadcast_in_dim3A_352 : vector<1024x256xi1>, vector<1024x256xf32>
    %reduce_max3A_354 = arith.constant dense<0xFF800000> : vector<1024xf32>
    %reduce_max3A_355 = vector.multi_reduction <maximumf>, %select_n3A_353, %reduce_max3A_354 [1] : vector<1024x256xf32> to vector<1024xf32>
    %broadcast_in_dim3A_356 = vector.shape_cast %reduce_max3A_355 : vector<1024xf32> to vector<1024x1xf32>
    %sub3A_357 = vector.broadcast %broadcast_in_dim3A_356 : vector<1024x1xf32> to vector<1024x256xf32>
    %sub3A_358 = arith.subf %select_n3A_353, %sub3A_357 : vector<1024x256xf32>
    %exp3A_359 = math.exp %sub3A_358 : vector<1024x256xf32>
    %dot_general3A_360 = arith.constant dense<0.000000e+00> : vector<1024x64xf32>
    %dot_general3A_361 = tpu.matmul %exp3A_359, %slice3A_232, %dot_general3A_360 {dimension_numbers = #tpu.dot_dimension_numbers<[1], [0], [0], [1], [0, 0, 1, 1], [], []>, transpose_lhs_hint = false} : vector<1024x256xf32>, vector<256x64xf32>, vector<1024x64xf32> -> vector<1024x64xf32>
    %reduce_sum3A_362 = arith.constant dense<0.000000e+00> : vector<1024xf32>
    %reduce_sum3A_363 = vector.multi_reduction <add>, %exp3A_359, %reduce_sum3A_362 [1] : vector<1024x256xf32> to vector<1024xf32>
    %broadcast_in_dim3A_364 = vector.shape_cast %reduce_sum3A_363 : vector<1024xf32> to vector<1024x1xf32>
    %div3A_365 = vector.broadcast %broadcast_in_dim3A_364 : vector<1024x1xf32> to vector<1024x64xf32>
    %div3A_366 = arith.divf %dot_general3A_361, %div3A_365 : vector<1024x64xf32>
    %slice3A_367 = vector.extract_strided_slice %div3A_366 {offsets = [0, 0], sizes = [256, 64], strides = [1, 1]} : vector<1024x64xf32> to vector<256x64xf32>
    %slice3A_368 = vector.extract_strided_slice %div3A_366 {offsets = [256, 0], sizes = [256, 64], strides = [1, 1]} : vector<1024x64xf32> to vector<256x64xf32>
    %slice3A_369 = vector.extract_strided_slice %div3A_366 {offsets = [512, 0], sizes = [256, 64], strides = [1, 1]} : vector<1024x64xf32> to vector<256x64xf32>
    %slice3A_370 = vector.extract_strided_slice %div3A_366 {offsets = [768, 0], sizes = [256, 64], strides = [1, 1]} : vector<1024x64xf32> to vector<256x64xf32>
    %slice3A_371 = vector.extract_strided_slice %dot_general3A_17 {offsets = [0, 1152], sizes = [256, 64], strides = [1, 1]} : vector<256x1536xf32> to vector<256x64xf32>
    %get3A_372 = arith.constant 0 : index
    %get3A_373 = arith.constant 0 : index
    %get3A_374 = vector.load %arg3[%get3A_372, %get3A_373] : memref<1x64xf32, #tpu.memory_space<vmem>>, vector<1x64xf32>
    %mul3A_375 = arith.mulf %slice3A_371, %slice3A_371 : vector<256x64xf32>
    %reduce_sum3A_376 = arith.constant dense<0.000000e+00> : vector<256xf32>
    %reduce_sum3A_377 = vector.multi_reduction <add>, %mul3A_375, %reduce_sum3A_376 [1] : vector<256x64xf32> to vector<256xf32>
    %broadcast_in_dim3A_378 = vector.shape_cast %reduce_sum3A_377 : vector<256xf32> to vector<256x1xf32>
    %div3A_379 = arith.constant 6.400000e+01 : f32
    %div3A_380 = vector.broadcast %div3A_379 : f32 to vector<256x1xf32>
    %div3A_381 = arith.divf %broadcast_in_dim3A_378, %div3A_380 : vector<256x1xf32>
    %add3A_382 = arith.constant 9.99999997E-7 : f32
    %add3A_383 = vector.broadcast %add3A_382 : f32 to vector<256x1xf32>
    %add3A_384 = arith.addf %div3A_381, %add3A_383 : vector<256x1xf32>
    %rsqrt3A_385 = math.rsqrt %add3A_384 : vector<256x1xf32>
    %mul3A_386 = vector.broadcast %rsqrt3A_385 : vector<256x1xf32> to vector<256x64xf32>
    %mul3A_387 = arith.mulf %slice3A_371, %mul3A_386 : vector<256x64xf32>
    %mul3A_388 = vector.broadcast %get3A_374 : vector<1x64xf32> to vector<256x64xf32>
    %mul3A_389 = arith.mulf %mul3A_387, %mul3A_388 : vector<256x64xf32>
    %slice3A_390 = vector.extract_strided_slice %mul3A_389 {offsets = [0, 0], sizes = [256, 32], strides = [1, 1]} : vector<256x64xf32> to vector<256x32xf32>
    %slice3A_391 = vector.extract_strided_slice %mul3A_389 {offsets = [0, 32], sizes = [256, 32], strides = [1, 1]} : vector<256x64xf32> to vector<256x32xf32>
    %mul3A_392 = arith.mulf %slice3A_390, %cos3A : vector<256x32xf32>
    %mul3A_393 = arith.mulf %slice3A_391, %sin3A : vector<256x32xf32>
    %sub3A_394 = arith.subf %mul3A_392, %mul3A_393 : vector<256x32xf32>
    %mul3A_395 = arith.mulf %slice3A_391, %cos3A : vector<256x32xf32>
    %mul3A_396 = arith.mulf %slice3A_390, %sin3A : vector<256x32xf32>
    %add3A_397 = arith.addf %mul3A_395, %mul3A_396 : vector<256x32xf32>
    %concatenate3A_398 = tpu.concatenate %sub3A_394, %add3A_397 in 1 : vector<256x32xf32>, vector<256x32xf32> -> vector<256x64xf32>
    %slice3A_399 = vector.extract_strided_slice %dot_general3A_17 {offsets = [0, 1408], sizes = [256, 64], strides = [1, 1]} : vector<256x1536xf32> to vector<256x64xf32>
    %slice3A_400 = vector.extract_strided_slice %dot_general3A_17 {offsets = [0, 512], sizes = [256, 64], strides = [1, 1]} : vector<256x1536xf32> to vector<256x64xf32>
    %get3A_401 = arith.constant 0 : index
    %get3A_402 = arith.constant 0 : index
    %get3A_403 = vector.load %arg2[%get3A_401, %get3A_402] : memref<1x64xf32, #tpu.memory_space<vmem>>, vector<1x64xf32>
    %mul3A_404 = arith.mulf %slice3A_400, %slice3A_400 : vector<256x64xf32>
    %reduce_sum3A_405 = arith.constant dense<0.000000e+00> : vector<256xf32>
    %reduce_sum3A_406 = vector.multi_reduction <add>, %mul3A_404, %reduce_sum3A_405 [1] : vector<256x64xf32> to vector<256xf32>
    %broadcast_in_dim3A_407 = vector.shape_cast %reduce_sum3A_406 : vector<256xf32> to vector<256x1xf32>
    %div3A_408 = arith.constant 6.400000e+01 : f32
    %div3A_409 = vector.broadcast %div3A_408 : f32 to vector<256x1xf32>
    %div3A_410 = arith.divf %broadcast_in_dim3A_407, %div3A_409 : vector<256x1xf32>
    %add3A_411 = arith.constant 9.99999997E-7 : f32
    %add3A_412 = vector.broadcast %add3A_411 : f32 to vector<256x1xf32>
    %add3A_413 = arith.addf %div3A_410, %add3A_412 : vector<256x1xf32>
    %rsqrt3A_414 = math.rsqrt %add3A_413 : vector<256x1xf32>
    %mul3A_415 = vector.broadcast %rsqrt3A_414 : vector<256x1xf32> to vector<256x64xf32>
    %mul3A_416 = arith.mulf %slice3A_400, %mul3A_415 : vector<256x64xf32>
    %mul3A_417 = vector.broadcast %get3A_403 : vector<1x64xf32> to vector<256x64xf32>
    %mul3A_418 = arith.mulf %mul3A_416, %mul3A_417 : vector<256x64xf32>
    %slice3A_419 = vector.extract_strided_slice %mul3A_418 {offsets = [0, 0], sizes = [256, 32], strides = [1, 1]} : vector<256x64xf32> to vector<256x32xf32>
    %slice3A_420 = vector.extract_strided_slice %mul3A_418 {offsets = [0, 32], sizes = [256, 32], strides = [1, 1]} : vector<256x64xf32> to vector<256x32xf32>
    %mul3A_421 = arith.mulf %slice3A_419, %cos3A : vector<256x32xf32>
    %mul3A_422 = arith.mulf %slice3A_420, %sin3A : vector<256x32xf32>
    %sub3A_423 = arith.subf %mul3A_421, %mul3A_422 : vector<256x32xf32>
    %mul3A_424 = arith.mulf %slice3A_420, %cos3A : vector<256x32xf32>
    %mul3A_425 = arith.mulf %slice3A_419, %sin3A : vector<256x32xf32>
    %add3A_426 = arith.addf %mul3A_424, %mul3A_425 : vector<256x32xf32>
    %concatenate3A_427 = tpu.concatenate %sub3A_423, %add3A_426 in 1 : vector<256x32xf32>, vector<256x32xf32> -> vector<256x64xf32>
    %slice3A_428 = vector.extract_strided_slice %dot_general3A_17 {offsets = [0, 576], sizes = [256, 64], strides = [1, 1]} : vector<256x1536xf32> to vector<256x64xf32>
    %get3A_429 = arith.constant 0 : index
    %get3A_430 = arith.constant 0 : index
    %get3A_431 = vector.load %arg2[%get3A_429, %get3A_430] : memref<1x64xf32, #tpu.memory_space<vmem>>, vector<1x64xf32>
    %mul3A_432 = arith.mulf %slice3A_428, %slice3A_428 : vector<256x64xf32>
    %reduce_sum3A_433 = arith.constant dense<0.000000e+00> : vector<256xf32>
    %reduce_sum3A_434 = vector.multi_reduction <add>, %mul3A_432, %reduce_sum3A_433 [1] : vector<256x64xf32> to vector<256xf32>
    %broadcast_in_dim3A_435 = vector.shape_cast %reduce_sum3A_434 : vector<256xf32> to vector<256x1xf32>
    %div3A_436 = arith.constant 6.400000e+01 : f32
    %div3A_437 = vector.broadcast %div3A_436 : f32 to vector<256x1xf32>
    %div3A_438 = arith.divf %broadcast_in_dim3A_435, %div3A_437 : vector<256x1xf32>
    %add3A_439 = arith.constant 9.99999997E-7 : f32
    %add3A_440 = vector.broadcast %add3A_439 : f32 to vector<256x1xf32>
    %add3A_441 = arith.addf %div3A_438, %add3A_440 : vector<256x1xf32>
    %rsqrt3A_442 = math.rsqrt %add3A_441 : vector<256x1xf32>
    %mul3A_443 = vector.broadcast %rsqrt3A_442 : vector<256x1xf32> to vector<256x64xf32>
    %mul3A_444 = arith.mulf %slice3A_428, %mul3A_443 : vector<256x64xf32>
    %mul3A_445 = vector.broadcast %get3A_431 : vector<1x64xf32> to vector<256x64xf32>
    %mul3A_446 = arith.mulf %mul3A_444, %mul3A_445 : vector<256x64xf32>
    %slice3A_447 = vector.extract_strided_slice %mul3A_446 {offsets = [0, 0], sizes = [256, 32], strides = [1, 1]} : vector<256x64xf32> to vector<256x32xf32>
    %slice3A_448 = vector.extract_strided_slice %mul3A_446 {offsets = [0, 32], sizes = [256, 32], strides = [1, 1]} : vector<256x64xf32> to vector<256x32xf32>
    %mul3A_449 = arith.mulf %slice3A_447, %cos3A : vector<256x32xf32>
    %mul3A_450 = arith.mulf %slice3A_448, %sin3A : vector<256x32xf32>
    %sub3A_451 = arith.subf %mul3A_449, %mul3A_450 : vector<256x32xf32>
    %mul3A_452 = arith.mulf %slice3A_448, %cos3A : vector<256x32xf32>
    %mul3A_453 = arith.mulf %slice3A_447, %sin3A : vector<256x32xf32>
    %add3A_454 = arith.addf %mul3A_452, %mul3A_453 : vector<256x32xf32>
    %concatenate3A_455 = tpu.concatenate %sub3A_451, %add3A_454 in 1 : vector<256x32xf32>, vector<256x32xf32> -> vector<256x64xf32>
    %slice3A_456 = vector.extract_strided_slice %dot_general3A_17 {offsets = [0, 640], sizes = [256, 64], strides = [1, 1]} : vector<256x1536xf32> to vector<256x64xf32>
    %get3A_457 = arith.constant 0 : index
    %get3A_458 = arith.constant 0 : index
    %get3A_459 = vector.load %arg2[%get3A_457, %get3A_458] : memref<1x64xf32, #tpu.memory_space<vmem>>, vector<1x64xf32>
    %mul3A_460 = arith.mulf %slice3A_456, %slice3A_456 : vector<256x64xf32>
    %reduce_sum3A_461 = arith.constant dense<0.000000e+00> : vector<256xf32>
    %reduce_sum3A_462 = vector.multi_reduction <add>, %mul3A_460, %reduce_sum3A_461 [1] : vector<256x64xf32> to vector<256xf32>
    %broadcast_in_dim3A_463 = vector.shape_cast %reduce_sum3A_462 : vector<256xf32> to vector<256x1xf32>
    %div3A_464 = arith.constant 6.400000e+01 : f32
    %div3A_465 = vector.broadcast %div3A_464 : f32 to vector<256x1xf32>
    %div3A_466 = arith.divf %broadcast_in_dim3A_463, %div3A_465 : vector<256x1xf32>
    %add3A_467 = arith.constant 9.99999997E-7 : f32
    %add3A_468 = vector.broadcast %add3A_467 : f32 to vector<256x1xf32>
    %add3A_469 = arith.addf %div3A_466, %add3A_468 : vector<256x1xf32>
    %rsqrt3A_470 = math.rsqrt %add3A_469 : vector<256x1xf32>
    %mul3A_471 = vector.broadcast %rsqrt3A_470 : vector<256x1xf32> to vector<256x64xf32>
    %mul3A_472 = arith.mulf %slice3A_456, %mul3A_471 : vector<256x64xf32>
    %mul3A_473 = vector.broadcast %get3A_459 : vector<1x64xf32> to vector<256x64xf32>
    %mul3A_474 = arith.mulf %mul3A_472, %mul3A_473 : vector<256x64xf32>
    %slice3A_475 = vector.extract_strided_slice %mul3A_474 {offsets = [0, 0], sizes = [256, 32], strides = [1, 1]} : vector<256x64xf32> to vector<256x32xf32>
    %slice3A_476 = vector.extract_strided_slice %mul3A_474 {offsets = [0, 32], sizes = [256, 32], strides = [1, 1]} : vector<256x64xf32> to vector<256x32xf32>
    %mul3A_477 = arith.mulf %slice3A_475, %cos3A : vector<256x32xf32>
    %mul3A_478 = arith.mulf %slice3A_476, %sin3A : vector<256x32xf32>
    %sub3A_479 = arith.subf %mul3A_477, %mul3A_478 : vector<256x32xf32>
    %mul3A_480 = arith.mulf %slice3A_476, %cos3A : vector<256x32xf32>
    %mul3A_481 = arith.mulf %slice3A_475, %sin3A : vector<256x32xf32>
    %add3A_482 = arith.addf %mul3A_480, %mul3A_481 : vector<256x32xf32>
    %concatenate3A_483 = tpu.concatenate %sub3A_479, %add3A_482 in 1 : vector<256x32xf32>, vector<256x32xf32> -> vector<256x64xf32>
    %slice3A_484 = vector.extract_strided_slice %dot_general3A_17 {offsets = [0, 704], sizes = [256, 64], strides = [1, 1]} : vector<256x1536xf32> to vector<256x64xf32>
    %get3A_485 = arith.constant 0 : index
    %get3A_486 = arith.constant 0 : index
    %get3A_487 = vector.load %arg2[%get3A_485, %get3A_486] : memref<1x64xf32, #tpu.memory_space<vmem>>, vector<1x64xf32>
    %mul3A_488 = arith.mulf %slice3A_484, %slice3A_484 : vector<256x64xf32>
    %reduce_sum3A_489 = arith.constant dense<0.000000e+00> : vector<256xf32>
    %reduce_sum3A_490 = vector.multi_reduction <add>, %mul3A_488, %reduce_sum3A_489 [1] : vector<256x64xf32> to vector<256xf32>
    %broadcast_in_dim3A_491 = vector.shape_cast %reduce_sum3A_490 : vector<256xf32> to vector<256x1xf32>
    %div3A_492 = arith.constant 6.400000e+01 : f32
    %div3A_493 = vector.broadcast %div3A_492 : f32 to vector<256x1xf32>
    %div3A_494 = arith.divf %broadcast_in_dim3A_491, %div3A_493 : vector<256x1xf32>
    %add3A_495 = arith.constant 9.99999997E-7 : f32
    %add3A_496 = vector.broadcast %add3A_495 : f32 to vector<256x1xf32>
    %add3A_497 = arith.addf %div3A_494, %add3A_496 : vector<256x1xf32>
    %rsqrt3A_498 = math.rsqrt %add3A_497 : vector<256x1xf32>
    %mul3A_499 = vector.broadcast %rsqrt3A_498 : vector<256x1xf32> to vector<256x64xf32>
    %mul3A_500 = arith.mulf %slice3A_484, %mul3A_499 : vector<256x64xf32>
    %mul3A_501 = vector.broadcast %get3A_487 : vector<1x64xf32> to vector<256x64xf32>
    %mul3A_502 = arith.mulf %mul3A_500, %mul3A_501 : vector<256x64xf32>
    %slice3A_503 = vector.extract_strided_slice %mul3A_502 {offsets = [0, 0], sizes = [256, 32], strides = [1, 1]} : vector<256x64xf32> to vector<256x32xf32>
    %slice3A_504 = vector.extract_strided_slice %mul3A_502 {offsets = [0, 32], sizes = [256, 32], strides = [1, 1]} : vector<256x64xf32> to vector<256x32xf32>
    %mul3A_505 = arith.mulf %slice3A_503, %cos3A : vector<256x32xf32>
    %mul3A_506 = arith.mulf %slice3A_504, %sin3A : vector<256x32xf32>
    %sub3A_507 = arith.subf %mul3A_505, %mul3A_506 : vector<256x32xf32>
    %mul3A_508 = arith.mulf %slice3A_504, %cos3A : vector<256x32xf32>
    %mul3A_509 = arith.mulf %slice3A_503, %sin3A : vector<256x32xf32>
    %add3A_510 = arith.addf %mul3A_508, %mul3A_509 : vector<256x32xf32>
    %concatenate3A_511 = tpu.concatenate %sub3A_507, %add3A_510 in 1 : vector<256x32xf32>, vector<256x32xf32> -> vector<256x64xf32>
    %concatenate3A_512 = tpu.concatenate %concatenate3A_427, %concatenate3A_455, %concatenate3A_483, %concatenate3A_511 in 0 : vector<256x64xf32>, vector<256x64xf32>, vector<256x64xf32>, vector<256x64xf32> -> vector<1024x64xf32>
    %dot_general3A_513 = arith.constant dense<0.000000e+00> : vector<1024x256xf32>
    %dot_general3A_514 = tpu.matmul %concatenate3A_512, %concatenate3A_398, %dot_general3A_513 {dimension_numbers = #tpu.dot_dimension_numbers<[1], [1], [0], [0], [0, 0, 1, 0], [], []>, transpose_lhs_hint = false} : vector<1024x64xf32>, vector<256x64xf32>, vector<1024x256xf32> -> vector<1024x256xf32>
    %mul3A_515 = arith.constant 1.250000e-01 : f32
    %mul3A_516 = vector.broadcast %mul3A_515 : f32 to vector<1024x256xf32>
    %mul3A_517 = arith.mulf %dot_general3A_514, %mul3A_516 : vector<1024x256xf32>
    %jit3A_518 = arith.constant -3.000000e+38 : f32
    %broadcast_in_dim3A_519 = vector.broadcast %jit3A_518 : f32 to vector<1024x256xf32>
    %select_n3A_520 = arith.select %le3A, %mul3A_517, %broadcast_in_dim3A_519 : vector<1024x256xi1>, vector<1024x256xf32>
    %reduce_max3A_521 = arith.constant dense<0xFF800000> : vector<1024xf32>
    %reduce_max3A_522 = vector.multi_reduction <maximumf>, %select_n3A_520, %reduce_max3A_521 [1] : vector<1024x256xf32> to vector<1024xf32>
    %broadcast_in_dim3A_523 = vector.shape_cast %reduce_max3A_522 : vector<1024xf32> to vector<1024x1xf32>
    %sub3A_524 = vector.broadcast %broadcast_in_dim3A_523 : vector<1024x1xf32> to vector<1024x256xf32>
    %sub3A_525 = arith.subf %select_n3A_520, %sub3A_524 : vector<1024x256xf32>
    %exp3A_526 = math.exp %sub3A_525 : vector<1024x256xf32>
    %dot_general3A_527 = arith.constant dense<0.000000e+00> : vector<1024x64xf32>
    %dot_general3A_528 = tpu.matmul %exp3A_526, %slice3A_399, %dot_general3A_527 {dimension_numbers = #tpu.dot_dimension_numbers<[1], [0], [0], [1], [0, 0, 1, 1], [], []>, transpose_lhs_hint = false} : vector<1024x256xf32>, vector<256x64xf32>, vector<1024x64xf32> -> vector<1024x64xf32>
    %reduce_sum3A_529 = arith.constant dense<0.000000e+00> : vector<1024xf32>
    %reduce_sum3A_530 = vector.multi_reduction <add>, %exp3A_526, %reduce_sum3A_529 [1] : vector<1024x256xf32> to vector<1024xf32>
    %broadcast_in_dim3A_531 = vector.shape_cast %reduce_sum3A_530 : vector<1024xf32> to vector<1024x1xf32>
    %div3A_532 = vector.broadcast %broadcast_in_dim3A_531 : vector<1024x1xf32> to vector<1024x64xf32>
    %div3A_533 = arith.divf %dot_general3A_528, %div3A_532 : vector<1024x64xf32>
    %slice3A_534 = vector.extract_strided_slice %div3A_533 {offsets = [0, 0], sizes = [256, 64], strides = [1, 1]} : vector<1024x64xf32> to vector<256x64xf32>
    %slice3A_535 = vector.extract_strided_slice %div3A_533 {offsets = [256, 0], sizes = [256, 64], strides = [1, 1]} : vector<1024x64xf32> to vector<256x64xf32>
    %slice3A_536 = vector.extract_strided_slice %div3A_533 {offsets = [512, 0], sizes = [256, 64], strides = [1, 1]} : vector<1024x64xf32> to vector<256x64xf32>
    %slice3A_537 = vector.extract_strided_slice %div3A_533 {offsets = [768, 0], sizes = [256, 64], strides = [1, 1]} : vector<1024x64xf32> to vector<256x64xf32>
    %slice3A_538 = vector.extract_strided_slice %dot_general3A_17 {offsets = [0, 1216], sizes = [256, 64], strides = [1, 1]} : vector<256x1536xf32> to vector<256x64xf32>
    %get3A_539 = arith.constant 0 : index
    %get3A_540 = arith.constant 0 : index
    %get3A_541 = vector.load %arg3[%get3A_539, %get3A_540] : memref<1x64xf32, #tpu.memory_space<vmem>>, vector<1x64xf32>
    %mul3A_542 = arith.mulf %slice3A_538, %slice3A_538 : vector<256x64xf32>
    %reduce_sum3A_543 = arith.constant dense<0.000000e+00> : vector<256xf32>
    %reduce_sum3A_544 = vector.multi_reduction <add>, %mul3A_542, %reduce_sum3A_543 [1] : vector<256x64xf32> to vector<256xf32>
    %broadcast_in_dim3A_545 = vector.shape_cast %reduce_sum3A_544 : vector<256xf32> to vector<256x1xf32>
    %div3A_546 = arith.constant 6.400000e+01 : f32
    %div3A_547 = vector.broadcast %div3A_546 : f32 to vector<256x1xf32>
    %div3A_548 = arith.divf %broadcast_in_dim3A_545, %div3A_547 : vector<256x1xf32>
    %add3A_549 = arith.constant 9.99999997E-7 : f32
    %add3A_550 = vector.broadcast %add3A_549 : f32 to vector<256x1xf32>
    %add3A_551 = arith.addf %div3A_548, %add3A_550 : vector<256x1xf32>
    %rsqrt3A_552 = math.rsqrt %add3A_551 : vector<256x1xf32>
    %mul3A_553 = vector.broadcast %rsqrt3A_552 : vector<256x1xf32> to vector<256x64xf32>
    %mul3A_554 = arith.mulf %slice3A_538, %mul3A_553 : vector<256x64xf32>
    %mul3A_555 = vector.broadcast %get3A_541 : vector<1x64xf32> to vector<256x64xf32>
    %mul3A_556 = arith.mulf %mul3A_554, %mul3A_555 : vector<256x64xf32>
    %slice3A_557 = vector.extract_strided_slice %mul3A_556 {offsets = [0, 0], sizes = [256, 32], strides = [1, 1]} : vector<256x64xf32> to vector<256x32xf32>
    %slice3A_558 = vector.extract_strided_slice %mul3A_556 {offsets = [0, 32], sizes = [256, 32], strides = [1, 1]} : vector<256x64xf32> to vector<256x32xf32>
    %mul3A_559 = arith.mulf %slice3A_557, %cos3A : vector<256x32xf32>
    %mul3A_560 = arith.mulf %slice3A_558, %sin3A : vector<256x32xf32>
    %sub3A_561 = arith.subf %mul3A_559, %mul3A_560 : vector<256x32xf32>
    %mul3A_562 = arith.mulf %slice3A_558, %cos3A : vector<256x32xf32>
    %mul3A_563 = arith.mulf %slice3A_557, %sin3A : vector<256x32xf32>
    %add3A_564 = arith.addf %mul3A_562, %mul3A_563 : vector<256x32xf32>
    %concatenate3A_565 = tpu.concatenate %sub3A_561, %add3A_564 in 1 : vector<256x32xf32>, vector<256x32xf32> -> vector<256x64xf32>
    %slice3A_566 = vector.extract_strided_slice %dot_general3A_17 {offsets = [0, 1472], sizes = [256, 64], strides = [1, 1]} : vector<256x1536xf32> to vector<256x64xf32>
    %slice3A_567 = vector.extract_strided_slice %dot_general3A_17 {offsets = [0, 768], sizes = [256, 64], strides = [1, 1]} : vector<256x1536xf32> to vector<256x64xf32>
    %get3A_568 = arith.constant 0 : index
    %get3A_569 = arith.constant 0 : index
    %get3A_570 = vector.load %arg2[%get3A_568, %get3A_569] : memref<1x64xf32, #tpu.memory_space<vmem>>, vector<1x64xf32>
    %mul3A_571 = arith.mulf %slice3A_567, %slice3A_567 : vector<256x64xf32>
    %reduce_sum3A_572 = arith.constant dense<0.000000e+00> : vector<256xf32>
    %reduce_sum3A_573 = vector.multi_reduction <add>, %mul3A_571, %reduce_sum3A_572 [1] : vector<256x64xf32> to vector<256xf32>
    %broadcast_in_dim3A_574 = vector.shape_cast %reduce_sum3A_573 : vector<256xf32> to vector<256x1xf32>
    %div3A_575 = arith.constant 6.400000e+01 : f32
    %div3A_576 = vector.broadcast %div3A_575 : f32 to vector<256x1xf32>
    %div3A_577 = arith.divf %broadcast_in_dim3A_574, %div3A_576 : vector<256x1xf32>
    %add3A_578 = arith.constant 9.99999997E-7 : f32
    %add3A_579 = vector.broadcast %add3A_578 : f32 to vector<256x1xf32>
    %add3A_580 = arith.addf %div3A_577, %add3A_579 : vector<256x1xf32>
    %rsqrt3A_581 = math.rsqrt %add3A_580 : vector<256x1xf32>
    %mul3A_582 = vector.broadcast %rsqrt3A_581 : vector<256x1xf32> to vector<256x64xf32>
    %mul3A_583 = arith.mulf %slice3A_567, %mul3A_582 : vector<256x64xf32>
    %mul3A_584 = vector.broadcast %get3A_570 : vector<1x64xf32> to vector<256x64xf32>
    %mul3A_585 = arith.mulf %mul3A_583, %mul3A_584 : vector<256x64xf32>
    %slice3A_586 = vector.extract_strided_slice %mul3A_585 {offsets = [0, 0], sizes = [256, 32], strides = [1, 1]} : vector<256x64xf32> to vector<256x32xf32>
    %slice3A_587 = vector.extract_strided_slice %mul3A_585 {offsets = [0, 32], sizes = [256, 32], strides = [1, 1]} : vector<256x64xf32> to vector<256x32xf32>
    %mul3A_588 = arith.mulf %slice3A_586, %cos3A : vector<256x32xf32>
    %mul3A_589 = arith.mulf %slice3A_587, %sin3A : vector<256x32xf32>
    %sub3A_590 = arith.subf %mul3A_588, %mul3A_589 : vector<256x32xf32>
    %mul3A_591 = arith.mulf %slice3A_587, %cos3A : vector<256x32xf32>
    %mul3A_592 = arith.mulf %slice3A_586, %sin3A : vector<256x32xf32>
    %add3A_593 = arith.addf %mul3A_591, %mul3A_592 : vector<256x32xf32>
    %concatenate3A_594 = tpu.concatenate %sub3A_590, %add3A_593 in 1 : vector<256x32xf32>, vector<256x32xf32> -> vector<256x64xf32>
    %slice3A_595 = vector.extract_strided_slice %dot_general3A_17 {offsets = [0, 832], sizes = [256, 64], strides = [1, 1]} : vector<256x1536xf32> to vector<256x64xf32>
    %get3A_596 = arith.constant 0 : index
    %get3A_597 = arith.constant 0 : index
    %get3A_598 = vector.load %arg2[%get3A_596, %get3A_597] : memref<1x64xf32, #tpu.memory_space<vmem>>, vector<1x64xf32>
    %mul3A_599 = arith.mulf %slice3A_595, %slice3A_595 : vector<256x64xf32>
    %reduce_sum3A_600 = arith.constant dense<0.000000e+00> : vector<256xf32>
    %reduce_sum3A_601 = vector.multi_reduction <add>, %mul3A_599, %reduce_sum3A_600 [1] : vector<256x64xf32> to vector<256xf32>
    %broadcast_in_dim3A_602 = vector.shape_cast %reduce_sum3A_601 : vector<256xf32> to vector<256x1xf32>
    %div3A_603 = arith.constant 6.400000e+01 : f32
    %div3A_604 = vector.broadcast %div3A_603 : f32 to vector<256x1xf32>
    %div3A_605 = arith.divf %broadcast_in_dim3A_602, %div3A_604 : vector<256x1xf32>
    %add3A_606 = arith.constant 9.99999997E-7 : f32
    %add3A_607 = vector.broadcast %add3A_606 : f32 to vector<256x1xf32>
    %add3A_608 = arith.addf %div3A_605, %add3A_607 : vector<256x1xf32>
    %rsqrt3A_609 = math.rsqrt %add3A_608 : vector<256x1xf32>
    %mul3A_610 = vector.broadcast %rsqrt3A_609 : vector<256x1xf32> to vector<256x64xf32>
    %mul3A_611 = arith.mulf %slice3A_595, %mul3A_610 : vector<256x64xf32>
    %mul3A_612 = vector.broadcast %get3A_598 : vector<1x64xf32> to vector<256x64xf32>
    %mul3A_613 = arith.mulf %mul3A_611, %mul3A_612 : vector<256x64xf32>
    %slice3A_614 = vector.extract_strided_slice %mul3A_613 {offsets = [0, 0], sizes = [256, 32], strides = [1, 1]} : vector<256x64xf32> to vector<256x32xf32>
    %slice3A_615 = vector.extract_strided_slice %mul3A_613 {offsets = [0, 32], sizes = [256, 32], strides = [1, 1]} : vector<256x64xf32> to vector<256x32xf32>
    %mul3A_616 = arith.mulf %slice3A_614, %cos3A : vector<256x32xf32>
    %mul3A_617 = arith.mulf %slice3A_615, %sin3A : vector<256x32xf32>
    %sub3A_618 = arith.subf %mul3A_616, %mul3A_617 : vector<256x32xf32>
    %mul3A_619 = arith.mulf %slice3A_615, %cos3A : vector<256x32xf32>
    %mul3A_620 = arith.mulf %slice3A_614, %sin3A : vector<256x32xf32>
    %add3A_621 = arith.addf %mul3A_619, %mul3A_620 : vector<256x32xf32>
    %concatenate3A_622 = tpu.concatenate %sub3A_618, %add3A_621 in 1 : vector<256x32xf32>, vector<256x32xf32> -> vector<256x64xf32>
    %slice3A_623 = vector.extract_strided_slice %dot_general3A_17 {offsets = [0, 896], sizes = [256, 64], strides = [1, 1]} : vector<256x1536xf32> to vector<256x64xf32>
    %get3A_624 = arith.constant 0 : index
    %get3A_625 = arith.constant 0 : index
    %get3A_626 = vector.load %arg2[%get3A_624, %get3A_625] : memref<1x64xf32, #tpu.memory_space<vmem>>, vector<1x64xf32>
    %mul3A_627 = arith.mulf %slice3A_623, %slice3A_623 : vector<256x64xf32>
    %reduce_sum3A_628 = arith.constant dense<0.000000e+00> : vector<256xf32>
    %reduce_sum3A_629 = vector.multi_reduction <add>, %mul3A_627, %reduce_sum3A_628 [1] : vector<256x64xf32> to vector<256xf32>
    %broadcast_in_dim3A_630 = vector.shape_cast %reduce_sum3A_629 : vector<256xf32> to vector<256x1xf32>
    %div3A_631 = arith.constant 6.400000e+01 : f32
    %div3A_632 = vector.broadcast %div3A_631 : f32 to vector<256x1xf32>
    %div3A_633 = arith.divf %broadcast_in_dim3A_630, %div3A_632 : vector<256x1xf32>
    %add3A_634 = arith.constant 9.99999997E-7 : f32
    %add3A_635 = vector.broadcast %add3A_634 : f32 to vector<256x1xf32>
    %add3A_636 = arith.addf %div3A_633, %add3A_635 : vector<256x1xf32>
    %rsqrt3A_637 = math.rsqrt %add3A_636 : vector<256x1xf32>
    %mul3A_638 = vector.broadcast %rsqrt3A_637 : vector<256x1xf32> to vector<256x64xf32>
    %mul3A_639 = arith.mulf %slice3A_623, %mul3A_638 : vector<256x64xf32>
    %mul3A_640 = vector.broadcast %get3A_626 : vector<1x64xf32> to vector<256x64xf32>
    %mul3A_641 = arith.mulf %mul3A_639, %mul3A_640 : vector<256x64xf32>
    %slice3A_642 = vector.extract_strided_slice %mul3A_641 {offsets = [0, 0], sizes = [256, 32], strides = [1, 1]} : vector<256x64xf32> to vector<256x32xf32>
    %slice3A_643 = vector.extract_strided_slice %mul3A_641 {offsets = [0, 32], sizes = [256, 32], strides = [1, 1]} : vector<256x64xf32> to vector<256x32xf32>
    %mul3A_644 = arith.mulf %slice3A_642, %cos3A : vector<256x32xf32>
    %mul3A_645 = arith.mulf %slice3A_643, %sin3A : vector<256x32xf32>
    %sub3A_646 = arith.subf %mul3A_644, %mul3A_645 : vector<256x32xf32>
    %mul3A_647 = arith.mulf %slice3A_643, %cos3A : vector<256x32xf32>
    %mul3A_648 = arith.mulf %slice3A_642, %sin3A : vector<256x32xf32>
    %add3A_649 = arith.addf %mul3A_647, %mul3A_648 : vector<256x32xf32>
    %concatenate3A_650 = tpu.concatenate %sub3A_646, %add3A_649 in 1 : vector<256x32xf32>, vector<256x32xf32> -> vector<256x64xf32>
    %slice3A_651 = vector.extract_strided_slice %dot_general3A_17 {offsets = [0, 960], sizes = [256, 64], strides = [1, 1]} : vector<256x1536xf32> to vector<256x64xf32>
    %get3A_652 = arith.constant 0 : index
    %get3A_653 = arith.constant 0 : index
    %get3A_654 = vector.load %arg2[%get3A_652, %get3A_653] : memref<1x64xf32, #tpu.memory_space<vmem>>, vector<1x64xf32>
    %mul3A_655 = arith.mulf %slice3A_651, %slice3A_651 : vector<256x64xf32>
    %reduce_sum3A_656 = arith.constant dense<0.000000e+00> : vector<256xf32>
    %reduce_sum3A_657 = vector.multi_reduction <add>, %mul3A_655, %reduce_sum3A_656 [1] : vector<256x64xf32> to vector<256xf32>
    %broadcast_in_dim3A_658 = vector.shape_cast %reduce_sum3A_657 : vector<256xf32> to vector<256x1xf32>
    %div3A_659 = arith.constant 6.400000e+01 : f32
    %div3A_660 = vector.broadcast %div3A_659 : f32 to vector<256x1xf32>
    %div3A_661 = arith.divf %broadcast_in_dim3A_658, %div3A_660 : vector<256x1xf32>
    %add3A_662 = arith.constant 9.99999997E-7 : f32
    %add3A_663 = vector.broadcast %add3A_662 : f32 to vector<256x1xf32>
    %add3A_664 = arith.addf %div3A_661, %add3A_663 : vector<256x1xf32>
    %rsqrt3A_665 = math.rsqrt %add3A_664 : vector<256x1xf32>
    %mul3A_666 = vector.broadcast %rsqrt3A_665 : vector<256x1xf32> to vector<256x64xf32>
    %mul3A_667 = arith.mulf %slice3A_651, %mul3A_666 : vector<256x64xf32>
    %mul3A_668 = vector.broadcast %get3A_654 : vector<1x64xf32> to vector<256x64xf32>
    %mul3A_669 = arith.mulf %mul3A_667, %mul3A_668 : vector<256x64xf32>
    %slice3A_670 = vector.extract_strided_slice %mul3A_669 {offsets = [0, 0], sizes = [256, 32], strides = [1, 1]} : vector<256x64xf32> to vector<256x32xf32>
    %slice3A_671 = vector.extract_strided_slice %mul3A_669 {offsets = [0, 32], sizes = [256, 32], strides = [1, 1]} : vector<256x64xf32> to vector<256x32xf32>
    %mul3A_672 = arith.mulf %slice3A_670, %cos3A : vector<256x32xf32>
    %mul3A_673 = arith.mulf %slice3A_671, %sin3A : vector<256x32xf32>
    %sub3A_674 = arith.subf %mul3A_672, %mul3A_673 : vector<256x32xf32>
    %mul3A_675 = arith.mulf %slice3A_671, %cos3A : vector<256x32xf32>
    %mul3A_676 = arith.mulf %slice3A_670, %sin3A : vector<256x32xf32>
    %add3A_677 = arith.addf %mul3A_675, %mul3A_676 : vector<256x32xf32>
    %concatenate3A_678 = tpu.concatenate %sub3A_674, %add3A_677 in 1 : vector<256x32xf32>, vector<256x32xf32> -> vector<256x64xf32>
    %concatenate3A_679 = tpu.concatenate %concatenate3A_594, %concatenate3A_622, %concatenate3A_650, %concatenate3A_678 in 0 : vector<256x64xf32>, vector<256x64xf32>, vector<256x64xf32>, vector<256x64xf32> -> vector<1024x64xf32>
    %dot_general3A_680 = arith.constant dense<0.000000e+00> : vector<1024x256xf32>
    %dot_general3A_681 = tpu.matmul %concatenate3A_679, %concatenate3A_565, %dot_general3A_680 {dimension_numbers = #tpu.dot_dimension_numbers<[1], [1], [0], [0], [0, 0, 1, 0], [], []>, transpose_lhs_hint = false} : vector<1024x64xf32>, vector<256x64xf32>, vector<1024x256xf32> -> vector<1024x256xf32>
    %mul3A_682 = arith.constant 1.250000e-01 : f32
    %mul3A_683 = vector.broadcast %mul3A_682 : f32 to vector<1024x256xf32>
    %mul3A_684 = arith.mulf %dot_general3A_681, %mul3A_683 : vector<1024x256xf32>
    %jit3A_685 = arith.constant -3.000000e+38 : f32
    %broadcast_in_dim3A_686 = vector.broadcast %jit3A_685 : f32 to vector<1024x256xf32>
    %select_n3A_687 = arith.select %le3A, %mul3A_684, %broadcast_in_dim3A_686 : vector<1024x256xi1>, vector<1024x256xf32>
    %reduce_max3A_688 = arith.constant dense<0xFF800000> : vector<1024xf32>
    %reduce_max3A_689 = vector.multi_reduction <maximumf>, %select_n3A_687, %reduce_max3A_688 [1] : vector<1024x256xf32> to vector<1024xf32>
    %broadcast_in_dim3A_690 = vector.shape_cast %reduce_max3A_689 : vector<1024xf32> to vector<1024x1xf32>
    %sub3A_691 = vector.broadcast %broadcast_in_dim3A_690 : vector<1024x1xf32> to vector<1024x256xf32>
    %sub3A_692 = arith.subf %select_n3A_687, %sub3A_691 : vector<1024x256xf32>
    %exp3A_693 = math.exp %sub3A_692 : vector<1024x256xf32>
    %dot_general3A_694 = arith.constant dense<0.000000e+00> : vector<1024x64xf32>
    %dot_general3A_695 = tpu.matmul %exp3A_693, %slice3A_566, %dot_general3A_694 {dimension_numbers = #tpu.dot_dimension_numbers<[1], [0], [0], [1], [0, 0, 1, 1], [], []>, transpose_lhs_hint = false} : vector<1024x256xf32>, vector<256x64xf32>, vector<1024x64xf32> -> vector<1024x64xf32>
    %reduce_sum3A_696 = arith.constant dense<0.000000e+00> : vector<1024xf32>
    %reduce_sum3A_697 = vector.multi_reduction <add>, %exp3A_693, %reduce_sum3A_696 [1] : vector<1024x256xf32> to vector<1024xf32>
    %broadcast_in_dim3A_698 = vector.shape_cast %reduce_sum3A_697 : vector<1024xf32> to vector<1024x1xf32>
    %div3A_699 = vector.broadcast %broadcast_in_dim3A_698 : vector<1024x1xf32> to vector<1024x64xf32>
    %div3A_700 = arith.divf %dot_general3A_695, %div3A_699 : vector<1024x64xf32>
    %slice3A_701 = vector.extract_strided_slice %div3A_700 {offsets = [0, 0], sizes = [256, 64], strides = [1, 1]} : vector<1024x64xf32> to vector<256x64xf32>
    %slice3A_702 = vector.extract_strided_slice %div3A_700 {offsets = [256, 0], sizes = [256, 64], strides = [1, 1]} : vector<1024x64xf32> to vector<256x64xf32>
    %slice3A_703 = vector.extract_strided_slice %div3A_700 {offsets = [512, 0], sizes = [256, 64], strides = [1, 1]} : vector<1024x64xf32> to vector<256x64xf32>
    %slice3A_704 = vector.extract_strided_slice %div3A_700 {offsets = [768, 0], sizes = [256, 64], strides = [1, 1]} : vector<1024x64xf32> to vector<256x64xf32>
    %concatenate3A_705 = tpu.concatenate %slice3A_200, %slice3A_201, %slice3A_202, %slice3A_203, %slice3A_367, %slice3A_368, %slice3A_369, %slice3A_370, %slice3A_534, %slice3A_535, %slice3A_536, %slice3A_537, %slice3A_701, %slice3A_702, %slice3A_703, %slice3A_704 in 1 : vector<256x64xf32>, vector<256x64xf32>, vector<256x64xf32>, vector<256x64xf32>, vector<256x64xf32>, vector<256x64xf32>, vector<256x64xf32>, vector<256x64xf32>, vector<256x64xf32>, vector<256x64xf32>, vector<256x64xf32>, vector<256x64xf32>, vector<256x64xf32>, vector<256x64xf32>, vector<256x64xf32>, vector<256x64xf32> -> vector<256x1024xf32>
    %get3A_706 = arith.constant 0 : index
    %get3A_707 = arith.constant 0 : index
    %get3A_708 = vector.load %arg4[%get3A_706, %get3A_707] : memref<1024x1024xf32, #tpu.memory_space<vmem>>, vector<1024x1024xf32>
    %dot_general3A_709 = arith.constant dense<0.000000e+00> : vector<256x1024xf32>
    %dot_general3A_710 = tpu.matmul %concatenate3A_705, %get3A_708, %dot_general3A_709 {dimension_numbers = #tpu.dot_dimension_numbers<[1], [0], [0], [1], [0, 0, 1, 1], [], []>, transpose_lhs_hint = false} : vector<256x1024xf32>, vector<1024x1024xf32>, vector<256x1024xf32> -> vector<256x1024xf32>
    %add3A_711 = arith.addf %get3A_1, %dot_general3A_710 : vector<256x1024xf32>
    %swap3A = arith.constant 0 : index
    %swap3A_712 = arith.constant 0 : index
    %swap3A_713 = vector.load %arg8[%swap3A, %swap3A_712] : memref<256x1024xf32, #tpu.memory_space<vmem>>, vector<256x1024xf32>
    tpu.vector_store %arg8[%swap3A, %swap3A_712], %add3A_711 {strides = array<i32>} : memref<256x1024xf32, #tpu.memory_space<vmem>>, vector<256x1024xf32>,
    %mul3A_714 = arith.mulf %add3A_711, %add3A_711 : vector<256x1024xf32>
    %reduce_sum3A_715 = arith.constant dense<0.000000e+00> : vector<256xf32>
    %reduce_sum3A_716 = vector.multi_reduction <add>, %mul3A_714, %reduce_sum3A_715 [1] : vector<256x1024xf32> to vector<256xf32>
    %broadcast_in_dim3A_717 = vector.shape_cast %reduce_sum3A_716 : vector<256xf32> to vector<256x1xf32>
    %div3A_718 = arith.constant 1.024000e+03 : f32
    %div3A_719 = vector.broadcast %div3A_718 : f32 to vector<256x1xf32>
    %div3A_720 = arith.divf %broadcast_in_dim3A_717, %div3A_719 : vector<256x1xf32>
    %add3A_721 = arith.constant 9.99999997E-7 : f32
    %add3A_722 = vector.broadcast %add3A_721 : f32 to vector<256x1xf32>
    %add3A_723 = arith.addf %div3A_720, %add3A_722 : vector<256x1xf32>
    %rsqrt3A_724 = math.rsqrt %add3A_723 : vector<256x1xf32>
    %mul3A_725 = vector.broadcast %rsqrt3A_724 : vector<256x1xf32> to vector<256x1024xf32>
    %mul3A_726 = arith.mulf %add3A_711, %mul3A_725 : vector<256x1024xf32>
    %get3A_727 = arith.constant 0 : index
    %get3A_728 = arith.constant 0 : index
    %get3A_729 = vector.load %arg6[%get3A_727, %get3A_728] : memref<1x1024xf32, #tpu.memory_space<vmem>>, vector<1x1024xf32>
    %mul3A_730 = vector.broadcast %get3A_729 : vector<1x1024xf32> to vector<256x1024xf32>
    %mul3A_731 = arith.mulf %mul3A_726, %mul3A_730 : vector<256x1024xf32>
    %swap3A_732 = arith.constant 0 : index
    %swap3A_733 = arith.constant 0 : index
    %swap3A_734 = vector.load %arg9[%swap3A_732, %swap3A_733] : memref<256x1024xf32, #tpu.memory_space<vmem>>, vector<256x1024xf32>
    tpu.vector_store %arg9[%swap3A_732, %swap3A_733], %mul3A_731 {strides = array<i32>} : memref<256x1024xf32, #tpu.memory_space<vmem>>, vector<256x1024xf32>,
    %get3A_735 = arith.constant 0 : index
    %get3A_736 = arith.constant 0 : index
    %get3A_737 = vector.load %arg7[%get3A_735, %get3A_736] : memref<1024x8xf32, #tpu.memory_space<vmem>>, vector<1024x8xf32>
    %dot_general3A_738 = arith.constant dense<0.000000e+00> : vector<8x256xf32>
    %dot_general3A_739 = tpu.matmul %get3A_737, %mul3A_731, %dot_general3A_738 {dimension_numbers = #tpu.dot_dimension_numbers<[0], [1], [1], [0], [0, 1, 1, 0], [], []>, transpose_lhs_hint = false} : vector<1024x8xf32>, vector<256x1024xf32>, vector<8x256xf32> -> vector<8x256xf32>
    %iota3A_740 = tpu.iota {dimensions = array<i32: 0>} : vector<8x256xi32>
    %reduce_max3A_741 = arith.constant dense<0xFF800000> : vector<256xf32>
    %reduce_max3A_742 = vector.multi_reduction <maximumf>, %dot_general3A_739, %reduce_max3A_741 [0] : vector<8x256xf32> to vector<256xf32>
    %broadcast_in_dim3A_743 = vector.shape_cast %reduce_max3A_742 : vector<256xf32> to vector<1x256xf32>
    %eq3A_744 = vector.broadcast %broadcast_in_dim3A_743 : vector<1x256xf32> to vector<8x256xf32>
    %eq3A_745 = arith.cmpf oeq, %dot_general3A_739, %eq3A_744 : vector<8x256xf32>
    %jit3A_746 = arith.constant 9 : i32
    %broadcast_in_dim3A_747 = vector.broadcast %jit3A_746 : i32 to vector<8x256xi32>
    %select_n3A_748 = arith.select %eq3A_745, %iota3A_740, %broadcast_in_dim3A_747 : vector<8x256xi1>, vector<8x256xi32>
    %reduce_min3A = arith.constant dense<2147483647> : vector<256xi32>
    %reduce_min3A_749 = vector.multi_reduction <minsi>, %select_n3A_748, %reduce_min3A [0] : vector<8x256xi32> to vector<256xi32>
    %broadcast_in_dim3A_750 = vector.shape_cast %reduce_min3A_749 : vector<256xi32> to vector<1x256xi32>
    %eq3A_751 = vector.broadcast %broadcast_in_dim3A_750 : vector<1x256xi32> to vector<8x256xi32>
    %eq3A_752 = arith.cmpi eq, %iota3A_740, %eq3A_751 : vector<8x256xi32>
    %jit3A_753 = arith.constant -3.000000e+38 : f32
    %broadcast_in_dim3A_754 = vector.broadcast %jit3A_753 : f32 to vector<8x256xf32>
    %select_n3A_755 = arith.select %eq3A_752, %broadcast_in_dim3A_754, %dot_general3A_739 : vector<8x256xi1>, vector<8x256xf32>
    %reduce_max3A_756 = arith.constant dense<0xFF800000> : vector<256xf32>
    %reduce_max3A_757 = vector.multi_reduction <maximumf>, %select_n3A_755, %reduce_max3A_756 [0] : vector<8x256xf32> to vector<256xf32>
    %broadcast_in_dim3A_758 = vector.shape_cast %reduce_max3A_757 : vector<256xf32> to vector<1x256xf32>
    %eq3A_759 = vector.broadcast %broadcast_in_dim3A_758 : vector<1x256xf32> to vector<8x256xf32>
    %eq3A_760 = arith.cmpf oeq, %dot_general3A_739, %eq3A_759 : vector<8x256xf32>
    %ne3A_761 = vector.broadcast %broadcast_in_dim3A_750 : vector<1x256xi32> to vector<8x256xi32>
    %ne3A_762 = arith.cmpi ne, %iota3A_740, %ne3A_761 : vector<8x256xi32>
    %and3A_763 = arith.andi %eq3A_760, %ne3A_762 : vector<8x256xi1>
    %jit3A_764 = arith.constant 9 : i32
    %broadcast_in_dim3A_765 = vector.broadcast %jit3A_764 : i32 to vector<8x256xi32>
    %select_n3A_766 = arith.select %and3A_763, %iota3A_740, %broadcast_in_dim3A_765 : vector<8x256xi1>, vector<8x256xi32>
    %reduce_min3A_767 = arith.constant dense<2147483647> : vector<256xi32>
    %reduce_min3A_768 = vector.multi_reduction <minsi>, %select_n3A_766, %reduce_min3A_767 [0] : vector<8x256xi32> to vector<256xi32>
    %broadcast_in_dim3A_769 = vector.shape_cast %reduce_min3A_768 : vector<256xi32> to vector<1x256xi32>
    %sub3A_770 = arith.subf %broadcast_in_dim3A_758, %broadcast_in_dim3A_743 : vector<1x256xf32>
    %exp3A_771 = math.exp %sub3A_770 : vector<1x256xf32>
    %add3A_772 = arith.constant 1.000000e+00 : f32
    %add3A_773 = vector.broadcast %add3A_772 : f32 to vector<1x256xf32>
    %add3A_774 = arith.addf %add3A_773, %exp3A_771 : vector<1x256xf32>
    %div3A_775 = arith.constant 1.000000e+00 : f32
    %div3A_776 = vector.broadcast %div3A_775 : f32 to vector<1x256xf32>
    %div3A_777 = arith.divf %div3A_776, %add3A_774 : vector<1x256xf32>
    %swap3A_778 = arith.constant 0 : index
    %swap3A_779 = arith.constant 0 : index
    %swap3A_780 = vector.load %arg10[%swap3A_778, %swap3A_779] : memref<1x256xi32, #tpu.memory_space<vmem>>, vector<1x256xi32>
    tpu.vector_store %arg10[%swap3A_778, %swap3A_779], %broadcast_in_dim3A_750 {strides = array<i32>} : memref<1x256xi32, #tpu.memory_space<vmem>>, vector<1x256xi32>,
    %swap3A_781 = arith.constant 0 : index
    %swap3A_782 = arith.constant 0 : index
    %swap3A_783 = vector.load %arg11[%swap3A_781, %swap3A_782] : memref<1x256xi32, #tpu.memory_space<vmem>>, vector<1x256xi32>
    tpu.vector_store %arg11[%swap3A_781, %swap3A_782], %broadcast_in_dim3A_769 {strides = array<i32>} : memref<1x256xi32, #tpu.memory_space<vmem>>, vector<1x256xi32>,
    %swap3A_784 = arith.constant 0 : index
    %swap3A_785 = arith.constant 0 : index
    %swap3A_786 = vector.load %arg12[%swap3A_784, %swap3A_785] : memref<1x256xf32, #tpu.memory_space<vmem>>, vector<1x256xf32>
    tpu.vector_store %arg12[%swap3A_784, %swap3A_785], %div3A_777 {strides = array<i32>} : memref<1x256xf32, #tpu.memory_space<vmem>>, vector<1x256xf32>,
    %sub3A_787 = arith.constant 1.000000e+00 : f32
    %sub3A_788 = vector.broadcast %sub3A_787 : f32 to vector<1x256xf32>
    %sub3A_789 = arith.subf %sub3A_788, %div3A_777 : vector<1x256xf32>
    %swap3A_790 = arith.constant 0 : index
    %swap3A_791 = arith.constant 0 : index
    %swap3A_792 = vector.load %arg13[%swap3A_790, %swap3A_791] : memref<1x256xf32, #tpu.memory_space<vmem>>, vector<1x256xf32>
    tpu.vector_store %arg13[%swap3A_790, %swap3A_791], %sub3A_789 {strides = array<i32>} : memref<1x256xf32, #tpu.memory_space<vmem>>, vector<1x256xf32>,
    return
  }
}

</mosaic_0001>

<sc_bundles>
// kernel: kernel.5.cloned.1.call-start
scs
__scs_entry_jumppad:
0x0: {  	(pc) =	sbr.rel $0x88, $3  }
0x1: {  	(tag) =	ssettag $0x0;
	lr =	simm.s32 $0x1  }
0x2: {  	[smem:$0x3F97] =	sst lr;
	_ =	strace $0xD0000000  }
0x3: {  	_ = 	snop  }
0x4: {  	_ = 	snop  }
0x5: {  	_ = 	snop  }
0x6: {  	_ = 	snop  }
0x7: {  	_ = 	snop  }
__scs_overlays_trampoline_lowered:
0x8: {  	[smem:$0x3FA6] =	sst s0  }
0x9: {  	[smem:$0x3FA7] =	sst s1  }
0xa: {  	[smem:$0x3FA8] =	sst s2  }
0xb: {  	[smem:$0x3FA9] =	sst s3  }
0xc: {  	[smem:$0x3FAA] =	sst s4  }
0xd: {  	[smem:$0x3FAB] =	sst s5  }
0xe: {  	[smem:$0x3FAC] =	sst s6  }
0xf: {  	[smem:$0x3FAD] =	sst s7  }
0x10: {  	[smem:$0x3FAE] =	sst s8  }
0x11: {  	[smem:$0x3FAF] =	sst s9;
	s0 =	simm.s32 @!p0 $0x0  }
0x12: {  	s1 =	sld [smem:$0x3F95];
	s0 =	simm.s32 @p0 $0x1  }
0x13: {  	[smem:$0x3FB0] =	sst s0;
	s0 =	simm.s32 @!p1 $0x0  }
0x14: {  	s2 =	sld [smem:$0x3F94];
	s0 =	simm.s32 @p1 $0x1  }
0x15: {  	[smem:$0x3FB1] =	sst s0;
	s0 =	simm.s32 @!p2 $0x0  }
0x16: {  	s3 =	sld [smem:$0x3FDB];
	s0 =	simm.s32 @p2 $0x1  }
0x17: {  	s4 =	simm.s32 $0x1BF5;
	[smem:$0x3FB3] =	sst s0  }
0x18: {  	s0 =	sld [smem:$0x3F96];
	_ =	swait.ge [sflag:s4], $0x0  }
0x19: {  	s7 =	sld [smem:$0x3F97]  }
0x1a: {  	s8 =	sadd.s32 $0xFFFFE003, lr  }
0x1b: {  	s9 =	sadd.s32 $0xFFFFFEF7, lr;
	s5 =	simm.s32 $0xFFFFFFFF;
	p2 =	slt.u32 s8, $0xFFFFF086  }
0x1c: {  	p1 =	slt.u32 s9, $0xF7A;
	s5 =	simm.s32 @!p2 $0x0  }
0x1d: {  	s5 =	simm.s32 @p1 $0x1;
	p0 =	seq.s32 s7, s2  }
0x1e: {  	s7 =	smul.u32 @!p0 $0xF7A, s2;
	p2 =	seq.s32 @!p0 s5, $0x0  }
0x1f: {  	s9 =	smul.u32 $0xF7A, s1;
	s8 =	simm.s32 @!p0 $0x1BF5;
	p2 =	por !p2, p0  }
0x20: {  	[sflag:s8] =	ssyncset.s32 @!p0 $0xFFFFF086;
	s6 =	sadd.s32 @!p0 s3, s7;
	s7 =	simm.s32 @!p0 $0x108  }
0x21: {  	s3 =	sadd.s32 s3, s9;
	s6 =	sadd.s32 @!p0 $0x88, s6;
	s7 =	simm.s32 @p2 $0x1082  }
0x22: {  	[simem:s7], [sflag:s8] =	dma.local @!p0 [hbm:s6], $0xF7A  }
0x23: {  	s9 =	sor.u32 $0xD0000000, s2;
	s6 =	simm.s32 $0x108;
	_ =	swait.ge @!p0 [sflag:s8], $0x0  }
0x24: {  	s3 =	sadd.s32 $0x88, s3;
	s6 =	simm.s32 @!p1 $0x1082;
	[sflag:s4] =	ssyncset.s32 $0xFFFFF086  }
0x25: {  	[simem:s6], [sflag:s4] =	dma.local [hbm:s3], $0xF7A  }
0x26: {  	[smem:$0x3F97] =	sst s1;
	(tag) =	ssettag s2;
	_ =	strace s9  }
0x27: {  	s1 =	sld [smem:$0x3FA7]  }
0x28: {  	s2 =	sld [smem:$0x3FA8]  }
0x29: {  	s4 =	sld [smem:$0x3FAA]  }
0x2a: {  	p0 =	seq.s32 s5, $0x0;
	s5 =	sld [smem:$0x3FAB]  }
0x2b: {  	s6 =	sld [smem:$0x3FAC]  }
0x2c: {  	s7 =	sld [smem:$0x3FAD]  }
0x2d: {  	s3 =	simm.s32 $0x108;
	s8 =	sld [smem:$0x3FAE]  }
0x2e: {  	s3 =	simm.s32 @!p0 $0x1082;
	s9 =	sld [smem:$0x3FAF]  }
0x2f: {  	lr =	sadd.s32 s0, s3;
	s0 =	sld [smem:$0x3FA6]  }
0x30: {  	s3 =	sld [smem:$0x3FA9]  }
0x31: {  	[smem:$0x3FB2] =	sst s10  }
0x32: {  	s10 =	sld [smem:$0x3FB0];
	_ =	sdelay $0x3  }
0x33: {  	p0 =	seq.s32 s10, $0x1;
	s10 =	sld [smem:$0x3FB2];
	_ =	sdelay $0x3  }
0x34: {  	[smem:$0x3FB2] =	sst s10  }
0x35: {  	s10 =	sld [smem:$0x3FB1];
	_ =	sdelay $0x3  }
0x36: {  	p1 =	seq.s32 s10, $0x1;
	s10 =	sld [smem:$0x3FB2];
	_ =	sdelay $0x3  }
0x37: {  	[smem:$0x3FB2] =	sst s10  }
0x38: {  	s10 =	sld [smem:$0x3FB3]  }
0x39: {  	_ = 	snop;
	(pc) =	sbr.ind lr, $3  }
0x3a: {  	_ = 	snop  }
0x3b: {  	_ = 	snop  }
0x3c: {  	p2 =	seq.s32 s10, $0x1;
	s10 =	sld [smem:$0x3FB2]  }
0x3d: {  	_ =	shalt  }
0x3e: {  	_ =	shalt  }
0x3f: {  	_ =	shalt  }
0x40: {  	_ =	shalt  }
0x41: {  	_ =	shalt  }
0x42: {  	_ =	shalt  }
0x43: {  	_ =	shalt  }
0x44: {  	_ =	shalt  }
0x45: {  	_ =	shalt  }
0x46: {  	_ =	shalt  }
0x47: {  	_ =	shalt  }
0x48: {  	_ =	shalt  }
0x49: {  	_ =	shalt  }
0x4a: {  	_ =	shalt  }
0x4b: {  	_ =	shalt  }
0x4c: {  	_ =	shalt  }
0x4d: {  	_ =	shalt  }
0x4e: {  	_ =	shalt  }
0x4f: {  	_ =	shalt  }
0x50: {  	_ =	shalt  }
0x51: {  	_ =	shalt  }
0x52: {  	_ =	shalt  }
0x53: {  	_ =	shalt  }
0x54: {  	_ =	shalt  }
0x55: {  	_ =	shalt  }
0x56: {  	_ =	shalt  }
0x57: {  	_ =	shalt  }
0x58: {  	_ =	shalt  }
0x59: {  	_ =	shalt  }
0x5a: {  	_ =	shalt  }
0x5b: {  	_ =	shalt  }
0x5c: {  	_ =	shalt  }
0x5d: {  	_ =	shalt  }
0x5e: {  	_ =	shalt  }
0x5f: {  	_ =	shalt  }
0x60: {  	_ =	shalt  }
0x61: {  	_ =	shalt  }
0x62: {  	_ =	shalt  }
0x63: {  	_ =	shalt  }
0x64: {  	_ =	shalt  }
0x65: {  	_ =	shalt  }
0x66: {  	_ =	shalt  }
0x67: {  	_ =	shalt  }
0x68: {  	_ =	shalt  }
0x69: {  	_ =	shalt  }
0x6a: {  	_ =	shalt  }
0x6b: {  	_ =	shalt  }
0x6c: {  	_ =	shalt  }
0x6d: {  	_ =	shalt  }
0x6e: {  	_ =	shalt  }
0x6f: {  	_ =	shalt  }
0x70: {  	_ =	shalt  }
0x71: {  	_ =	shalt  }
0x72: {  	_ =	shalt  }
0x73: {  	_ =	shalt  }
0x74: {  	_ =	shalt  }
0x75: {  	_ =	shalt  }
0x76: {  	_ =	shalt  }
0x77: {  	_ =	shalt  }
0x78: {  	_ =	shalt  }
0x79: {  	_ =	shalt  }
0x7a: {  	_ =	shalt  }
0x7b: {  	_ =	shalt  }
0x7c: {  	_ =	shalt  }
0x7d: {  	_ =	shalt  }
0x7e: {  	_ =	shalt  }
0x7f: {  	_ =	shalt  }
0x80: {  	_ =	shalt  }
0x81: {  	_ =	shalt  }
0x82: {  	_ =	shalt  }
0x83: {  	_ =	shalt  }
0x84: {  	_ =	shalt  }
0x85: {  	_ =	shalt  }
0x86: {  	_ =	shalt  }
0x87: {  	_ =	shalt  }
.Lfunc_end0:
.L_simem_size_0:
called_computation_lowered:
.L_overlay_start_0:
0x88: {  	s2 =	sld [smem:$0x3FD9]  }
0x89: {  	s3 =	sld [smem:$0x3FFE];
	_ =	sdelay $0x1  }
0x8a: {  	s1 =	srdreg.scid  }
0x8b: {  	s0 =	sand.u32 $0x1, s1  }
0x8c: {  	s17 =	sshll.u32 s0, $0xA;
	s2 =	sadd.s32 s3, s2  }
0x8d: {  	s2 =	sadd.s32 s2, s17  }
0x8e: {  	[smem:$0x3FBE] =	sst s2  }
0x8f: {  	_ = 	snop  }
0x90: {  	s2 =	sld [smem:$0x3FD0];
	(tm) =	ssettm $0x1  }
0x91: {  	s18 =	sld [smem:$0x3FFB];
	_ =	sdelay $0x3  }
0x92: {  	_ =	strace s18  }
0x93: {  	s3 =	sld [smem:$0x3FFC];
	_ =	sdelay $0x3  }
0x94: {  	_ =	strace s3  }
0x95: {  	s3 =	sld [smem:$0x3FFD];
	_ =	sdelay $0x3  }
0x96: {  	_ =	strace s3  }
0x97: {  	_ =	strace $0x8FFFFFFF  }
0x98: {  	s19 =	sld [smem:$0x3FDB];
	_ =	sdelay $0x1  }
0x99: {  	s4 =	simm.s32 $_scs_section_size  }
0x9a: {  	s5 =	simm.s32 $_size__tile_overlayer_lowered;
	s6 =	simm.s32 $_tile_overlayer_lowered  }
0x9b: {  	s22 =	simm.s32 $0x1BFF;
	s21 =	sshll.u32 s6, $0x1;
	s3 =	sadd.s32 s4, s19  }
0x9c: {  	s7 =	simm.s32 $0x0;
	s20 =	sshll.u32 s5, $0x1;
	s5 =	sadd.s32 s21, s3  }
0x9d: {  	[timem:s7], [sflag:s22] =	dma.local [hbm:s5], s20  }
0x9e: {  	_ =	swait.ge [sflag:s22], s20  }
0x9f: {  	s4 =	ssub.s32 $0x0, s20;
	[sflag:s22] =	ssyncset.done $0x0  }
0xa0: {  	[sflag:s22] =	ssyncadd.s32 s4;
	_ =	sdelay $0x1  }
0xa1: {  	s23 =	simm.s32 $0x1B8B  }
0xa2: {  	_ =	swait.ge [sflag:s23], $0x1  }
0xa3: {  	[sflag:s23] =	ssyncset.done $0x0  }
0xa4: {  	s25 =	simm.s32 $0x1B8E;
	s24 =	sld [smem:$0x3FFE];
	[sflag:s23] =	ssyncadd.s32 $0xFFFFFFFF  }
0xa5: {  	s26 =	simm.s32 $execute0_lowered;
	[smem:$0x3FD2] =	sst s25  }
0xa6: {  	s5 =	sshll.u32 s26, $0x1;
	_ =	strace $0x80000046;
	[dreg:$0x1] =	wrdreg $0xFFFFFFFF  }
0xa7: {  	s28 =	simm.s32 $_size_execute0_lowered;
	s3 =	sadd.s32 s3, s5;
	[dreg:$0x0] =	wrdreg $0x0  }
0xa8: {  	s5 =	sshll.u32 s28, $0x1;
	[dreg:$0x2] =	wrdreg s3  }
0xa9: {  	[dreg:$0x3] =	wrdreg s5  }
0xaa: {  	[dreg:$0x4] =	wrdreg $0xC0  }
0xab: {  	_ =	task [dreg:s7], $0x5FFFF  }
0xac: {  	[dreg:$0x1] =	wrdreg $0xFFFFFFFF  }
0xad: {  	[dreg:$0x0] =	wrdreg $0x60  }
0xae: {  	[dreg:$0x2] =	wrdreg s24  }
0xaf: {  	[dreg:$0x3] =	wrdreg s2  }
0xb0: {  	[dreg:$0x4] =	wrdreg $0x9  }
0xb1: {  	_ =	task.clear_ibuf [dreg:s7], $0x5FFFF;
	_ =	strace $0x90000046  }
0xb2: {  	s29 =	simm.s32 $0x9;
	_ =	strace $0x80000048  }
0xb3: {  	_ =	swait.ge [sflag:s29], $0x1  }
0xb4: {  	[sflag:s29] =	ssyncadd.s32 $0xFFFFFFFF  }
0xb5: {  	_ =	strace $0x90000048  }
0xb6: {  	_ =	sfence  }
0xb7: {  	s30 =	sld [smem:$0x0];
	_ =	sdelay $0x2  }
0xb8: {  	s31 =	sshll.u32 s1, $0xD;
	s1 =	sshrl.u32 s1, $0x2  }
0xb9: {  	s3 =	sand.u32 $0x4000, s31;
	s1 =	sadd.s32 s1, s30  }
0xba: {  	s0 =	sor.u32 s3, s0;
	s1 =	sshll.u32 s1, $0x11  }
0xbb: {  	s0 =	sor.u32 s1, s0  }
0xbc: {  	s0 =	sadd.s32 $0x8F2B, s0  }
0xbd: {  	[sflag:s0] =	ssyncadd.remote.s32 $0x1  }
0xbe: {  	_ =	sfence.sel $0xFFFF  }
0xbf: {  	[dreg:$0x0] =	wrdreg $0xFFFFFFFF;
	(pc) =	sbr.abs _section_cstart, $3  }
0xc0: {  	[dreg:$0x1] =	wrdreg $0xFFFFFFFF  }
0xc1: {  	_ =	task.clear_ibuf [dreg:s7], $0x2FFFF;
	_ =	strace $0x9FFFFFFF  }
0xc2: {  	(tm) =	ssettm $0x7FFFFFFF  }
0xc3: {  	_ =	shalt  }
tec
execute0_lowered:
.L_overlay_start_1:
0x0: {  	(tag) =	ssettag $0x1  }
0x1: {  	s1 =	srdreg.scid  }
0x2: {  	s2 =	stileid.u32;
	s1 =	sand.u32 $0x1, s1  }
0x3: {  	s2 =	sshll.u32 s2, $0x1;
	s3 =	ssub.s32 $0x0, s1  }
0x4: {  	p0 =	sne.s32 s2, s3  }
.Ltmp0:
0x5: {  	_ = 	snop;
	(pc) =	sbr.rel @p0 .LBB2_7-.Ltmp0, $2  }
0x6: {  	_ =	sdelay $0x2  }
0x7: {  	s0 =	rddreg [dreg:$0x0];
	_ =	strace $0x80000047  }
0x8: {  	s2 =	sadd.s32 $0x2800, s0  }
0x9: {  	s24 =	sadd.s32 $0x2A00, s0;
	[dreg:$0x3] =	wrdreg s2  }
0xa: {  	s1 =	ssub.s32 $0x2, s1;
	s25 =	sadd.s32 $0x2C00, s0;
	[dreg:$0x4] =	wrdreg s24  }
0xb: {  	s26 =	sadd.s32 $0x2E00, s0;
	s3 =	sadd.s32 $0x3000, s0;
	[dreg:$0x5] =	wrdreg s25  }
0xc: {  	s29 =	sadd.s32 $0x3200, s0;
	s30 =	sadd.s32 $0x3400, s0;
	[dreg:$0x6] =	wrdreg s26  }
0xd: {  	s5 =	simm.s32 $0x0;
	s28 =	sshrl.u32 s1, $0x1;
	[dreg:$0x7] =	wrdreg s3  }
0xe: {  	s12 =	simm.s32 $0x1;
	[dreg:$0x8] =	wrdreg s29;
	s1 =	ssub.s32 s1, s28  }
0xf: {  	v0 =	vlaneseq.u32;
	s16 =	simm.s32 $0x600;
	[dreg:$0x9] =	wrdreg s30;
	s31 =	smax.u32 s1, $0x1  }
0x10: {  	s17 =	simm.s32 $0xC00;
	v1 =	vimm.s32 $0x0;
	v2 =	vimm.f32 $0.0e+00;
	v3 =	vadd.s32 $0x1, v0;
	s1 =	simm.s32 $0x0;
	[dreg:$0xa] =	wrdreg s31  }
.LBB2_2:
0x11: {  	[dreg:$0xb] =	wrdreg s1  }
0x12: {  	s0 =	rddreg [dreg:$0x3]  }
0x13: {  	[tilespmem:s5], [sflag:$0x1] =	stream.linear.gather [hbm4b:s0+s5], $0x100, $0x38;
	[tilespmem:$0x1280] =	vst v63  }
0x14: {  	_ =	swait.ge [sflag:s12], $0x100  }
0x15: {  	[sflag:s12] =	ssyncset.done $0x0  }
0x16: {  	s31 =	simm.s32 $0x100;
	s29 =	rddreg [dreg:$0x4];
	[sflag:s12] =	ssyncadd.s32 $0xFFFFFF00  }
0x17: {  	[tilespmem:s31], [sflag:$0x1] =	stream.linear.gather [hbm4b:s29+s5], $0x100, $0x38;
	[tilespmem:$0x1280] =	vst v63  }
0x18: {  	_ =	swait.ge [sflag:s12], $0x100  }
0x19: {  	[sflag:s12] =	ssyncset.done $0x0  }
0x1a: {  	s2 =	simm.s32 $0x200;
	s1 =	rddreg [dreg:$0x5];
	[sflag:s12] =	ssyncadd.s32 $0xFFFFFF00  }
0x1b: {  	[tilespmem:s2], [sflag:$0x1] =	stream.linear.gather [hbm4b:s1+s5], $0x100, $0x38;
	[tilespmem:$0x1280] =	vst v63  }
0x1c: {  	_ =	swait.ge [sflag:s12], $0x100  }
0x1d: {  	[sflag:s12] =	ssyncset.done $0x0  }
0x1e: {  	s4 =	simm.s32 $0x300;
	s3 =	rddreg [dreg:$0x6];
	[sflag:s12] =	ssyncadd.s32 $0xFFFFFF00  }
0x1f: {  	[tilespmem:s4], [sflag:$0x1] =	stream.linear.gather [hbm4b:s3+s5], $0x100, $0x38;
	[tilespmem:$0x1280] =	vst v63  }
0x20: {  	_ =	swait.ge [sflag:s12], $0x100  }
0x21: {  	[sflag:s12] =	ssyncset.done $0x0  }
0x22: {  	[sflag:s12] =	ssyncadd.s32 $0xFFFFFF00  }
0x23: {  	[tilespmem:$0x600] =	vst v1  }
0x24: {  	[tilespmem:$0xC00] =	vst v2  }
0x25: {  	[tilespmem:$0x610] =	vst v1  }
0x26: {  	[tilespmem:$0xC10] =	vst v2  }
0x27: {  	[tilespmem:$0x620] =	vst v1  }
0x28: {  	[tilespmem:$0xC20] =	vst v2  }
0x29: {  	[tilespmem:$0x630] =	vst v1  }
0x2a: {  	[tilespmem:$0xC30] =	vst v2  }
0x2b: {  	[tilespmem:$0x640] =	vst v1  }
0x2c: {  	[tilespmem:$0xC40] =	vst v2  }
0x2d: {  	[tilespmem:$0x650] =	vst v1  }
0x2e: {  	[tilespmem:$0xC50] =	vst v2  }
0x2f: {  	[tilespmem:$0x660] =	vst v1  }
0x30: {  	[tilespmem:$0xC60] =	vst v2  }
0x31: {  	[tilespmem:$0x670] =	vst v1  }
0x32: {  	[tilespmem:$0xC70] =	vst v2  }
0x33: {  	[tilespmem:$0x680] =	vst v1  }
0x34: {  	[tilespmem:$0xC80] =	vst v2  }
0x35: {  	[tilespmem:$0x690] =	vst v1  }
0x36: {  	[tilespmem:$0xC90] =	vst v2  }
0x37: {  	[tilespmem:$0x6A0] =	vst v1  }
0x38: {  	[tilespmem:$0xCA0] =	vst v2  }
0x39: {  	[tilespmem:$0x6B0] =	vst v1  }
0x3a: {  	[tilespmem:$0xCB0] =	vst v2  }
0x3b: {  	[tilespmem:$0x6C0] =	vst v1  }
0x3c: {  	[tilespmem:$0xCC0] =	vst v2  }
0x3d: {  	[tilespmem:$0x6D0] =	vst v1  }
0x3e: {  	[tilespmem:$0xCD0] =	vst v2  }
0x3f: {  	[tilespmem:$0x6E0] =	vst v1  }
0x40: {  	[tilespmem:$0xCE0] =	vst v2  }
0x41: {  	[tilespmem:$0x6F0] =	vst v1  }
0x42: {  	[tilespmem:$0xCF0] =	vst v2  }
0x43: {  	[tilespmem:$0x700] =	vst v1  }
0x44: {  	[tilespmem:$0xD00] =	vst v2  }
0x45: {  	[tilespmem:$0x710] =	vst v1  }
0x46: {  	[tilespmem:$0xD10] =	vst v2  }
0x47: {  	[tilespmem:$0x720] =	vst v1  }
0x48: {  	[tilespmem:$0xD20] =	vst v2  }
0x49: {  	[tilespmem:$0x730] =	vst v1  }
0x4a: {  	[tilespmem:$0xD30] =	vst v2  }
0x4b: {  	[tilespmem:$0x740] =	vst v1  }
0x4c: {  	[tilespmem:$0xD40] =	vst v2  }
0x4d: {  	[tilespmem:$0x750] =	vst v1  }
0x4e: {  	[tilespmem:$0xD50] =	vst v2  }
0x4f: {  	[tilespmem:$0x760] =	vst v1  }
0x50: {  	[tilespmem:$0xD60] =	vst v2  }
0x51: {  	[tilespmem:$0x770] =	vst v1  }
0x52: {  	[tilespmem:$0xD70] =	vst v2  }
0x53: {  	[tilespmem:$0x780] =	vst v1  }
0x54: {  	[tilespmem:$0xD80] =	vst v2  }
0x55: {  	[tilespmem:$0x790] =	vst v1  }
0x56: {  	[tilespmem:$0xD90] =	vst v2  }
0x57: {  	[tilespmem:$0x7A0] =	vst v1  }
0x58: {  	[tilespmem:$0xDA0] =	vst v2  }
0x59: {  	[tilespmem:$0x7B0] =	vst v1  }
0x5a: {  	[tilespmem:$0xDB0] =	vst v2  }
0x5b: {  	[tilespmem:$0x7C0] =	vst v1  }
0x5c: {  	[tilespmem:$0xDC0] =	vst v2  }
0x5d: {  	[tilespmem:$0x7D0] =	vst v1  }
0x5e: {  	[tilespmem:$0xDD0] =	vst v2  }
0x5f: {  	[tilespmem:$0x7E0] =	vst v1  }
0x60: {  	[tilespmem:$0xDE0] =	vst v2  }
0x61: {  	[tilespmem:$0x7F0] =	vst v1  }
0x62: {  	[tilespmem:$0xDF0] =	vst v2  }
0x63: {  	[tilespmem:$0x800] =	vst v1  }
0x64: {  	[tilespmem:$0xE00] =	vst v2  }
0x65: {  	[tilespmem:$0x810] =	vst v1  }
0x66: {  	[tilespmem:$0xE10] =	vst v2  }
0x67: {  	[tilespmem:$0x820] =	vst v1  }
0x68: {  	[tilespmem:$0xE20] =	vst v2  }
0x69: {  	[tilespmem:$0x830] =	vst v1  }
0x6a: {  	[tilespmem:$0xE30] =	vst v2  }
0x6b: {  	[tilespmem:$0x840] =	vst v1  }
0x6c: {  	[tilespmem:$0xE40] =	vst v2  }
0x6d: {  	[tilespmem:$0x850] =	vst v1  }
0x6e: {  	[tilespmem:$0xE50] =	vst v2  }
0x6f: {  	[tilespmem:$0x860] =	vst v1  }
0x70: {  	[tilespmem:$0xE60] =	vst v2  }
0x71: {  	[tilespmem:$0x870] =	vst v1  }
0x72: {  	[tilespmem:$0xE70] =	vst v2  }
0x73: {  	[tilespmem:$0x880] =	vst v1  }
0x74: {  	[tilespmem:$0xE80] =	vst v2  }
0x75: {  	[tilespmem:$0x890] =	vst v1  }
0x76: {  	[tilespmem:$0xE90] =	vst v2  }
0x77: {  	[tilespmem:$0x8A0] =	vst v1  }
0x78: {  	[tilespmem:$0xEA0] =	vst v2  }
0x79: {  	[tilespmem:$0x8B0] =	vst v1  }
0x7a: {  	[tilespmem:$0xEB0] =	vst v2  }
0x7b: {  	[tilespmem:$0x8C0] =	vst v1  }
0x7c: {  	[tilespmem:$0xEC0] =	vst v2  }
0x7d: {  	[tilespmem:$0x8D0] =	vst v1  }
0x7e: {  	[tilespmem:$0xED0] =	vst v2  }
0x7f: {  	[tilespmem:$0x8E0] =	vst v1  }
0x80: {  	[tilespmem:$0xEE0] =	vst v2  }
0x81: {  	[tilespmem:$0x8F0] =	vst v1  }
0x82: {  	[tilespmem:$0xEF0] =	vst v2  }
0x83: {  	[tilespmem:$0x900] =	vst v1  }
0x84: {  	[tilespmem:$0xF00] =	vst v2  }
0x85: {  	[tilespmem:$0x910] =	vst v1  }
0x86: {  	[tilespmem:$0xF10] =	vst v2  }
0x87: {  	[tilespmem:$0x920] =	vst v1  }
0x88: {  	[tilespmem:$0xF20] =	vst v2  }
0x89: {  	[tilespmem:$0x930] =	vst v1  }
0x8a: {  	[tilespmem:$0xF30] =	vst v2  }
0x8b: {  	[tilespmem:$0x940] =	vst v1  }
0x8c: {  	[tilespmem:$0xF40] =	vst v2  }
0x8d: {  	[tilespmem:$0x950] =	vst v1  }
0x8e: {  	[tilespmem:$0xF50] =	vst v2  }
0x8f: {  	[tilespmem:$0x960] =	vst v1  }
0x90: {  	[tilespmem:$0xF60] =	vst v2  }
0x91: {  	[tilespmem:$0x970] =	vst v1  }
0x92: {  	[tilespmem:$0xF70] =	vst v2  }
0x93: {  	[tilespmem:$0x980] =	vst v1  }
0x94: {  	[tilespmem:$0xF80] =	vst v2  }
0x95: {  	[tilespmem:$0x990] =	vst v1  }
0x96: {  	[tilespmem:$0xF90] =	vst v2  }
0x97: {  	[tilespmem:$0x9A0] =	vst v1  }
0x98: {  	[tilespmem:$0xFA0] =	vst v2  }
0x99: {  	[tilespmem:$0x9B0] =	vst v1  }
0x9a: {  	[tilespmem:$0xFB0] =	vst v2  }
0x9b: {  	[tilespmem:$0x9C0] =	vst v1  }
0x9c: {  	[tilespmem:$0xFC0] =	vst v2  }
0x9d: {  	[tilespmem:$0x9D0] =	vst v1  }
0x9e: {  	[tilespmem:$0xFD0] =	vst v2  }
0x9f: {  	[tilespmem:$0x9E0] =	vst v1  }
0xa0: {  	[tilespmem:$0xFE0] =	vst v2  }
0xa1: {  	[tilespmem:$0x9F0] =	vst v1  }
0xa2: {  	[tilespmem:$0xFF0] =	vst v2  }
0xa3: {  	[tilespmem:$0xA00] =	vst v1  }
0xa4: {  	[tilespmem:$0x1000] =	vst v2  }
0xa5: {  	[tilespmem:$0xA10] =	vst v1  }
0xa6: {  	[tilespmem:$0x1010] =	vst v2  }
0xa7: {  	[tilespmem:$0xA20] =	vst v1  }
0xa8: {  	[tilespmem:$0x1020] =	vst v2  }
0xa9: {  	[tilespmem:$0xA30] =	vst v1  }
0xaa: {  	[tilespmem:$0x1030] =	vst v2  }
0xab: {  	[tilespmem:$0xA40] =	vst v1  }
0xac: {  	[tilespmem:$0x1040] =	vst v2  }
0xad: {  	[tilespmem:$0xA50] =	vst v1  }
0xae: {  	[tilespmem:$0x1050] =	vst v2  }
0xaf: {  	[tilespmem:$0xA60] =	vst v1  }
0xb0: {  	[tilespmem:$0x1060] =	vst v2  }
0xb1: {  	[tilespmem:$0xA70] =	vst v1  }
0xb2: {  	[tilespmem:$0x1070] =	vst v2  }
0xb3: {  	[tilespmem:$0xA80] =	vst v1  }
0xb4: {  	[tilespmem:$0x1080] =	vst v2  }
0xb5: {  	[tilespmem:$0xA90] =	vst v1  }
0xb6: {  	[tilespmem:$0x1090] =	vst v2  }
0xb7: {  	[tilespmem:$0xAA0] =	vst v1  }
0xb8: {  	[tilespmem:$0x10A0] =	vst v2  }
0xb9: {  	[tilespmem:$0xAB0] =	vst v1  }
0xba: {  	[tilespmem:$0x10B0] =	vst v2  }
0xbb: {  	[tilespmem:$0xAC0] =	vst v1  }
0xbc: {  	[tilespmem:$0x10C0] =	vst v2  }
0xbd: {  	[tilespmem:$0xAD0] =	vst v1  }
0xbe: {  	[tilespmem:$0x10D0] =	vst v2  }
0xbf: {  	[tilespmem:$0xAE0] =	vst v1  }
0xc0: {  	[tilespmem:$0x10E0] =	vst v2  }
0xc1: {  	[tilespmem:$0xAF0] =	vst v1  }
0xc2: {  	[tilespmem:$0x10F0] =	vst v2  }
0xc3: {  	[tilespmem:$0xB00] =	vst v1  }
0xc4: {  	[tilespmem:$0x1100] =	vst v2  }
0xc5: {  	[tilespmem:$0xB10] =	vst v1  }
0xc6: {  	[tilespmem:$0x1110] =	vst v2  }
0xc7: {  	[tilespmem:$0xB20] =	vst v1  }
0xc8: {  	[tilespmem:$0x1120] =	vst v2  }
0xc9: {  	[tilespmem:$0xB30] =	vst v1  }
0xca: {  	[tilespmem:$0x1130] =	vst v2  }
0xcb: {  	[tilespmem:$0xB40] =	vst v1  }
0xcc: {  	[tilespmem:$0x1140] =	vst v2  }
0xcd: {  	[tilespmem:$0xB50] =	vst v1  }
0xce: {  	[tilespmem:$0x1150] =	vst v2  }
0xcf: {  	[tilespmem:$0xB60] =	vst v1  }
0xd0: {  	[tilespmem:$0x1160] =	vst v2  }
0xd1: {  	[tilespmem:$0xB70] =	vst v1  }
0xd2: {  	[tilespmem:$0x1170] =	vst v2  }
0xd3: {  	[tilespmem:$0xB80] =	vst v1  }
0xd4: {  	[tilespmem:$0x1180] =	vst v2  }
0xd5: {  	[tilespmem:$0xB90] =	vst v1  }
0xd6: {  	[tilespmem:$0x1190] =	vst v2  }
0xd7: {  	[tilespmem:$0xBA0] =	vst v1  }
0xd8: {  	[tilespmem:$0x11A0] =	vst v2  }
0xd9: {  	[tilespmem:$0xBB0] =	vst v1  }
0xda: {  	[tilespmem:$0x11B0] =	vst v2  }
0xdb: {  	[tilespmem:$0xBC0] =	vst v1  }
0xdc: {  	[tilespmem:$0x11C0] =	vst v2  }
0xdd: {  	[tilespmem:$0xBD0] =	vst v1  }
0xde: {  	[tilespmem:$0x11D0] =	vst v2  }
0xdf: {  	[tilespmem:$0xBE0] =	vst v1  }
0xe0: {  	[tilespmem:$0x11E0] =	vst v2  }
0xe1: {  	[tilespmem:$0xBF0] =	vst v1  }
0xe2: {  	s22 =	simm.s32 $0x0;
	[tilespmem:$0x11F0] =	vst v2  }
0xe3: {  	v4 =	vld [tilespmem:s22+$0x0];
	_ =	sdelay $0x4  }
0xe4: {  	vm7 =	veq.s32 v4, $0x0  }
0xe5: {  	vm6 =	veq.s32 v4, $0x1;
	v5 =	vsel vm7, $0x1, v1  }
0xe6: {  	vm2 =	veq.s32 v4, $0x2;
	v6 =	vsel vm6, $0x1, v1;
	(xrf0) =	vadd.scan.msk.s32 $0xffff, v5  }
0xe7: {  	v5 =	vsel vm2, $0x1, v1;
	(xrf0) =	vadd.scan.msk.s32 $0xffff, v6  }
0xe8: {  	vm4 =	veq.s32 v4, $0x3;
	vm1 =	veq.s32 v4, $0x4;
	(xrf0) =	vadd.scan.msk.s32 $0xffff, v5  }
0xe9: {  	v6 =	vsel vm1, $0x1, v1;
	v5 =	vsel vm4, $0x1, v1  }
0xea: {  	(xrf0) =	vadd.scan.msk.s32 $0xffff, v5  }
0xeb: {  	(xrf0) =	vadd.scan.msk.s32 $0xffff, v6  }
0xec: {  	v6, _, _ =	vpop (xrf0)  }
0xed: {  	(v2sf) =	vpush v6, $0xF;
	v7, _, _ =	vpop (xrf0)  }
0xee: {  	(v2sf) =	vpush v7, $0xF;
	v8, _, _ =	vpop (xrf0)  }
0xef: {  	v5 =	vld [tilespmem:s22+$0x100];
	(v2sf) =	vpush v8, $0xF  }
0xf0: {  	vm0 =	veq.s32 v4, $0x6;
	vm3 =	veq.s32 v4, $0x7;
	v9, _, _ =	vpop (xrf0)  }
0xf1: {  	v10 =	vsel vm0, $0x1, v1;
	v12 =	vsel vm4, $0xFFFFFFFF, v1;
	(v2sf) =	vpush v9, $0xF;
	v11, _, _ =	vpop (xrf0)  }
0xf2: {  	v13 =	vsel vm3, $0xFFFFFFFF, v1;
	v15 =	vsel vm7, $0xFFFFFFFF, v1;
	(v2sf) =	vpush v11, $0xF  }
0xf3: {  	v16 =	vsel vm2, $0xFFFFFFFF, v1;
	v17 =	vsel vm6, $0xFFFFFFFF, v1;
	v15 =	vadd.s32 s5, v15  }
0xf4: {  	v17 =	vadd.s32 s5, v17;
	v6 =	vadd.s32 v6, v15;
	vm9 =	veq.s32 v5, $0x0  }
0xf5: {  	vm8 =	veq.s32 v5, $0x1;
	vm5 =	veq.s32 v5, $0x2;
	v15 =	vsel vm9, $0x1, v1  }
0xf6: {  	v6 =	vnsel vm7, $0x0, v6;
	v7 =	vadd.s32 v7, v17;
	v18 =	vsel vm8, $0x1, v1;
	(xrf0) =	vadd.scan.msk.s32 $0xffff, v15  }
0xf7: {  	vm12 =	veq.s32 v5, $0x3;
	vm13 =	veq.s32 v5, $0x4;
	v15 =	vsel vm5, $0x1, v1;
	(xrf0) =	vadd.scan.msk.s32 $0xffff, v18  }
0xf8: {  	v6 =	vsel vm6, v7, v6;
	v7 =	vadd.s32 s5, v16;
	(xrf0) =	vadd.scan.msk.s32 $0xffff, v15;
	v15 =	vsel vm12, $0x1, v1  }
0xf9: {  	v7 =	vadd.s32 v8, v7;
	v8 =	vadd.s32 s5, v12;
	v12 =	vsel vm13, $0x1, v1;
	(xrf0) =	vadd.scan.msk.s32 $0xffff, v15  }
0xfa: {  	v14 =	vsel vm3, $0x1, v1;
	v40 =	vsel vm1, $0xFFFFFFFF, v1;
	v43 =	vsel vm12, $0xFFFFFFFF, v1  }
0xfb: {  	v6 =	vsel vm2, v7, v6;
	v7 =	vadd.s32 v9, v8;
	v8 =	vadd.s32 s5, v40;
	(xrf0) =	vadd.scan.msk.s32 $0xffff, v12  }
0xfc: {  	v9 =	vsel vm9, $0xFFFFFFFF, v1;
	vm2 =	veq.s32 v4, $0x5;
	v6 =	vsel vm4, v7, v6;
	v12, _, _ =	vpop (xrf0);
	s6 =	spop (v2sf)  }
0xfd: {  	v7 =	vsel vm5, $0xFFFFFFFF, v1;
	v4 =	vadd.s32 v9, v12;
	v9 =	vsel vm8, $0xFFFFFFFF, v1;
	v15, _, _ =	vpop (xrf0);
	s4 =	sadd.s32 $0x0, s6;
	s7 =	spop (v2sf)  }
0xfe: {  	v41 =	vsel vm2, $0x1, v1;
	v9 =	vadd.s32 v9, v15;
	v42, _, _ =	vpop (xrf0);
	s8 =	sadd.s32 $0x0, s7;
	v4 =	vadd.s32 s4, v4;
	s9 =	spop (v2sf)  }
0xff: {  	v7 =	vadd.s32 v7, v42;
	v19, _, _ =	vpop (xrf0);
	s0 =	sadd.s32 $0x0, s9;
	v4 =	vnsel vm9, $0x0, v4;
	v9 =	vadd.s32 s8, v9  }
0x100: {  	(xrf0) =	vadd.scan.msk.s32 $0xffff, v41;
	v44 =	vadd.s32 v43, v19;
	s2 =	spop (v2sf);
	v4 =	vsel vm8, v9, v4;
	v7 =	vadd.s32 s0, v7  }
0x101: {  	v45, _, _ =	vpop (xrf0);
	v9 =	vsel vm13, $0xFFFFFFFF, v1;
	s3 =	sadd.s32 $0x0, s2;
	s10 =	spop (v2sf);
	(v2sf) =	vpush v12, $0xF;
	v4 =	vsel vm5, v7, v4  }
0x102: {  	s21 =	simm.s32 $0x10;
	(xrf0) =	vadd.scan.msk.s32 $0xffff, v14;
	s2 =	sadd.s32 $0x0, s10;
	v7 =	vadd.s32 s3, v44;
	v9 =	vadd.s32 v9, v45;
	(v2sf) =	vpush v15, $0xF  }
0x103: {  	(xrf0) =	vadd.scan.msk.s32 $0xffff, v10;
	v4 =	vsel vm12, v7, v4;
	v7 =	vadd.s32 s2, v9;
	v9 =	vadd.s32 v11, v8;
	v8 =	vld [tilespmem:s21+$0x0]  }
0x104: {  	vm4 =	veq.s32 v5, $0x6;
	(v2sf) =	vpush v42, $0xF;
	v11 =	vsel vm0, $0xFFFFFFFF, v1  }
0x105: {  	v10 =	vsel vm13, v7, v4;
	v4 =	vsel vm2, $0xFFFFFFFF, v1;
	(v2sf) =	vpush v19, $0xF  }
0x106: {  	v12, _, _ =	vpop (xrf0);
	v7 =	vadd.s32 s5, v13;
	v4 =	vadd.s32 s5, v4;
	(v2sf) =	vpush v45, $0xF  }
0x107: {  	v6 =	vsel vm1, v9, v6;
	v4 =	vadd.s32 v12, v4;
	(v2sf) =	vpush v12, $0xF  }
0x108: {  	v9, _, _ =	vpop (xrf0);
	v4 =	vsel vm2, v4, v6;
	v6 =	vadd.s32 s5, v11;
	vm14 =	veq.s32 v8, $0x0  }
0x109: {  	v11, _, _ =	vpop (xrf0);
	(v2sf) =	vpush v9, $0xF;
	v7 =	vadd.s32 v9, v7;
	v9 =	vsel vm14, $0x1, v1  }
0x10a: {  	vm5 =	veq.s32 v5, $0x5;
	v6 =	vadd.s32 v11, v6;
	vm15 =	veq.s32 v8, $0x1;
	(xrf0) =	vadd.scan.msk.s32 $0xffff, v9  }
0x10b: {  	(v2sf) =	vpush v11, $0xF;
	vm10 =	veq.s32 v8, $0x2;
	v11 =	vsel vm15, $0x1, v1  }
0x10c: {  	v51 =	vsel vm5, $0xFFFFFFFF, v1;
	vm11 =	veq.s32 v8, $0x3;
	v12 =	vsel vm10, $0x1, v1;
	(xrf0) =	vadd.scan.msk.s32 $0xffff, v11  }
0x10d: {  	vm2 =	veq.s32 v8, $0x4;
	vm1 =	veq.s32 v8, $0x6;
	v13 =	vsel vm11, $0x1, v1;
	(xrf0) =	vadd.scan.msk.s32 $0xffff, v12  }
0x10e: {  	v4 =	vsel vm0, v6, v4;
	v6 =	vsel vm1, $0x1, v1;
	vm0 =	veq.s32 v8, $0x7  }
0x10f: {  	v15 =	vsel vm2, $0xFFFFFFFF, v1;
	v47 =	vsel vm15, $0xFFFFFFFF, v1;
	v9 =	vsel vm2, $0x1, v1;
	(xrf0) =	vadd.scan.msk.s32 $0xffff, v13  }
0x110: {  	v7 =	vsel vm3, v7, v4;
	v4 =	vsel vm0, $0xFFFFFFFF, v1;
	vm3 =	veq.s32 v5, $0x7;
	(xrf0) =	vadd.scan.msk.s32 $0xffff, v9;
	v5, _, _ =	vpop (xrf0)  }
0x111: {  	v11 =	vsel vm11, $0xFFFFFFFF, v1;
	v46 =	vsel vm3, $0x1, v1;
	s11 =	spop (v2sf);
	(v2sf) =	vpush v5, $0xF  }
0x112: {  	[tilespmem:s22+$0x400] =	vst v7;
	v7 =	vsel vm5, $0x1, v1;
	v12 =	vsel vm14, $0xFFFFFFFF, v1;
	s4 =	sadd.s32 s4, s11;
	s13 =	spop (v2sf);
	v48, _, _ =	vpop (xrf0);
	(xrf0) =	vadd.scan.msk.s32 $0xffff, v46  }
0x113: {  	v13 =	vsel vm10, $0xFFFFFFFF, v1;
	v9 =	vsel vm4, $0x1, v1;
	v12 =	vadd.s32 s4, v12;
	s5 =	sadd.s32 s8, s13;
	v49, _, _ =	vpop (xrf0);
	(xrf0) =	vadd.scan.msk.s32 $0xffff, v7;
	v7 =	vld [tilespmem:s21+$0x100]  }
0x114: {  	s14 =	spop (v2sf);
	(v2sf) =	vpush v48, $0xF;
	v5 =	vadd.s32 v5, v12;
	v12 =	vadd.s32 s5, v47  }
0x115: {  	s6 =	sadd.s32 s0, s14;
	s15 =	spop (v2sf);
	(v2sf) =	vpush v49, $0xF;
	v50, _, _ =	vpop (xrf0);
	v5 =	vnsel vm14, $0x0, v5;
	v12 =	vadd.s32 v48, v12  }
0x116: {  	(xrf0) =	vadd.scan.msk.s32 $0xffff, v9;
	s3 =	sadd.s32 s3, s15;
	v9 =	vadd.s32 s6, v13;
	(v2sf) =	vpush v50, $0xF;
	v13, _, _ =	vpop (xrf0);
	v5 =	vsel vm15, v12, v5  }
0x117: {  	s18 =	spop (v2sf);
	v9 =	vadd.s32 v49, v9;
	v11 =	vadd.s32 s3, v11;
	(v2sf) =	vpush v13, $0xF  }
0x118: {  	v5 =	vsel vm10, v9, v5;
	v9 =	vadd.s32 v50, v11;
	vm10 =	veq.s32 v7, $0x0  }
0x119: {  	v11 =	vsel vm3, $0xFFFFFFFF, v1;
	v5 =	vsel vm11, v9, v5;
	v12, _, _ =	vpop (xrf0);
	v53 =	vsel vm10, $0x1, v1  }
0x11a: {  	v9 =	vsel vm4, $0xFFFFFFFF, v1;
	vm12 =	veq.s32 v7, $0x1;
	v52, _, _ =	vpop (xrf0);
	(v2sf) =	vpush v12, $0xF;
	(xrf0) =	vadd.scan.msk.s32 $0xffff, v53  }
0x11b: {  	s19 =	spop (v2sf);
	vm13 =	veq.s32 v7, $0x2;
	vm14 =	veq.s32 v7, $0x3;
	(v2sf) =	vpush v52, $0xF  }
0x11c: {  	s20 =	spop (v2sf);
	vm15 =	veq.s32 v7, $0x4;
	v20 =	vsel vm12, $0x1, v1;
	v55 =	vsel vm13, $0x1, v1;
	v54, _, _ =	vpop (xrf0)  }
0x11d: {  	s26 =	sadd.s32 $0x0, s19;
	s7 =	spop (v2sf);
	v56 =	vsel vm14, $0x1, v1;
	v16 =	vadd.s32 v51, v52;
	(xrf0) =	vadd.scan.msk.s32 $0xffff, v20;
	(v2sf) =	vpush v54, $0xF  }
0x11e: {  	s23 =	sadd.s32 $0x0, s7;
	v57 =	vsel vm15, $0x1, v1;
	v9 =	vadd.s32 v9, v54;
	v16 =	vadd.s32 s26, v16;
	(xrf0) =	vadd.scan.msk.s32 $0xffff, v55  }
0x11f: {  	s13 =	sadd.s32 $0x0, s20;
	v11 =	vadd.s32 v11, v12;
	v9 =	vadd.s32 s23, v9;
	v10 =	vsel vm5, v16, v10;
	(xrf0) =	vadd.scan.msk.s32 $0xffff, v56  }
0x120: {  	v9 =	vsel vm4, v9, v10;
	v10 =	vadd.s32 s13, v11;
	v11 =	vsel vm10, $0xFFFFFFFF, v1;
	(xrf0) =	vadd.scan.msk.s32 $0xffff, v57;
	v60, _, _ =	vpop (xrf0);
	s24 =	spop (v2sf)  }
0x121: {  	s2 =	sadd.s32 s2, s18;
	v9 =	vsel vm3, v10, v9;
	vm3 =	veq.s32 v8, $0x5;
	v8 =	vadd.s32 v11, v60;
	s1 =	sadd.s32 s4, s24  }
0x122: {  	v14 =	vsel vm0, $0x1, v1;
	v15 =	vadd.s32 s2, v15;
	v11 =	vadd.s32 s1, v8  }
0x123: {  	v58 =	vsel vm13, $0xFFFFFFFF, v1;
	v12 =	vsel vm14, $0xFFFFFFFF, v1;
	v10 =	vsel vm12, $0xFFFFFFFF, v1;
	v61, _, _ =	vpop (xrf0);
	s25 =	spop (v2sf)  }
0x124: {  	v59 =	vsel vm15, $0xFFFFFFFF, v1;
	v62 =	vsel vm3, $0x1, v1;
	v10 =	vadd.s32 v10, v61;
	s0 =	sadd.s32 s5, s25;
	s28 =	spop (v2sf);
	v8, _, _ =	vpop (xrf0)  }
0x125: {  	[tilespmem:s22+$0x500] =	vst v9;
	s24 =	sadd.s32 s6, s28;
	v21 =	vnsel vm10, $0x0, v11;
	v10 =	vadd.s32 s0, v10;
	s29 =	spop (v2sf);
	v18 =	vadd.s32 v58, v8;
	v11, _, _ =	vpop (xrf0)  }
0x126: {  	s25 =	sadd.s32 s3, s29;
	v9 =	vsel vm12, v10, v21;
	s31 =	spop (v2sf);
	v10 =	vadd.s32 s24, v18;
	v63 =	vadd.s32 v12, v11;
	v12, _, _ =	vpop (xrf0);
	(xrf0) =	vadd.scan.msk.s32 $0xffff, v62  }
0x127: {  	s30 =	sadd.s32 s2, s31;
	v9 =	vsel vm13, v10, v9;
	v10 =	vadd.s32 s25, v63;
	v16 =	vadd.s32 v59, v12;
	(xrf0) =	vadd.scan.msk.s32 $0xffff, v14  }
0x128: {  	(v2sf) =	vpush v60, $0xF;
	v10 =	vsel vm14, v10, v9;
	v14 =	vadd.s32 s30, v16;
	(xrf0) =	vadd.scan.msk.s32 $0xffff, v6  }
0x129: {  	s22 =	simm.s32 $0x80;
	(v2sf) =	vpush v61, $0xF;
	s2 =	spop (v2sf);
	v9 =	vadd.s32 v13, v15;
	v6 =	vsel vm15, v14, v10  }
.LBB2_3:
0x12a: {  	s28 =	sshra.s32 s22, $0x2;
	(v2sf) =	vpush v8, $0xF;
	s13 =	sadd.s32 s13, s2;
	s2 =	spop (v2sf)  }
0x12b: {  	p0 =	sne.s32 s22, $0x3C0;
	s22 =	sadd.s32 $0x40, s22;
	v16 =	vsel vm3, $0xFFFFFFFF, v1;
	v8 =	vld [tilespmem:s28+$0x0];
	v4 =	vadd.s32 s13, v4;
	(v2sf) =	vpush v11, $0xF;
	s2 =	sadd.s32 s26, s2  }
0x12c: {  	v15 =	vsel vm1, $0xFFFFFFFF, v1;
	v14 =	vadd.s32 s2, v16;
	v13, _, _ =	vpop (xrf0);
	(v2sf) =	vpush v12, $0xF;
	s3 =	spop (v2sf)  }
0x12d: {  	v5 =	vsel vm2, v9, v5;
	v9 =	vadd.s32 v13, v14;
	(v2sf) =	vpush v13, $0xF;
	v10, _, _ =	vpop (xrf0);
	s3 =	sadd.s32 s23, s3  }
0x12e: {  	v5 =	vsel vm3, v9, v5;
	v9 =	vadd.s32 s3, v15;
	v11, _, _ =	vpop (xrf0);
	(v2sf) =	vpush v10, $0xF  }
0x12f: {  	v4 =	vadd.s32 v10, v4;
	v9 =	vadd.s32 v11, v9;
	(v2sf) =	vpush v11, $0xF  }
0x130: {  	vm9 =	veq.s32 v8, $0x0;
	vm8 =	veq.s32 v8, $0x1;
	vm7 =	veq.s32 v8, $0x2  }
0x131: {  	vm6 =	veq.s32 v8, $0x3;
	v10 =	vsel vm9, $0x1, v1;
	v11 =	vsel vm8, $0x1, v1  }
0x132: {  	vm2 =	veq.s32 v8, $0x4;
	v12 =	vsel vm7, $0x1, v1;
	v13 =	vsel vm6, $0x1, v1;
	(xrf0) =	vadd.scan.msk.s32 $0xffff, v10  }
0x133: {  	v5 =	vsel vm1, v9, v5;
	vm1 =	veq.s32 v8, $0x6;
	v14 =	vsel vm2, $0x1, v1;
	(xrf0) =	vadd.scan.msk.s32 $0xffff, v11  }
0x134: {  	v9 =	vsel vm1, $0x1, v1;
	v5 =	vsel vm0, v4, v5;
	vm0 =	veq.s32 v8, $0x7;
	(xrf0) =	vadd.scan.msk.s32 $0xffff, v12  }
0x135: {  	v4 =	vsel vm0, $0xFFFFFFFF, v1;
	v10 =	vsel vm0, $0x1, v1;
	v11 =	vsel vm6, $0xFFFFFFFF, v1;
	(xrf0) =	vadd.scan.msk.s32 $0xffff, v13  }
0x136: {  	v15 =	vsel vm2, $0xFFFFFFFF, v1;
	v12 =	vsel vm9, $0xFFFFFFFF, v1;
	v13 =	vsel vm7, $0xFFFFFFFF, v1;
	(xrf0) =	vadd.scan.msk.s32 $0xffff, v14  }
0x137: {  	vm5 =	veq.s32 v7, $0x5;
	vm4 =	veq.s32 v7, $0x6;
	vm3 =	veq.s32 v7, $0x7;
	[tilespmem:s21+$0x400] =	vst v5;
	s4 =	spop (v2sf)  }
0x138: {  	v7 =	vsel vm5, $0x1, v1;
	v19 =	vsel vm3, $0x1, v1;
	v14 =	vsel vm4, $0x1, v1;
	v5, _, _ =	vpop (xrf0);
	s1 =	sadd.s32 s1, s4;
	s4 =	spop (v2sf)  }
0x139: {  	v20 =	vsel vm8, $0xFFFFFFFF, v1;
	v12 =	vadd.s32 s1, v12;
	(v2sf) =	vpush v5, $0xF;
	v18, _, _ =	vpop (xrf0);
	s0 =	sadd.s32 s0, s4;
	s4 =	spop (v2sf);
	(xrf0) =	vadd.scan.msk.s32 $0xffff, v19  }
0x13a: {  	v5 =	vadd.s32 v5, v12;
	v12 =	vadd.s32 s0, v20;
	(v2sf) =	vpush v18, $0xF;
	v16, _, _ =	vpop (xrf0);
	s4 =	sadd.s32 s24, s4;
	s5 =	spop (v2sf);
	(xrf0) =	vadd.scan.msk.s32 $0xffff, v7  }
0x13b: {  	v5 =	vnsel vm9, $0x0, v5;
	v12 =	vadd.s32 v18, v12;
	v7 =	vld [tilespmem:s28+$0x100];
	(v2sf) =	vpush v16, $0xF;
	v17, _, _ =	vpop (xrf0);
	s5 =	sadd.s32 s25, s5;
	s6 =	spop (v2sf);
	(xrf0) =	vadd.scan.msk.s32 $0xffff, v14  }
0x13c: {  	v5 =	vsel vm8, v12, v5;
	v12 =	vadd.s32 s4, v13;
	(v2sf) =	vpush v17, $0xF;
	v13, _, _ =	vpop (xrf0);
	s6 =	sadd.s32 s30, s6;
	s7 =	spop (v2sf)  }
0x13d: {  	v11 =	vadd.s32 s5, v11;
	v12 =	vadd.s32 v16, v12;
	(v2sf) =	vpush v13, $0xF;
	s8 =	spop (v2sf)  }
0x13e: {  	v11 =	vadd.s32 v17, v11;
	v14 =	vadd.s32 s6, v15;
	v5 =	vsel vm7, v12, v5;
	s9 =	spop (v2sf)  }
0x13f: {  	v12 =	vsel vm3, $0xFFFFFFFF, v1;
	v5 =	vsel vm6, v11, v5;
	v11 =	vsel vm4, $0xFFFFFFFF, v1;
	v15, _, _ =	vpop (xrf0)  }
0x140: {  	v16 =	vsel vm5, $0xFFFFFFFF, v1;
	vm10 =	veq.s32 v7, $0x0;
	v17, _, _ =	vpop (xrf0);
	(v2sf) =	vpush v15, $0xF  }
0x141: {  	vm9 =	veq.s32 v7, $0x1;
	v18 =	vsel vm10, $0x1, v1;
	(v2sf) =	vpush v17, $0xF;
	v19, _, _ =	vpop (xrf0)  }
0x142: {  	vm7 =	veq.s32 v7, $0x2;
	v20 =	vsel vm9, $0x1, v1;
	v16 =	vadd.s32 v16, v17;
	(xrf0) =	vadd.scan.msk.s32 $0xffff, v18  }
0x143: {  	vm8 =	veq.s32 v7, $0x3;
	v17 =	vsel vm7, $0x1, v1;
	(xrf0) =	vadd.scan.msk.s32 $0xffff, v20;
	(v2sf) =	vpush v19, $0xF  }
0x144: {  	s26 =	sadd.s32 s2, s7;
	s23 =	sadd.s32 s3, s9;
	vm6 =	veq.s32 v7, $0x4;
	v18 =	vsel vm8, $0x1, v1;
	v11 =	vadd.s32 v11, v19;
	(xrf0) =	vadd.scan.msk.s32 $0xffff, v17  }
0x145: {  	v16 =	vadd.s32 s26, v16;
	v11 =	vadd.s32 s23, v11;
	v17 =	vsel vm6, $0x1, v1;
	(xrf0) =	vadd.scan.msk.s32 $0xffff, v18  }
0x146: {  	s13 =	sadd.s32 s13, s8;
	v12 =	vadd.s32 v12, v15;
	v6 =	vsel vm5, v16, v6;
	v18 =	vsel vm7, $0xFFFFFFFF, v1;
	(xrf0) =	vadd.scan.msk.s32 $0xffff, v17  }
0x147: {  	v15 =	vsel vm8, $0xFFFFFFFF, v1;
	v6 =	vsel vm4, v11, v6;
	v11 =	vadd.s32 s13, v12  }
0x148: {  	v16 =	vsel vm6, $0xFFFFFFFF, v1;
	v12 =	vsel vm10, $0xFFFFFFFF, v1;
	v6 =	vsel vm3, v11, v6;
	s2 =	spop (v2sf);
	v17, _, _ =	vpop (xrf0)  }
0x149: {  	v23 =	vsel vm9, $0xFFFFFFFF, v1;
	vm3 =	veq.s32 v8, $0x5;
	s1 =	sadd.s32 s1, s2;
	v20 =	vadd.s32 v12, v17;
	s2 =	spop (v2sf);
	v19, _, _ =	vpop (xrf0);
	[tilespmem:s21+$0x500] =	vst v6;
	s21 =	smov.u32 s28  }
0x14a: {  	v6 =	vsel vm3, $0x1, v1;
	s0 =	sadd.s32 s0, s2;
	v24 =	vadd.s32 s1, v20;
	v21 =	vadd.s32 v23, v19;
	s2 =	spop (v2sf);
	v8, _, _ =	vpop (xrf0)  }
.Ltmp1:
0x14b: {  	s24 =	sadd.s32 s4, s2;
	v22 =	vnsel vm10, $0x0, v24;
	v20 =	vadd.s32 s0, v21;
	v18 =	vadd.s32 v18, v8;
	s2 =	spop (v2sf);
	v11, _, _ =	vpop (xrf0);
	(pc) =	sbr.rel @p0 .LBB2_3-.Ltmp1, $4  }
0x14c: {  	s25 =	sadd.s32 s5, s2;
	v20 =	vsel vm9, v20, v22;
	v18 =	vadd.s32 s24, v18;
	v15 =	vadd.s32 v15, v11;
	s2 =	spop (v2sf);
	(xrf0) =	vadd.scan.msk.s32 $0xffff, v6;
	v12, _, _ =	vpop (xrf0)  }
0x14d: {  	s30 =	sadd.s32 s6, s2;
	v6 =	vsel vm7, v18, v20;
	v15 =	vadd.s32 s25, v15;
	v16 =	vadd.s32 v16, v12;
	(xrf0) =	vadd.scan.msk.s32 $0xffff, v10  }
0x14e: {  	v6 =	vsel vm8, v15, v6;
	v10 =	vadd.s32 s30, v16;
	(xrf0) =	vadd.scan.msk.s32 $0xffff, v9;
	(v2sf) =	vpush v17, $0xF  }
0x14f: {  	v9 =	vadd.s32 v13, v14;
	v6 =	vsel vm6, v10, v6;
	(v2sf) =	vpush v19, $0xF;
	s2 =	spop (v2sf)  }
0x150: {  	(v2sf) =	vpush v8, $0xF  }
0x151: {  	(v2sf) =	vpush v11, $0xF;
	_ =	sdelay $0x1  }
0x152: {  	(v2sf) =	vpush v12, $0xF;
	_ =	sdelay $0x1  }
0x153: {  	vm4 =	veq.s32 v7, $0x7;
	vm6 =	veq.s32 v7, $0x5;
	v61, _, _ =	vpop (xrf0)  }
0x154: {  	vm5 =	veq.s32 v7, $0x6;
	v7 =	vsel vm6, $0x1, v1;
	(v2sf) =	vpush v61, $0xF  }
0x155: {  	v8 =	vsel vm4, $0x1, v1  }
0x156: {  	(xrf0) =	vadd.scan.msk.s32 $0xffff, v8  }
0x157: {  	(xrf0) =	vadd.scan.msk.s32 $0xffff, v7;
	v7, _, _ =	vpop (xrf0)  }
0x158: {  	(v2sf) =	vpush v7, $0xF  }
0x159: {  	s3 =	spop (v2sf);
	v8 =	vsel vm5, $0x1, v1;
	v10, _, _ =	vpop (xrf0)  }
0x15a: {  	s4 =	spop (v2sf);
	(xrf0) =	vadd.scan.msk.s32 $0xffff, v8;
	(v2sf) =	vpush v10, $0xF  }
0x15b: {  	s5 =	spop (v2sf)  }
0x15c: {  	s2 =	sadd.s32 s13, s2;
	s6 =	spop (v2sf);
	s1 =	sadd.s32 s1, s5  }
0x15d: {  	v8, _, _ =	vpop (xrf0);
	s5 =	sadd.s32 s23, s4;
	s7 =	spop (v2sf);
	s28 =	sadd.s32 s0, s6  }
0x15e: {  	(v2sf) =	vpush v8, $0xF;
	s1 =	sadd.s32 $0x7F, s1;
	s6 =	sadd.s32 s26, s3;
	s19 =	spop (v2sf)  }
0x15f: {  	v13, _, _ =	vpop (xrf0);
	s20 =	sand.u32 $0x7F, s1;
	s9 =	sadd.s32 $0x7F, s28;
	p0 =	slt.s32 s1, $0x1  }
0x160: {  	(v2sf) =	vpush v13, $0xF;
	v11, _, _ =	vpop (xrf0);
	s29 =	sadd.s32 s24, s7;
	s13 =	sshra.s32 s1, $0x1F;
	s8 =	spop (v2sf)  }
0x161: {  	(v2sf) =	vpush v11, $0xF;
	p1 =	sne.s32 s20, $0x0;
	s22 =	sand.u32 $0x7F, s9;
	p6 =	slt.s32 s9, $0x1  }
0x162: {  	s26 =	sadd.s32 s25, s19;
	s19 =	sshra.s32 s9, $0x1F;
	s20 =	sadd.s32 $0x7F, s29  }
0x163: {  	p1 =	por !p0, !p1;
	p2 =	sne.s32 s22, $0x0;
	s10 =	spop (v2sf)  }
0x164: {  	s24 =	sadd.s32 s30, s8;
	s8 =	sshrl.u32 s13, $0x19;
	p3 =	slt.s32 s20, $0x1  }
0x165: {  	p0 =	por !p6, !p2;
	s7 =	sadd.s32 s6, s10;
	s1 =	sadd.s32 s8, s1  }
0x166: {  	p1 =	por !p1, !p1;
	s8 =	simm.s32 $0x1;
	s10 =	sand.u32 $0x7F, s20  }
0x167: {  	s23 =	spop (v2sf);
	s18 =	sshra.s32 s1, $0x7;
	s1 =	sshrl.u32 s19, $0x19  }
0x168: {  	v14 =	vsel vm3, $0xFFFFFFFF, v1;
	v5 =	vsel vm2, v9, v5;
	p0 =	por !p0, !p0;
	s8 =	simm.s32 @!p1 $0x0;
	p4 =	sne.s32 s10, $0x0  }
0x169: {  	v15 =	vsel vm6, $0xFFFFFFFF, v1;
	v4 =	vadd.s32 s2, v4;
	v14 =	vadd.s32 s6, v14;
	s10 =	simm.s32 $0x1;
	s4 =	spop (v2sf);
	s3 =	sadd.s32 s2, s23  }
0x16a: {  	v63 =	vsel vm5, $0xFFFFFFFF, v1;
	v4 =	vadd.s32 v7, v4;
	v9 =	vadd.s32 v61, v14;
	s1 =	sadd.s32 s1, s9;
	s9 =	simm.s32 $0x1;
	s0 =	ssub.s32 s18, s8  }
0x16b: {  	v13 =	vadd.s32 v15, v13;
	v5 =	vsel vm3, v9, v5;
	v9 =	vsel vm1, $0xFFFFFFFF, v1;
	s8 =	simm.s32 $0x1;
	s4 =	sadd.s32 s5, s4;
	s1 =	sshra.s32 s1, $0x7  }
0x16c: {  	v11 =	vadd.s32 v63, v11;
	v9 =	vadd.s32 s5, v9;
	v62 =	vadd.s32 s7, v13;
	s9 =	simm.s32 @!p0 $0x0;
	s31 =	sshll.u32 s0, $0x7;
	p0 =	por !p3, !p4  }
0x16d: {  	v9 =	vadd.s32 v10, v9;
	v10 =	vsel vm4, $0xFFFFFFFF, v1;
	v6 =	vsel vm6, v62, v6;
	s30 =	ssub.s32 s1, s9;
	p0 =	por !p0, !p0;
	s11 =	spop (v2sf)  }
0x16e: {  	v8 =	vadd.s32 v10, v8;
	v5 =	vsel vm1, v9, v5;
	v7 =	vadd.s32 s4, v11;
	s9 =	sadd.s32 s0, s30;
	s8 =	simm.s32 @!p0 $0x0;
	s22 =	sadd.s32 s3, s11  }
0x16f: {  	v5 =	vsel vm0, v4, v5;
	v6 =	vsel vm5, v7, v6;
	v7 =	vadd.s32 s3, v8;
	s14 =	spop (v2sf);
	s11 =	sshra.s32 s20, $0x1F;
	s1 =	sshll.u32 s9, $0x7  }
0x170: {  	[tilespmem:s21+$0x400] =	vst v5;
	v8 =	vsel vm4, v7, v6;
	s25 =	sadd.s32 s7, s14;
	s15 =	spop (v2sf);
	s13 =	sshrl.u32 s11, $0x19  }
0x171: {  	s14 =	sadd.s32 $0x7F, s26;
	[tilespmem:s21+$0x500] =	vst v8;
	s21 =	simm.s32 $0x500;
	s23 =	sadd.s32 s4, s15  }
0x172: {  	s0 =	sadd.s32 s13, s20;
	s15 =	sshra.s32 s14, $0x1F;
	s11 =	sand.u32 $0x7F, s14  }
0x173: {  	p5 =	slt.s32 s14, $0x1;
	s20 =	sadd.s32 $0x7F, s24;
	s0 =	sshra.s32 s0, $0x7  }
0x174: {  	s18 =	sshrl.u32 s15, $0x19;
	p6 =	sne.s32 s11, $0x0;
	s15 =	sand.u32 $0x7F, s20  }
0x175: {  	p1 =	slt.s32 s20, $0x1;
	s11 =	sadd.s32 $0x7F, s25;
	s0 =	ssub.s32 s0, s8  }
0x176: {  	s19 =	sadd.s32 s18, s14;
	p0 =	por !p5, !p6;
	s14 =	sshra.s32 s20, $0x1F  }
0x177: {  	p2 =	sne.s32 s15, $0x0;
	p3 =	slt.s32 s11, $0x1;
	s8 =	sadd.s32 s0, s9  }
0x178: {  	p0 =	por !p0, !p0;
	s9 =	sshra.s32 s19, $0x7;
	s18 =	sshrl.u32 s14, $0x19  }
0x179: {  	s19 =	sand.u32 $0x7F, s11;
	s10 =	simm.s32 @!p0 $0x0;
	p0 =	por !p1, !p2  }
0x17a: {  	p4 =	sne.s32 s19, $0x0;
	s19 =	sadd.s32 $0x7F, s23;
	s5 =	sshll.u32 s8, $0x7  }
0x17b: {  	s13 =	ssub.s32 s9, s10;
	s9 =	sadd.s32 s18, s20;
	p0 =	por !p0, !p0  }
0x17c: {  	s10 =	simm.s32 $0x1;
	s20 =	sshra.s32 s11, $0x1F;
	s18 =	simm.s32 $0x1  }
0x17d: {  	p5 =	slt.s32 s19, $0x1;
	s9 =	sshra.s32 s9, $0x7;
	s10 =	simm.s32 @!p0 $0x0  }
0x17e: {  	s15 =	sadd.s32 s13, s8;
	p0 =	por !p3, !p4;
	s8 =	simm.s32 $0x400  }
0x17f: {  	s14 =	ssub.s32 s9, s10;
	s10 =	sshrl.u32 s20, $0x19;
	p0 =	por !p0, !p0  }
0x180: {  	s20 =	sshra.s32 s19, $0x1F;
	s6 =	sadd.s32 s10, s11;
	s11 =	sand.u32 $0x7F, s19  }
0x181: {  	s9 =	sadd.s32 s14, s15;
	s18 =	simm.s32 @!p0 $0x0;
	p6 =	sne.s32 s11, $0x0  }
0x182: {  	s7 =	sshrl.u32 s20, $0x19;
	s6 =	sshra.s32 s6, $0x7;
	p0 =	por !p5, !p6  }
0x183: {  	s11 =	sadd.s32 s7, s19;
	s7 =	simm.s32 $0x1;
	p0 =	por !p0, !p0  }
0x184: {  	s2 =	ssub.s32 s6, s18;
	s19 =	sshra.s32 s11, $0x7;
	s7 =	simm.s32 @!p0 $0x0  }
0x185: {  	s10 =	simm.s32 $0x100;
	s20 =	sadd.s32 s2, s9;
	s19 =	ssub.s32 s19, s7  }
0x186: {  	v4 =	vmov s31;
	s4 =	sshll.u32 s9, $0x7;
	s6 =	sshll.u32 s15, $0x7;
	s15 =	sadd.s32 s19, s20  }
0x187: {  	v5 =	vmov s1;
	v6 =	vmov s5;
	v8 =	vmov s4;
	s11 =	simm.s32 $0x0;
	s3 =	sshll.u32 s20, $0x7;
	s18 =	sshll.u32 s15, $0x7  }
0x188: {  	v7 =	vmov s6;
	s9 =	simm.s32 $0x200;
	s7 =	simm.s32 $0x0;
	v9 =	vmov s3;
	s20 =	simm.s32 $0x300;
	v10 =	vmov s18  }
.LBB2_5:
0x189: {  	v11 =	vld [tilespmem:s7+$0x0];
	_ =	sdelay $0x4  }
0x18a: {  	vm0 =	veq.s32 v11, $0x1  }
0x18b: {  	vm12 =	veq.s32 v11, $0x2;
	v12 =	vnsel vm0, $0x0, v4  }
0x18c: {  	vm13 =	veq.s32 v11, $0x3;
	v12 =	vsel vm12, v5, v12  }
0x18d: {  	v13 =	vld [tilespmem:s8+$0x0];
	vm14 =	veq.s32 v11, $0x4;
	v12 =	vsel vm13, v6, v12  }
0x18e: {  	vm15 =	veq.s32 v11, $0x5;
	v12 =	vsel vm14, v7, v12  }
0x18f: {  	vm4 =	veq.s32 v11, $0x6;
	v12 =	vsel vm15, v8, v12  }
0x190: {  	vm5 =	veq.s32 v11, $0x7;
	v12 =	vsel vm4, v9, v12  }
0x191: {  	v11 =	vsel vm5, v10, v12  }
0x192: {  	v11 =	vadd.s32 v13, v11  }
0x193: {  	v57 =	vshra.s32 v11, $0x1F;
	v13 =	vand.u32 $0x7F, v11  }
0x194: {  	vm6 =	vlt.s32 v11, $0x1;
	v12 =	vshrl.u32 v57, $0x19;
	vm1 =	vne.s32 v13, $0x0  }
0x195: {  	v12 =	vadd.s32 v12, v11;
	vm0 =	vmand vm6, vm1  }
0x196: {  	v12 =	vshrl.u32 v12, $0x7;
	v14 =	vsel vm0, $0xFFFFFFFF, v1  }
0x197: {  	v12 =	vadd.s32 v14, v12  }
0x198: {  	v12 =	vshll.u32 v12, $0x7  }
0x199: {  	v11 =	vsub.s32 v11, v12  }
0x19a: {  	v11 =	vand.u32 $0xFFFFFF80, v11  }
0x19b: {  	v11 =	vadd.s32 v12, v11  }
0x19c: {  	v11 =	vor.u32 v13, v11  }
0x19d: {  	v58 =	vld [tilespmem:s9+$0x0];
	_ =	sdelay $0x2  }
0x19e: {  	v59 =	vor.u32 s11, v0  }
0x19f: {  	[tilespmem:v11+s16+$0x0] =	vst.idx.msk $0xffff, v59  }
0x1a0: {  	[tilespmem:v11+s17+$0x0] =	vst.idx.msk $0xffff, v58  }
0x1a1: {  	v11 =	vld [tilespmem:s10+$0x0];
	_ =	sdelay $0x4  }
0x1a2: {  	vm7 =	veq.s32 v11, $0x1  }
0x1a3: {  	vm8 =	veq.s32 v11, $0x2;
	v60 =	vnsel vm7, $0x0, v4  }
0x1a4: {  	vm9 =	veq.s32 v11, $0x3;
	v12 =	vsel vm8, v5, v60  }
0x1a5: {  	v61 =	vld [tilespmem:s21+$0x0];
	vm10 =	veq.s32 v11, $0x4;
	v12 =	vsel vm9, v6, v12  }
0x1a6: {  	vm11 =	veq.s32 v11, $0x5;
	v12 =	vsel vm10, v7, v12  }
0x1a7: {  	vm12 =	veq.s32 v11, $0x6;
	v12 =	vsel vm11, v8, v12  }
0x1a8: {  	vm13 =	veq.s32 v11, $0x7;
	v12 =	vsel vm12, v9, v12  }
0x1a9: {  	v11 =	vsel vm13, v10, v12  }
0x1aa: {  	v11 =	vadd.s32 v61, v11  }
0x1ab: {  	v62 =	vshra.s32 v11, $0x1F;
	v14 =	vand.u32 $0x7F, v11  }
0x1ac: {  	vm14 =	vlt.s32 v11, $0x1;
	v12 =	vshrl.u32 v62, $0x19;
	vm15 =	vne.s32 v14, $0x0  }
0x1ad: {  	v12 =	vadd.s32 v12, v11;
	vm0 =	vmand vm14, vm15  }
0x1ae: {  	v12 =	vshrl.u32 v12, $0x7;
	v15 =	vsel vm0, $0xFFFFFFFF, v1  }
0x1af: {  	v12 =	vadd.s32 v15, v12  }
0x1b0: {  	v12 =	vshll.u32 v12, $0x7  }
0x1b1: {  	v11 =	vsub.s32 v11, v12  }
0x1b2: {  	v11 =	vand.u32 $0xFFFFFF80, v11  }
0x1b3: {  	v11 =	vadd.s32 v12, v11  }
0x1b4: {  	v11 =	vor.u32 v14, v11  }
0x1b5: {  	p0 =	sne.s32 s11, $0xF0;
	v63 =	vld [tilespmem:s20+$0x0]  }
.Ltmp2:
0x1b6: {  	_ = 	snop;
	(pc) =	sbr.rel @p0 .LBB2_5-.Ltmp2, $4  }
0x1b7: {  	_ = 	snop  }
0x1b8: {  	s7 =	sadd.s32 $0x10, s7  }
0x1b9: {  	s8 =	sadd.s32 $0x10, s8;
	s9 =	sadd.s32 $0x10, s9;
	s11 =	sadd.s32 $0x10, s11;
	[tilespmem:v11+s16+$0x0] =	vst.idx.msk $0xffff, v59  }
0x1ba: {  	s10 =	sadd.s32 $0x10, s10;
	s21 =	sadd.s32 $0x10, s21;
	s20 =	sadd.s32 $0x10, s20;
	[tilespmem:v11+s17+$0x0] =	vst.idx.msk $0xffff, v63  }
0x1bb: {  	s7 =	sshra.s32 s31, $0x7;
	s1 =	sshra.s32 s1, $0x7;
	s5 =	sshra.s32 s5, $0x7  }
0x1bc: {  	s6 =	sshra.s32 s6, $0x7;
	s20 =	sshra.s32 s3, $0x7;
	s8 =	sadd.s32 s30, s7;
	v4 =	vmov s7;
	v6 =	vmov s1;
	v8 =	vmov s5  }
0x1bd: {  	s9 =	sadd.s32 $0x7F, s22;
	s0 =	sadd.s32 s0, s1;
	s10 =	sadd.s32 s14, s6;
	v10 =	vmov s6;
	v62 =	vmov s20;
	v5 =	vmov s8  }
0x1be: {  	p1 =	sgt.s32 s28, $0x0;
	p0 =	sgt.s32 s29, $0x0;
	s21 =	sshra.s32 s18, $0x7;
	v7 =	vmov s0;
	vm0 =	vlt.s32 v4, v3;
	v4 =	vmov s10  }
0x1bf: {  	s11 =	sand.u32 $0x7F, s9;
	p3 =	slt.s32 s9, $0x1;
	s8 =	sadd.s32 s13, s5;
	vm2 =	vlt.s32 v6, v3;
	vm14 =	vlt.s32 v8, v3;
	vm4 =	vlt.s32 v10, v3  }
0x1c0: {  	s14 =	sshra.s32 s9, $0x1F;
	p2 =	sne.s32 s11, $0x0;
	s13 =	sshra.s32 s4, $0x7;
	vm10 =	vlt.s32 v62, v3;
	v9 =	vmov s8;
	vm1 =	vgt.s32 v5, v0  }
0x1c1: {  	s3 =	sadd.s32 s19, s20;
	s1 =	sshrl.u32 s14, $0x19;
	vm3 =	vgt.s32 v7, v0;
	p2 =	por !p3, !p2;
	v5 =	vmov s13;
	vm5 =	vgt.s32 v4, v0  }
0x1c2: {  	s2 =	sadd.s32 s2, s13;
	s0 =	sadd.s32 s1, s9;
	s1 =	simm.s32 $0x1;
	v4 =	vmov s3;
	vm0 =	vmand vm0, vm1;
	vm13 =	vmand vm2, vm3  }
0x1c3: {  	p2 =	por !p2, !p2;
	v60 =	vmov s2;
	s2 =	simm.s32 $0x1;
	vm15 =	vgt.s32 v9, v0;
	s0 =	sshra.s32 s0, $0x7;
	vm6 =	vmand vm4, vm5  }
0x1c4: {  	s1 =	simm.s32 @!p1 $0x0;
	p1 =	sgt.s32 s26, $0x0;
	vm7 =	vlt.s32 v5, v3;
	v5 =	vmov s21;
	v61 =	vsel vm0, $0x1, v1;
	s2 =	simm.s32 @!p2 $0x0  }
0x1c5: {  	vm11 =	vgt.s32 v4, v0;
	vm0 =	vmand vm14, vm15;
	s1 =	simm.s32 @p0 $0x2;
	p0 =	sgt.s32 s24, $0x0;
	v7 =	vsel vm13, $0x2, v61;
	s0 =	ssub.s32 s0, s2  }
0x1c6: {  	vm8 =	vgt.s32 v60, v0;
	vm12 =	vlt.s32 v5, v3;
	s1 =	simm.s32 @p1 $0x3;
	v7 =	vsel vm0, $0x3, v7;
	s2 =	sadd.s32 s0, s21;
	s0 =	sadd.s32 s0, s15  }
0x1c7: {  	vm9 =	vmand vm7, vm8;
	p1 =	sgt.s32 s25, $0x0;
	s1 =	simm.s32 @p0 $0x4;
	v63 =	vmov s2;
	v7 =	vsel vm6, $0x4, v7;
	s0 =	sshll.u32 s0, $0x7  }
0x1c8: {  	vm1 =	vmand vm10, vm11;
	p0 =	sgt.s32 s23, $0x0;
	s1 =	simm.s32 @p1 $0x5;
	v4 =	vsel vm9, $0x5, v7;
	s0 =	sshra.s32 s0, $0x7;
	vm13 =	vgt.s32 v63, v0  }
0x1c9: {  	p1 =	sgt.s32 s22, $0x0;
	s1 =	simm.s32 @p0 $0x6;
	v5 =	vmov s0;
	v4 =	vsel vm1, $0x6, v4;
	vm0 =	vmand vm12, vm13  }
0x1ca: {  	s1 =	simm.s32 @p1 $0x7;
	v4 =	vsel vm0, $0x7, v4;
	vm14 =	vlt.s32 v5, v3  }
0x1cb: {  	vm15 =	vgt.s32 v5, v0;
	v4 =	vsel vm14, s1, v4  }
0x1cc: {  	v5 =	vsel vm15, $0x1, v1;
	[tilespmem:$0x1200] =	vst v4  }
0x1cd: {  	s5 =	simm.s32 $0x0;
	s23 =	rddreg [dreg:$0x1];
	[tilespmem:$0x1210] =	vst v5  }
0x1ce: {  	[hbm4b:s23+s5] =	stream.linear.scatter [tilespmem:s16], [sflag:$0x1], $0x600, $0x38;
	[tilespmem:$0x1280] =	vst v63  }
0x1cf: {  	_ =	swait.ge [sflag:s12], $0x600  }
0x1d0: {  	[sflag:s12] =	ssyncset.done $0x0  }
0x1d1: {  	s24 =	rddreg [dreg:$0x7];
	[sflag:s12] =	ssyncadd.s32 $0xFFFFFA00  }
0x1d2: {  	[hbm4b:s24+s5] =	stream.linear.scatter [tilespmem:s17], [sflag:$0x1], $0x600, $0x38;
	[tilespmem:$0x1280] =	vst v63  }
0x1d3: {  	_ =	swait.ge [sflag:s12], $0x600  }
0x1d4: {  	[sflag:s12] =	ssyncset.done $0x0  }
0x1d5: {  	s26 =	simm.s32 $0x1200;
	s25 =	rddreg [dreg:$0x8];
	[sflag:s12] =	ssyncadd.s32 $0xFFFFFA00  }
0x1d6: {  	[hbm4b:s25+s5] =	stream.linear.scatter [tilespmem:s26], [sflag:$0x1], $0x10, $0x38;
	[tilespmem:$0x1280] =	vst v63  }
0x1d7: {  	_ =	swait.ge [sflag:s12], $0x10  }
0x1d8: {  	[sflag:s12] =	ssyncset.done $0x0  }
0x1d9: {  	s29 =	simm.s32 $0x1210;
	s28 =	rddreg [dreg:$0x9];
	[sflag:s12] =	ssyncadd.s32 $0xFFFFFFF0  }
0x1da: {  	[hbm4b:s28+s5] =	stream.linear.scatter [tilespmem:s29], [sflag:$0x1], $0x10, $0x38;
	[tilespmem:$0x1280] =	vst v63  }
0x1db: {  	_ =	swait.ge [sflag:s12], $0x10  }
0x1dc: {  	s30 =	rddreg [dreg:$0xb]  }
0x1dd: {  	s31 =	rddreg [dreg:$0xa];
	s1 =	sadd.s32 $0x1, s30  }
0x1de: {  	p0 =	sne.s32 s1, s31  }
.Ltmp3:
0x1df: {  	_ = 	snop;
	(pc) =	sbr.rel @p0 .LBB2_2-.Ltmp3, $3  }
0x1e0: {  	_ =	sdelay $0x1  }
0x1e1: {  	[sflag:s12] =	ssyncset.done $0x0  }
0x1e2: {  	[sflag:s12] =	ssyncadd.s32 $0xFFFFFFF0  }
.LBB2_7:
0x1e3: {  	_ =	sfence.sel $0x180000  }
0x1e4: {  	[bflag:$0x0] =	sbarrier.arrive $0xFFFF  }
0x1e5: {  	_ =	strace $0x90000047  }
0x1e6: {  	s0 =	stileid.u32;
	[bflag:$0x2] =	sbarrier.arrive $0xFFFF  }
0x1e7: {  	p0 =	sne.s32 s0, $0x0;
	s0 =	rddreg [dreg:$0x2]  }
0x1e8: {  	s0 =	sadd.s32 @!p0 $0x100000, s0  }
0x1e9: {  	[sflag:s0] =	ssyncadd.tile.s32 @!p0 $0x1;
	_ =	shalt  }
.Lfunc_end2:
_tile_overlayer_lowered:
.L_overlay_start_2:
0x1ea: {  	(tag) =	ssettag $0x2  }
0x1eb: {  	s0 =	rddreg [dreg:$0x0];
	s2 =	stileid.u32  }
0x1ec: {  	s1 =	rddreg [dreg:$0x1];
	p0 =	sne.s32 s2, $0x0  }
0x1ed: {  	s3 =	rddreg [dreg:$0x2];
	[bflag:$0x3] =	sbarrier.arrive $0xFFFF;
	s2 =	simm.s32 @!p0 $0x1C01  }
0x1ee: {  	[timem:s3], [sflag:s2] =	dma.local @!p0 [hbm:s0], s1  }
0x1ef: {  	s0 =	simm.s32 @!p0 $0x1  }
0x1f0: {  	_ =	swait.ge @!p0 [sflag:s0], s1  }
0x1f1: {  	s1 =	ssub.s32 @!p0 $0x0, s1;
	[sflag:s0] =	ssyncset.done @!p0 $0x0  }
0x1f2: {  	[sflag:s0] =	ssyncadd.s32 @!p0 s1  }
0x1f3: {  	[bflag:$0x3] =	sbarrier.arrive $0xFFFF  }
0x1f4: {  	_ =	shalt  }

</sc_bundles>
